<compile_context>
chip_gen: v7x
topology: tpu7x:2x2x1
jax: 0.10.2.dev20260603
libtpu: 0.0.44.dev20260713+nightly
codegen_flags: <defaults>
</compile_context>

<pallas_src>
import functools

import jax
import jax.numpy as jnp
from jax import lax
from jax.experimental import pallas as pl
from jax.experimental.pallas import tpu as pltpu
from jax.experimental.pallas import tpu_sc as plsc

L = 16
NC = 2
NS = 16
NW = NC * NS
T = 8
D = 16
B = 4
S = 8192
N_TOK = B * S
BLK = 128
NBLK = N_TOK // BLK
BPW = NBLK // NW
NG = BLK // L
ST = S // BLK
NPAR = 5 + 2 * T
WSPLIT = 8
GW = 4


def _full(v, dtype=jnp.int32):
    return jnp.full((L,), v, dtype)


def _bf16_round(v):
    t = v * 65537.0
    return t - (t - v)


def _sc_router_body(x_hbm, pos_hbm, par_hbm,
                    sel_hbm, tgt_hbm, ps_hbm, cs_hbm, cb_hbm,
                    xv0, xv1, pv, parv, wsp, psv, csv, cbv, selv, tgtv,
                    sem, sem_out):
    wid = lax.axis_index("s") * NC + lax.axis_index("c")
    b = wid // (ST // BPW)
    st0 = (wid % (ST // BPW)) * BPW

    cps = [
        pltpu.async_copy(par_hbm, parv, sem),
        pltpu.async_copy(x_hbm.at[pl.ds((b * 2 * ST + st0) * (8 * BLK),
                                        BPW * 8 * BLK)], xv0, sem),
        pltpu.async_copy(x_hbm.at[pl.ds(((b * 2 + 1) * ST + st0) * (8 * BLK),
                                        BPW * 8 * BLK)], xv1, sem),
    ]
    for i in range(BPW):
        cps.append(pltpu.async_copy(
            pos_hbm.at[pl.ds(((st0 + i) * B + b) * BLK, BLK)],
            pv.at[pl.ds(i * BLK, BLK)], sem))
    for cp in cps:
        cp.wait()

    def prow(i):
        return parv[pl.ds(i * L, L)]

    thr = prow(0)
    pw = prow(1)
    cw = prow(2)
    pearly = prow(3)
    plate = prow(4)

    wsc = []
    for t in range(T):
        wt = prow(5 + t)
        wsc.append([wt[c] for c in range(D)])
    for t in range(WSPLIT):
        for c in range(D):
            wsp[pl.ds((t * D + c) * L, L)] = jnp.full((L,), wsc[t][c])

    esp, lsp = [], []
    for t in range(T):
        wt = prow(5 + T + t)
        esp.append(jnp.full((L,), jnp.sum(wt * pearly)))
        lsp.append(jnp.full((L,), jnp.sum(wt * plate)))

    def block(i, carry):
        def pair(j, gcarry):
            xbs = [i * (8 * BLK) + (GW * j + h) * L for h in range(GW)]
            masks = []
            xRs = []
            for h in range(GW):
                pvec = pv[pl.ds(i * BLK + (GW * j + h) * L, L)]
                masks.append(pvec.astype(jnp.float32) < thr)
                xRs.append([_bf16_round(
                    (xv0 if c < 8 else xv1)[pl.ds(xbs[h] + (c % 8) * BLK, L)])
                    for c in range(D)])

            obs = [i * (T * BLK) + (GW * j + h) * L for h in range(GW)]
            best = [None] * GW
            bidx = [None] * GW
            for t in range(T):
                w0 = wsp[pl.ds((t * D) * L, L)]
                accs = [xRs[h][0] * w0 for h in range(GW)]
                for c in range(1, D):
                    wv = wsp[pl.ds((t * D + c) * L, L)]
                    for h in range(GW):
                        accs[h] = accs[h] + xRs[h][c] * wv
                for h in range(GW):
                    post = jnp.where(masks[h], esp[t], lsp[t])
                    comb = pw * post + cw * accs[h]
                    psv[pl.ds(obs[h] + t * BLK, L)] = post
                    csv[pl.ds(obs[h] + t * BLK, L)] = accs[h]
                    cbv[pl.ds(obs[h] + t * BLK, L)] = comb
                    if t == 0:
                        best[h], bidx[h] = comb, _full(0)
                    else:
                        gt = comb > best[h]
                        best[h] = jnp.where(gt, comb, best[h])
                        bidx[h] = jnp.where(gt, _full(t), bidx[h])

            for h in range(GW):
                pos_class = jnp.where(masks[h], _full(0), _full(1))
                f0 = (xRs[h][0] > 0).astype(jnp.int32)
                f1 = (xRs[h][1] > 0).astype(jnp.int32)
                selv[pl.ds(i * BLK + (GW * j + h) * L, L)] = bidx[h]
                tgtv[pl.ds(i * BLK + (GW * j + h) * L, L)] = \
                    pos_class * 4 + f0 * 2 + f1
            return gcarry

        lax.fori_loop(0, NG // GW, pair, 0)

        off = ((st0 + i) * B + b) * BLK
        sc_off = (wid * BPW + i) * (T * BLK)
        for src, dst in ((psv, ps_hbm), (csv, cs_hbm), (cbv, cb_hbm)):
            pltpu.async_copy(src.at[pl.ds(i * (T * BLK), T * BLK)],
                             dst.at[pl.ds(sc_off, T * BLK)], sem_out)
        pltpu.async_copy(selv.at[pl.ds(i * BLK, BLK)],
                         sel_hbm.at[pl.ds(off, BLK)], sem_out)
        pltpu.async_copy(tgtv.at[pl.ds(i * BLK, BLK)],
                         tgt_hbm.at[pl.ds(off, BLK)], sem_out)
        return carry

    lax.fori_loop(0, BPW, block, 0)

    for i in range(BPW):
        off = ((st0 + i) * B + b) * BLK
        sc_off = (wid * BPW + i) * (T * BLK)
        for src, dst in ((psv, ps_hbm), (csv, cs_hbm), (cbv, cb_hbm)):
            pltpu.make_async_copy(src.at[pl.ds(i * (T * BLK), T * BLK)],
                                  dst.at[pl.ds(sc_off, T * BLK)],
                                  sem_out).wait()
        pltpu.make_async_copy(selv.at[pl.ds(i * BLK, BLK)],
                              sel_hbm.at[pl.ds(off, BLK)], sem_out).wait()
        pltpu.make_async_copy(tgtv.at[pl.ds(i * BLK, BLK)],
                              tgt_hbm.at[pl.ds(off, BLK)], sem_out).wait()


_OUT_TYPE = (
    jax.ShapeDtypeStruct((N_TOK,), jnp.int32),
    jax.ShapeDtypeStruct((N_TOK,), jnp.int32),
    jax.ShapeDtypeStruct((N_TOK * T,), jnp.float32),
    jax.ShapeDtypeStruct((N_TOK * T,), jnp.float32),
    jax.ShapeDtypeStruct((N_TOK * T,), jnp.float32),
)

_SCRATCH = (
    pltpu.VMEM((BPW * 8 * BLK,), jnp.float32),
    pltpu.VMEM((BPW * 8 * BLK,), jnp.float32),
    pltpu.VMEM((BPW * BLK,), jnp.int32),
    pltpu.VMEM((NPAR * L,), jnp.float32),
    pltpu.VMEM((WSPLIT * D * L,), jnp.float32),
    pltpu.VMEM((BPW * T * BLK,), jnp.float32),
    pltpu.VMEM((BPW * T * BLK,), jnp.float32),
    pltpu.VMEM((BPW * T * BLK,), jnp.float32),
    pltpu.VMEM((BPW * BLK,), jnp.int32),
    pltpu.VMEM((BPW * BLK,), jnp.int32),
    pltpu.SemaphoreType.DMA,
    pltpu.SemaphoreType.DMA,
)


@functools.lru_cache(maxsize=None)
def _sc_router():
    return pl.kernel(
        _sc_router_body,
        out_type=_OUT_TYPE,
        mesh=plsc.VectorSubcoreMesh(core_axis_name="c", subcore_axis_name="s",
                                    num_cores=NC, num_subcores=NS),
        scratch_types=_SCRATCH,
        compiler_params=pltpu.CompilerParams(
            needs_layout_passes=False,
            disable_bounds_checks=True,
            disable_semaphore_checks=True,
            skip_device_barrier=True,
        ),
    )


def _b16(v):
    y = lax.bitcast_convert_type(v, jnp.int32)
    odd = lax.shift_right_logical(y, 16) & 1
    r = (y + 32767 + odd) & (-65536)
    return lax.bitcast_convert_type(r, jnp.float32)


def kernel(x, positions, seq_len, position_sigs, content_sigs,
           position_logit, content_logit, pos_early, pos_late):
    xf = (x.astype(jnp.float32)
          .transpose(0, 2, 1)
          .reshape(B, 2, 8, ST, BLK)
          .transpose(0, 1, 3, 2, 4)
          .reshape(N_TOK * D))
    pf = (positions.astype(jnp.int32)
          .reshape(B, ST, BLK)
          .transpose(1, 0, 2)
          .reshape(N_TOK))
    half = jnp.asarray(seq_len, jnp.float32) / 2.0
    sp = jax.nn.sigmoid(jnp.asarray(position_logit, jnp.float32))
    sc = jax.nn.sigmoid(jnp.asarray(content_logit, jnp.float32))
    raw = jnp.concatenate([
        jnp.full((L,), half, jnp.float32),
        jnp.full((L,), sp / (sp + sc), jnp.float32),
        jnp.full((L,), sc / (sp + sc), jnp.float32),
        pos_early.astype(jnp.float32),
        pos_late.astype(jnp.float32),
        content_sigs.astype(jnp.float32).reshape(-1),
        position_sigs.astype(jnp.float32).reshape(-1),
    ])
    row = lax.iota(jnp.int32, NPAR * L) // L
    v = jnp.where(row >= 5, jnp.tanh(raw), raw)
    params = jnp.where(row >= 3, _b16(v), v)

    sel, tgt, ps, cs, cb = _sc_router()(xf, pf, params)

    def untile_tok(v):
        return v.reshape(ST, B, BLK).transpose(1, 0, 2).reshape(B, S)

    def untile_scores(v):
        return (v.reshape(B, ST, T, BLK)
                .transpose(0, 1, 3, 2)
                .reshape(B, S, T))

    return (untile_tok(sel), untile_tok(tgt),
            untile_scores(ps), untile_scores(cs), untile_scores(cb))

# --- scband reference (transcript-rebuilt; emitter-appended) ---
"""Pipeline reference for scband-strict-mixed-router-51934744543428 (READ-ONLY COPY).

The authoritative reference and input builder live on the scoring server;
editing this copy changes nothing except your own understanding.
"""

import jax, jax.numpy as jnp
import numpy as np


def setup_inputs(seed: int = 0) -> dict:
    key = jax.random.key(seed)
    ks = jax.random.split(key, 8)
    batch, seq, d_content, d_position, num_tiles = 4, 8192, 16, 16, 8
    x = jax.random.normal(ks[0], (batch, seq, d_content), dtype=jnp.float32)
    positions = jax.random.randint(ks[1], (batch, seq), 0, 8192).astype(jnp.int32)
    seq_len = 8192
    position_sigs = jax.random.normal(ks[2], (num_tiles, d_position), dtype=jnp.float32) * 0.1
    content_sigs = jax.random.normal(ks[3], (num_tiles, d_content), dtype=jnp.float32) * 0.1
    position_logit = jnp.asarray(0.0, dtype=jnp.float32)
    content_logit = jnp.asarray(0.0, dtype=jnp.float32)
    pos_early = jax.random.normal(ks[4], (d_position,), dtype=jnp.float32)
    pos_late = jax.random.normal(ks[5], (d_position,), dtype=jnp.float32)
    return {
        "x": x,
        "positions": positions,
        "seq_len": seq_len,
        "position_sigs": position_sigs,
        "content_sigs": content_sigs,
        "position_logit": position_logit,
        "content_logit": content_logit,
        "pos_early": pos_early,
        "pos_late": pos_late,
    }


def reference(x, positions, seq_len, position_sigs, content_sigs, position_logit, content_logit, pos_early, pos_late):
    is_early = positions < (seq_len / 2)
    pos_enc = jnp.where(is_early[..., None], pos_early[None, None, :], pos_late[None, None, :])
    pos_scores = jnp.einsum('bsp,tp->bst', pos_enc, jnp.tanh(position_sigs))
    content_scores = jnp.einsum('bsc,tc->bst', x, jnp.tanh(content_sigs))
    sp = jax.nn.sigmoid(position_logit)
    sc = jax.nn.sigmoid(content_logit)
    pos_w = sp / (sp + sc)
    cont_w = sc / (sp + sc)
    combined_scores = pos_w * pos_scores + cont_w * content_scores
    selected_tiles = jnp.argmax(combined_scores, axis=-1)
    position_class = (~is_early).astype(jnp.int32)
    f0_pos = (x[..., 0] > 0).astype(jnp.int32)
    f1_pos = (x[..., 1] > 0).astype(jnp.int32)
    content_class = f0_pos * 2 + f1_pos
    target_tiles = position_class * 4 + content_class
    return (selected_tiles, target_tiles, pos_scores, content_scores, combined_scores)

if __name__ == "__main__":
    import jax
    _d = setup_inputs()
    print(jax.jit(kernel)(*tuple(_d.values())))

</pallas_src>

<mosaic_0001>
#map = affine_map<(d0, d1) -> (0)>
module attributes {stable_mosaic.version = 14 : i64} {
  func.func @_sc_router_body(%arg0: i32, %arg1: i32, %arg2: memref<524288xf32, #tpu.memory_space<hbm>>, %arg3: memref<32768xi32, #tpu.memory_space<hbm>>, %arg4: memref<336xf32, #tpu.memory_space<hbm>>, %arg5: memref<32768xi32, #tpu.memory_space<hbm>>, %arg6: memref<32768xi32, #tpu.memory_space<hbm>>, %arg7: memref<262144xf32, #tpu.memory_space<hbm>>, %arg8: memref<262144xf32, #tpu.memory_space<hbm>>, %arg9: memref<262144xf32, #tpu.memory_space<hbm>>, %arg10: memref<8192xf32, #tpu.memory_space<vmem>>, %arg11: memref<8192xf32, #tpu.memory_space<vmem>>, %arg12: memref<1024xi32, #tpu.memory_space<vmem>>, %arg13: memref<336xf32, #tpu.memory_space<vmem>>, %arg14: memref<2048xf32, #tpu.memory_space<vmem>>, %arg15: memref<8192xf32, #tpu.memory_space<vmem>>, %arg16: memref<8192xf32, #tpu.memory_space<vmem>>, %arg17: memref<8192xf32, #tpu.memory_space<vmem>>, %arg18: memref<1024xi32, #tpu.memory_space<vmem>>, %arg19: memref<1024xi32, #tpu.memory_space<vmem>>, %arg20: memref<!tpu.dma_semaphore, #tpu.memory_space<semaphore_mem>>, %arg21: memref<!tpu.dma_semaphore, #tpu.memory_space<semaphore_mem>>) attributes {dimension_semantics = [#tpu.dimension_semantics<core_parallel>, #tpu.dimension_semantics<subcore_parallel>], iteration_bounds = array<i64: 2, 16>, scalar_prefetch = 0 : i64, scratch_operands = 12 : i64, tpu.core_type = #tpu.core_type<sc_vector_subcore>, window_params = [{transform_indices = #map}, {transform_indices = #map}, {transform_indices = #map}, {transform_indices = #map}, {transform_indices = #map}, {transform_indices = #map}, {transform_indices = #map}, {transform_indices = #map}]} {
    %mul3A = arith.constant 2 : i32
    %mul3A_0 = arith.muli %arg1, %mul3A : i32
    %add3A = arith.addi %mul3A_0, %arg0 : i32
    %jit3A = arith.constant 8 : i32
    %div3A = arith.divsi %add3A, %jit3A : i32
    %sign3A = arith.constant 0 : i32
    %sign3A_1 = arith.cmpi sgt, %add3A, %sign3A : i32
    %sign3A_2 = arith.extui %sign3A_1 : i1 to i32
    %sign3A_3 = arith.constant 0 : i32
    %sign3A_4 = arith.cmpi slt, %add3A, %sign3A_3 : i32
    %sign3A_5 = arith.extui %sign3A_4 : i1 to i32
    %sign3A_6 = arith.subi %sign3A_2, %sign3A_5 : i32
    %sign3A_7 = arith.constant 0 : i32
    %sign3A_8 = arith.cmpi sgt, %jit3A, %sign3A_7 : i32
    %sign3A_9 = arith.extui %sign3A_8 : i1 to i32
    %sign3A_10 = arith.constant 0 : i32
    %sign3A_11 = arith.cmpi slt, %jit3A, %sign3A_10 : i32
    %sign3A_12 = arith.extui %sign3A_11 : i1 to i32
    %sign3A_13 = arith.subi %sign3A_9, %sign3A_12 : i32
    %ne3A = arith.cmpi ne, %sign3A_6, %sign3A_13 : i32
    %rem3A = arith.remsi %add3A, %jit3A : i32
    %ne3A_14 = arith.constant 0 : i32
    %ne3A_15 = arith.cmpi ne, %rem3A, %ne3A_14 : i32
    %and3A = arith.andi %ne3A, %ne3A_15 : i1
    %sub3A = arith.constant 1 : i32
    %sub3A_16 = arith.subi %div3A, %sub3A : i32
    %select_n3A = arith.select %and3A, %sub3A_16, %div3A : i32
    %jit3A_17 = arith.constant 8 : i32
    %eq3A = arith.constant 0 : i32
    %eq3A_18 = arith.cmpi eq, %jit3A_17, %eq3A : i32
    %jit3A_19 = arith.constant 1 : i32
    %select_n3A_20 = arith.select %eq3A_18, %jit3A_19, %jit3A_17 : i32
    %rem3A_21 = arith.remsi %add3A, %select_n3A_20 : i32
    %ne3A_22 = arith.constant 0 : i32
    %ne3A_23 = arith.cmpi ne, %rem3A_21, %ne3A_22 : i32
    %lt3A = arith.constant 0 : i32
    %lt3A_24 = arith.cmpi slt, %rem3A_21, %lt3A : i32
    %lt3A_25 = arith.constant 0 : i32
    %lt3A_26 = arith.cmpi slt, %select_n3A_20, %lt3A_25 : i32
    %ne3A_27 = arith.xori %lt3A_24, %lt3A_26 : i1
    %and3A_28 = arith.andi %ne3A_27, %ne3A_23 : i1
    %add3A_29 = arith.addi %rem3A_21, %select_n3A_20 : i32
    %select_n3A_30 = arith.select %and3A_28, %add3A_29, %rem3A_21 : i32
    %mul3A_31 = arith.constant 8 : i32
    %mul3A_32 = arith.muli %select_n3A_30, %mul3A_31 : i32
    tpu.enqueue_dma source(%arg4 : memref<336xf32, #tpu.memory_space<hbm>>) target(%arg13 : memref<336xf32, #tpu.memory_space<vmem>>) target_semaphore(%arg20 : memref<!tpu.dma_semaphore, #tpu.memory_space<semaphore_mem>>)
    %mul3A_33 = arith.constant 2 : i32
    %mul3A_34 = arith.muli %select_n3A, %mul3A_33 : i32
    %mul3A_35 = arith.constant 64 : i32
    %mul3A_36 = arith.muli %mul3A_34, %mul3A_35 : i32
    %add3A_37 = arith.addi %mul3A_36, %mul3A_32 : i32
    %mul3A_38 = arith.constant 1024 : i32
    %mul3A_39 = arith.muli %add3A_37, %mul3A_38 : i32
    %dma_start3A = tpu.memref_slice %arg2[%mul3A_39] : memref<524288xf32, #tpu.memory_space<hbm>> -> memref<8192xf32, #tpu.memory_space<hbm>>
    %dma_start3A_40 = tpu.memref_slice %arg2[%mul3A_39] : memref<524288xf32, #tpu.memory_space<hbm>> -> memref<8192xf32, #tpu.memory_space<hbm>>
    tpu.enqueue_dma source(%dma_start3A_40 : memref<8192xf32, #tpu.memory_space<hbm>>) target(%arg10 : memref<8192xf32, #tpu.memory_space<vmem>>) target_semaphore(%arg20 : memref<!tpu.dma_semaphore, #tpu.memory_space<semaphore_mem>>)
    %mul3A_41 = arith.constant 2 : i32
    %mul3A_42 = arith.muli %select_n3A, %mul3A_41 : i32
    %add3A_43 = arith.constant 1 : i32
    %add3A_44 = arith.addi %mul3A_42, %add3A_43 : i32
    %mul3A_45 = arith.constant 64 : i32
    %mul3A_46 = arith.muli %add3A_44, %mul3A_45 : i32
    %add3A_47 = arith.addi %mul3A_46, %mul3A_32 : i32
    %mul3A_48 = arith.constant 1024 : i32
    %mul3A_49 = arith.muli %add3A_47, %mul3A_48 : i32
    %dma_start3A_50 = tpu.memref_slice %arg2[%mul3A_49] : memref<524288xf32, #tpu.memory_space<hbm>> -> memref<8192xf32, #tpu.memory_space<hbm>>
    %dma_start3A_51 = tpu.memref_slice %arg2[%mul3A_49] : memref<524288xf32, #tpu.memory_space<hbm>> -> memref<8192xf32, #tpu.memory_space<hbm>>
    tpu.enqueue_dma source(%dma_start3A_51 : memref<8192xf32, #tpu.memory_space<hbm>>) target(%arg11 : memref<8192xf32, #tpu.memory_space<vmem>>) target_semaphore(%arg20 : memref<!tpu.dma_semaphore, #tpu.memory_space<semaphore_mem>>)
    %add3A_52 = arith.constant 0 : i32
    %add3A_53 = arith.addi %mul3A_32, %add3A_52 : i32
    %mul3A_54 = arith.constant 4 : i32
    %mul3A_55 = arith.muli %add3A_53, %mul3A_54 : i32
    %add3A_56 = arith.addi %mul3A_55, %select_n3A : i32
    %mul3A_57 = arith.constant 128 : i32
    %mul3A_58 = arith.muli %add3A_56, %mul3A_57 : i32
    %dma_start3A_59 = arith.constant 0 : i32
    %dma_start3A_60 = tpu.memref_slice %arg12[%dma_start3A_59] : memref<1024xi32, #tpu.memory_space<vmem>> -> memref<128xi32, #tpu.memory_space<vmem>>
    %dma_start3A_61 = tpu.memref_slice %arg3[%mul3A_58] : memref<32768xi32, #tpu.memory_space<hbm>> -> memref<128xi32, #tpu.memory_space<hbm>>
    %dma_start3A_62 = arith.constant 0 : i32
    %dma_start3A_63 = tpu.memref_slice %arg12[%dma_start3A_62] : memref<1024xi32, #tpu.memory_space<vmem>> -> memref<128xi32, #tpu.memory_space<vmem>>
    %dma_start3A_64 = tpu.memref_slice %arg3[%mul3A_58] : memref<32768xi32, #tpu.memory_space<hbm>> -> memref<128xi32, #tpu.memory_space<hbm>>
    tpu.enqueue_dma source(%dma_start3A_64 : memref<128xi32, #tpu.memory_space<hbm>>) target(%dma_start3A_63 : memref<128xi32, #tpu.memory_space<vmem>>) target_semaphore(%arg20 : memref<!tpu.dma_semaphore, #tpu.memory_space<semaphore_mem>>)
    %add3A_65 = arith.constant 1 : i32
    %add3A_66 = arith.addi %mul3A_32, %add3A_65 : i32
    %mul3A_67 = arith.constant 4 : i32
    %mul3A_68 = arith.muli %add3A_66, %mul3A_67 : i32
    %add3A_69 = arith.addi %mul3A_68, %select_n3A : i32
    %mul3A_70 = arith.constant 128 : i32
    %mul3A_71 = arith.muli %add3A_69, %mul3A_70 : i32
    %dma_start3A_72 = arith.constant 128 : i32
    %dma_start3A_73 = tpu.memref_slice %arg12[%dma_start3A_72] : memref<1024xi32, #tpu.memory_space<vmem>> -> memref<128xi32, #tpu.memory_space<vmem>>
    %dma_start3A_74 = tpu.memref_slice %arg3[%mul3A_71] : memref<32768xi32, #tpu.memory_space<hbm>> -> memref<128xi32, #tpu.memory_space<hbm>>
    %dma_start3A_75 = arith.constant 128 : i32
    %dma_start3A_76 = tpu.memref_slice %arg12[%dma_start3A_75] : memref<1024xi32, #tpu.memory_space<vmem>> -> memref<128xi32, #tpu.memory_space<vmem>>
    %dma_start3A_77 = tpu.memref_slice %arg3[%mul3A_71] : memref<32768xi32, #tpu.memory_space<hbm>> -> memref<128xi32, #tpu.memory_space<hbm>>
    tpu.enqueue_dma source(%dma_start3A_77 : memref<128xi32, #tpu.memory_space<hbm>>) target(%dma_start3A_76 : memref<128xi32, #tpu.memory_space<vmem>>) target_semaphore(%arg20 : memref<!tpu.dma_semaphore, #tpu.memory_space<semaphore_mem>>)
    %add3A_78 = arith.constant 2 : i32
    %add3A_79 = arith.addi %mul3A_32, %add3A_78 : i32
    %mul3A_80 = arith.constant 4 : i32
    %mul3A_81 = arith.muli %add3A_79, %mul3A_80 : i32
    %add3A_82 = arith.addi %mul3A_81, %select_n3A : i32
    %mul3A_83 = arith.constant 128 : i32
    %mul3A_84 = arith.muli %add3A_82, %mul3A_83 : i32
    %dma_start3A_85 = arith.constant 256 : i32
    %dma_start3A_86 = tpu.memref_slice %arg12[%dma_start3A_85] : memref<1024xi32, #tpu.memory_space<vmem>> -> memref<128xi32, #tpu.memory_space<vmem>>
    %dma_start3A_87 = tpu.memref_slice %arg3[%mul3A_84] : memref<32768xi32, #tpu.memory_space<hbm>> -> memref<128xi32, #tpu.memory_space<hbm>>
    %dma_start3A_88 = arith.constant 256 : i32
    %dma_start3A_89 = tpu.memref_slice %arg12[%dma_start3A_88] : memref<1024xi32, #tpu.memory_space<vmem>> -> memref<128xi32, #tpu.memory_space<vmem>>
    %dma_start3A_90 = tpu.memref_slice %arg3[%mul3A_84] : memref<32768xi32, #tpu.memory_space<hbm>> -> memref<128xi32, #tpu.memory_space<hbm>>
    tpu.enqueue_dma source(%dma_start3A_90 : memref<128xi32, #tpu.memory_space<hbm>>) target(%dma_start3A_89 : memref<128xi32, #tpu.memory_space<vmem>>) target_semaphore(%arg20 : memref<!tpu.dma_semaphore, #tpu.memory_space<semaphore_mem>>)
    %add3A_91 = arith.constant 3 : i32
    %add3A_92 = arith.addi %mul3A_32, %add3A_91 : i32
    %mul3A_93 = arith.constant 4 : i32
    %mul3A_94 = arith.muli %add3A_92, %mul3A_93 : i32
    %add3A_95 = arith.addi %mul3A_94, %select_n3A : i32
    %mul3A_96 = arith.constant 128 : i32
    %mul3A_97 = arith.muli %add3A_95, %mul3A_96 : i32
    %dma_start3A_98 = arith.constant 384 : i32
    %dma_start3A_99 = tpu.memref_slice %arg12[%dma_start3A_98] : memref<1024xi32, #tpu.memory_space<vmem>> -> memref<128xi32, #tpu.memory_space<vmem>>
    %dma_start3A_100 = tpu.memref_slice %arg3[%mul3A_97] : memref<32768xi32, #tpu.memory_space<hbm>> -> memref<128xi32, #tpu.memory_space<hbm>>
    %dma_start3A_101 = arith.constant 384 : i32
    %dma_start3A_102 = tpu.memref_slice %arg12[%dma_start3A_101] : memref<1024xi32, #tpu.memory_space<vmem>> -> memref<128xi32, #tpu.memory_space<vmem>>
    %dma_start3A_103 = tpu.memref_slice %arg3[%mul3A_97] : memref<32768xi32, #tpu.memory_space<hbm>> -> memref<128xi32, #tpu.memory_space<hbm>>
    tpu.enqueue_dma source(%dma_start3A_103 : memref<128xi32, #tpu.memory_space<hbm>>) target(%dma_start3A_102 : memref<128xi32, #tpu.memory_space<vmem>>) target_semaphore(%arg20 : memref<!tpu.dma_semaphore, #tpu.memory_space<semaphore_mem>>)
    %add3A_104 = arith.constant 4 : i32
    %add3A_105 = arith.addi %mul3A_32, %add3A_104 : i32
    %mul3A_106 = arith.constant 4 : i32
    %mul3A_107 = arith.muli %add3A_105, %mul3A_106 : i32
    %add3A_108 = arith.addi %mul3A_107, %select_n3A : i32
    %mul3A_109 = arith.constant 128 : i32
    %mul3A_110 = arith.muli %add3A_108, %mul3A_109 : i32
    %dma_start3A_111 = arith.constant 512 : i32
    %dma_start3A_112 = tpu.memref_slice %arg12[%dma_start3A_111] : memref<1024xi32, #tpu.memory_space<vmem>> -> memref<128xi32, #tpu.memory_space<vmem>>
    %dma_start3A_113 = tpu.memref_slice %arg3[%mul3A_110] : memref<32768xi32, #tpu.memory_space<hbm>> -> memref<128xi32, #tpu.memory_space<hbm>>
    %dma_start3A_114 = arith.constant 512 : i32
    %dma_start3A_115 = tpu.memref_slice %arg12[%dma_start3A_114] : memref<1024xi32, #tpu.memory_space<vmem>> -> memref<128xi32, #tpu.memory_space<vmem>>
    %dma_start3A_116 = tpu.memref_slice %arg3[%mul3A_110] : memref<32768xi32, #tpu.memory_space<hbm>> -> memref<128xi32, #tpu.memory_space<hbm>>
    tpu.enqueue_dma source(%dma_start3A_116 : memref<128xi32, #tpu.memory_space<hbm>>) target(%dma_start3A_115 : memref<128xi32, #tpu.memory_space<vmem>>) target_semaphore(%arg20 : memref<!tpu.dma_semaphore, #tpu.memory_space<semaphore_mem>>)
    %add3A_117 = arith.constant 5 : i32
    %add3A_118 = arith.addi %mul3A_32, %add3A_117 : i32
    %mul3A_119 = arith.constant 4 : i32
    %mul3A_120 = arith.muli %add3A_118, %mul3A_119 : i32
    %add3A_121 = arith.addi %mul3A_120, %select_n3A : i32
    %mul3A_122 = arith.constant 128 : i32
    %mul3A_123 = arith.muli %add3A_121, %mul3A_122 : i32
    %dma_start3A_124 = arith.constant 640 : i32
    %dma_start3A_125 = tpu.memref_slice %arg12[%dma_start3A_124] : memref<1024xi32, #tpu.memory_space<vmem>> -> memref<128xi32, #tpu.memory_space<vmem>>
    %dma_start3A_126 = tpu.memref_slice %arg3[%mul3A_123] : memref<32768xi32, #tpu.memory_space<hbm>> -> memref<128xi32, #tpu.memory_space<hbm>>
    %dma_start3A_127 = arith.constant 640 : i32
    %dma_start3A_128 = tpu.memref_slice %arg12[%dma_start3A_127] : memref<1024xi32, #tpu.memory_space<vmem>> -> memref<128xi32, #tpu.memory_space<vmem>>
    %dma_start3A_129 = tpu.memref_slice %arg3[%mul3A_123] : memref<32768xi32, #tpu.memory_space<hbm>> -> memref<128xi32, #tpu.memory_space<hbm>>
    tpu.enqueue_dma source(%dma_start3A_129 : memref<128xi32, #tpu.memory_space<hbm>>) target(%dma_start3A_128 : memref<128xi32, #tpu.memory_space<vmem>>) target_semaphore(%arg20 : memref<!tpu.dma_semaphore, #tpu.memory_space<semaphore_mem>>)
    %add3A_130 = arith.constant 6 : i32
    %add3A_131 = arith.addi %mul3A_32, %add3A_130 : i32
    %mul3A_132 = arith.constant 4 : i32
    %mul3A_133 = arith.muli %add3A_131, %mul3A_132 : i32
    %add3A_134 = arith.addi %mul3A_133, %select_n3A : i32
    %mul3A_135 = arith.constant 128 : i32
    %mul3A_136 = arith.muli %add3A_134, %mul3A_135 : i32
    %dma_start3A_137 = arith.constant 768 : i32
    %dma_start3A_138 = tpu.memref_slice %arg12[%dma_start3A_137] : memref<1024xi32, #tpu.memory_space<vmem>> -> memref<128xi32, #tpu.memory_space<vmem>>
    %dma_start3A_139 = tpu.memref_slice %arg3[%mul3A_136] : memref<32768xi32, #tpu.memory_space<hbm>> -> memref<128xi32, #tpu.memory_space<hbm>>
    %dma_start3A_140 = arith.constant 768 : i32
    %dma_start3A_141 = tpu.memref_slice %arg12[%dma_start3A_140] : memref<1024xi32, #tpu.memory_space<vmem>> -> memref<128xi32, #tpu.memory_space<vmem>>
    %dma_start3A_142 = tpu.memref_slice %arg3[%mul3A_136] : memref<32768xi32, #tpu.memory_space<hbm>> -> memref<128xi32, #tpu.memory_space<hbm>>
    tpu.enqueue_dma source(%dma_start3A_142 : memref<128xi32, #tpu.memory_space<hbm>>) target(%dma_start3A_141 : memref<128xi32, #tpu.memory_space<vmem>>) target_semaphore(%arg20 : memref<!tpu.dma_semaphore, #tpu.memory_space<semaphore_mem>>)
    %add3A_143 = arith.constant 7 : i32
    %add3A_144 = arith.addi %mul3A_32, %add3A_143 : i32
    %mul3A_145 = arith.constant 4 : i32
    %mul3A_146 = arith.muli %add3A_144, %mul3A_145 : i32
    %add3A_147 = arith.addi %mul3A_146, %select_n3A : i32
    %mul3A_148 = arith.constant 128 : i32
    %mul3A_149 = arith.muli %add3A_147, %mul3A_148 : i32
    %dma_start3A_150 = arith.constant 896 : i32
    %dma_start3A_151 = tpu.memref_slice %arg12[%dma_start3A_150] : memref<1024xi32, #tpu.memory_space<vmem>> -> memref<128xi32, #tpu.memory_space<vmem>>
    %dma_start3A_152 = tpu.memref_slice %arg3[%mul3A_149] : memref<32768xi32, #tpu.memory_space<hbm>> -> memref<128xi32, #tpu.memory_space<hbm>>
    %dma_start3A_153 = arith.constant 896 : i32
    %dma_start3A_154 = tpu.memref_slice %arg12[%dma_start3A_153] : memref<1024xi32, #tpu.memory_space<vmem>> -> memref<128xi32, #tpu.memory_space<vmem>>
    %dma_start3A_155 = tpu.memref_slice %arg3[%mul3A_149] : memref<32768xi32, #tpu.memory_space<hbm>> -> memref<128xi32, #tpu.memory_space<hbm>>
    tpu.enqueue_dma source(%dma_start3A_155 : memref<128xi32, #tpu.memory_space<hbm>>) target(%dma_start3A_154 : memref<128xi32, #tpu.memory_space<vmem>>) target_semaphore(%arg20 : memref<!tpu.dma_semaphore, #tpu.memory_space<semaphore_mem>>)
    tpu.wait_dma2 semaphore(%arg20 : memref<!tpu.dma_semaphore, #tpu.memory_space<semaphore_mem>>) src(%arg4 : memref<336xf32, #tpu.memory_space<hbm>>) dst(%arg13 : memref<336xf32, #tpu.memory_space<vmem>>)
    %dma_wait3A = tpu.memref_slice %arg2[%mul3A_39] : memref<524288xf32, #tpu.memory_space<hbm>> -> memref<8192xf32, #tpu.memory_space<hbm>>
    %dma_wait3A_156 = tpu.memref_slice %arg2[%mul3A_39] : memref<524288xf32, #tpu.memory_space<hbm>> -> memref<8192xf32, #tpu.memory_space<hbm>>
    tpu.wait_dma2 semaphore(%arg20 : memref<!tpu.dma_semaphore, #tpu.memory_space<semaphore_mem>>) src(%dma_wait3A_156 : memref<8192xf32, #tpu.memory_space<hbm>>) dst(%arg10 : memref<8192xf32, #tpu.memory_space<vmem>>)
    %dma_wait3A_157 = tpu.memref_slice %arg2[%mul3A_49] : memref<524288xf32, #tpu.memory_space<hbm>> -> memref<8192xf32, #tpu.memory_space<hbm>>
    %dma_wait3A_158 = tpu.memref_slice %arg2[%mul3A_49] : memref<524288xf32, #tpu.memory_space<hbm>> -> memref<8192xf32, #tpu.memory_space<hbm>>
    tpu.wait_dma2 semaphore(%arg20 : memref<!tpu.dma_semaphore, #tpu.memory_space<semaphore_mem>>) src(%dma_wait3A_158 : memref<8192xf32, #tpu.memory_space<hbm>>) dst(%arg11 : memref<8192xf32, #tpu.memory_space<vmem>>)
    %dma_wait3A_159 = arith.constant 0 : i32
    %dma_wait3A_160 = tpu.memref_slice %arg12[%dma_wait3A_159] : memref<1024xi32, #tpu.memory_space<vmem>> -> memref<128xi32, #tpu.memory_space<vmem>>
    %dma_wait3A_161 = tpu.memref_slice %arg3[%mul3A_58] : memref<32768xi32, #tpu.memory_space<hbm>> -> memref<128xi32, #tpu.memory_space<hbm>>
    %dma_wait3A_162 = arith.constant 0 : i32
    %dma_wait3A_163 = tpu.memref_slice %arg12[%dma_wait3A_162] : memref<1024xi32, #tpu.memory_space<vmem>> -> memref<128xi32, #tpu.memory_space<vmem>>
    %dma_wait3A_164 = tpu.memref_slice %arg3[%mul3A_58] : memref<32768xi32, #tpu.memory_space<hbm>> -> memref<128xi32, #tpu.memory_space<hbm>>
    tpu.wait_dma2 semaphore(%arg20 : memref<!tpu.dma_semaphore, #tpu.memory_space<semaphore_mem>>) src(%dma_wait3A_164 : memref<128xi32, #tpu.memory_space<hbm>>) dst(%dma_wait3A_163 : memref<128xi32, #tpu.memory_space<vmem>>)
    %dma_wait3A_165 = arith.constant 128 : i32
    %dma_wait3A_166 = tpu.memref_slice %arg12[%dma_wait3A_165] : memref<1024xi32, #tpu.memory_space<vmem>> -> memref<128xi32, #tpu.memory_space<vmem>>
    %dma_wait3A_167 = tpu.memref_slice %arg3[%mul3A_71] : memref<32768xi32, #tpu.memory_space<hbm>> -> memref<128xi32, #tpu.memory_space<hbm>>
    %dma_wait3A_168 = arith.constant 128 : i32
    %dma_wait3A_169 = tpu.memref_slice %arg12[%dma_wait3A_168] : memref<1024xi32, #tpu.memory_space<vmem>> -> memref<128xi32, #tpu.memory_space<vmem>>
    %dma_wait3A_170 = tpu.memref_slice %arg3[%mul3A_71] : memref<32768xi32, #tpu.memory_space<hbm>> -> memref<128xi32, #tpu.memory_space<hbm>>
    tpu.wait_dma2 semaphore(%arg20 : memref<!tpu.dma_semaphore, #tpu.memory_space<semaphore_mem>>) src(%dma_wait3A_170 : memref<128xi32, #tpu.memory_space<hbm>>) dst(%dma_wait3A_169 : memref<128xi32, #tpu.memory_space<vmem>>)
    %dma_wait3A_171 = arith.constant 256 : i32
    %dma_wait3A_172 = tpu.memref_slice %arg12[%dma_wait3A_171] : memref<1024xi32, #tpu.memory_space<vmem>> -> memref<128xi32, #tpu.memory_space<vmem>>
    %dma_wait3A_173 = tpu.memref_slice %arg3[%mul3A_84] : memref<32768xi32, #tpu.memory_space<hbm>> -> memref<128xi32, #tpu.memory_space<hbm>>
    %dma_wait3A_174 = arith.constant 256 : i32
    %dma_wait3A_175 = tpu.memref_slice %arg12[%dma_wait3A_174] : memref<1024xi32, #tpu.memory_space<vmem>> -> memref<128xi32, #tpu.memory_space<vmem>>
    %dma_wait3A_176 = tpu.memref_slice %arg3[%mul3A_84] : memref<32768xi32, #tpu.memory_space<hbm>> -> memref<128xi32, #tpu.memory_space<hbm>>
    tpu.wait_dma2 semaphore(%arg20 : memref<!tpu.dma_semaphore, #tpu.memory_space<semaphore_mem>>) src(%dma_wait3A_176 : memref<128xi32, #tpu.memory_space<hbm>>) dst(%dma_wait3A_175 : memref<128xi32, #tpu.memory_space<vmem>>)
    %dma_wait3A_177 = arith.constant 384 : i32
    %dma_wait3A_178 = tpu.memref_slice %arg12[%dma_wait3A_177] : memref<1024xi32, #tpu.memory_space<vmem>> -> memref<128xi32, #tpu.memory_space<vmem>>
    %dma_wait3A_179 = tpu.memref_slice %arg3[%mul3A_97] : memref<32768xi32, #tpu.memory_space<hbm>> -> memref<128xi32, #tpu.memory_space<hbm>>
    %dma_wait3A_180 = arith.constant 384 : i32
    %dma_wait3A_181 = tpu.memref_slice %arg12[%dma_wait3A_180] : memref<1024xi32, #tpu.memory_space<vmem>> -> memref<128xi32, #tpu.memory_space<vmem>>
    %dma_wait3A_182 = tpu.memref_slice %arg3[%mul3A_97] : memref<32768xi32, #tpu.memory_space<hbm>> -> memref<128xi32, #tpu.memory_space<hbm>>
    tpu.wait_dma2 semaphore(%arg20 : memref<!tpu.dma_semaphore, #tpu.memory_space<semaphore_mem>>) src(%dma_wait3A_182 : memref<128xi32, #tpu.memory_space<hbm>>) dst(%dma_wait3A_181 : memref<128xi32, #tpu.memory_space<vmem>>)
    %dma_wait3A_183 = arith.constant 512 : i32
    %dma_wait3A_184 = tpu.memref_slice %arg12[%dma_wait3A_183] : memref<1024xi32, #tpu.memory_space<vmem>> -> memref<128xi32, #tpu.memory_space<vmem>>
    %dma_wait3A_185 = tpu.memref_slice %arg3[%mul3A_110] : memref<32768xi32, #tpu.memory_space<hbm>> -> memref<128xi32, #tpu.memory_space<hbm>>
    %dma_wait3A_186 = arith.constant 512 : i32
    %dma_wait3A_187 = tpu.memref_slice %arg12[%dma_wait3A_186] : memref<1024xi32, #tpu.memory_space<vmem>> -> memref<128xi32, #tpu.memory_space<vmem>>
    %dma_wait3A_188 = tpu.memref_slice %arg3[%mul3A_110] : memref<32768xi32, #tpu.memory_space<hbm>> -> memref<128xi32, #tpu.memory_space<hbm>>
    tpu.wait_dma2 semaphore(%arg20 : memref<!tpu.dma_semaphore, #tpu.memory_space<semaphore_mem>>) src(%dma_wait3A_188 : memref<128xi32, #tpu.memory_space<hbm>>) dst(%dma_wait3A_187 : memref<128xi32, #tpu.memory_space<vmem>>)
    %dma_wait3A_189 = arith.constant 640 : i32
    %dma_wait3A_190 = tpu.memref_slice %arg12[%dma_wait3A_189] : memref<1024xi32, #tpu.memory_space<vmem>> -> memref<128xi32, #tpu.memory_space<vmem>>
    %dma_wait3A_191 = tpu.memref_slice %arg3[%mul3A_123] : memref<32768xi32, #tpu.memory_space<hbm>> -> memref<128xi32, #tpu.memory_space<hbm>>
    %dma_wait3A_192 = arith.constant 640 : i32
    %dma_wait3A_193 = tpu.memref_slice %arg12[%dma_wait3A_192] : memref<1024xi32, #tpu.memory_space<vmem>> -> memref<128xi32, #tpu.memory_space<vmem>>
    %dma_wait3A_194 = tpu.memref_slice %arg3[%mul3A_123] : memref<32768xi32, #tpu.memory_space<hbm>> -> memref<128xi32, #tpu.memory_space<hbm>>
    tpu.wait_dma2 semaphore(%arg20 : memref<!tpu.dma_semaphore, #tpu.memory_space<semaphore_mem>>) src(%dma_wait3A_194 : memref<128xi32, #tpu.memory_space<hbm>>) dst(%dma_wait3A_193 : memref<128xi32, #tpu.memory_space<vmem>>)
    %dma_wait3A_195 = arith.constant 768 : i32
    %dma_wait3A_196 = tpu.memref_slice %arg12[%dma_wait3A_195] : memref<1024xi32, #tpu.memory_space<vmem>> -> memref<128xi32, #tpu.memory_space<vmem>>
    %dma_wait3A_197 = tpu.memref_slice %arg3[%mul3A_136] : memref<32768xi32, #tpu.memory_space<hbm>> -> memref<128xi32, #tpu.memory_space<hbm>>
    %dma_wait3A_198 = arith.constant 768 : i32
    %dma_wait3A_199 = tpu.memref_slice %arg12[%dma_wait3A_198] : memref<1024xi32, #tpu.memory_space<vmem>> -> memref<128xi32, #tpu.memory_space<vmem>>
    %dma_wait3A_200 = tpu.memref_slice %arg3[%mul3A_136] : memref<32768xi32, #tpu.memory_space<hbm>> -> memref<128xi32, #tpu.memory_space<hbm>>
    tpu.wait_dma2 semaphore(%arg20 : memref<!tpu.dma_semaphore, #tpu.memory_space<semaphore_mem>>) src(%dma_wait3A_200 : memref<128xi32, #tpu.memory_space<hbm>>) dst(%dma_wait3A_199 : memref<128xi32, #tpu.memory_space<vmem>>)
    %dma_wait3A_201 = arith.constant 896 : i32
    %dma_wait3A_202 = tpu.memref_slice %arg12[%dma_wait3A_201] : memref<1024xi32, #tpu.memory_space<vmem>> -> memref<128xi32, #tpu.memory_space<vmem>>
    %dma_wait3A_203 = tpu.memref_slice %arg3[%mul3A_149] : memref<32768xi32, #tpu.memory_space<hbm>> -> memref<128xi32, #tpu.memory_space<hbm>>
    %dma_wait3A_204 = arith.constant 896 : i32
    %dma_wait3A_205 = tpu.memref_slice %arg12[%dma_wait3A_204] : memref<1024xi32, #tpu.memory_space<vmem>> -> memref<128xi32, #tpu.memory_space<vmem>>
    %dma_wait3A_206 = tpu.memref_slice %arg3[%mul3A_149] : memref<32768xi32, #tpu.memory_space<hbm>> -> memref<128xi32, #tpu.memory_space<hbm>>
    tpu.wait_dma2 semaphore(%arg20 : memref<!tpu.dma_semaphore, #tpu.memory_space<semaphore_mem>>) src(%dma_wait3A_206 : memref<128xi32, #tpu.memory_space<hbm>>) dst(%dma_wait3A_205 : memref<128xi32, #tpu.memory_space<vmem>>)
    %get3A = arith.constant 0 : index
    %get3A_207 = tpu.vector_load %arg13[%get3A] {strides = array<i32>} : memref<336xf32, #tpu.memory_space<vmem>>, vector<16xf32>,
    %get3A_208 = arith.constant 16 : index
    %get3A_209 = tpu.vector_load %arg13[%get3A_208] {strides = array<i32>} : memref<336xf32, #tpu.memory_space<vmem>>, vector<16xf32>,
    %get3A_210 = arith.constant 32 : index
    %get3A_211 = tpu.vector_load %arg13[%get3A_210] {strides = array<i32>} : memref<336xf32, #tpu.memory_space<vmem>>, vector<16xf32>,
    %get3A_212 = arith.constant 48 : index
    %get3A_213 = tpu.vector_load %arg13[%get3A_212] {strides = array<i32>} : memref<336xf32, #tpu.memory_space<vmem>>, vector<16xf32>,
    %get3A_214 = arith.constant 64 : index
    %get3A_215 = tpu.vector_load %arg13[%get3A_214] {strides = array<i32>} : memref<336xf32, #tpu.memory_space<vmem>>, vector<16xf32>,
    %get3A_216 = arith.constant 80 : index
    %get3A_217 = tpu.vector_load %arg13[%get3A_216] {strides = array<i32>} : memref<336xf32, #tpu.memory_space<vmem>>, vector<16xf32>,
    %slice3A = vector.extract_strided_slice %get3A_217 {offsets = [0], sizes = [1], strides = [1]} : vector<16xf32> to vector<1xf32>
    %squeeze3A = vector.extract %slice3A[0] : f32 from vector<1xf32>
    %slice3A_218 = vector.extract_strided_slice %get3A_217 {offsets = [1], sizes = [1], strides = [1]} : vector<16xf32> to vector<1xf32>
    %squeeze3A_219 = vector.extract %slice3A_218[0] : f32 from vector<1xf32>
    %slice3A_220 = vector.extract_strided_slice %get3A_217 {offsets = [2], sizes = [1], strides = [1]} : vector<16xf32> to vector<1xf32>
    %squeeze3A_221 = vector.extract %slice3A_220[0] : f32 from vector<1xf32>
    %slice3A_222 = vector.extract_strided_slice %get3A_217 {offsets = [3], sizes = [1], strides = [1]} : vector<16xf32> to vector<1xf32>
    %squeeze3A_223 = vector.extract %slice3A_222[0] : f32 from vector<1xf32>
    %slice3A_224 = vector.extract_strided_slice %get3A_217 {offsets = [4], sizes = [1], strides = [1]} : vector<16xf32> to vector<1xf32>
    %squeeze3A_225 = vector.extract %slice3A_224[0] : f32 from vector<1xf32>
    %slice3A_226 = vector.extract_strided_slice %get3A_217 {offsets = [5], sizes = [1], strides = [1]} : vector<16xf32> to vector<1xf32>
    %squeeze3A_227 = vector.extract %slice3A_226[0] : f32 from vector<1xf32>
    %slice3A_228 = vector.extract_strided_slice %get3A_217 {offsets = [6], sizes = [1], strides = [1]} : vector<16xf32> to vector<1xf32>
    %squeeze3A_229 = vector.extract %slice3A_228[0] : f32 from vector<1xf32>
    %slice3A_230 = vector.extract_strided_slice %get3A_217 {offsets = [7], sizes = [1], strides = [1]} : vector<16xf32> to vector<1xf32>
    %squeeze3A_231 = vector.extract %slice3A_230[0] : f32 from vector<1xf32>
    %slice3A_232 = vector.extract_strided_slice %get3A_217 {offsets = [8], sizes = [1], strides = [1]} : vector<16xf32> to vector<1xf32>
    %squeeze3A_233 = vector.extract %slice3A_232[0] : f32 from vector<1xf32>
    %slice3A_234 = vector.extract_strided_slice %get3A_217 {offsets = [9], sizes = [1], strides = [1]} : vector<16xf32> to vector<1xf32>
    %squeeze3A_235 = vector.extract %slice3A_234[0] : f32 from vector<1xf32>
    %slice3A_236 = vector.extract_strided_slice %get3A_217 {offsets = [10], sizes = [1], strides = [1]} : vector<16xf32> to vector<1xf32>
    %squeeze3A_237 = vector.extract %slice3A_236[0] : f32 from vector<1xf32>
    %slice3A_238 = vector.extract_strided_slice %get3A_217 {offsets = [11], sizes = [1], strides = [1]} : vector<16xf32> to vector<1xf32>
    %squeeze3A_239 = vector.extract %slice3A_238[0] : f32 from vector<1xf32>
    %slice3A_240 = vector.extract_strided_slice %get3A_217 {offsets = [12], sizes = [1], strides = [1]} : vector<16xf32> to vector<1xf32>
    %squeeze3A_241 = vector.extract %slice3A_240[0] : f32 from vector<1xf32>
    %slice3A_242 = vector.extract_strided_slice %get3A_217 {offsets = [13], sizes = [1], strides = [1]} : vector<16xf32> to vector<1xf32>
    %squeeze3A_243 = vector.extract %slice3A_242[0] : f32 from vector<1xf32>
    %slice3A_244 = vector.extract_strided_slice %get3A_217 {offsets = [14], sizes = [1], strides = [1]} : vector<16xf32> to vector<1xf32>
    %squeeze3A_245 = vector.extract %slice3A_244[0] : f32 from vector<1xf32>
    %slice3A_246 = vector.extract_strided_slice %get3A_217 {offsets = [15], sizes = [1], strides = [1]} : vector<16xf32> to vector<1xf32>
    %squeeze3A_247 = vector.extract %slice3A_246[0] : f32 from vector<1xf32>
    %get3A_248 = arith.constant 96 : index
    %get3A_249 = tpu.vector_load %arg13[%get3A_248] {strides = array<i32>} : memref<336xf32, #tpu.memory_space<vmem>>, vector<16xf32>,
    %slice3A_250 = vector.extract_strided_slice %get3A_249 {offsets = [0], sizes = [1], strides = [1]} : vector<16xf32> to vector<1xf32>
    %squeeze3A_251 = vector.extract %slice3A_250[0] : f32 from vector<1xf32>
    %slice3A_252 = vector.extract_strided_slice %get3A_249 {offsets = [1], sizes = [1], strides = [1]} : vector<16xf32> to vector<1xf32>
    %squeeze3A_253 = vector.extract %slice3A_252[0] : f32 from vector<1xf32>
    %slice3A_254 = vector.extract_strided_slice %get3A_249 {offsets = [2], sizes = [1], strides = [1]} : vector<16xf32> to vector<1xf32>
    %squeeze3A_255 = vector.extract %slice3A_254[0] : f32 from vector<1xf32>
    %slice3A_256 = vector.extract_strided_slice %get3A_249 {offsets = [3], sizes = [1], strides = [1]} : vector<16xf32> to vector<1xf32>
    %squeeze3A_257 = vector.extract %slice3A_256[0] : f32 from vector<1xf32>
    %slice3A_258 = vector.extract_strided_slice %get3A_249 {offsets = [4], sizes = [1], strides = [1]} : vector<16xf32> to vector<1xf32>
    %squeeze3A_259 = vector.extract %slice3A_258[0] : f32 from vector<1xf32>
    %slice3A_260 = vector.extract_strided_slice %get3A_249 {offsets = [5], sizes = [1], strides = [1]} : vector<16xf32> to vector<1xf32>
    %squeeze3A_261 = vector.extract %slice3A_260[0] : f32 from vector<1xf32>
    %slice3A_262 = vector.extract_strided_slice %get3A_249 {offsets = [6], sizes = [1], strides = [1]} : vector<16xf32> to vector<1xf32>
    %squeeze3A_263 = vector.extract %slice3A_262[0] : f32 from vector<1xf32>
    %slice3A_264 = vector.extract_strided_slice %get3A_249 {offsets = [7], sizes = [1], strides = [1]} : vector<16xf32> to vector<1xf32>
    %squeeze3A_265 = vector.extract %slice3A_264[0] : f32 from vector<1xf32>
    %slice3A_266 = vector.extract_strided_slice %get3A_249 {offsets = [8], sizes = [1], strides = [1]} : vector<16xf32> to vector<1xf32>
    %squeeze3A_267 = vector.extract %slice3A_266[0] : f32 from vector<1xf32>
    %slice3A_268 = vector.extract_strided_slice %get3A_249 {offsets = [9], sizes = [1], strides = [1]} : vector<16xf32> to vector<1xf32>
    %squeeze3A_269 = vector.extract %slice3A_268[0] : f32 from vector<1xf32>
    %slice3A_270 = vector.extract_strided_slice %get3A_249 {offsets = [10], sizes = [1], strides = [1]} : vector<16xf32> to vector<1xf32>
    %squeeze3A_271 = vector.extract %slice3A_270[0] : f32 from vector<1xf32>
    %slice3A_272 = vector.extract_strided_slice %get3A_249 {offsets = [11], sizes = [1], strides = [1]} : vector<16xf32> to vector<1xf32>
    %squeeze3A_273 = vector.extract %slice3A_272[0] : f32 from vector<1xf32>
    %slice3A_274 = vector.extract_strided_slice %get3A_249 {offsets = [12], sizes = [1], strides = [1]} : vector<16xf32> to vector<1xf32>
    %squeeze3A_275 = vector.extract %slice3A_274[0] : f32 from vector<1xf32>
    %slice3A_276 = vector.extract_strided_slice %get3A_249 {offsets = [13], sizes = [1], strides = [1]} : vector<16xf32> to vector<1xf32>
    %squeeze3A_277 = vector.extract %slice3A_276[0] : f32 from vector<1xf32>
    %slice3A_278 = vector.extract_strided_slice %get3A_249 {offsets = [14], sizes = [1], strides = [1]} : vector<16xf32> to vector<1xf32>
    %squeeze3A_279 = vector.extract %slice3A_278[0] : f32 from vector<1xf32>
    %slice3A_280 = vector.extract_strided_slice %get3A_249 {offsets = [15], sizes = [1], strides = [1]} : vector<16xf32> to vector<1xf32>
    %squeeze3A_281 = vector.extract %slice3A_280[0] : f32 from vector<1xf32>
    %get3A_282 = arith.constant 112 : index
    %get3A_283 = tpu.vector_load %arg13[%get3A_282] {strides = array<i32>} : memref<336xf32, #tpu.memory_space<vmem>>, vector<16xf32>,
    %slice3A_284 = vector.extract_strided_slice %get3A_283 {offsets = [0], sizes = [1], strides = [1]} : vector<16xf32> to vector<1xf32>
    %squeeze3A_285 = vector.extract %slice3A_284[0] : f32 from vector<1xf32>
    %slice3A_286 = vector.extract_strided_slice %get3A_283 {offsets = [1], sizes = [1], strides = [1]} : vector<16xf32> to vector<1xf32>
    %squeeze3A_287 = vector.extract %slice3A_286[0] : f32 from vector<1xf32>
    %slice3A_288 = vector.extract_strided_slice %get3A_283 {offsets = [2], sizes = [1], strides = [1]} : vector<16xf32> to vector<1xf32>
    %squeeze3A_289 = vector.extract %slice3A_288[0] : f32 from vector<1xf32>
    %slice3A_290 = vector.extract_strided_slice %get3A_283 {offsets = [3], sizes = [1], strides = [1]} : vector<16xf32> to vector<1xf32>
    %squeeze3A_291 = vector.extract %slice3A_290[0] : f32 from vector<1xf32>
    %slice3A_292 = vector.extract_strided_slice %get3A_283 {offsets = [4], sizes = [1], strides = [1]} : vector<16xf32> to vector<1xf32>
    %squeeze3A_293 = vector.extract %slice3A_292[0] : f32 from vector<1xf32>
    %slice3A_294 = vector.extract_strided_slice %get3A_283 {offsets = [5], sizes = [1], strides = [1]} : vector<16xf32> to vector<1xf32>
    %squeeze3A_295 = vector.extract %slice3A_294[0] : f32 from vector<1xf32>
    %slice3A_296 = vector.extract_strided_slice %get3A_283 {offsets = [6], sizes = [1], strides = [1]} : vector<16xf32> to vector<1xf32>
    %squeeze3A_297 = vector.extract %slice3A_296[0] : f32 from vector<1xf32>
    %slice3A_298 = vector.extract_strided_slice %get3A_283 {offsets = [7], sizes = [1], strides = [1]} : vector<16xf32> to vector<1xf32>
    %squeeze3A_299 = vector.extract %slice3A_298[0] : f32 from vector<1xf32>
    %slice3A_300 = vector.extract_strided_slice %get3A_283 {offsets = [8], sizes = [1], strides = [1]} : vector<16xf32> to vector<1xf32>
    %squeeze3A_301 = vector.extract %slice3A_300[0] : f32 from vector<1xf32>
    %slice3A_302 = vector.extract_strided_slice %get3A_283 {offsets = [9], sizes = [1], strides = [1]} : vector<16xf32> to vector<1xf32>
    %squeeze3A_303 = vector.extract %slice3A_302[0] : f32 from vector<1xf32>
    %slice3A_304 = vector.extract_strided_slice %get3A_283 {offsets = [10], sizes = [1], strides = [1]} : vector<16xf32> to vector<1xf32>
    %squeeze3A_305 = vector.extract %slice3A_304[0] : f32 from vector<1xf32>
    %slice3A_306 = vector.extract_strided_slice %get3A_283 {offsets = [11], sizes = [1], strides = [1]} : vector<16xf32> to vector<1xf32>
    %squeeze3A_307 = vector.extract %slice3A_306[0] : f32 from vector<1xf32>
    %slice3A_308 = vector.extract_strided_slice %get3A_283 {offsets = [12], sizes = [1], strides = [1]} : vector<16xf32> to vector<1xf32>
    %squeeze3A_309 = vector.extract %slice3A_308[0] : f32 from vector<1xf32>
    %slice3A_310 = vector.extract_strided_slice %get3A_283 {offsets = [13], sizes = [1], strides = [1]} : vector<16xf32> to vector<1xf32>
    %squeeze3A_311 = vector.extract %slice3A_310[0] : f32 from vector<1xf32>
    %slice3A_312 = vector.extract_strided_slice %get3A_283 {offsets = [14], sizes = [1], strides = [1]} : vector<16xf32> to vector<1xf32>
    %squeeze3A_313 = vector.extract %slice3A_312[0] : f32 from vector<1xf32>
    %slice3A_314 = vector.extract_strided_slice %get3A_283 {offsets = [15], sizes = [1], strides = [1]} : vector<16xf32> to vector<1xf32>
    %squeeze3A_315 = vector.extract %slice3A_314[0] : f32 from vector<1xf32>
    %get3A_316 = arith.constant 128 : index
    %get3A_317 = tpu.vector_load %arg13[%get3A_316] {strides = array<i32>} : memref<336xf32, #tpu.memory_space<vmem>>, vector<16xf32>,
    %slice3A_318 = vector.extract_strided_slice %get3A_317 {offsets = [0], sizes = [1], strides = [1]} : vector<16xf32> to vector<1xf32>
    %squeeze3A_319 = vector.extract %slice3A_318[0] : f32 from vector<1xf32>
    %slice3A_320 = vector.extract_strided_slice %get3A_317 {offsets = [1], sizes = [1], strides = [1]} : vector<16xf32> to vector<1xf32>
    %squeeze3A_321 = vector.extract %slice3A_320[0] : f32 from vector<1xf32>
    %slice3A_322 = vector.extract_strided_slice %get3A_317 {offsets = [2], sizes = [1], strides = [1]} : vector<16xf32> to vector<1xf32>
    %squeeze3A_323 = vector.extract %slice3A_322[0] : f32 from vector<1xf32>
    %slice3A_324 = vector.extract_strided_slice %get3A_317 {offsets = [3], sizes = [1], strides = [1]} : vector<16xf32> to vector<1xf32>
    %squeeze3A_325 = vector.extract %slice3A_324[0] : f32 from vector<1xf32>
    %slice3A_326 = vector.extract_strided_slice %get3A_317 {offsets = [4], sizes = [1], strides = [1]} : vector<16xf32> to vector<1xf32>
    %squeeze3A_327 = vector.extract %slice3A_326[0] : f32 from vector<1xf32>
    %slice3A_328 = vector.extract_strided_slice %get3A_317 {offsets = [5], sizes = [1], strides = [1]} : vector<16xf32> to vector<1xf32>
    %squeeze3A_329 = vector.extract %slice3A_328[0] : f32 from vector<1xf32>
    %slice3A_330 = vector.extract_strided_slice %get3A_317 {offsets = [6], sizes = [1], strides = [1]} : vector<16xf32> to vector<1xf32>
    %squeeze3A_331 = vector.extract %slice3A_330[0] : f32 from vector<1xf32>
    %slice3A_332 = vector.extract_strided_slice %get3A_317 {offsets = [7], sizes = [1], strides = [1]} : vector<16xf32> to vector<1xf32>
    %squeeze3A_333 = vector.extract %slice3A_332[0] : f32 from vector<1xf32>
    %slice3A_334 = vector.extract_strided_slice %get3A_317 {offsets = [8], sizes = [1], strides = [1]} : vector<16xf32> to vector<1xf32>
    %squeeze3A_335 = vector.extract %slice3A_334[0] : f32 from vector<1xf32>
    %slice3A_336 = vector.extract_strided_slice %get3A_317 {offsets = [9], sizes = [1], strides = [1]} : vector<16xf32> to vector<1xf32>
    %squeeze3A_337 = vector.extract %slice3A_336[0] : f32 from vector<1xf32>
    %slice3A_338 = vector.extract_strided_slice %get3A_317 {offsets = [10], sizes = [1], strides = [1]} : vector<16xf32> to vector<1xf32>
    %squeeze3A_339 = vector.extract %slice3A_338[0] : f32 from vector<1xf32>
    %slice3A_340 = vector.extract_strided_slice %get3A_317 {offsets = [11], sizes = [1], strides = [1]} : vector<16xf32> to vector<1xf32>
    %squeeze3A_341 = vector.extract %slice3A_340[0] : f32 from vector<1xf32>
    %slice3A_342 = vector.extract_strided_slice %get3A_317 {offsets = [12], sizes = [1], strides = [1]} : vector<16xf32> to vector<1xf32>
    %squeeze3A_343 = vector.extract %slice3A_342[0] : f32 from vector<1xf32>
    %slice3A_344 = vector.extract_strided_slice %get3A_317 {offsets = [13], sizes = [1], strides = [1]} : vector<16xf32> to vector<1xf32>
    %squeeze3A_345 = vector.extract %slice3A_344[0] : f32 from vector<1xf32>
    %slice3A_346 = vector.extract_strided_slice %get3A_317 {offsets = [14], sizes = [1], strides = [1]} : vector<16xf32> to vector<1xf32>
    %squeeze3A_347 = vector.extract %slice3A_346[0] : f32 from vector<1xf32>
    %slice3A_348 = vector.extract_strided_slice %get3A_317 {offsets = [15], sizes = [1], strides = [1]} : vector<16xf32> to vector<1xf32>
    %squeeze3A_349 = vector.extract %slice3A_348[0] : f32 from vector<1xf32>
    %get3A_350 = arith.constant 144 : index
    %get3A_351 = tpu.vector_load %arg13[%get3A_350] {strides = array<i32>} : memref<336xf32, #tpu.memory_space<vmem>>, vector<16xf32>,
    %slice3A_352 = vector.extract_strided_slice %get3A_351 {offsets = [0], sizes = [1], strides = [1]} : vector<16xf32> to vector<1xf32>
    %squeeze3A_353 = vector.extract %slice3A_352[0] : f32 from vector<1xf32>
    %slice3A_354 = vector.extract_strided_slice %get3A_351 {offsets = [1], sizes = [1], strides = [1]} : vector<16xf32> to vector<1xf32>
    %squeeze3A_355 = vector.extract %slice3A_354[0] : f32 from vector<1xf32>
    %slice3A_356 = vector.extract_strided_slice %get3A_351 {offsets = [2], sizes = [1], strides = [1]} : vector<16xf32> to vector<1xf32>
    %squeeze3A_357 = vector.extract %slice3A_356[0] : f32 from vector<1xf32>
    %slice3A_358 = vector.extract_strided_slice %get3A_351 {offsets = [3], sizes = [1], strides = [1]} : vector<16xf32> to vector<1xf32>
    %squeeze3A_359 = vector.extract %slice3A_358[0] : f32 from vector<1xf32>
    %slice3A_360 = vector.extract_strided_slice %get3A_351 {offsets = [4], sizes = [1], strides = [1]} : vector<16xf32> to vector<1xf32>
    %squeeze3A_361 = vector.extract %slice3A_360[0] : f32 from vector<1xf32>
    %slice3A_362 = vector.extract_strided_slice %get3A_351 {offsets = [5], sizes = [1], strides = [1]} : vector<16xf32> to vector<1xf32>
    %squeeze3A_363 = vector.extract %slice3A_362[0] : f32 from vector<1xf32>
    %slice3A_364 = vector.extract_strided_slice %get3A_351 {offsets = [6], sizes = [1], strides = [1]} : vector<16xf32> to vector<1xf32>
    %squeeze3A_365 = vector.extract %slice3A_364[0] : f32 from vector<1xf32>
    %slice3A_366 = vector.extract_strided_slice %get3A_351 {offsets = [7], sizes = [1], strides = [1]} : vector<16xf32> to vector<1xf32>
    %squeeze3A_367 = vector.extract %slice3A_366[0] : f32 from vector<1xf32>
    %slice3A_368 = vector.extract_strided_slice %get3A_351 {offsets = [8], sizes = [1], strides = [1]} : vector<16xf32> to vector<1xf32>
    %squeeze3A_369 = vector.extract %slice3A_368[0] : f32 from vector<1xf32>
    %slice3A_370 = vector.extract_strided_slice %get3A_351 {offsets = [9], sizes = [1], strides = [1]} : vector<16xf32> to vector<1xf32>
    %squeeze3A_371 = vector.extract %slice3A_370[0] : f32 from vector<1xf32>
    %slice3A_372 = vector.extract_strided_slice %get3A_351 {offsets = [10], sizes = [1], strides = [1]} : vector<16xf32> to vector<1xf32>
    %squeeze3A_373 = vector.extract %slice3A_372[0] : f32 from vector<1xf32>
    %slice3A_374 = vector.extract_strided_slice %get3A_351 {offsets = [11], sizes = [1], strides = [1]} : vector<16xf32> to vector<1xf32>
    %squeeze3A_375 = vector.extract %slice3A_374[0] : f32 from vector<1xf32>
    %slice3A_376 = vector.extract_strided_slice %get3A_351 {offsets = [12], sizes = [1], strides = [1]} : vector<16xf32> to vector<1xf32>
    %squeeze3A_377 = vector.extract %slice3A_376[0] : f32 from vector<1xf32>
    %slice3A_378 = vector.extract_strided_slice %get3A_351 {offsets = [13], sizes = [1], strides = [1]} : vector<16xf32> to vector<1xf32>
    %squeeze3A_379 = vector.extract %slice3A_378[0] : f32 from vector<1xf32>
    %slice3A_380 = vector.extract_strided_slice %get3A_351 {offsets = [14], sizes = [1], strides = [1]} : vector<16xf32> to vector<1xf32>
    %squeeze3A_381 = vector.extract %slice3A_380[0] : f32 from vector<1xf32>
    %slice3A_382 = vector.extract_strided_slice %get3A_351 {offsets = [15], sizes = [1], strides = [1]} : vector<16xf32> to vector<1xf32>
    %squeeze3A_383 = vector.extract %slice3A_382[0] : f32 from vector<1xf32>
    %get3A_384 = arith.constant 160 : index
    %get3A_385 = tpu.vector_load %arg13[%get3A_384] {strides = array<i32>} : memref<336xf32, #tpu.memory_space<vmem>>, vector<16xf32>,
    %slice3A_386 = vector.extract_strided_slice %get3A_385 {offsets = [0], sizes = [1], strides = [1]} : vector<16xf32> to vector<1xf32>
    %squeeze3A_387 = vector.extract %slice3A_386[0] : f32 from vector<1xf32>
    %slice3A_388 = vector.extract_strided_slice %get3A_385 {offsets = [1], sizes = [1], strides = [1]} : vector<16xf32> to vector<1xf32>
    %squeeze3A_389 = vector.extract %slice3A_388[0] : f32 from vector<1xf32>
    %slice3A_390 = vector.extract_strided_slice %get3A_385 {offsets = [2], sizes = [1], strides = [1]} : vector<16xf32> to vector<1xf32>
    %squeeze3A_391 = vector.extract %slice3A_390[0] : f32 from vector<1xf32>
    %slice3A_392 = vector.extract_strided_slice %get3A_385 {offsets = [3], sizes = [1], strides = [1]} : vector<16xf32> to vector<1xf32>
    %squeeze3A_393 = vector.extract %slice3A_392[0] : f32 from vector<1xf32>
    %slice3A_394 = vector.extract_strided_slice %get3A_385 {offsets = [4], sizes = [1], strides = [1]} : vector<16xf32> to vector<1xf32>
    %squeeze3A_395 = vector.extract %slice3A_394[0] : f32 from vector<1xf32>
    %slice3A_396 = vector.extract_strided_slice %get3A_385 {offsets = [5], sizes = [1], strides = [1]} : vector<16xf32> to vector<1xf32>
    %squeeze3A_397 = vector.extract %slice3A_396[0] : f32 from vector<1xf32>
    %slice3A_398 = vector.extract_strided_slice %get3A_385 {offsets = [6], sizes = [1], strides = [1]} : vector<16xf32> to vector<1xf32>
    %squeeze3A_399 = vector.extract %slice3A_398[0] : f32 from vector<1xf32>
    %slice3A_400 = vector.extract_strided_slice %get3A_385 {offsets = [7], sizes = [1], strides = [1]} : vector<16xf32> to vector<1xf32>
    %squeeze3A_401 = vector.extract %slice3A_400[0] : f32 from vector<1xf32>
    %slice3A_402 = vector.extract_strided_slice %get3A_385 {offsets = [8], sizes = [1], strides = [1]} : vector<16xf32> to vector<1xf32>
    %squeeze3A_403 = vector.extract %slice3A_402[0] : f32 from vector<1xf32>
    %slice3A_404 = vector.extract_strided_slice %get3A_385 {offsets = [9], sizes = [1], strides = [1]} : vector<16xf32> to vector<1xf32>
    %squeeze3A_405 = vector.extract %slice3A_404[0] : f32 from vector<1xf32>
    %slice3A_406 = vector.extract_strided_slice %get3A_385 {offsets = [10], sizes = [1], strides = [1]} : vector<16xf32> to vector<1xf32>
    %squeeze3A_407 = vector.extract %slice3A_406[0] : f32 from vector<1xf32>
    %slice3A_408 = vector.extract_strided_slice %get3A_385 {offsets = [11], sizes = [1], strides = [1]} : vector<16xf32> to vector<1xf32>
    %squeeze3A_409 = vector.extract %slice3A_408[0] : f32 from vector<1xf32>
    %slice3A_410 = vector.extract_strided_slice %get3A_385 {offsets = [12], sizes = [1], strides = [1]} : vector<16xf32> to vector<1xf32>
    %squeeze3A_411 = vector.extract %slice3A_410[0] : f32 from vector<1xf32>
    %slice3A_412 = vector.extract_strided_slice %get3A_385 {offsets = [13], sizes = [1], strides = [1]} : vector<16xf32> to vector<1xf32>
    %squeeze3A_413 = vector.extract %slice3A_412[0] : f32 from vector<1xf32>
    %slice3A_414 = vector.extract_strided_slice %get3A_385 {offsets = [14], sizes = [1], strides = [1]} : vector<16xf32> to vector<1xf32>
    %squeeze3A_415 = vector.extract %slice3A_414[0] : f32 from vector<1xf32>
    %slice3A_416 = vector.extract_strided_slice %get3A_385 {offsets = [15], sizes = [1], strides = [1]} : vector<16xf32> to vector<1xf32>
    %squeeze3A_417 = vector.extract %slice3A_416[0] : f32 from vector<1xf32>
    %get3A_418 = arith.constant 176 : index
    %get3A_419 = tpu.vector_load %arg13[%get3A_418] {strides = array<i32>} : memref<336xf32, #tpu.memory_space<vmem>>, vector<16xf32>,
    %slice3A_420 = vector.extract_strided_slice %get3A_419 {offsets = [0], sizes = [1], strides = [1]} : vector<16xf32> to vector<1xf32>
    %squeeze3A_421 = vector.extract %slice3A_420[0] : f32 from vector<1xf32>
    %slice3A_422 = vector.extract_strided_slice %get3A_419 {offsets = [1], sizes = [1], strides = [1]} : vector<16xf32> to vector<1xf32>
    %squeeze3A_423 = vector.extract %slice3A_422[0] : f32 from vector<1xf32>
    %slice3A_424 = vector.extract_strided_slice %get3A_419 {offsets = [2], sizes = [1], strides = [1]} : vector<16xf32> to vector<1xf32>
    %squeeze3A_425 = vector.extract %slice3A_424[0] : f32 from vector<1xf32>
    %slice3A_426 = vector.extract_strided_slice %get3A_419 {offsets = [3], sizes = [1], strides = [1]} : vector<16xf32> to vector<1xf32>
    %squeeze3A_427 = vector.extract %slice3A_426[0] : f32 from vector<1xf32>
    %slice3A_428 = vector.extract_strided_slice %get3A_419 {offsets = [4], sizes = [1], strides = [1]} : vector<16xf32> to vector<1xf32>
    %squeeze3A_429 = vector.extract %slice3A_428[0] : f32 from vector<1xf32>
    %slice3A_430 = vector.extract_strided_slice %get3A_419 {offsets = [5], sizes = [1], strides = [1]} : vector<16xf32> to vector<1xf32>
    %squeeze3A_431 = vector.extract %slice3A_430[0] : f32 from vector<1xf32>
    %slice3A_432 = vector.extract_strided_slice %get3A_419 {offsets = [6], sizes = [1], strides = [1]} : vector<16xf32> to vector<1xf32>
    %squeeze3A_433 = vector.extract %slice3A_432[0] : f32 from vector<1xf32>
    %slice3A_434 = vector.extract_strided_slice %get3A_419 {offsets = [7], sizes = [1], strides = [1]} : vector<16xf32> to vector<1xf32>
    %squeeze3A_435 = vector.extract %slice3A_434[0] : f32 from vector<1xf32>
    %slice3A_436 = vector.extract_strided_slice %get3A_419 {offsets = [8], sizes = [1], strides = [1]} : vector<16xf32> to vector<1xf32>
    %squeeze3A_437 = vector.extract %slice3A_436[0] : f32 from vector<1xf32>
    %slice3A_438 = vector.extract_strided_slice %get3A_419 {offsets = [9], sizes = [1], strides = [1]} : vector<16xf32> to vector<1xf32>
    %squeeze3A_439 = vector.extract %slice3A_438[0] : f32 from vector<1xf32>
    %slice3A_440 = vector.extract_strided_slice %get3A_419 {offsets = [10], sizes = [1], strides = [1]} : vector<16xf32> to vector<1xf32>
    %squeeze3A_441 = vector.extract %slice3A_440[0] : f32 from vector<1xf32>
    %slice3A_442 = vector.extract_strided_slice %get3A_419 {offsets = [11], sizes = [1], strides = [1]} : vector<16xf32> to vector<1xf32>
    %squeeze3A_443 = vector.extract %slice3A_442[0] : f32 from vector<1xf32>
    %slice3A_444 = vector.extract_strided_slice %get3A_419 {offsets = [12], sizes = [1], strides = [1]} : vector<16xf32> to vector<1xf32>
    %squeeze3A_445 = vector.extract %slice3A_444[0] : f32 from vector<1xf32>
    %slice3A_446 = vector.extract_strided_slice %get3A_419 {offsets = [13], sizes = [1], strides = [1]} : vector<16xf32> to vector<1xf32>
    %squeeze3A_447 = vector.extract %slice3A_446[0] : f32 from vector<1xf32>
    %slice3A_448 = vector.extract_strided_slice %get3A_419 {offsets = [14], sizes = [1], strides = [1]} : vector<16xf32> to vector<1xf32>
    %squeeze3A_449 = vector.extract %slice3A_448[0] : f32 from vector<1xf32>
    %slice3A_450 = vector.extract_strided_slice %get3A_419 {offsets = [15], sizes = [1], strides = [1]} : vector<16xf32> to vector<1xf32>
    %squeeze3A_451 = vector.extract %slice3A_450[0] : f32 from vector<1xf32>
    %get3A_452 = arith.constant 192 : index
    %get3A_453 = tpu.vector_load %arg13[%get3A_452] {strides = array<i32>} : memref<336xf32, #tpu.memory_space<vmem>>, vector<16xf32>,
    %slice3A_454 = vector.extract_strided_slice %get3A_453 {offsets = [0], sizes = [1], strides = [1]} : vector<16xf32> to vector<1xf32>
    %squeeze3A_455 = vector.extract %slice3A_454[0] : f32 from vector<1xf32>
    %slice3A_456 = vector.extract_strided_slice %get3A_453 {offsets = [1], sizes = [1], strides = [1]} : vector<16xf32> to vector<1xf32>
    %squeeze3A_457 = vector.extract %slice3A_456[0] : f32 from vector<1xf32>
    %slice3A_458 = vector.extract_strided_slice %get3A_453 {offsets = [2], sizes = [1], strides = [1]} : vector<16xf32> to vector<1xf32>
    %squeeze3A_459 = vector.extract %slice3A_458[0] : f32 from vector<1xf32>
    %slice3A_460 = vector.extract_strided_slice %get3A_453 {offsets = [3], sizes = [1], strides = [1]} : vector<16xf32> to vector<1xf32>
    %squeeze3A_461 = vector.extract %slice3A_460[0] : f32 from vector<1xf32>
    %slice3A_462 = vector.extract_strided_slice %get3A_453 {offsets = [4], sizes = [1], strides = [1]} : vector<16xf32> to vector<1xf32>
    %squeeze3A_463 = vector.extract %slice3A_462[0] : f32 from vector<1xf32>
    %slice3A_464 = vector.extract_strided_slice %get3A_453 {offsets = [5], sizes = [1], strides = [1]} : vector<16xf32> to vector<1xf32>
    %squeeze3A_465 = vector.extract %slice3A_464[0] : f32 from vector<1xf32>
    %slice3A_466 = vector.extract_strided_slice %get3A_453 {offsets = [6], sizes = [1], strides = [1]} : vector<16xf32> to vector<1xf32>
    %squeeze3A_467 = vector.extract %slice3A_466[0] : f32 from vector<1xf32>
    %slice3A_468 = vector.extract_strided_slice %get3A_453 {offsets = [7], sizes = [1], strides = [1]} : vector<16xf32> to vector<1xf32>
    %squeeze3A_469 = vector.extract %slice3A_468[0] : f32 from vector<1xf32>
    %slice3A_470 = vector.extract_strided_slice %get3A_453 {offsets = [8], sizes = [1], strides = [1]} : vector<16xf32> to vector<1xf32>
    %squeeze3A_471 = vector.extract %slice3A_470[0] : f32 from vector<1xf32>
    %slice3A_472 = vector.extract_strided_slice %get3A_453 {offsets = [9], sizes = [1], strides = [1]} : vector<16xf32> to vector<1xf32>
    %squeeze3A_473 = vector.extract %slice3A_472[0] : f32 from vector<1xf32>
    %slice3A_474 = vector.extract_strided_slice %get3A_453 {offsets = [10], sizes = [1], strides = [1]} : vector<16xf32> to vector<1xf32>
    %squeeze3A_475 = vector.extract %slice3A_474[0] : f32 from vector<1xf32>
    %slice3A_476 = vector.extract_strided_slice %get3A_453 {offsets = [11], sizes = [1], strides = [1]} : vector<16xf32> to vector<1xf32>
    %squeeze3A_477 = vector.extract %slice3A_476[0] : f32 from vector<1xf32>
    %slice3A_478 = vector.extract_strided_slice %get3A_453 {offsets = [12], sizes = [1], strides = [1]} : vector<16xf32> to vector<1xf32>
    %squeeze3A_479 = vector.extract %slice3A_478[0] : f32 from vector<1xf32>
    %slice3A_480 = vector.extract_strided_slice %get3A_453 {offsets = [13], sizes = [1], strides = [1]} : vector<16xf32> to vector<1xf32>
    %squeeze3A_481 = vector.extract %slice3A_480[0] : f32 from vector<1xf32>
    %slice3A_482 = vector.extract_strided_slice %get3A_453 {offsets = [14], sizes = [1], strides = [1]} : vector<16xf32> to vector<1xf32>
    %squeeze3A_483 = vector.extract %slice3A_482[0] : f32 from vector<1xf32>
    %slice3A_484 = vector.extract_strided_slice %get3A_453 {offsets = [15], sizes = [1], strides = [1]} : vector<16xf32> to vector<1xf32>
    %squeeze3A_485 = vector.extract %slice3A_484[0] : f32 from vector<1xf32>
    %broadcast_in_dim3A = vector.broadcast %squeeze3A : f32 to vector<16xf32>
    %swap3A = arith.constant 0 : index
    %swap3A_486 = tpu.vector_load %arg14[%swap3A] {strides = array<i32>} : memref<2048xf32, #tpu.memory_space<vmem>>, vector<16xf32>,
    tpu.vector_store %arg14[%swap3A], %broadcast_in_dim3A {strides = array<i32>} : memref<2048xf32, #tpu.memory_space<vmem>>, vector<16xf32>,
    %broadcast_in_dim3A_487 = vector.broadcast %squeeze3A_219 : f32 to vector<16xf32>
    %swap3A_488 = arith.constant 16 : index
    %swap3A_489 = tpu.vector_load %arg14[%swap3A_488] {strides = array<i32>} : memref<2048xf32, #tpu.memory_space<vmem>>, vector<16xf32>,
    tpu.vector_store %arg14[%swap3A_488], %broadcast_in_dim3A_487 {strides = array<i32>} : memref<2048xf32, #tpu.memory_space<vmem>>, vector<16xf32>,
    %broadcast_in_dim3A_490 = vector.broadcast %squeeze3A_221 : f32 to vector<16xf32>
    %swap3A_491 = arith.constant 32 : index
    %swap3A_492 = tpu.vector_load %arg14[%swap3A_491] {strides = array<i32>} : memref<2048xf32, #tpu.memory_space<vmem>>, vector<16xf32>,
    tpu.vector_store %arg14[%swap3A_491], %broadcast_in_dim3A_490 {strides = array<i32>} : memref<2048xf32, #tpu.memory_space<vmem>>, vector<16xf32>,
    %broadcast_in_dim3A_493 = vector.broadcast %squeeze3A_223 : f32 to vector<16xf32>
    %swap3A_494 = arith.constant 48 : index
    %swap3A_495 = tpu.vector_load %arg14[%swap3A_494] {strides = array<i32>} : memref<2048xf32, #tpu.memory_space<vmem>>, vector<16xf32>,
    tpu.vector_store %arg14[%swap3A_494], %broadcast_in_dim3A_493 {strides = array<i32>} : memref<2048xf32, #tpu.memory_space<vmem>>, vector<16xf32>,
    %broadcast_in_dim3A_496 = vector.broadcast %squeeze3A_225 : f32 to vector<16xf32>
    %swap3A_497 = arith.constant 64 : index
    %swap3A_498 = tpu.vector_load %arg14[%swap3A_497] {strides = array<i32>} : memref<2048xf32, #tpu.memory_space<vmem>>, vector<16xf32>,
    tpu.vector_store %arg14[%swap3A_497], %broadcast_in_dim3A_496 {strides = array<i32>} : memref<2048xf32, #tpu.memory_space<vmem>>, vector<16xf32>,
    %broadcast_in_dim3A_499 = vector.broadcast %squeeze3A_227 : f32 to vector<16xf32>
    %swap3A_500 = arith.constant 80 : index
    %swap3A_501 = tpu.vector_load %arg14[%swap3A_500] {strides = array<i32>} : memref<2048xf32, #tpu.memory_space<vmem>>, vector<16xf32>,
    tpu.vector_store %arg14[%swap3A_500], %broadcast_in_dim3A_499 {strides = array<i32>} : memref<2048xf32, #tpu.memory_space<vmem>>, vector<16xf32>,
    %broadcast_in_dim3A_502 = vector.broadcast %squeeze3A_229 : f32 to vector<16xf32>
    %swap3A_503 = arith.constant 96 : index
    %swap3A_504 = tpu.vector_load %arg14[%swap3A_503] {strides = array<i32>} : memref<2048xf32, #tpu.memory_space<vmem>>, vector<16xf32>,
    tpu.vector_store %arg14[%swap3A_503], %broadcast_in_dim3A_502 {strides = array<i32>} : memref<2048xf32, #tpu.memory_space<vmem>>, vector<16xf32>,
    %broadcast_in_dim3A_505 = vector.broadcast %squeeze3A_231 : f32 to vector<16xf32>
    %swap3A_506 = arith.constant 112 : index
    %swap3A_507 = tpu.vector_load %arg14[%swap3A_506] {strides = array<i32>} : memref<2048xf32, #tpu.memory_space<vmem>>, vector<16xf32>,
    tpu.vector_store %arg14[%swap3A_506], %broadcast_in_dim3A_505 {strides = array<i32>} : memref<2048xf32, #tpu.memory_space<vmem>>, vector<16xf32>,
    %broadcast_in_dim3A_508 = vector.broadcast %squeeze3A_233 : f32 to vector<16xf32>
    %swap3A_509 = arith.constant 128 : index
    %swap3A_510 = tpu.vector_load %arg14[%swap3A_509] {strides = array<i32>} : memref<2048xf32, #tpu.memory_space<vmem>>, vector<16xf32>,
    tpu.vector_store %arg14[%swap3A_509], %broadcast_in_dim3A_508 {strides = array<i32>} : memref<2048xf32, #tpu.memory_space<vmem>>, vector<16xf32>,
    %broadcast_in_dim3A_511 = vector.broadcast %squeeze3A_235 : f32 to vector<16xf32>
    %swap3A_512 = arith.constant 144 : index
    %swap3A_513 = tpu.vector_load %arg14[%swap3A_512] {strides = array<i32>} : memref<2048xf32, #tpu.memory_space<vmem>>, vector<16xf32>,
    tpu.vector_store %arg14[%swap3A_512], %broadcast_in_dim3A_511 {strides = array<i32>} : memref<2048xf32, #tpu.memory_space<vmem>>, vector<16xf32>,
    %broadcast_in_dim3A_514 = vector.broadcast %squeeze3A_237 : f32 to vector<16xf32>
    %swap3A_515 = arith.constant 160 : index
    %swap3A_516 = tpu.vector_load %arg14[%swap3A_515] {strides = array<i32>} : memref<2048xf32, #tpu.memory_space<vmem>>, vector<16xf32>,
    tpu.vector_store %arg14[%swap3A_515], %broadcast_in_dim3A_514 {strides = array<i32>} : memref<2048xf32, #tpu.memory_space<vmem>>, vector<16xf32>,
    %broadcast_in_dim3A_517 = vector.broadcast %squeeze3A_239 : f32 to vector<16xf32>
    %swap3A_518 = arith.constant 176 : index
    %swap3A_519 = tpu.vector_load %arg14[%swap3A_518] {strides = array<i32>} : memref<2048xf32, #tpu.memory_space<vmem>>, vector<16xf32>,
    tpu.vector_store %arg14[%swap3A_518], %broadcast_in_dim3A_517 {strides = array<i32>} : memref<2048xf32, #tpu.memory_space<vmem>>, vector<16xf32>,
    %broadcast_in_dim3A_520 = vector.broadcast %squeeze3A_241 : f32 to vector<16xf32>
    %swap3A_521 = arith.constant 192 : index
    %swap3A_522 = tpu.vector_load %arg14[%swap3A_521] {strides = array<i32>} : memref<2048xf32, #tpu.memory_space<vmem>>, vector<16xf32>,
    tpu.vector_store %arg14[%swap3A_521], %broadcast_in_dim3A_520 {strides = array<i32>} : memref<2048xf32, #tpu.memory_space<vmem>>, vector<16xf32>,
    %broadcast_in_dim3A_523 = vector.broadcast %squeeze3A_243 : f32 to vector<16xf32>
    %swap3A_524 = arith.constant 208 : index
    %swap3A_525 = tpu.vector_load %arg14[%swap3A_524] {strides = array<i32>} : memref<2048xf32, #tpu.memory_space<vmem>>, vector<16xf32>,
    tpu.vector_store %arg14[%swap3A_524], %broadcast_in_dim3A_523 {strides = array<i32>} : memref<2048xf32, #tpu.memory_space<vmem>>, vector<16xf32>,
    %broadcast_in_dim3A_526 = vector.broadcast %squeeze3A_245 : f32 to vector<16xf32>
    %swap3A_527 = arith.constant 224 : index
    %swap3A_528 = tpu.vector_load %arg14[%swap3A_527] {strides = array<i32>} : memref<2048xf32, #tpu.memory_space<vmem>>, vector<16xf32>,
    tpu.vector_store %arg14[%swap3A_527], %broadcast_in_dim3A_526 {strides = array<i32>} : memref<2048xf32, #tpu.memory_space<vmem>>, vector<16xf32>,
    %broadcast_in_dim3A_529 = vector.broadcast %squeeze3A_247 : f32 to vector<16xf32>
    %swap3A_530 = arith.constant 240 : index
    %swap3A_531 = tpu.vector_load %arg14[%swap3A_530] {strides = array<i32>} : memref<2048xf32, #tpu.memory_space<vmem>>, vector<16xf32>,
    tpu.vector_store %arg14[%swap3A_530], %broadcast_in_dim3A_529 {strides = array<i32>} : memref<2048xf32, #tpu.memory_space<vmem>>, vector<16xf32>,
    %broadcast_in_dim3A_532 = vector.broadcast %squeeze3A_251 : f32 to vector<16xf32>
    %swap3A_533 = arith.constant 256 : index
    %swap3A_534 = tpu.vector_load %arg14[%swap3A_533] {strides = array<i32>} : memref<2048xf32, #tpu.memory_space<vmem>>, vector<16xf32>,
    tpu.vector_store %arg14[%swap3A_533], %broadcast_in_dim3A_532 {strides = array<i32>} : memref<2048xf32, #tpu.memory_space<vmem>>, vector<16xf32>,
    %broadcast_in_dim3A_535 = vector.broadcast %squeeze3A_253 : f32 to vector<16xf32>
    %swap3A_536 = arith.constant 272 : index
    %swap3A_537 = tpu.vector_load %arg14[%swap3A_536] {strides = array<i32>} : memref<2048xf32, #tpu.memory_space<vmem>>, vector<16xf32>,
    tpu.vector_store %arg14[%swap3A_536], %broadcast_in_dim3A_535 {strides = array<i32>} : memref<2048xf32, #tpu.memory_space<vmem>>, vector<16xf32>,
    %broadcast_in_dim3A_538 = vector.broadcast %squeeze3A_255 : f32 to vector<16xf32>
    %swap3A_539 = arith.constant 288 : index
    %swap3A_540 = tpu.vector_load %arg14[%swap3A_539] {strides = array<i32>} : memref<2048xf32, #tpu.memory_space<vmem>>, vector<16xf32>,
    tpu.vector_store %arg14[%swap3A_539], %broadcast_in_dim3A_538 {strides = array<i32>} : memref<2048xf32, #tpu.memory_space<vmem>>, vector<16xf32>,
    %broadcast_in_dim3A_541 = vector.broadcast %squeeze3A_257 : f32 to vector<16xf32>
    %swap3A_542 = arith.constant 304 : index
    %swap3A_543 = tpu.vector_load %arg14[%swap3A_542] {strides = array<i32>} : memref<2048xf32, #tpu.memory_space<vmem>>, vector<16xf32>,
    tpu.vector_store %arg14[%swap3A_542], %broadcast_in_dim3A_541 {strides = array<i32>} : memref<2048xf32, #tpu.memory_space<vmem>>, vector<16xf32>,
    %broadcast_in_dim3A_544 = vector.broadcast %squeeze3A_259 : f32 to vector<16xf32>
    %swap3A_545 = arith.constant 320 : index
    %swap3A_546 = tpu.vector_load %arg14[%swap3A_545] {strides = array<i32>} : memref<2048xf32, #tpu.memory_space<vmem>>, vector<16xf32>,
    tpu.vector_store %arg14[%swap3A_545], %broadcast_in_dim3A_544 {strides = array<i32>} : memref<2048xf32, #tpu.memory_space<vmem>>, vector<16xf32>,
    %broadcast_in_dim3A_547 = vector.broadcast %squeeze3A_261 : f32 to vector<16xf32>
    %swap3A_548 = arith.constant 336 : index
    %swap3A_549 = tpu.vector_load %arg14[%swap3A_548] {strides = array<i32>} : memref<2048xf32, #tpu.memory_space<vmem>>, vector<16xf32>,
    tpu.vector_store %arg14[%swap3A_548], %broadcast_in_dim3A_547 {strides = array<i32>} : memref<2048xf32, #tpu.memory_space<vmem>>, vector<16xf32>,
    %broadcast_in_dim3A_550 = vector.broadcast %squeeze3A_263 : f32 to vector<16xf32>
    %swap3A_551 = arith.constant 352 : index
    %swap3A_552 = tpu.vector_load %arg14[%swap3A_551] {strides = array<i32>} : memref<2048xf32, #tpu.memory_space<vmem>>, vector<16xf32>,
    tpu.vector_store %arg14[%swap3A_551], %broadcast_in_dim3A_550 {strides = array<i32>} : memref<2048xf32, #tpu.memory_space<vmem>>, vector<16xf32>,
    %broadcast_in_dim3A_553 = vector.broadcast %squeeze3A_265 : f32 to vector<16xf32>
    %swap3A_554 = arith.constant 368 : index
    %swap3A_555 = tpu.vector_load %arg14[%swap3A_554] {strides = array<i32>} : memref<2048xf32, #tpu.memory_space<vmem>>, vector<16xf32>,
    tpu.vector_store %arg14[%swap3A_554], %broadcast_in_dim3A_553 {strides = array<i32>} : memref<2048xf32, #tpu.memory_space<vmem>>, vector<16xf32>,
    %broadcast_in_dim3A_556 = vector.broadcast %squeeze3A_267 : f32 to vector<16xf32>
    %swap3A_557 = arith.constant 384 : index
    %swap3A_558 = tpu.vector_load %arg14[%swap3A_557] {strides = array<i32>} : memref<2048xf32, #tpu.memory_space<vmem>>, vector<16xf32>,
    tpu.vector_store %arg14[%swap3A_557], %broadcast_in_dim3A_556 {strides = array<i32>} : memref<2048xf32, #tpu.memory_space<vmem>>, vector<16xf32>,
    %broadcast_in_dim3A_559 = vector.broadcast %squeeze3A_269 : f32 to vector<16xf32>
    %swap3A_560 = arith.constant 400 : index
    %swap3A_561 = tpu.vector_load %arg14[%swap3A_560] {strides = array<i32>} : memref<2048xf32, #tpu.memory_space<vmem>>, vector<16xf32>,
    tpu.vector_store %arg14[%swap3A_560], %broadcast_in_dim3A_559 {strides = array<i32>} : memref<2048xf32, #tpu.memory_space<vmem>>, vector<16xf32>,
    %broadcast_in_dim3A_562 = vector.broadcast %squeeze3A_271 : f32 to vector<16xf32>
    %swap3A_563 = arith.constant 416 : index
    %swap3A_564 = tpu.vector_load %arg14[%swap3A_563] {strides = array<i32>} : memref<2048xf32, #tpu.memory_space<vmem>>, vector<16xf32>,
    tpu.vector_store %arg14[%swap3A_563], %broadcast_in_dim3A_562 {strides = array<i32>} : memref<2048xf32, #tpu.memory_space<vmem>>, vector<16xf32>,
    %broadcast_in_dim3A_565 = vector.broadcast %squeeze3A_273 : f32 to vector<16xf32>
    %swap3A_566 = arith.constant 432 : index
    %swap3A_567 = tpu.vector_load %arg14[%swap3A_566] {strides = array<i32>} : memref<2048xf32, #tpu.memory_space<vmem>>, vector<16xf32>,
    tpu.vector_store %arg14[%swap3A_566], %broadcast_in_dim3A_565 {strides = array<i32>} : memref<2048xf32, #tpu.memory_space<vmem>>, vector<16xf32>,
    %broadcast_in_dim3A_568 = vector.broadcast %squeeze3A_275 : f32 to vector<16xf32>
    %swap3A_569 = arith.constant 448 : index
    %swap3A_570 = tpu.vector_load %arg14[%swap3A_569] {strides = array<i32>} : memref<2048xf32, #tpu.memory_space<vmem>>, vector<16xf32>,
    tpu.vector_store %arg14[%swap3A_569], %broadcast_in_dim3A_568 {strides = array<i32>} : memref<2048xf32, #tpu.memory_space<vmem>>, vector<16xf32>,
    %broadcast_in_dim3A_571 = vector.broadcast %squeeze3A_277 : f32 to vector<16xf32>
    %swap3A_572 = arith.constant 464 : index
    %swap3A_573 = tpu.vector_load %arg14[%swap3A_572] {strides = array<i32>} : memref<2048xf32, #tpu.memory_space<vmem>>, vector<16xf32>,
    tpu.vector_store %arg14[%swap3A_572], %broadcast_in_dim3A_571 {strides = array<i32>} : memref<2048xf32, #tpu.memory_space<vmem>>, vector<16xf32>,
    %broadcast_in_dim3A_574 = vector.broadcast %squeeze3A_279 : f32 to vector<16xf32>
    %swap3A_575 = arith.constant 480 : index
    %swap3A_576 = tpu.vector_load %arg14[%swap3A_575] {strides = array<i32>} : memref<2048xf32, #tpu.memory_space<vmem>>, vector<16xf32>,
    tpu.vector_store %arg14[%swap3A_575], %broadcast_in_dim3A_574 {strides = array<i32>} : memref<2048xf32, #tpu.memory_space<vmem>>, vector<16xf32>,
    %broadcast_in_dim3A_577 = vector.broadcast %squeeze3A_281 : f32 to vector<16xf32>
    %swap3A_578 = arith.constant 496 : index
    %swap3A_579 = tpu.vector_load %arg14[%swap3A_578] {strides = array<i32>} : memref<2048xf32, #tpu.memory_space<vmem>>, vector<16xf32>,
    tpu.vector_store %arg14[%swap3A_578], %broadcast_in_dim3A_577 {strides = array<i32>} : memref<2048xf32, #tpu.memory_space<vmem>>, vector<16xf32>,
    %broadcast_in_dim3A_580 = vector.broadcast %squeeze3A_285 : f32 to vector<16xf32>
    %swap3A_581 = arith.constant 512 : index
    %swap3A_582 = tpu.vector_load %arg14[%swap3A_581] {strides = array<i32>} : memref<2048xf32, #tpu.memory_space<vmem>>, vector<16xf32>,
    tpu.vector_store %arg14[%swap3A_581], %broadcast_in_dim3A_580 {strides = array<i32>} : memref<2048xf32, #tpu.memory_space<vmem>>, vector<16xf32>,
    %broadcast_in_dim3A_583 = vector.broadcast %squeeze3A_287 : f32 to vector<16xf32>
    %swap3A_584 = arith.constant 528 : index
    %swap3A_585 = tpu.vector_load %arg14[%swap3A_584] {strides = array<i32>} : memref<2048xf32, #tpu.memory_space<vmem>>, vector<16xf32>,
    tpu.vector_store %arg14[%swap3A_584], %broadcast_in_dim3A_583 {strides = array<i32>} : memref<2048xf32, #tpu.memory_space<vmem>>, vector<16xf32>,
    %broadcast_in_dim3A_586 = vector.broadcast %squeeze3A_289 : f32 to vector<16xf32>
    %swap3A_587 = arith.constant 544 : index
    %swap3A_588 = tpu.vector_load %arg14[%swap3A_587] {strides = array<i32>} : memref<2048xf32, #tpu.memory_space<vmem>>, vector<16xf32>,
    tpu.vector_store %arg14[%swap3A_587], %broadcast_in_dim3A_586 {strides = array<i32>} : memref<2048xf32, #tpu.memory_space<vmem>>, vector<16xf32>,
    %broadcast_in_dim3A_589 = vector.broadcast %squeeze3A_291 : f32 to vector<16xf32>
    %swap3A_590 = arith.constant 560 : index
    %swap3A_591 = tpu.vector_load %arg14[%swap3A_590] {strides = array<i32>} : memref<2048xf32, #tpu.memory_space<vmem>>, vector<16xf32>,
    tpu.vector_store %arg14[%swap3A_590], %broadcast_in_dim3A_589 {strides = array<i32>} : memref<2048xf32, #tpu.memory_space<vmem>>, vector<16xf32>,
    %broadcast_in_dim3A_592 = vector.broadcast %squeeze3A_293 : f32 to vector<16xf32>
    %swap3A_593 = arith.constant 576 : index
    %swap3A_594 = tpu.vector_load %arg14[%swap3A_593] {strides = array<i32>} : memref<2048xf32, #tpu.memory_space<vmem>>, vector<16xf32>,
    tpu.vector_store %arg14[%swap3A_593], %broadcast_in_dim3A_592 {strides = array<i32>} : memref<2048xf32, #tpu.memory_space<vmem>>, vector<16xf32>,
    %broadcast_in_dim3A_595 = vector.broadcast %squeeze3A_295 : f32 to vector<16xf32>
    %swap3A_596 = arith.constant 592 : index
    %swap3A_597 = tpu.vector_load %arg14[%swap3A_596] {strides = array<i32>} : memref<2048xf32, #tpu.memory_space<vmem>>, vector<16xf32>,
    tpu.vector_store %arg14[%swap3A_596], %broadcast_in_dim3A_595 {strides = array<i32>} : memref<2048xf32, #tpu.memory_space<vmem>>, vector<16xf32>,
    %broadcast_in_dim3A_598 = vector.broadcast %squeeze3A_297 : f32 to vector<16xf32>
    %swap3A_599 = arith.constant 608 : index
    %swap3A_600 = tpu.vector_load %arg14[%swap3A_599] {strides = array<i32>} : memref<2048xf32, #tpu.memory_space<vmem>>, vector<16xf32>,
    tpu.vector_store %arg14[%swap3A_599], %broadcast_in_dim3A_598 {strides = array<i32>} : memref<2048xf32, #tpu.memory_space<vmem>>, vector<16xf32>,
    %broadcast_in_dim3A_601 = vector.broadcast %squeeze3A_299 : f32 to vector<16xf32>
    %swap3A_602 = arith.constant 624 : index
    %swap3A_603 = tpu.vector_load %arg14[%swap3A_602] {strides = array<i32>} : memref<2048xf32, #tpu.memory_space<vmem>>, vector<16xf32>,
    tpu.vector_store %arg14[%swap3A_602], %broadcast_in_dim3A_601 {strides = array<i32>} : memref<2048xf32, #tpu.memory_space<vmem>>, vector<16xf32>,
    %broadcast_in_dim3A_604 = vector.broadcast %squeeze3A_301 : f32 to vector<16xf32>
    %swap3A_605 = arith.constant 640 : index
    %swap3A_606 = tpu.vector_load %arg14[%swap3A_605] {strides = array<i32>} : memref<2048xf32, #tpu.memory_space<vmem>>, vector<16xf32>,
    tpu.vector_store %arg14[%swap3A_605], %broadcast_in_dim3A_604 {strides = array<i32>} : memref<2048xf32, #tpu.memory_space<vmem>>, vector<16xf32>,
    %broadcast_in_dim3A_607 = vector.broadcast %squeeze3A_303 : f32 to vector<16xf32>
    %swap3A_608 = arith.constant 656 : index
    %swap3A_609 = tpu.vector_load %arg14[%swap3A_608] {strides = array<i32>} : memref<2048xf32, #tpu.memory_space<vmem>>, vector<16xf32>,
    tpu.vector_store %arg14[%swap3A_608], %broadcast_in_dim3A_607 {strides = array<i32>} : memref<2048xf32, #tpu.memory_space<vmem>>, vector<16xf32>,
    %broadcast_in_dim3A_610 = vector.broadcast %squeeze3A_305 : f32 to vector<16xf32>
    %swap3A_611 = arith.constant 672 : index
    %swap3A_612 = tpu.vector_load %arg14[%swap3A_611] {strides = array<i32>} : memref<2048xf32, #tpu.memory_space<vmem>>, vector<16xf32>,
    tpu.vector_store %arg14[%swap3A_611], %broadcast_in_dim3A_610 {strides = array<i32>} : memref<2048xf32, #tpu.memory_space<vmem>>, vector<16xf32>,
    %broadcast_in_dim3A_613 = vector.broadcast %squeeze3A_307 : f32 to vector<16xf32>
    %swap3A_614 = arith.constant 688 : index
    %swap3A_615 = tpu.vector_load %arg14[%swap3A_614] {strides = array<i32>} : memref<2048xf32, #tpu.memory_space<vmem>>, vector<16xf32>,
    tpu.vector_store %arg14[%swap3A_614], %broadcast_in_dim3A_613 {strides = array<i32>} : memref<2048xf32, #tpu.memory_space<vmem>>, vector<16xf32>,
    %broadcast_in_dim3A_616 = vector.broadcast %squeeze3A_309 : f32 to vector<16xf32>
    %swap3A_617 = arith.constant 704 : index
    %swap3A_618 = tpu.vector_load %arg14[%swap3A_617] {strides = array<i32>} : memref<2048xf32, #tpu.memory_space<vmem>>, vector<16xf32>,
    tpu.vector_store %arg14[%swap3A_617], %broadcast_in_dim3A_616 {strides = array<i32>} : memref<2048xf32, #tpu.memory_space<vmem>>, vector<16xf32>,
    %broadcast_in_dim3A_619 = vector.broadcast %squeeze3A_311 : f32 to vector<16xf32>
    %swap3A_620 = arith.constant 720 : index
    %swap3A_621 = tpu.vector_load %arg14[%swap3A_620] {strides = array<i32>} : memref<2048xf32, #tpu.memory_space<vmem>>, vector<16xf32>,
    tpu.vector_store %arg14[%swap3A_620], %broadcast_in_dim3A_619 {strides = array<i32>} : memref<2048xf32, #tpu.memory_space<vmem>>, vector<16xf32>,
    %broadcast_in_dim3A_622 = vector.broadcast %squeeze3A_313 : f32 to vector<16xf32>
    %swap3A_623 = arith.constant 736 : index
    %swap3A_624 = tpu.vector_load %arg14[%swap3A_623] {strides = array<i32>} : memref<2048xf32, #tpu.memory_space<vmem>>, vector<16xf32>,
    tpu.vector_store %arg14[%swap3A_623], %broadcast_in_dim3A_622 {strides = array<i32>} : memref<2048xf32, #tpu.memory_space<vmem>>, vector<16xf32>,
    %broadcast_in_dim3A_625 = vector.broadcast %squeeze3A_315 : f32 to vector<16xf32>
    %swap3A_626 = arith.constant 752 : index
    %swap3A_627 = tpu.vector_load %arg14[%swap3A_626] {strides = array<i32>} : memref<2048xf32, #tpu.memory_space<vmem>>, vector<16xf32>,
    tpu.vector_store %arg14[%swap3A_626], %broadcast_in_dim3A_625 {strides = array<i32>} : memref<2048xf32, #tpu.memory_space<vmem>>, vector<16xf32>,
    %broadcast_in_dim3A_628 = vector.broadcast %squeeze3A_319 : f32 to vector<16xf32>
    %swap3A_629 = arith.constant 768 : index
    %swap3A_630 = tpu.vector_load %arg14[%swap3A_629] {strides = array<i32>} : memref<2048xf32, #tpu.memory_space<vmem>>, vector<16xf32>,
    tpu.vector_store %arg14[%swap3A_629], %broadcast_in_dim3A_628 {strides = array<i32>} : memref<2048xf32, #tpu.memory_space<vmem>>, vector<16xf32>,
    %broadcast_in_dim3A_631 = vector.broadcast %squeeze3A_321 : f32 to vector<16xf32>
    %swap3A_632 = arith.constant 784 : index
    %swap3A_633 = tpu.vector_load %arg14[%swap3A_632] {strides = array<i32>} : memref<2048xf32, #tpu.memory_space<vmem>>, vector<16xf32>,
    tpu.vector_store %arg14[%swap3A_632], %broadcast_in_dim3A_631 {strides = array<i32>} : memref<2048xf32, #tpu.memory_space<vmem>>, vector<16xf32>,
    %broadcast_in_dim3A_634 = vector.broadcast %squeeze3A_323 : f32 to vector<16xf32>
    %swap3A_635 = arith.constant 800 : index
    %swap3A_636 = tpu.vector_load %arg14[%swap3A_635] {strides = array<i32>} : memref<2048xf32, #tpu.memory_space<vmem>>, vector<16xf32>,
    tpu.vector_store %arg14[%swap3A_635], %broadcast_in_dim3A_634 {strides = array<i32>} : memref<2048xf32, #tpu.memory_space<vmem>>, vector<16xf32>,
    %broadcast_in_dim3A_637 = vector.broadcast %squeeze3A_325 : f32 to vector<16xf32>
    %swap3A_638 = arith.constant 816 : index
    %swap3A_639 = tpu.vector_load %arg14[%swap3A_638] {strides = array<i32>} : memref<2048xf32, #tpu.memory_space<vmem>>, vector<16xf32>,
    tpu.vector_store %arg14[%swap3A_638], %broadcast_in_dim3A_637 {strides = array<i32>} : memref<2048xf32, #tpu.memory_space<vmem>>, vector<16xf32>,
    %broadcast_in_dim3A_640 = vector.broadcast %squeeze3A_327 : f32 to vector<16xf32>
    %swap3A_641 = arith.constant 832 : index
    %swap3A_642 = tpu.vector_load %arg14[%swap3A_641] {strides = array<i32>} : memref<2048xf32, #tpu.memory_space<vmem>>, vector<16xf32>,
    tpu.vector_store %arg14[%swap3A_641], %broadcast_in_dim3A_640 {strides = array<i32>} : memref<2048xf32, #tpu.memory_space<vmem>>, vector<16xf32>,
    %broadcast_in_dim3A_643 = vector.broadcast %squeeze3A_329 : f32 to vector<16xf32>
    %swap3A_644 = arith.constant 848 : index
    %swap3A_645 = tpu.vector_load %arg14[%swap3A_644] {strides = array<i32>} : memref<2048xf32, #tpu.memory_space<vmem>>, vector<16xf32>,
    tpu.vector_store %arg14[%swap3A_644], %broadcast_in_dim3A_643 {strides = array<i32>} : memref<2048xf32, #tpu.memory_space<vmem>>, vector<16xf32>,
    %broadcast_in_dim3A_646 = vector.broadcast %squeeze3A_331 : f32 to vector<16xf32>
    %swap3A_647 = arith.constant 864 : index
    %swap3A_648 = tpu.vector_load %arg14[%swap3A_647] {strides = array<i32>} : memref<2048xf32, #tpu.memory_space<vmem>>, vector<16xf32>,
    tpu.vector_store %arg14[%swap3A_647], %broadcast_in_dim3A_646 {strides = array<i32>} : memref<2048xf32, #tpu.memory_space<vmem>>, vector<16xf32>,
    %broadcast_in_dim3A_649 = vector.broadcast %squeeze3A_333 : f32 to vector<16xf32>
    %swap3A_650 = arith.constant 880 : index
    %swap3A_651 = tpu.vector_load %arg14[%swap3A_650] {strides = array<i32>} : memref<2048xf32, #tpu.memory_space<vmem>>, vector<16xf32>,
    tpu.vector_store %arg14[%swap3A_650], %broadcast_in_dim3A_649 {strides = array<i32>} : memref<2048xf32, #tpu.memory_space<vmem>>, vector<16xf32>,
    %broadcast_in_dim3A_652 = vector.broadcast %squeeze3A_335 : f32 to vector<16xf32>
    %swap3A_653 = arith.constant 896 : index
    %swap3A_654 = tpu.vector_load %arg14[%swap3A_653] {strides = array<i32>} : memref<2048xf32, #tpu.memory_space<vmem>>, vector<16xf32>,
    tpu.vector_store %arg14[%swap3A_653], %broadcast_in_dim3A_652 {strides = array<i32>} : memref<2048xf32, #tpu.memory_space<vmem>>, vector<16xf32>,
    %broadcast_in_dim3A_655 = vector.broadcast %squeeze3A_337 : f32 to vector<16xf32>
    %swap3A_656 = arith.constant 912 : index
    %swap3A_657 = tpu.vector_load %arg14[%swap3A_656] {strides = array<i32>} : memref<2048xf32, #tpu.memory_space<vmem>>, vector<16xf32>,
    tpu.vector_store %arg14[%swap3A_656], %broadcast_in_dim3A_655 {strides = array<i32>} : memref<2048xf32, #tpu.memory_space<vmem>>, vector<16xf32>,
    %broadcast_in_dim3A_658 = vector.broadcast %squeeze3A_339 : f32 to vector<16xf32>
    %swap3A_659 = arith.constant 928 : index
    %swap3A_660 = tpu.vector_load %arg14[%swap3A_659] {strides = array<i32>} : memref<2048xf32, #tpu.memory_space<vmem>>, vector<16xf32>,
    tpu.vector_store %arg14[%swap3A_659], %broadcast_in_dim3A_658 {strides = array<i32>} : memref<2048xf32, #tpu.memory_space<vmem>>, vector<16xf32>,
    %broadcast_in_dim3A_661 = vector.broadcast %squeeze3A_341 : f32 to vector<16xf32>
    %swap3A_662 = arith.constant 944 : index
    %swap3A_663 = tpu.vector_load %arg14[%swap3A_662] {strides = array<i32>} : memref<2048xf32, #tpu.memory_space<vmem>>, vector<16xf32>,
    tpu.vector_store %arg14[%swap3A_662], %broadcast_in_dim3A_661 {strides = array<i32>} : memref<2048xf32, #tpu.memory_space<vmem>>, vector<16xf32>,
    %broadcast_in_dim3A_664 = vector.broadcast %squeeze3A_343 : f32 to vector<16xf32>
    %swap3A_665 = arith.constant 960 : index
    %swap3A_666 = tpu.vector_load %arg14[%swap3A_665] {strides = array<i32>} : memref<2048xf32, #tpu.memory_space<vmem>>, vector<16xf32>,
    tpu.vector_store %arg14[%swap3A_665], %broadcast_in_dim3A_664 {strides = array<i32>} : memref<2048xf32, #tpu.memory_space<vmem>>, vector<16xf32>,
    %broadcast_in_dim3A_667 = vector.broadcast %squeeze3A_345 : f32 to vector<16xf32>
    %swap3A_668 = arith.constant 976 : index
    %swap3A_669 = tpu.vector_load %arg14[%swap3A_668] {strides = array<i32>} : memref<2048xf32, #tpu.memory_space<vmem>>, vector<16xf32>,
    tpu.vector_store %arg14[%swap3A_668], %broadcast_in_dim3A_667 {strides = array<i32>} : memref<2048xf32, #tpu.memory_space<vmem>>, vector<16xf32>,
    %broadcast_in_dim3A_670 = vector.broadcast %squeeze3A_347 : f32 to vector<16xf32>
    %swap3A_671 = arith.constant 992 : index
    %swap3A_672 = tpu.vector_load %arg14[%swap3A_671] {strides = array<i32>} : memref<2048xf32, #tpu.memory_space<vmem>>, vector<16xf32>,
    tpu.vector_store %arg14[%swap3A_671], %broadcast_in_dim3A_670 {strides = array<i32>} : memref<2048xf32, #tpu.memory_space<vmem>>, vector<16xf32>,
    %broadcast_in_dim3A_673 = vector.broadcast %squeeze3A_349 : f32 to vector<16xf32>
    %swap3A_674 = arith.constant 1008 : index
    %swap3A_675 = tpu.vector_load %arg14[%swap3A_674] {strides = array<i32>} : memref<2048xf32, #tpu.memory_space<vmem>>, vector<16xf32>,
    tpu.vector_store %arg14[%swap3A_674], %broadcast_in_dim3A_673 {strides = array<i32>} : memref<2048xf32, #tpu.memory_space<vmem>>, vector<16xf32>,
    %broadcast_in_dim3A_676 = vector.broadcast %squeeze3A_353 : f32 to vector<16xf32>
    %swap3A_677 = arith.constant 1024 : index
    %swap3A_678 = tpu.vector_load %arg14[%swap3A_677] {strides = array<i32>} : memref<2048xf32, #tpu.memory_space<vmem>>, vector<16xf32>,
    tpu.vector_store %arg14[%swap3A_677], %broadcast_in_dim3A_676 {strides = array<i32>} : memref<2048xf32, #tpu.memory_space<vmem>>, vector<16xf32>,
    %broadcast_in_dim3A_679 = vector.broadcast %squeeze3A_355 : f32 to vector<16xf32>
    %swap3A_680 = arith.constant 1040 : index
    %swap3A_681 = tpu.vector_load %arg14[%swap3A_680] {strides = array<i32>} : memref<2048xf32, #tpu.memory_space<vmem>>, vector<16xf32>,
    tpu.vector_store %arg14[%swap3A_680], %broadcast_in_dim3A_679 {strides = array<i32>} : memref<2048xf32, #tpu.memory_space<vmem>>, vector<16xf32>,
    %broadcast_in_dim3A_682 = vector.broadcast %squeeze3A_357 : f32 to vector<16xf32>
    %swap3A_683 = arith.constant 1056 : index
    %swap3A_684 = tpu.vector_load %arg14[%swap3A_683] {strides = array<i32>} : memref<2048xf32, #tpu.memory_space<vmem>>, vector<16xf32>,
    tpu.vector_store %arg14[%swap3A_683], %broadcast_in_dim3A_682 {strides = array<i32>} : memref<2048xf32, #tpu.memory_space<vmem>>, vector<16xf32>,
    %broadcast_in_dim3A_685 = vector.broadcast %squeeze3A_359 : f32 to vector<16xf32>
    %swap3A_686 = arith.constant 1072 : index
    %swap3A_687 = tpu.vector_load %arg14[%swap3A_686] {strides = array<i32>} : memref<2048xf32, #tpu.memory_space<vmem>>, vector<16xf32>,
    tpu.vector_store %arg14[%swap3A_686], %broadcast_in_dim3A_685 {strides = array<i32>} : memref<2048xf32, #tpu.memory_space<vmem>>, vector<16xf32>,
    %broadcast_in_dim3A_688 = vector.broadcast %squeeze3A_361 : f32 to vector<16xf32>
    %swap3A_689 = arith.constant 1088 : index
    %swap3A_690 = tpu.vector_load %arg14[%swap3A_689] {strides = array<i32>} : memref<2048xf32, #tpu.memory_space<vmem>>, vector<16xf32>,
    tpu.vector_store %arg14[%swap3A_689], %broadcast_in_dim3A_688 {strides = array<i32>} : memref<2048xf32, #tpu.memory_space<vmem>>, vector<16xf32>,
    %broadcast_in_dim3A_691 = vector.broadcast %squeeze3A_363 : f32 to vector<16xf32>
    %swap3A_692 = arith.constant 1104 : index
    %swap3A_693 = tpu.vector_load %arg14[%swap3A_692] {strides = array<i32>} : memref<2048xf32, #tpu.memory_space<vmem>>, vector<16xf32>,
    tpu.vector_store %arg14[%swap3A_692], %broadcast_in_dim3A_691 {strides = array<i32>} : memref<2048xf32, #tpu.memory_space<vmem>>, vector<16xf32>,
    %broadcast_in_dim3A_694 = vector.broadcast %squeeze3A_365 : f32 to vector<16xf32>
    %swap3A_695 = arith.constant 1120 : index
    %swap3A_696 = tpu.vector_load %arg14[%swap3A_695] {strides = array<i32>} : memref<2048xf32, #tpu.memory_space<vmem>>, vector<16xf32>,
    tpu.vector_store %arg14[%swap3A_695], %broadcast_in_dim3A_694 {strides = array<i32>} : memref<2048xf32, #tpu.memory_space<vmem>>, vector<16xf32>,
    %broadcast_in_dim3A_697 = vector.broadcast %squeeze3A_367 : f32 to vector<16xf32>
    %swap3A_698 = arith.constant 1136 : index
    %swap3A_699 = tpu.vector_load %arg14[%swap3A_698] {strides = array<i32>} : memref<2048xf32, #tpu.memory_space<vmem>>, vector<16xf32>,
    tpu.vector_store %arg14[%swap3A_698], %broadcast_in_dim3A_697 {strides = array<i32>} : memref<2048xf32, #tpu.memory_space<vmem>>, vector<16xf32>,
    %broadcast_in_dim3A_700 = vector.broadcast %squeeze3A_369 : f32 to vector<16xf32>
    %swap3A_701 = arith.constant 1152 : index
    %swap3A_702 = tpu.vector_load %arg14[%swap3A_701] {strides = array<i32>} : memref<2048xf32, #tpu.memory_space<vmem>>, vector<16xf32>,
    tpu.vector_store %arg14[%swap3A_701], %broadcast_in_dim3A_700 {strides = array<i32>} : memref<2048xf32, #tpu.memory_space<vmem>>, vector<16xf32>,
    %broadcast_in_dim3A_703 = vector.broadcast %squeeze3A_371 : f32 to vector<16xf32>
    %swap3A_704 = arith.constant 1168 : index
    %swap3A_705 = tpu.vector_load %arg14[%swap3A_704] {strides = array<i32>} : memref<2048xf32, #tpu.memory_space<vmem>>, vector<16xf32>,
    tpu.vector_store %arg14[%swap3A_704], %broadcast_in_dim3A_703 {strides = array<i32>} : memref<2048xf32, #tpu.memory_space<vmem>>, vector<16xf32>,
    %broadcast_in_dim3A_706 = vector.broadcast %squeeze3A_373 : f32 to vector<16xf32>
    %swap3A_707 = arith.constant 1184 : index
    %swap3A_708 = tpu.vector_load %arg14[%swap3A_707] {strides = array<i32>} : memref<2048xf32, #tpu.memory_space<vmem>>, vector<16xf32>,
    tpu.vector_store %arg14[%swap3A_707], %broadcast_in_dim3A_706 {strides = array<i32>} : memref<2048xf32, #tpu.memory_space<vmem>>, vector<16xf32>,
    %broadcast_in_dim3A_709 = vector.broadcast %squeeze3A_375 : f32 to vector<16xf32>
    %swap3A_710 = arith.constant 1200 : index
    %swap3A_711 = tpu.vector_load %arg14[%swap3A_710] {strides = array<i32>} : memref<2048xf32, #tpu.memory_space<vmem>>, vector<16xf32>,
    tpu.vector_store %arg14[%swap3A_710], %broadcast_in_dim3A_709 {strides = array<i32>} : memref<2048xf32, #tpu.memory_space<vmem>>, vector<16xf32>,
    %broadcast_in_dim3A_712 = vector.broadcast %squeeze3A_377 : f32 to vector<16xf32>
    %swap3A_713 = arith.constant 1216 : index
    %swap3A_714 = tpu.vector_load %arg14[%swap3A_713] {strides = array<i32>} : memref<2048xf32, #tpu.memory_space<vmem>>, vector<16xf32>,
    tpu.vector_store %arg14[%swap3A_713], %broadcast_in_dim3A_712 {strides = array<i32>} : memref<2048xf32, #tpu.memory_space<vmem>>, vector<16xf32>,
    %broadcast_in_dim3A_715 = vector.broadcast %squeeze3A_379 : f32 to vector<16xf32>
    %swap3A_716 = arith.constant 1232 : index
    %swap3A_717 = tpu.vector_load %arg14[%swap3A_716] {strides = array<i32>} : memref<2048xf32, #tpu.memory_space<vmem>>, vector<16xf32>,
    tpu.vector_store %arg14[%swap3A_716], %broadcast_in_dim3A_715 {strides = array<i32>} : memref<2048xf32, #tpu.memory_space<vmem>>, vector<16xf32>,
    %broadcast_in_dim3A_718 = vector.broadcast %squeeze3A_381 : f32 to vector<16xf32>
    %swap3A_719 = arith.constant 1248 : index
    %swap3A_720 = tpu.vector_load %arg14[%swap3A_719] {strides = array<i32>} : memref<2048xf32, #tpu.memory_space<vmem>>, vector<16xf32>,
    tpu.vector_store %arg14[%swap3A_719], %broadcast_in_dim3A_718 {strides = array<i32>} : memref<2048xf32, #tpu.memory_space<vmem>>, vector<16xf32>,
    %broadcast_in_dim3A_721 = vector.broadcast %squeeze3A_383 : f32 to vector<16xf32>
    %swap3A_722 = arith.constant 1264 : index
    %swap3A_723 = tpu.vector_load %arg14[%swap3A_722] {strides = array<i32>} : memref<2048xf32, #tpu.memory_space<vmem>>, vector<16xf32>,
    tpu.vector_store %arg14[%swap3A_722], %broadcast_in_dim3A_721 {strides = array<i32>} : memref<2048xf32, #tpu.memory_space<vmem>>, vector<16xf32>,
    %broadcast_in_dim3A_724 = vector.broadcast %squeeze3A_387 : f32 to vector<16xf32>
    %swap3A_725 = arith.constant 1280 : index
    %swap3A_726 = tpu.vector_load %arg14[%swap3A_725] {strides = array<i32>} : memref<2048xf32, #tpu.memory_space<vmem>>, vector<16xf32>,
    tpu.vector_store %arg14[%swap3A_725], %broadcast_in_dim3A_724 {strides = array<i32>} : memref<2048xf32, #tpu.memory_space<vmem>>, vector<16xf32>,
    %broadcast_in_dim3A_727 = vector.broadcast %squeeze3A_389 : f32 to vector<16xf32>
    %swap3A_728 = arith.constant 1296 : index
    %swap3A_729 = tpu.vector_load %arg14[%swap3A_728] {strides = array<i32>} : memref<2048xf32, #tpu.memory_space<vmem>>, vector<16xf32>,
    tpu.vector_store %arg14[%swap3A_728], %broadcast_in_dim3A_727 {strides = array<i32>} : memref<2048xf32, #tpu.memory_space<vmem>>, vector<16xf32>,
    %broadcast_in_dim3A_730 = vector.broadcast %squeeze3A_391 : f32 to vector<16xf32>
    %swap3A_731 = arith.constant 1312 : index
    %swap3A_732 = tpu.vector_load %arg14[%swap3A_731] {strides = array<i32>} : memref<2048xf32, #tpu.memory_space<vmem>>, vector<16xf32>,
    tpu.vector_store %arg14[%swap3A_731], %broadcast_in_dim3A_730 {strides = array<i32>} : memref<2048xf32, #tpu.memory_space<vmem>>, vector<16xf32>,
    %broadcast_in_dim3A_733 = vector.broadcast %squeeze3A_393 : f32 to vector<16xf32>
    %swap3A_734 = arith.constant 1328 : index
    %swap3A_735 = tpu.vector_load %arg14[%swap3A_734] {strides = array<i32>} : memref<2048xf32, #tpu.memory_space<vmem>>, vector<16xf32>,
    tpu.vector_store %arg14[%swap3A_734], %broadcast_in_dim3A_733 {strides = array<i32>} : memref<2048xf32, #tpu.memory_space<vmem>>, vector<16xf32>,
    %broadcast_in_dim3A_736 = vector.broadcast %squeeze3A_395 : f32 to vector<16xf32>
    %swap3A_737 = arith.constant 1344 : index
    %swap3A_738 = tpu.vector_load %arg14[%swap3A_737] {strides = array<i32>} : memref<2048xf32, #tpu.memory_space<vmem>>, vector<16xf32>,
    tpu.vector_store %arg14[%swap3A_737], %broadcast_in_dim3A_736 {strides = array<i32>} : memref<2048xf32, #tpu.memory_space<vmem>>, vector<16xf32>,
    %broadcast_in_dim3A_739 = vector.broadcast %squeeze3A_397 : f32 to vector<16xf32>
    %swap3A_740 = arith.constant 1360 : index
    %swap3A_741 = tpu.vector_load %arg14[%swap3A_740] {strides = array<i32>} : memref<2048xf32, #tpu.memory_space<vmem>>, vector<16xf32>,
    tpu.vector_store %arg14[%swap3A_740], %broadcast_in_dim3A_739 {strides = array<i32>} : memref<2048xf32, #tpu.memory_space<vmem>>, vector<16xf32>,
    %broadcast_in_dim3A_742 = vector.broadcast %squeeze3A_399 : f32 to vector<16xf32>
    %swap3A_743 = arith.constant 1376 : index
    %swap3A_744 = tpu.vector_load %arg14[%swap3A_743] {strides = array<i32>} : memref<2048xf32, #tpu.memory_space<vmem>>, vector<16xf32>,
    tpu.vector_store %arg14[%swap3A_743], %broadcast_in_dim3A_742 {strides = array<i32>} : memref<2048xf32, #tpu.memory_space<vmem>>, vector<16xf32>,
    %broadcast_in_dim3A_745 = vector.broadcast %squeeze3A_401 : f32 to vector<16xf32>
    %swap3A_746 = arith.constant 1392 : index
    %swap3A_747 = tpu.vector_load %arg14[%swap3A_746] {strides = array<i32>} : memref<2048xf32, #tpu.memory_space<vmem>>, vector<16xf32>,
    tpu.vector_store %arg14[%swap3A_746], %broadcast_in_dim3A_745 {strides = array<i32>} : memref<2048xf32, #tpu.memory_space<vmem>>, vector<16xf32>,
    %broadcast_in_dim3A_748 = vector.broadcast %squeeze3A_403 : f32 to vector<16xf32>
    %swap3A_749 = arith.constant 1408 : index
    %swap3A_750 = tpu.vector_load %arg14[%swap3A_749] {strides = array<i32>} : memref<2048xf32, #tpu.memory_space<vmem>>, vector<16xf32>,
    tpu.vector_store %arg14[%swap3A_749], %broadcast_in_dim3A_748 {strides = array<i32>} : memref<2048xf32, #tpu.memory_space<vmem>>, vector<16xf32>,
    %broadcast_in_dim3A_751 = vector.broadcast %squeeze3A_405 : f32 to vector<16xf32>
    %swap3A_752 = arith.constant 1424 : index
    %swap3A_753 = tpu.vector_load %arg14[%swap3A_752] {strides = array<i32>} : memref<2048xf32, #tpu.memory_space<vmem>>, vector<16xf32>,
    tpu.vector_store %arg14[%swap3A_752], %broadcast_in_dim3A_751 {strides = array<i32>} : memref<2048xf32, #tpu.memory_space<vmem>>, vector<16xf32>,
    %broadcast_in_dim3A_754 = vector.broadcast %squeeze3A_407 : f32 to vector<16xf32>
    %swap3A_755 = arith.constant 1440 : index
    %swap3A_756 = tpu.vector_load %arg14[%swap3A_755] {strides = array<i32>} : memref<2048xf32, #tpu.memory_space<vmem>>, vector<16xf32>,
    tpu.vector_store %arg14[%swap3A_755], %broadcast_in_dim3A_754 {strides = array<i32>} : memref<2048xf32, #tpu.memory_space<vmem>>, vector<16xf32>,
    %broadcast_in_dim3A_757 = vector.broadcast %squeeze3A_409 : f32 to vector<16xf32>
    %swap3A_758 = arith.constant 1456 : index
    %swap3A_759 = tpu.vector_load %arg14[%swap3A_758] {strides = array<i32>} : memref<2048xf32, #tpu.memory_space<vmem>>, vector<16xf32>,
    tpu.vector_store %arg14[%swap3A_758], %broadcast_in_dim3A_757 {strides = array<i32>} : memref<2048xf32, #tpu.memory_space<vmem>>, vector<16xf32>,
    %broadcast_in_dim3A_760 = vector.broadcast %squeeze3A_411 : f32 to vector<16xf32>
    %swap3A_761 = arith.constant 1472 : index
    %swap3A_762 = tpu.vector_load %arg14[%swap3A_761] {strides = array<i32>} : memref<2048xf32, #tpu.memory_space<vmem>>, vector<16xf32>,
    tpu.vector_store %arg14[%swap3A_761], %broadcast_in_dim3A_760 {strides = array<i32>} : memref<2048xf32, #tpu.memory_space<vmem>>, vector<16xf32>,
    %broadcast_in_dim3A_763 = vector.broadcast %squeeze3A_413 : f32 to vector<16xf32>
    %swap3A_764 = arith.constant 1488 : index
    %swap3A_765 = tpu.vector_load %arg14[%swap3A_764] {strides = array<i32>} : memref<2048xf32, #tpu.memory_space<vmem>>, vector<16xf32>,
    tpu.vector_store %arg14[%swap3A_764], %broadcast_in_dim3A_763 {strides = array<i32>} : memref<2048xf32, #tpu.memory_space<vmem>>, vector<16xf32>,
    %broadcast_in_dim3A_766 = vector.broadcast %squeeze3A_415 : f32 to vector<16xf32>
    %swap3A_767 = arith.constant 1504 : index
    %swap3A_768 = tpu.vector_load %arg14[%swap3A_767] {strides = array<i32>} : memref<2048xf32, #tpu.memory_space<vmem>>, vector<16xf32>,
    tpu.vector_store %arg14[%swap3A_767], %broadcast_in_dim3A_766 {strides = array<i32>} : memref<2048xf32, #tpu.memory_space<vmem>>, vector<16xf32>,
    %broadcast_in_dim3A_769 = vector.broadcast %squeeze3A_417 : f32 to vector<16xf32>
    %swap3A_770 = arith.constant 1520 : index
    %swap3A_771 = tpu.vector_load %arg14[%swap3A_770] {strides = array<i32>} : memref<2048xf32, #tpu.memory_space<vmem>>, vector<16xf32>,
    tpu.vector_store %arg14[%swap3A_770], %broadcast_in_dim3A_769 {strides = array<i32>} : memref<2048xf32, #tpu.memory_space<vmem>>, vector<16xf32>,
    %broadcast_in_dim3A_772 = vector.broadcast %squeeze3A_421 : f32 to vector<16xf32>
    %swap3A_773 = arith.constant 1536 : index
    %swap3A_774 = tpu.vector_load %arg14[%swap3A_773] {strides = array<i32>} : memref<2048xf32, #tpu.memory_space<vmem>>, vector<16xf32>,
    tpu.vector_store %arg14[%swap3A_773], %broadcast_in_dim3A_772 {strides = array<i32>} : memref<2048xf32, #tpu.memory_space<vmem>>, vector<16xf32>,
    %broadcast_in_dim3A_775 = vector.broadcast %squeeze3A_423 : f32 to vector<16xf32>
    %swap3A_776 = arith.constant 1552 : index
    %swap3A_777 = tpu.vector_load %arg14[%swap3A_776] {strides = array<i32>} : memref<2048xf32, #tpu.memory_space<vmem>>, vector<16xf32>,
    tpu.vector_store %arg14[%swap3A_776], %broadcast_in_dim3A_775 {strides = array<i32>} : memref<2048xf32, #tpu.memory_space<vmem>>, vector<16xf32>,
    %broadcast_in_dim3A_778 = vector.broadcast %squeeze3A_425 : f32 to vector<16xf32>
    %swap3A_779 = arith.constant 1568 : index
    %swap3A_780 = tpu.vector_load %arg14[%swap3A_779] {strides = array<i32>} : memref<2048xf32, #tpu.memory_space<vmem>>, vector<16xf32>,
    tpu.vector_store %arg14[%swap3A_779], %broadcast_in_dim3A_778 {strides = array<i32>} : memref<2048xf32, #tpu.memory_space<vmem>>, vector<16xf32>,
    %broadcast_in_dim3A_781 = vector.broadcast %squeeze3A_427 : f32 to vector<16xf32>
    %swap3A_782 = arith.constant 1584 : index
    %swap3A_783 = tpu.vector_load %arg14[%swap3A_782] {strides = array<i32>} : memref<2048xf32, #tpu.memory_space<vmem>>, vector<16xf32>,
    tpu.vector_store %arg14[%swap3A_782], %broadcast_in_dim3A_781 {strides = array<i32>} : memref<2048xf32, #tpu.memory_space<vmem>>, vector<16xf32>,
    %broadcast_in_dim3A_784 = vector.broadcast %squeeze3A_429 : f32 to vector<16xf32>
    %swap3A_785 = arith.constant 1600 : index
    %swap3A_786 = tpu.vector_load %arg14[%swap3A_785] {strides = array<i32>} : memref<2048xf32, #tpu.memory_space<vmem>>, vector<16xf32>,
    tpu.vector_store %arg14[%swap3A_785], %broadcast_in_dim3A_784 {strides = array<i32>} : memref<2048xf32, #tpu.memory_space<vmem>>, vector<16xf32>,
    %broadcast_in_dim3A_787 = vector.broadcast %squeeze3A_431 : f32 to vector<16xf32>
    %swap3A_788 = arith.constant 1616 : index
    %swap3A_789 = tpu.vector_load %arg14[%swap3A_788] {strides = array<i32>} : memref<2048xf32, #tpu.memory_space<vmem>>, vector<16xf32>,
    tpu.vector_store %arg14[%swap3A_788], %broadcast_in_dim3A_787 {strides = array<i32>} : memref<2048xf32, #tpu.memory_space<vmem>>, vector<16xf32>,
    %broadcast_in_dim3A_790 = vector.broadcast %squeeze3A_433 : f32 to vector<16xf32>
    %swap3A_791 = arith.constant 1632 : index
    %swap3A_792 = tpu.vector_load %arg14[%swap3A_791] {strides = array<i32>} : memref<2048xf32, #tpu.memory_space<vmem>>, vector<16xf32>,
    tpu.vector_store %arg14[%swap3A_791], %broadcast_in_dim3A_790 {strides = array<i32>} : memref<2048xf32, #tpu.memory_space<vmem>>, vector<16xf32>,
    %broadcast_in_dim3A_793 = vector.broadcast %squeeze3A_435 : f32 to vector<16xf32>
    %swap3A_794 = arith.constant 1648 : index
    %swap3A_795 = tpu.vector_load %arg14[%swap3A_794] {strides = array<i32>} : memref<2048xf32, #tpu.memory_space<vmem>>, vector<16xf32>,
    tpu.vector_store %arg14[%swap3A_794], %broadcast_in_dim3A_793 {strides = array<i32>} : memref<2048xf32, #tpu.memory_space<vmem>>, vector<16xf32>,
    %broadcast_in_dim3A_796 = vector.broadcast %squeeze3A_437 : f32 to vector<16xf32>
    %swap3A_797 = arith.constant 1664 : index
    %swap3A_798 = tpu.vector_load %arg14[%swap3A_797] {strides = array<i32>} : memref<2048xf32, #tpu.memory_space<vmem>>, vector<16xf32>,
    tpu.vector_store %arg14[%swap3A_797], %broadcast_in_dim3A_796 {strides = array<i32>} : memref<2048xf32, #tpu.memory_space<vmem>>, vector<16xf32>,
    %broadcast_in_dim3A_799 = vector.broadcast %squeeze3A_439 : f32 to vector<16xf32>
    %swap3A_800 = arith.constant 1680 : index
    %swap3A_801 = tpu.vector_load %arg14[%swap3A_800] {strides = array<i32>} : memref<2048xf32, #tpu.memory_space<vmem>>, vector<16xf32>,
    tpu.vector_store %arg14[%swap3A_800], %broadcast_in_dim3A_799 {strides = array<i32>} : memref<2048xf32, #tpu.memory_space<vmem>>, vector<16xf32>,
    %broadcast_in_dim3A_802 = vector.broadcast %squeeze3A_441 : f32 to vector<16xf32>
    %swap3A_803 = arith.constant 1696 : index
    %swap3A_804 = tpu.vector_load %arg14[%swap3A_803] {strides = array<i32>} : memref<2048xf32, #tpu.memory_space<vmem>>, vector<16xf32>,
    tpu.vector_store %arg14[%swap3A_803], %broadcast_in_dim3A_802 {strides = array<i32>} : memref<2048xf32, #tpu.memory_space<vmem>>, vector<16xf32>,
    %broadcast_in_dim3A_805 = vector.broadcast %squeeze3A_443 : f32 to vector<16xf32>
    %swap3A_806 = arith.constant 1712 : index
    %swap3A_807 = tpu.vector_load %arg14[%swap3A_806] {strides = array<i32>} : memref<2048xf32, #tpu.memory_space<vmem>>, vector<16xf32>,
    tpu.vector_store %arg14[%swap3A_806], %broadcast_in_dim3A_805 {strides = array<i32>} : memref<2048xf32, #tpu.memory_space<vmem>>, vector<16xf32>,
    %broadcast_in_dim3A_808 = vector.broadcast %squeeze3A_445 : f32 to vector<16xf32>
    %swap3A_809 = arith.constant 1728 : index
    %swap3A_810 = tpu.vector_load %arg14[%swap3A_809] {strides = array<i32>} : memref<2048xf32, #tpu.memory_space<vmem>>, vector<16xf32>,
    tpu.vector_store %arg14[%swap3A_809], %broadcast_in_dim3A_808 {strides = array<i32>} : memref<2048xf32, #tpu.memory_space<vmem>>, vector<16xf32>,
    %broadcast_in_dim3A_811 = vector.broadcast %squeeze3A_447 : f32 to vector<16xf32>
    %swap3A_812 = arith.constant 1744 : index
    %swap3A_813 = tpu.vector_load %arg14[%swap3A_812] {strides = array<i32>} : memref<2048xf32, #tpu.memory_space<vmem>>, vector<16xf32>,
    tpu.vector_store %arg14[%swap3A_812], %broadcast_in_dim3A_811 {strides = array<i32>} : memref<2048xf32, #tpu.memory_space<vmem>>, vector<16xf32>,
    %broadcast_in_dim3A_814 = vector.broadcast %squeeze3A_449 : f32 to vector<16xf32>
    %swap3A_815 = arith.constant 1760 : index
    %swap3A_816 = tpu.vector_load %arg14[%swap3A_815] {strides = array<i32>} : memref<2048xf32, #tpu.memory_space<vmem>>, vector<16xf32>,
    tpu.vector_store %arg14[%swap3A_815], %broadcast_in_dim3A_814 {strides = array<i32>} : memref<2048xf32, #tpu.memory_space<vmem>>, vector<16xf32>,
    %broadcast_in_dim3A_817 = vector.broadcast %squeeze3A_451 : f32 to vector<16xf32>
    %swap3A_818 = arith.constant 1776 : index
    %swap3A_819 = tpu.vector_load %arg14[%swap3A_818] {strides = array<i32>} : memref<2048xf32, #tpu.memory_space<vmem>>, vector<16xf32>,
    tpu.vector_store %arg14[%swap3A_818], %broadcast_in_dim3A_817 {strides = array<i32>} : memref<2048xf32, #tpu.memory_space<vmem>>, vector<16xf32>,
    %broadcast_in_dim3A_820 = vector.broadcast %squeeze3A_455 : f32 to vector<16xf32>
    %swap3A_821 = arith.constant 1792 : index
    %swap3A_822 = tpu.vector_load %arg14[%swap3A_821] {strides = array<i32>} : memref<2048xf32, #tpu.memory_space<vmem>>, vector<16xf32>,
    tpu.vector_store %arg14[%swap3A_821], %broadcast_in_dim3A_820 {strides = array<i32>} : memref<2048xf32, #tpu.memory_space<vmem>>, vector<16xf32>,
    %broadcast_in_dim3A_823 = vector.broadcast %squeeze3A_457 : f32 to vector<16xf32>
    %swap3A_824 = arith.constant 1808 : index
    %swap3A_825 = tpu.vector_load %arg14[%swap3A_824] {strides = array<i32>} : memref<2048xf32, #tpu.memory_space<vmem>>, vector<16xf32>,
    tpu.vector_store %arg14[%swap3A_824], %broadcast_in_dim3A_823 {strides = array<i32>} : memref<2048xf32, #tpu.memory_space<vmem>>, vector<16xf32>,
    %broadcast_in_dim3A_826 = vector.broadcast %squeeze3A_459 : f32 to vector<16xf32>
    %swap3A_827 = arith.constant 1824 : index
    %swap3A_828 = tpu.vector_load %arg14[%swap3A_827] {strides = array<i32>} : memref<2048xf32, #tpu.memory_space<vmem>>, vector<16xf32>,
    tpu.vector_store %arg14[%swap3A_827], %broadcast_in_dim3A_826 {strides = array<i32>} : memref<2048xf32, #tpu.memory_space<vmem>>, vector<16xf32>,
    %broadcast_in_dim3A_829 = vector.broadcast %squeeze3A_461 : f32 to vector<16xf32>
    %swap3A_830 = arith.constant 1840 : index
    %swap3A_831 = tpu.vector_load %arg14[%swap3A_830] {strides = array<i32>} : memref<2048xf32, #tpu.memory_space<vmem>>, vector<16xf32>,
    tpu.vector_store %arg14[%swap3A_830], %broadcast_in_dim3A_829 {strides = array<i32>} : memref<2048xf32, #tpu.memory_space<vmem>>, vector<16xf32>,
    %broadcast_in_dim3A_832 = vector.broadcast %squeeze3A_463 : f32 to vector<16xf32>
    %swap3A_833 = arith.constant 1856 : index
    %swap3A_834 = tpu.vector_load %arg14[%swap3A_833] {strides = array<i32>} : memref<2048xf32, #tpu.memory_space<vmem>>, vector<16xf32>,
    tpu.vector_store %arg14[%swap3A_833], %broadcast_in_dim3A_832 {strides = array<i32>} : memref<2048xf32, #tpu.memory_space<vmem>>, vector<16xf32>,
    %broadcast_in_dim3A_835 = vector.broadcast %squeeze3A_465 : f32 to vector<16xf32>
    %swap3A_836 = arith.constant 1872 : index
    %swap3A_837 = tpu.vector_load %arg14[%swap3A_836] {strides = array<i32>} : memref<2048xf32, #tpu.memory_space<vmem>>, vector<16xf32>,
    tpu.vector_store %arg14[%swap3A_836], %broadcast_in_dim3A_835 {strides = array<i32>} : memref<2048xf32, #tpu.memory_space<vmem>>, vector<16xf32>,
    %broadcast_in_dim3A_838 = vector.broadcast %squeeze3A_467 : f32 to vector<16xf32>
    %swap3A_839 = arith.constant 1888 : index
    %swap3A_840 = tpu.vector_load %arg14[%swap3A_839] {strides = array<i32>} : memref<2048xf32, #tpu.memory_space<vmem>>, vector<16xf32>,
    tpu.vector_store %arg14[%swap3A_839], %broadcast_in_dim3A_838 {strides = array<i32>} : memref<2048xf32, #tpu.memory_space<vmem>>, vector<16xf32>,
    %broadcast_in_dim3A_841 = vector.broadcast %squeeze3A_469 : f32 to vector<16xf32>
    %swap3A_842 = arith.constant 1904 : index
    %swap3A_843 = tpu.vector_load %arg14[%swap3A_842] {strides = array<i32>} : memref<2048xf32, #tpu.memory_space<vmem>>, vector<16xf32>,
    tpu.vector_store %arg14[%swap3A_842], %broadcast_in_dim3A_841 {strides = array<i32>} : memref<2048xf32, #tpu.memory_space<vmem>>, vector<16xf32>,
    %broadcast_in_dim3A_844 = vector.broadcast %squeeze3A_471 : f32 to vector<16xf32>
    %swap3A_845 = arith.constant 1920 : index
    %swap3A_846 = tpu.vector_load %arg14[%swap3A_845] {strides = array<i32>} : memref<2048xf32, #tpu.memory_space<vmem>>, vector<16xf32>,
    tpu.vector_store %arg14[%swap3A_845], %broadcast_in_dim3A_844 {strides = array<i32>} : memref<2048xf32, #tpu.memory_space<vmem>>, vector<16xf32>,
    %broadcast_in_dim3A_847 = vector.broadcast %squeeze3A_473 : f32 to vector<16xf32>
    %swap3A_848 = arith.constant 1936 : index
    %swap3A_849 = tpu.vector_load %arg14[%swap3A_848] {strides = array<i32>} : memref<2048xf32, #tpu.memory_space<vmem>>, vector<16xf32>,
    tpu.vector_store %arg14[%swap3A_848], %broadcast_in_dim3A_847 {strides = array<i32>} : memref<2048xf32, #tpu.memory_space<vmem>>, vector<16xf32>,
    %broadcast_in_dim3A_850 = vector.broadcast %squeeze3A_475 : f32 to vector<16xf32>
    %swap3A_851 = arith.constant 1952 : index
    %swap3A_852 = tpu.vector_load %arg14[%swap3A_851] {strides = array<i32>} : memref<2048xf32, #tpu.memory_space<vmem>>, vector<16xf32>,
    tpu.vector_store %arg14[%swap3A_851], %broadcast_in_dim3A_850 {strides = array<i32>} : memref<2048xf32, #tpu.memory_space<vmem>>, vector<16xf32>,
    %broadcast_in_dim3A_853 = vector.broadcast %squeeze3A_477 : f32 to vector<16xf32>
    %swap3A_854 = arith.constant 1968 : index
    %swap3A_855 = tpu.vector_load %arg14[%swap3A_854] {strides = array<i32>} : memref<2048xf32, #tpu.memory_space<vmem>>, vector<16xf32>,
    tpu.vector_store %arg14[%swap3A_854], %broadcast_in_dim3A_853 {strides = array<i32>} : memref<2048xf32, #tpu.memory_space<vmem>>, vector<16xf32>,
    %broadcast_in_dim3A_856 = vector.broadcast %squeeze3A_479 : f32 to vector<16xf32>
    %swap3A_857 = arith.constant 1984 : index
    %swap3A_858 = tpu.vector_load %arg14[%swap3A_857] {strides = array<i32>} : memref<2048xf32, #tpu.memory_space<vmem>>, vector<16xf32>,
    tpu.vector_store %arg14[%swap3A_857], %broadcast_in_dim3A_856 {strides = array<i32>} : memref<2048xf32, #tpu.memory_space<vmem>>, vector<16xf32>,
    %broadcast_in_dim3A_859 = vector.broadcast %squeeze3A_481 : f32 to vector<16xf32>
    %swap3A_860 = arith.constant 2000 : index
    %swap3A_861 = tpu.vector_load %arg14[%swap3A_860] {strides = array<i32>} : memref<2048xf32, #tpu.memory_space<vmem>>, vector<16xf32>,
    tpu.vector_store %arg14[%swap3A_860], %broadcast_in_dim3A_859 {strides = array<i32>} : memref<2048xf32, #tpu.memory_space<vmem>>, vector<16xf32>,
    %broadcast_in_dim3A_862 = vector.broadcast %squeeze3A_483 : f32 to vector<16xf32>
    %swap3A_863 = arith.constant 2016 : index
    %swap3A_864 = tpu.vector_load %arg14[%swap3A_863] {strides = array<i32>} : memref<2048xf32, #tpu.memory_space<vmem>>, vector<16xf32>,
    tpu.vector_store %arg14[%swap3A_863], %broadcast_in_dim3A_862 {strides = array<i32>} : memref<2048xf32, #tpu.memory_space<vmem>>, vector<16xf32>,
    %broadcast_in_dim3A_865 = vector.broadcast %squeeze3A_485 : f32 to vector<16xf32>
    %swap3A_866 = arith.constant 2032 : index
    %swap3A_867 = tpu.vector_load %arg14[%swap3A_866] {strides = array<i32>} : memref<2048xf32, #tpu.memory_space<vmem>>, vector<16xf32>,
    tpu.vector_store %arg14[%swap3A_866], %broadcast_in_dim3A_865 {strides = array<i32>} : memref<2048xf32, #tpu.memory_space<vmem>>, vector<16xf32>,
    %get3A_868 = arith.constant 208 : index
    %get3A_869 = tpu.vector_load %arg13[%get3A_868] {strides = array<i32>} : memref<336xf32, #tpu.memory_space<vmem>>, vector<16xf32>,
    %mul3A_870 = arith.mulf %get3A_869, %get3A_213 : vector<16xf32>
    %reduce_sum3A = arith.constant true
    %reduce_sum3A_871 = vector.broadcast %reduce_sum3A : i1 to vector<16xi1>
    %reduce_sum3A_872 = tpu.scan <sum>, %mul3A_870 masked %reduce_sum3A_871 : vector<16xf32>, vector<16xi1> -> vector<16xf32>
    %reduce_sum3A_873 = vector.extract %reduce_sum3A_872[15] : f32 from vector<16xf32>
    %broadcast_in_dim3A_874 = vector.broadcast %reduce_sum3A_873 : f32 to vector<16xf32>
    %mul3A_875 = arith.mulf %get3A_869, %get3A_215 : vector<16xf32>
    %reduce_sum3A_876 = arith.constant true
    %reduce_sum3A_877 = vector.broadcast %reduce_sum3A_876 : i1 to vector<16xi1>
    %reduce_sum3A_878 = tpu.scan <sum>, %mul3A_875 masked %reduce_sum3A_877 : vector<16xf32>, vector<16xi1> -> vector<16xf32>
    %reduce_sum3A_879 = vector.extract %reduce_sum3A_878[15] : f32 from vector<16xf32>
    %broadcast_in_dim3A_880 = vector.broadcast %reduce_sum3A_879 : f32 to vector<16xf32>
    %get3A_881 = arith.constant 224 : index
    %get3A_882 = tpu.vector_load %arg13[%get3A_881] {strides = array<i32>} : memref<336xf32, #tpu.memory_space<vmem>>, vector<16xf32>,
    %mul3A_883 = arith.mulf %get3A_882, %get3A_213 : vector<16xf32>
    %reduce_sum3A_884 = arith.constant true
    %reduce_sum3A_885 = vector.broadcast %reduce_sum3A_884 : i1 to vector<16xi1>
    %reduce_sum3A_886 = tpu.scan <sum>, %mul3A_883 masked %reduce_sum3A_885 : vector<16xf32>, vector<16xi1> -> vector<16xf32>
    %reduce_sum3A_887 = vector.extract %reduce_sum3A_886[15] : f32 from vector<16xf32>
    %broadcast_in_dim3A_888 = vector.broadcast %reduce_sum3A_887 : f32 to vector<16xf32>
    %mul3A_889 = arith.mulf %get3A_882, %get3A_215 : vector<16xf32>
    %reduce_sum3A_890 = arith.constant true
    %reduce_sum3A_891 = vector.broadcast %reduce_sum3A_890 : i1 to vector<16xi1>
    %reduce_sum3A_892 = tpu.scan <sum>, %mul3A_889 masked %reduce_sum3A_891 : vector<16xf32>, vector<16xi1> -> vector<16xf32>
    %reduce_sum3A_893 = vector.extract %reduce_sum3A_892[15] : f32 from vector<16xf32>
    %broadcast_in_dim3A_894 = vector.broadcast %reduce_sum3A_893 : f32 to vector<16xf32>
    %get3A_895 = arith.constant 240 : index
    %get3A_896 = tpu.vector_load %arg13[%get3A_895] {strides = array<i32>} : memref<336xf32, #tpu.memory_space<vmem>>, vector<16xf32>,
    %mul3A_897 = arith.mulf %get3A_896, %get3A_213 : vector<16xf32>
    %reduce_sum3A_898 = arith.constant true
    %reduce_sum3A_899 = vector.broadcast %reduce_sum3A_898 : i1 to vector<16xi1>
    %reduce_sum3A_900 = tpu.scan <sum>, %mul3A_897 masked %reduce_sum3A_899 : vector<16xf32>, vector<16xi1> -> vector<16xf32>
    %reduce_sum3A_901 = vector.extract %reduce_sum3A_900[15] : f32 from vector<16xf32>
    %broadcast_in_dim3A_902 = vector.broadcast %reduce_sum3A_901 : f32 to vector<16xf32>
    %mul3A_903 = arith.mulf %get3A_896, %get3A_215 : vector<16xf32>
    %reduce_sum3A_904 = arith.constant true
    %reduce_sum3A_905 = vector.broadcast %reduce_sum3A_904 : i1 to vector<16xi1>
    %reduce_sum3A_906 = tpu.scan <sum>, %mul3A_903 masked %reduce_sum3A_905 : vector<16xf32>, vector<16xi1> -> vector<16xf32>
    %reduce_sum3A_907 = vector.extract %reduce_sum3A_906[15] : f32 from vector<16xf32>
    %broadcast_in_dim3A_908 = vector.broadcast %reduce_sum3A_907 : f32 to vector<16xf32>
    %get3A_909 = arith.constant 256 : index
    %get3A_910 = tpu.vector_load %arg13[%get3A_909] {strides = array<i32>} : memref<336xf32, #tpu.memory_space<vmem>>, vector<16xf32>,
    %mul3A_911 = arith.mulf %get3A_910, %get3A_213 : vector<16xf32>
    %reduce_sum3A_912 = arith.constant true
    %reduce_sum3A_913 = vector.broadcast %reduce_sum3A_912 : i1 to vector<16xi1>
    %reduce_sum3A_914 = tpu.scan <sum>, %mul3A_911 masked %reduce_sum3A_913 : vector<16xf32>, vector<16xi1> -> vector<16xf32>
    %reduce_sum3A_915 = vector.extract %reduce_sum3A_914[15] : f32 from vector<16xf32>
    %broadcast_in_dim3A_916 = vector.broadcast %reduce_sum3A_915 : f32 to vector<16xf32>
    %mul3A_917 = arith.mulf %get3A_910, %get3A_215 : vector<16xf32>
    %reduce_sum3A_918 = arith.constant true
    %reduce_sum3A_919 = vector.broadcast %reduce_sum3A_918 : i1 to vector<16xi1>
    %reduce_sum3A_920 = tpu.scan <sum>, %mul3A_917 masked %reduce_sum3A_919 : vector<16xf32>, vector<16xi1> -> vector<16xf32>
    %reduce_sum3A_921 = vector.extract %reduce_sum3A_920[15] : f32 from vector<16xf32>
    %broadcast_in_dim3A_922 = vector.broadcast %reduce_sum3A_921 : f32 to vector<16xf32>
    %get3A_923 = arith.constant 272 : index
    %get3A_924 = tpu.vector_load %arg13[%get3A_923] {strides = array<i32>} : memref<336xf32, #tpu.memory_space<vmem>>, vector<16xf32>,
    %mul3A_925 = arith.mulf %get3A_924, %get3A_213 : vector<16xf32>
    %reduce_sum3A_926 = arith.constant true
    %reduce_sum3A_927 = vector.broadcast %reduce_sum3A_926 : i1 to vector<16xi1>
    %reduce_sum3A_928 = tpu.scan <sum>, %mul3A_925 masked %reduce_sum3A_927 : vector<16xf32>, vector<16xi1> -> vector<16xf32>
    %reduce_sum3A_929 = vector.extract %reduce_sum3A_928[15] : f32 from vector<16xf32>
    %broadcast_in_dim3A_930 = vector.broadcast %reduce_sum3A_929 : f32 to vector<16xf32>
    %mul3A_931 = arith.mulf %get3A_924, %get3A_215 : vector<16xf32>
    %reduce_sum3A_932 = arith.constant true
    %reduce_sum3A_933 = vector.broadcast %reduce_sum3A_932 : i1 to vector<16xi1>
    %reduce_sum3A_934 = tpu.scan <sum>, %mul3A_931 masked %reduce_sum3A_933 : vector<16xf32>, vector<16xi1> -> vector<16xf32>
    %reduce_sum3A_935 = vector.extract %reduce_sum3A_934[15] : f32 from vector<16xf32>
    %broadcast_in_dim3A_936 = vector.broadcast %reduce_sum3A_935 : f32 to vector<16xf32>
    %get3A_937 = arith.constant 288 : index
    %get3A_938 = tpu.vector_load %arg13[%get3A_937] {strides = array<i32>} : memref<336xf32, #tpu.memory_space<vmem>>, vector<16xf32>,
    %mul3A_939 = arith.mulf %get3A_938, %get3A_213 : vector<16xf32>
    %reduce_sum3A_940 = arith.constant true
    %reduce_sum3A_941 = vector.broadcast %reduce_sum3A_940 : i1 to vector<16xi1>
    %reduce_sum3A_942 = tpu.scan <sum>, %mul3A_939 masked %reduce_sum3A_941 : vector<16xf32>, vector<16xi1> -> vector<16xf32>
    %reduce_sum3A_943 = vector.extract %reduce_sum3A_942[15] : f32 from vector<16xf32>
    %broadcast_in_dim3A_944 = vector.broadcast %reduce_sum3A_943 : f32 to vector<16xf32>
    %mul3A_945 = arith.mulf %get3A_938, %get3A_215 : vector<16xf32>
    %reduce_sum3A_946 = arith.constant true
    %reduce_sum3A_947 = vector.broadcast %reduce_sum3A_946 : i1 to vector<16xi1>
    %reduce_sum3A_948 = tpu.scan <sum>, %mul3A_945 masked %reduce_sum3A_947 : vector<16xf32>, vector<16xi1> -> vector<16xf32>
    %reduce_sum3A_949 = vector.extract %reduce_sum3A_948[15] : f32 from vector<16xf32>
    %broadcast_in_dim3A_950 = vector.broadcast %reduce_sum3A_949 : f32 to vector<16xf32>
    %get3A_951 = arith.constant 304 : index
    %get3A_952 = tpu.vector_load %arg13[%get3A_951] {strides = array<i32>} : memref<336xf32, #tpu.memory_space<vmem>>, vector<16xf32>,
    %mul3A_953 = arith.mulf %get3A_952, %get3A_213 : vector<16xf32>
    %reduce_sum3A_954 = arith.constant true
    %reduce_sum3A_955 = vector.broadcast %reduce_sum3A_954 : i1 to vector<16xi1>
    %reduce_sum3A_956 = tpu.scan <sum>, %mul3A_953 masked %reduce_sum3A_955 : vector<16xf32>, vector<16xi1> -> vector<16xf32>
    %reduce_sum3A_957 = vector.extract %reduce_sum3A_956[15] : f32 from vector<16xf32>
    %broadcast_in_dim3A_958 = vector.broadcast %reduce_sum3A_957 : f32 to vector<16xf32>
    %mul3A_959 = arith.mulf %get3A_952, %get3A_215 : vector<16xf32>
    %reduce_sum3A_960 = arith.constant true
    %reduce_sum3A_961 = vector.broadcast %reduce_sum3A_960 : i1 to vector<16xi1>
    %reduce_sum3A_962 = tpu.scan <sum>, %mul3A_959 masked %reduce_sum3A_961 : vector<16xf32>, vector<16xi1> -> vector<16xf32>
    %reduce_sum3A_963 = vector.extract %reduce_sum3A_962[15] : f32 from vector<16xf32>
    %broadcast_in_dim3A_964 = vector.broadcast %reduce_sum3A_963 : f32 to vector<16xf32>
    %get3A_965 = arith.constant 320 : index
    %get3A_966 = tpu.vector_load %arg13[%get3A_965] {strides = array<i32>} : memref<336xf32, #tpu.memory_space<vmem>>, vector<16xf32>,
    %mul3A_967 = arith.mulf %get3A_966, %get3A_213 : vector<16xf32>
    %reduce_sum3A_968 = arith.constant true
    %reduce_sum3A_969 = vector.broadcast %reduce_sum3A_968 : i1 to vector<16xi1>
    %reduce_sum3A_970 = tpu.scan <sum>, %mul3A_967 masked %reduce_sum3A_969 : vector<16xf32>, vector<16xi1> -> vector<16xf32>
    %reduce_sum3A_971 = vector.extract %reduce_sum3A_970[15] : f32 from vector<16xf32>
    %broadcast_in_dim3A_972 = vector.broadcast %reduce_sum3A_971 : f32 to vector<16xf32>
    %mul3A_973 = arith.mulf %get3A_966, %get3A_215 : vector<16xf32>
    %reduce_sum3A_974 = arith.constant true
    %reduce_sum3A_975 = vector.broadcast %reduce_sum3A_974 : i1 to vector<16xi1>
    %reduce_sum3A_976 = tpu.scan <sum>, %mul3A_973 masked %reduce_sum3A_975 : vector<16xf32>, vector<16xi1> -> vector<16xf32>
    %reduce_sum3A_977 = vector.extract %reduce_sum3A_976[15] : f32 from vector<16xf32>
    %broadcast_in_dim3A_978 = vector.broadcast %reduce_sum3A_977 : f32 to vector<16xf32>
    %scan3A = arith.constant 0 : i32
    %scan3A_979 = arith.constant 0 : i32
    %scan3A_980 = arith.constant 8 : i32
    %scan3A_981 = arith.addi %scan3A_979, %scan3A_980 : i32
    %scan3A_982 = arith.constant 1 : i32
    scf.for %scan3A_1328 = %scan3A_979 to %scan3A_981 step %scan3A_982  : i32 {
      %scan3A_1329 = arith.constant 0 : i32
      %scan3A_1330 = arith.constant 0 : i32
      %scan3A_1331 = arith.constant 2 : i32
      %scan3A_1332 = arith.addi %scan3A_1330, %scan3A_1331 : i32
      %scan3A_1333 = arith.constant 1 : i32
      scf.for %scan3A_1376 = %scan3A_1330 to %scan3A_1332 step %scan3A_1333  : i32 {
        %mul3A_1377 = arith.constant 1024 : i32
        %mul3A_1378 = arith.muli %scan3A_1328, %mul3A_1377 : i32
        %mul3A_1379 = arith.constant 4 : i32
        %mul3A_1380 = arith.muli %mul3A_1379, %scan3A_1376 : i32
        %add3A_1381 = arith.constant 0 : i32
        %add3A_1382 = arith.addi %mul3A_1380, %add3A_1381 : i32
        %mul3A_1383 = arith.constant 16 : i32
        %mul3A_1384 = arith.muli %add3A_1382, %mul3A_1383 : i32
        %add3A_1385 = arith.addi %mul3A_1378, %mul3A_1384 : i32
        %mul3A_1386 = arith.constant 1024 : i32
        %mul3A_1387 = arith.muli %scan3A_1328, %mul3A_1386 : i32
        %mul3A_1388 = arith.constant 4 : i32
        %mul3A_1389 = arith.muli %mul3A_1388, %scan3A_1376 : i32
        %add3A_1390 = arith.constant 1 : i32
        %add3A_1391 = arith.addi %mul3A_1389, %add3A_1390 : i32
        %mul3A_1392 = arith.constant 16 : i32
        %mul3A_1393 = arith.muli %add3A_1391, %mul3A_1392 : i32
        %add3A_1394 = arith.addi %mul3A_1387, %mul3A_1393 : i32
        %mul3A_1395 = arith.constant 1024 : i32
        %mul3A_1396 = arith.muli %scan3A_1328, %mul3A_1395 : i32
        %mul3A_1397 = arith.constant 4 : i32
        %mul3A_1398 = arith.muli %mul3A_1397, %scan3A_1376 : i32
        %add3A_1399 = arith.constant 2 : i32
        %add3A_1400 = arith.addi %mul3A_1398, %add3A_1399 : i32
        %mul3A_1401 = arith.constant 16 : i32
        %mul3A_1402 = arith.muli %add3A_1400, %mul3A_1401 : i32
        %add3A_1403 = arith.addi %mul3A_1396, %mul3A_1402 : i32
        %mul3A_1404 = arith.constant 1024 : i32
        %mul3A_1405 = arith.muli %scan3A_1328, %mul3A_1404 : i32
        %mul3A_1406 = arith.constant 4 : i32
        %mul3A_1407 = arith.muli %mul3A_1406, %scan3A_1376 : i32
        %add3A_1408 = arith.constant 3 : i32
        %add3A_1409 = arith.addi %mul3A_1407, %add3A_1408 : i32
        %mul3A_1410 = arith.constant 16 : i32
        %mul3A_1411 = arith.muli %add3A_1409, %mul3A_1410 : i32
        %add3A_1412 = arith.addi %mul3A_1405, %mul3A_1411 : i32
        %mul3A_1413 = arith.constant 128 : i32
        %mul3A_1414 = arith.muli %scan3A_1328, %mul3A_1413 : i32
        %mul3A_1415 = arith.constant 4 : i32
        %mul3A_1416 = arith.muli %mul3A_1415, %scan3A_1376 : i32
        %add3A_1417 = arith.constant 0 : i32
        %add3A_1418 = arith.addi %mul3A_1416, %add3A_1417 : i32
        %mul3A_1419 = arith.constant 16 : i32
        %mul3A_1420 = arith.muli %add3A_1418, %mul3A_1419 : i32
        %add3A_1421 = arith.addi %mul3A_1414, %mul3A_1420 : i32
        %get3A_1422 = arith.index_cast %add3A_1421 : i32 to index
        %get3A_1423 = tpu.vector_load %arg12[%get3A_1422] {strides = array<i32>} : memref<1024xi32, #tpu.memory_space<vmem>>, vector<16xi32>,
        %convert_element_type3A = arith.sitofp %get3A_1423 : vector<16xi32> to vector<16xf32>
        %lt3A_1424 = arith.cmpf olt, %convert_element_type3A, %get3A_207 : vector<16xf32>
        %add3A_1425 = arith.constant 0 : i32
        %add3A_1426 = arith.addi %add3A_1385, %add3A_1425 : i32
        %get3A_1427 = arith.index_cast %add3A_1426 : i32 to index
        %get3A_1428 = tpu.vector_load %arg10[%get3A_1427] {strides = array<i32>} : memref<8192xf32, #tpu.memory_space<vmem>>, vector<16xf32>,
        %mul3A_1429 = arith.constant 6.553700e+04 : f32
        %mul3A_1430 = vector.broadcast %mul3A_1429 : f32 to vector<16xf32>
        %mul3A_1431 = arith.mulf %get3A_1428, %mul3A_1430 : vector<16xf32>
        %sub3A_1432 = arith.subf %mul3A_1431, %get3A_1428 : vector<16xf32>
        %sub3A_1433 = arith.subf %mul3A_1431, %sub3A_1432 : vector<16xf32>
        %add3A_1434 = arith.constant 128 : i32
        %add3A_1435 = arith.addi %add3A_1385, %add3A_1434 : i32
        %get3A_1436 = arith.index_cast %add3A_1435 : i32 to index
        %get3A_1437 = tpu.vector_load %arg10[%get3A_1436] {strides = array<i32>} : memref<8192xf32, #tpu.memory_space<vmem>>, vector<16xf32>,
        %mul3A_1438 = arith.constant 6.553700e+04 : f32
        %mul3A_1439 = vector.broadcast %mul3A_1438 : f32 to vector<16xf32>
        %mul3A_1440 = arith.mulf %get3A_1437, %mul3A_1439 : vector<16xf32>
        %sub3A_1441 = arith.subf %mul3A_1440, %get3A_1437 : vector<16xf32>
        %sub3A_1442 = arith.subf %mul3A_1440, %sub3A_1441 : vector<16xf32>
        %add3A_1443 = arith.constant 256 : i32
        %add3A_1444 = arith.addi %add3A_1385, %add3A_1443 : i32
        %get3A_1445 = arith.index_cast %add3A_1444 : i32 to index
        %get3A_1446 = tpu.vector_load %arg10[%get3A_1445] {strides = array<i32>} : memref<8192xf32, #tpu.memory_space<vmem>>, vector<16xf32>,
        %mul3A_1447 = arith.constant 6.553700e+04 : f32
        %mul3A_1448 = vector.broadcast %mul3A_1447 : f32 to vector<16xf32>
        %mul3A_1449 = arith.mulf %get3A_1446, %mul3A_1448 : vector<16xf32>
        %sub3A_1450 = arith.subf %mul3A_1449, %get3A_1446 : vector<16xf32>
        %sub3A_1451 = arith.subf %mul3A_1449, %sub3A_1450 : vector<16xf32>
        %add3A_1452 = arith.constant 384 : i32
        %add3A_1453 = arith.addi %add3A_1385, %add3A_1452 : i32
        %get3A_1454 = arith.index_cast %add3A_1453 : i32 to index
        %get3A_1455 = tpu.vector_load %arg10[%get3A_1454] {strides = array<i32>} : memref<8192xf32, #tpu.memory_space<vmem>>, vector<16xf32>,
        %mul3A_1456 = arith.constant 6.553700e+04 : f32
        %mul3A_1457 = vector.broadcast %mul3A_1456 : f32 to vector<16xf32>
        %mul3A_1458 = arith.mulf %get3A_1455, %mul3A_1457 : vector<16xf32>
        %sub3A_1459 = arith.subf %mul3A_1458, %get3A_1455 : vector<16xf32>
        %sub3A_1460 = arith.subf %mul3A_1458, %sub3A_1459 : vector<16xf32>
        %add3A_1461 = arith.constant 512 : i32
        %add3A_1462 = arith.addi %add3A_1385, %add3A_1461 : i32
        %get3A_1463 = arith.index_cast %add3A_1462 : i32 to index
        %get3A_1464 = tpu.vector_load %arg10[%get3A_1463] {strides = array<i32>} : memref<8192xf32, #tpu.memory_space<vmem>>, vector<16xf32>,
        %mul3A_1465 = arith.constant 6.553700e+04 : f32
        %mul3A_1466 = vector.broadcast %mul3A_1465 : f32 to vector<16xf32>
        %mul3A_1467 = arith.mulf %get3A_1464, %mul3A_1466 : vector<16xf32>
        %sub3A_1468 = arith.subf %mul3A_1467, %get3A_1464 : vector<16xf32>
        %sub3A_1469 = arith.subf %mul3A_1467, %sub3A_1468 : vector<16xf32>
        %add3A_1470 = arith.constant 640 : i32
        %add3A_1471 = arith.addi %add3A_1385, %add3A_1470 : i32
        %get3A_1472 = arith.index_cast %add3A_1471 : i32 to index
        %get3A_1473 = tpu.vector_load %arg10[%get3A_1472] {strides = array<i32>} : memref<8192xf32, #tpu.memory_space<vmem>>, vector<16xf32>,
        %mul3A_1474 = arith.constant 6.553700e+04 : f32
        %mul3A_1475 = vector.broadcast %mul3A_1474 : f32 to vector<16xf32>
        %mul3A_1476 = arith.mulf %get3A_1473, %mul3A_1475 : vector<16xf32>
        %sub3A_1477 = arith.subf %mul3A_1476, %get3A_1473 : vector<16xf32>
        %sub3A_1478 = arith.subf %mul3A_1476, %sub3A_1477 : vector<16xf32>
        %add3A_1479 = arith.constant 768 : i32
        %add3A_1480 = arith.addi %add3A_1385, %add3A_1479 : i32
        %get3A_1481 = arith.index_cast %add3A_1480 : i32 to index
        %get3A_1482 = tpu.vector_load %arg10[%get3A_1481] {strides = array<i32>} : memref<8192xf32, #tpu.memory_space<vmem>>, vector<16xf32>,
        %mul3A_1483 = arith.constant 6.553700e+04 : f32
        %mul3A_1484 = vector.broadcast %mul3A_1483 : f32 to vector<16xf32>
        %mul3A_1485 = arith.mulf %get3A_1482, %mul3A_1484 : vector<16xf32>
        %sub3A_1486 = arith.subf %mul3A_1485, %get3A_1482 : vector<16xf32>
        %sub3A_1487 = arith.subf %mul3A_1485, %sub3A_1486 : vector<16xf32>
        %add3A_1488 = arith.constant 896 : i32
        %add3A_1489 = arith.addi %add3A_1385, %add3A_1488 : i32
        %get3A_1490 = arith.index_cast %add3A_1489 : i32 to index
        %get3A_1491 = tpu.vector_load %arg10[%get3A_1490] {strides = array<i32>} : memref<8192xf32, #tpu.memory_space<vmem>>, vector<16xf32>,
        %mul3A_1492 = arith.constant 6.553700e+04 : f32
        %mul3A_1493 = vector.broadcast %mul3A_1492 : f32 to vector<16xf32>
        %mul3A_1494 = arith.mulf %get3A_1491, %mul3A_1493 : vector<16xf32>
        %sub3A_1495 = arith.subf %mul3A_1494, %get3A_1491 : vector<16xf32>
        %sub3A_1496 = arith.subf %mul3A_1494, %sub3A_1495 : vector<16xf32>
        %add3A_1497 = arith.constant 0 : i32
        %add3A_1498 = arith.addi %add3A_1385, %add3A_1497 : i32
        %get3A_1499 = arith.index_cast %add3A_1498 : i32 to index
        %get3A_1500 = tpu.vector_load %arg11[%get3A_1499] {strides = array<i32>} : memref<8192xf32, #tpu.memory_space<vmem>>, vector<16xf32>,
        %mul3A_1501 = arith.constant 6.553700e+04 : f32
        %mul3A_1502 = vector.broadcast %mul3A_1501 : f32 to vector<16xf32>
        %mul3A_1503 = arith.mulf %get3A_1500, %mul3A_1502 : vector<16xf32>
        %sub3A_1504 = arith.subf %mul3A_1503, %get3A_1500 : vector<16xf32>
        %sub3A_1505 = arith.subf %mul3A_1503, %sub3A_1504 : vector<16xf32>
        %add3A_1506 = arith.constant 128 : i32
        %add3A_1507 = arith.addi %add3A_1385, %add3A_1506 : i32
        %get3A_1508 = arith.index_cast %add3A_1507 : i32 to index
        %get3A_1509 = tpu.vector_load %arg11[%get3A_1508] {strides = array<i32>} : memref<8192xf32, #tpu.memory_space<vmem>>, vector<16xf32>,
        %mul3A_1510 = arith.constant 6.553700e+04 : f32
        %mul3A_1511 = vector.broadcast %mul3A_1510 : f32 to vector<16xf32>
        %mul3A_1512 = arith.mulf %get3A_1509, %mul3A_1511 : vector<16xf32>
        %sub3A_1513 = arith.subf %mul3A_1512, %get3A_1509 : vector<16xf32>
        %sub3A_1514 = arith.subf %mul3A_1512, %sub3A_1513 : vector<16xf32>
        %add3A_1515 = arith.constant 256 : i32
        %add3A_1516 = arith.addi %add3A_1385, %add3A_1515 : i32
        %get3A_1517 = arith.index_cast %add3A_1516 : i32 to index
        %get3A_1518 = tpu.vector_load %arg11[%get3A_1517] {strides = array<i32>} : memref<8192xf32, #tpu.memory_space<vmem>>, vector<16xf32>,
        %mul3A_1519 = arith.constant 6.553700e+04 : f32
        %mul3A_1520 = vector.broadcast %mul3A_1519 : f32 to vector<16xf32>
        %mul3A_1521 = arith.mulf %get3A_1518, %mul3A_1520 : vector<16xf32>
        %sub3A_1522 = arith.subf %mul3A_1521, %get3A_1518 : vector<16xf32>
        %sub3A_1523 = arith.subf %mul3A_1521, %sub3A_1522 : vector<16xf32>
        %add3A_1524 = arith.constant 384 : i32
        %add3A_1525 = arith.addi %add3A_1385, %add3A_1524 : i32
        %get3A_1526 = arith.index_cast %add3A_1525 : i32 to index
        %get3A_1527 = tpu.vector_load %arg11[%get3A_1526] {strides = array<i32>} : memref<8192xf32, #tpu.memory_space<vmem>>, vector<16xf32>,
        %mul3A_1528 = arith.constant 6.553700e+04 : f32
        %mul3A_1529 = vector.broadcast %mul3A_1528 : f32 to vector<16xf32>
        %mul3A_1530 = arith.mulf %get3A_1527, %mul3A_1529 : vector<16xf32>
        %sub3A_1531 = arith.subf %mul3A_1530, %get3A_1527 : vector<16xf32>
        %sub3A_1532 = arith.subf %mul3A_1530, %sub3A_1531 : vector<16xf32>
        %add3A_1533 = arith.constant 512 : i32
        %add3A_1534 = arith.addi %add3A_1385, %add3A_1533 : i32
        %get3A_1535 = arith.index_cast %add3A_1534 : i32 to index
        %get3A_1536 = tpu.vector_load %arg11[%get3A_1535] {strides = array<i32>} : memref<8192xf32, #tpu.memory_space<vmem>>, vector<16xf32>,
        %mul3A_1537 = arith.constant 6.553700e+04 : f32
        %mul3A_1538 = vector.broadcast %mul3A_1537 : f32 to vector<16xf32>
        %mul3A_1539 = arith.mulf %get3A_1536, %mul3A_1538 : vector<16xf32>
        %sub3A_1540 = arith.subf %mul3A_1539, %get3A_1536 : vector<16xf32>
        %sub3A_1541 = arith.subf %mul3A_1539, %sub3A_1540 : vector<16xf32>
        %add3A_1542 = arith.constant 640 : i32
        %add3A_1543 = arith.addi %add3A_1385, %add3A_1542 : i32
        %get3A_1544 = arith.index_cast %add3A_1543 : i32 to index
        %get3A_1545 = tpu.vector_load %arg11[%get3A_1544] {strides = array<i32>} : memref<8192xf32, #tpu.memory_space<vmem>>, vector<16xf32>,
        %mul3A_1546 = arith.constant 6.553700e+04 : f32
        %mul3A_1547 = vector.broadcast %mul3A_1546 : f32 to vector<16xf32>
        %mul3A_1548 = arith.mulf %get3A_1545, %mul3A_1547 : vector<16xf32>
        %sub3A_1549 = arith.subf %mul3A_1548, %get3A_1545 : vector<16xf32>
        %sub3A_1550 = arith.subf %mul3A_1548, %sub3A_1549 : vector<16xf32>
        %add3A_1551 = arith.constant 768 : i32
        %add3A_1552 = arith.addi %add3A_1385, %add3A_1551 : i32
        %get3A_1553 = arith.index_cast %add3A_1552 : i32 to index
        %get3A_1554 = tpu.vector_load %arg11[%get3A_1553] {strides = array<i32>} : memref<8192xf32, #tpu.memory_space<vmem>>, vector<16xf32>,
        %mul3A_1555 = arith.constant 6.553700e+04 : f32
        %mul3A_1556 = vector.broadcast %mul3A_1555 : f32 to vector<16xf32>
        %mul3A_1557 = arith.mulf %get3A_1554, %mul3A_1556 : vector<16xf32>
        %sub3A_1558 = arith.subf %mul3A_1557, %get3A_1554 : vector<16xf32>
        %sub3A_1559 = arith.subf %mul3A_1557, %sub3A_1558 : vector<16xf32>
        %add3A_1560 = arith.constant 896 : i32
        %add3A_1561 = arith.addi %add3A_1385, %add3A_1560 : i32
        %get3A_1562 = arith.index_cast %add3A_1561 : i32 to index
        %get3A_1563 = tpu.vector_load %arg11[%get3A_1562] {strides = array<i32>} : memref<8192xf32, #tpu.memory_space<vmem>>, vector<16xf32>,
        %mul3A_1564 = arith.constant 6.553700e+04 : f32
        %mul3A_1565 = vector.broadcast %mul3A_1564 : f32 to vector<16xf32>
        %mul3A_1566 = arith.mulf %get3A_1563, %mul3A_1565 : vector<16xf32>
        %sub3A_1567 = arith.subf %mul3A_1566, %get3A_1563 : vector<16xf32>
        %sub3A_1568 = arith.subf %mul3A_1566, %sub3A_1567 : vector<16xf32>
        %mul3A_1569 = arith.constant 128 : i32
        %mul3A_1570 = arith.muli %scan3A_1328, %mul3A_1569 : i32
        %mul3A_1571 = arith.constant 4 : i32
        %mul3A_1572 = arith.muli %mul3A_1571, %scan3A_1376 : i32
        %add3A_1573 = arith.constant 1 : i32
        %add3A_1574 = arith.addi %mul3A_1572, %add3A_1573 : i32
        %mul3A_1575 = arith.constant 16 : i32
        %mul3A_1576 = arith.muli %add3A_1574, %mul3A_1575 : i32
        %add3A_1577 = arith.addi %mul3A_1570, %mul3A_1576 : i32
        %get3A_1578 = arith.index_cast %add3A_1577 : i32 to index
        %get3A_1579 = tpu.vector_load %arg12[%get3A_1578] {strides = array<i32>} : memref<1024xi32, #tpu.memory_space<vmem>>, vector<16xi32>,
        %convert_element_type3A_1580 = arith.sitofp %get3A_1579 : vector<16xi32> to vector<16xf32>
        %lt3A_1581 = arith.cmpf olt, %convert_element_type3A_1580, %get3A_207 : vector<16xf32>
        %add3A_1582 = arith.constant 0 : i32
        %add3A_1583 = arith.addi %add3A_1394, %add3A_1582 : i32
        %get3A_1584 = arith.index_cast %add3A_1583 : i32 to index
        %get3A_1585 = tpu.vector_load %arg10[%get3A_1584] {strides = array<i32>} : memref<8192xf32, #tpu.memory_space<vmem>>, vector<16xf32>,
        %mul3A_1586 = arith.constant 6.553700e+04 : f32
        %mul3A_1587 = vector.broadcast %mul3A_1586 : f32 to vector<16xf32>
        %mul3A_1588 = arith.mulf %get3A_1585, %mul3A_1587 : vector<16xf32>
        %sub3A_1589 = arith.subf %mul3A_1588, %get3A_1585 : vector<16xf32>
        %sub3A_1590 = arith.subf %mul3A_1588, %sub3A_1589 : vector<16xf32>
        %add3A_1591 = arith.constant 128 : i32
        %add3A_1592 = arith.addi %add3A_1394, %add3A_1591 : i32
        %get3A_1593 = arith.index_cast %add3A_1592 : i32 to index
        %get3A_1594 = tpu.vector_load %arg10[%get3A_1593] {strides = array<i32>} : memref<8192xf32, #tpu.memory_space<vmem>>, vector<16xf32>,
        %mul3A_1595 = arith.constant 6.553700e+04 : f32
        %mul3A_1596 = vector.broadcast %mul3A_1595 : f32 to vector<16xf32>
        %mul3A_1597 = arith.mulf %get3A_1594, %mul3A_1596 : vector<16xf32>
        %sub3A_1598 = arith.subf %mul3A_1597, %get3A_1594 : vector<16xf32>
        %sub3A_1599 = arith.subf %mul3A_1597, %sub3A_1598 : vector<16xf32>
        %add3A_1600 = arith.constant 256 : i32
        %add3A_1601 = arith.addi %add3A_1394, %add3A_1600 : i32
        %get3A_1602 = arith.index_cast %add3A_1601 : i32 to index
        %get3A_1603 = tpu.vector_load %arg10[%get3A_1602] {strides = array<i32>} : memref<8192xf32, #tpu.memory_space<vmem>>, vector<16xf32>,
        %mul3A_1604 = arith.constant 6.553700e+04 : f32
        %mul3A_1605 = vector.broadcast %mul3A_1604 : f32 to vector<16xf32>
        %mul3A_1606 = arith.mulf %get3A_1603, %mul3A_1605 : vector<16xf32>
        %sub3A_1607 = arith.subf %mul3A_1606, %get3A_1603 : vector<16xf32>
        %sub3A_1608 = arith.subf %mul3A_1606, %sub3A_1607 : vector<16xf32>
        %add3A_1609 = arith.constant 384 : i32
        %add3A_1610 = arith.addi %add3A_1394, %add3A_1609 : i32
        %get3A_1611 = arith.index_cast %add3A_1610 : i32 to index
        %get3A_1612 = tpu.vector_load %arg10[%get3A_1611] {strides = array<i32>} : memref<8192xf32, #tpu.memory_space<vmem>>, vector<16xf32>,
        %mul3A_1613 = arith.constant 6.553700e+04 : f32
        %mul3A_1614 = vector.broadcast %mul3A_1613 : f32 to vector<16xf32>
        %mul3A_1615 = arith.mulf %get3A_1612, %mul3A_1614 : vector<16xf32>
        %sub3A_1616 = arith.subf %mul3A_1615, %get3A_1612 : vector<16xf32>
        %sub3A_1617 = arith.subf %mul3A_1615, %sub3A_1616 : vector<16xf32>
        %add3A_1618 = arith.constant 512 : i32
        %add3A_1619 = arith.addi %add3A_1394, %add3A_1618 : i32
        %get3A_1620 = arith.index_cast %add3A_1619 : i32 to index
        %get3A_1621 = tpu.vector_load %arg10[%get3A_1620] {strides = array<i32>} : memref<8192xf32, #tpu.memory_space<vmem>>, vector<16xf32>,
        %mul3A_1622 = arith.constant 6.553700e+04 : f32
        %mul3A_1623 = vector.broadcast %mul3A_1622 : f32 to vector<16xf32>
        %mul3A_1624 = arith.mulf %get3A_1621, %mul3A_1623 : vector<16xf32>
        %sub3A_1625 = arith.subf %mul3A_1624, %get3A_1621 : vector<16xf32>
        %sub3A_1626 = arith.subf %mul3A_1624, %sub3A_1625 : vector<16xf32>
        %add3A_1627 = arith.constant 640 : i32
        %add3A_1628 = arith.addi %add3A_1394, %add3A_1627 : i32
        %get3A_1629 = arith.index_cast %add3A_1628 : i32 to index
        %get3A_1630 = tpu.vector_load %arg10[%get3A_1629] {strides = array<i32>} : memref<8192xf32, #tpu.memory_space<vmem>>, vector<16xf32>,
        %mul3A_1631 = arith.constant 6.553700e+04 : f32
        %mul3A_1632 = vector.broadcast %mul3A_1631 : f32 to vector<16xf32>
        %mul3A_1633 = arith.mulf %get3A_1630, %mul3A_1632 : vector<16xf32>
        %sub3A_1634 = arith.subf %mul3A_1633, %get3A_1630 : vector<16xf32>
        %sub3A_1635 = arith.subf %mul3A_1633, %sub3A_1634 : vector<16xf32>
        %add3A_1636 = arith.constant 768 : i32
        %add3A_1637 = arith.addi %add3A_1394, %add3A_1636 : i32
        %get3A_1638 = arith.index_cast %add3A_1637 : i32 to index
        %get3A_1639 = tpu.vector_load %arg10[%get3A_1638] {strides = array<i32>} : memref<8192xf32, #tpu.memory_space<vmem>>, vector<16xf32>,
        %mul3A_1640 = arith.constant 6.553700e+04 : f32
        %mul3A_1641 = vector.broadcast %mul3A_1640 : f32 to vector<16xf32>
        %mul3A_1642 = arith.mulf %get3A_1639, %mul3A_1641 : vector<16xf32>
        %sub3A_1643 = arith.subf %mul3A_1642, %get3A_1639 : vector<16xf32>
        %sub3A_1644 = arith.subf %mul3A_1642, %sub3A_1643 : vector<16xf32>
        %add3A_1645 = arith.constant 896 : i32
        %add3A_1646 = arith.addi %add3A_1394, %add3A_1645 : i32
        %get3A_1647 = arith.index_cast %add3A_1646 : i32 to index
        %get3A_1648 = tpu.vector_load %arg10[%get3A_1647] {strides = array<i32>} : memref<8192xf32, #tpu.memory_space<vmem>>, vector<16xf32>,
        %mul3A_1649 = arith.constant 6.553700e+04 : f32
        %mul3A_1650 = vector.broadcast %mul3A_1649 : f32 to vector<16xf32>
        %mul3A_1651 = arith.mulf %get3A_1648, %mul3A_1650 : vector<16xf32>
        %sub3A_1652 = arith.subf %mul3A_1651, %get3A_1648 : vector<16xf32>
        %sub3A_1653 = arith.subf %mul3A_1651, %sub3A_1652 : vector<16xf32>
        %add3A_1654 = arith.constant 0 : i32
        %add3A_1655 = arith.addi %add3A_1394, %add3A_1654 : i32
        %get3A_1656 = arith.index_cast %add3A_1655 : i32 to index
        %get3A_1657 = tpu.vector_load %arg11[%get3A_1656] {strides = array<i32>} : memref<8192xf32, #tpu.memory_space<vmem>>, vector<16xf32>,
        %mul3A_1658 = arith.constant 6.553700e+04 : f32
        %mul3A_1659 = vector.broadcast %mul3A_1658 : f32 to vector<16xf32>
        %mul3A_1660 = arith.mulf %get3A_1657, %mul3A_1659 : vector<16xf32>
        %sub3A_1661 = arith.subf %mul3A_1660, %get3A_1657 : vector<16xf32>
        %sub3A_1662 = arith.subf %mul3A_1660, %sub3A_1661 : vector<16xf32>
        %add3A_1663 = arith.constant 128 : i32
        %add3A_1664 = arith.addi %add3A_1394, %add3A_1663 : i32
        %get3A_1665 = arith.index_cast %add3A_1664 : i32 to index
        %get3A_1666 = tpu.vector_load %arg11[%get3A_1665] {strides = array<i32>} : memref<8192xf32, #tpu.memory_space<vmem>>, vector<16xf32>,
        %mul3A_1667 = arith.constant 6.553700e+04 : f32
        %mul3A_1668 = vector.broadcast %mul3A_1667 : f32 to vector<16xf32>
        %mul3A_1669 = arith.mulf %get3A_1666, %mul3A_1668 : vector<16xf32>
        %sub3A_1670 = arith.subf %mul3A_1669, %get3A_1666 : vector<16xf32>
        %sub3A_1671 = arith.subf %mul3A_1669, %sub3A_1670 : vector<16xf32>
        %add3A_1672 = arith.constant 256 : i32
        %add3A_1673 = arith.addi %add3A_1394, %add3A_1672 : i32
        %get3A_1674 = arith.index_cast %add3A_1673 : i32 to index
        %get3A_1675 = tpu.vector_load %arg11[%get3A_1674] {strides = array<i32>} : memref<8192xf32, #tpu.memory_space<vmem>>, vector<16xf32>,
        %mul3A_1676 = arith.constant 6.553700e+04 : f32
        %mul3A_1677 = vector.broadcast %mul3A_1676 : f32 to vector<16xf32>
        %mul3A_1678 = arith.mulf %get3A_1675, %mul3A_1677 : vector<16xf32>
        %sub3A_1679 = arith.subf %mul3A_1678, %get3A_1675 : vector<16xf32>
        %sub3A_1680 = arith.subf %mul3A_1678, %sub3A_1679 : vector<16xf32>
        %add3A_1681 = arith.constant 384 : i32
        %add3A_1682 = arith.addi %add3A_1394, %add3A_1681 : i32
        %get3A_1683 = arith.index_cast %add3A_1682 : i32 to index
        %get3A_1684 = tpu.vector_load %arg11[%get3A_1683] {strides = array<i32>} : memref<8192xf32, #tpu.memory_space<vmem>>, vector<16xf32>,
        %mul3A_1685 = arith.constant 6.553700e+04 : f32
        %mul3A_1686 = vector.broadcast %mul3A_1685 : f32 to vector<16xf32>
        %mul3A_1687 = arith.mulf %get3A_1684, %mul3A_1686 : vector<16xf32>
        %sub3A_1688 = arith.subf %mul3A_1687, %get3A_1684 : vector<16xf32>
        %sub3A_1689 = arith.subf %mul3A_1687, %sub3A_1688 : vector<16xf32>
        %add3A_1690 = arith.constant 512 : i32
        %add3A_1691 = arith.addi %add3A_1394, %add3A_1690 : i32
        %get3A_1692 = arith.index_cast %add3A_1691 : i32 to index
        %get3A_1693 = tpu.vector_load %arg11[%get3A_1692] {strides = array<i32>} : memref<8192xf32, #tpu.memory_space<vmem>>, vector<16xf32>,
        %mul3A_1694 = arith.constant 6.553700e+04 : f32
        %mul3A_1695 = vector.broadcast %mul3A_1694 : f32 to vector<16xf32>
        %mul3A_1696 = arith.mulf %get3A_1693, %mul3A_1695 : vector<16xf32>
        %sub3A_1697 = arith.subf %mul3A_1696, %get3A_1693 : vector<16xf32>
        %sub3A_1698 = arith.subf %mul3A_1696, %sub3A_1697 : vector<16xf32>
        %add3A_1699 = arith.constant 640 : i32
        %add3A_1700 = arith.addi %add3A_1394, %add3A_1699 : i32
        %get3A_1701 = arith.index_cast %add3A_1700 : i32 to index
        %get3A_1702 = tpu.vector_load %arg11[%get3A_1701] {strides = array<i32>} : memref<8192xf32, #tpu.memory_space<vmem>>, vector<16xf32>,
        %mul3A_1703 = arith.constant 6.553700e+04 : f32
        %mul3A_1704 = vector.broadcast %mul3A_1703 : f32 to vector<16xf32>
        %mul3A_1705 = arith.mulf %get3A_1702, %mul3A_1704 : vector<16xf32>
        %sub3A_1706 = arith.subf %mul3A_1705, %get3A_1702 : vector<16xf32>
        %sub3A_1707 = arith.subf %mul3A_1705, %sub3A_1706 : vector<16xf32>
        %add3A_1708 = arith.constant 768 : i32
        %add3A_1709 = arith.addi %add3A_1394, %add3A_1708 : i32
        %get3A_1710 = arith.index_cast %add3A_1709 : i32 to index
        %get3A_1711 = tpu.vector_load %arg11[%get3A_1710] {strides = array<i32>} : memref<8192xf32, #tpu.memory_space<vmem>>, vector<16xf32>,
        %mul3A_1712 = arith.constant 6.553700e+04 : f32
        %mul3A_1713 = vector.broadcast %mul3A_1712 : f32 to vector<16xf32>
        %mul3A_1714 = arith.mulf %get3A_1711, %mul3A_1713 : vector<16xf32>
        %sub3A_1715 = arith.subf %mul3A_1714, %get3A_1711 : vector<16xf32>
        %sub3A_1716 = arith.subf %mul3A_1714, %sub3A_1715 : vector<16xf32>
        %add3A_1717 = arith.constant 896 : i32
        %add3A_1718 = arith.addi %add3A_1394, %add3A_1717 : i32
        %get3A_1719 = arith.index_cast %add3A_1718 : i32 to index
        %get3A_1720 = tpu.vector_load %arg11[%get3A_1719] {strides = array<i32>} : memref<8192xf32, #tpu.memory_space<vmem>>, vector<16xf32>,
        %mul3A_1721 = arith.constant 6.553700e+04 : f32
        %mul3A_1722 = vector.broadcast %mul3A_1721 : f32 to vector<16xf32>
        %mul3A_1723 = arith.mulf %get3A_1720, %mul3A_1722 : vector<16xf32>
        %sub3A_1724 = arith.subf %mul3A_1723, %get3A_1720 : vector<16xf32>
        %sub3A_1725 = arith.subf %mul3A_1723, %sub3A_1724 : vector<16xf32>
        %mul3A_1726 = arith.constant 128 : i32
        %mul3A_1727 = arith.muli %scan3A_1328, %mul3A_1726 : i32
        %mul3A_1728 = arith.constant 4 : i32
        %mul3A_1729 = arith.muli %mul3A_1728, %scan3A_1376 : i32
        %add3A_1730 = arith.constant 2 : i32
        %add3A_1731 = arith.addi %mul3A_1729, %add3A_1730 : i32
        %mul3A_1732 = arith.constant 16 : i32
        %mul3A_1733 = arith.muli %add3A_1731, %mul3A_1732 : i32
        %add3A_1734 = arith.addi %mul3A_1727, %mul3A_1733 : i32
        %get3A_1735 = arith.index_cast %add3A_1734 : i32 to index
        %get3A_1736 = tpu.vector_load %arg12[%get3A_1735] {strides = array<i32>} : memref<1024xi32, #tpu.memory_space<vmem>>, vector<16xi32>,
        %convert_element_type3A_1737 = arith.sitofp %get3A_1736 : vector<16xi32> to vector<16xf32>
        %lt3A_1738 = arith.cmpf olt, %convert_element_type3A_1737, %get3A_207 : vector<16xf32>
        %add3A_1739 = arith.constant 0 : i32
        %add3A_1740 = arith.addi %add3A_1403, %add3A_1739 : i32
        %get3A_1741 = arith.index_cast %add3A_1740 : i32 to index
        %get3A_1742 = tpu.vector_load %arg10[%get3A_1741] {strides = array<i32>} : memref<8192xf32, #tpu.memory_space<vmem>>, vector<16xf32>,
        %mul3A_1743 = arith.constant 6.553700e+04 : f32
        %mul3A_1744 = vector.broadcast %mul3A_1743 : f32 to vector<16xf32>
        %mul3A_1745 = arith.mulf %get3A_1742, %mul3A_1744 : vector<16xf32>
        %sub3A_1746 = arith.subf %mul3A_1745, %get3A_1742 : vector<16xf32>
        %sub3A_1747 = arith.subf %mul3A_1745, %sub3A_1746 : vector<16xf32>
        %add3A_1748 = arith.constant 128 : i32
        %add3A_1749 = arith.addi %add3A_1403, %add3A_1748 : i32
        %get3A_1750 = arith.index_cast %add3A_1749 : i32 to index
        %get3A_1751 = tpu.vector_load %arg10[%get3A_1750] {strides = array<i32>} : memref<8192xf32, #tpu.memory_space<vmem>>, vector<16xf32>,
        %mul3A_1752 = arith.constant 6.553700e+04 : f32
        %mul3A_1753 = vector.broadcast %mul3A_1752 : f32 to vector<16xf32>
        %mul3A_1754 = arith.mulf %get3A_1751, %mul3A_1753 : vector<16xf32>
        %sub3A_1755 = arith.subf %mul3A_1754, %get3A_1751 : vector<16xf32>
        %sub3A_1756 = arith.subf %mul3A_1754, %sub3A_1755 : vector<16xf32>
        %add3A_1757 = arith.constant 256 : i32
        %add3A_1758 = arith.addi %add3A_1403, %add3A_1757 : i32
        %get3A_1759 = arith.index_cast %add3A_1758 : i32 to index
        %get3A_1760 = tpu.vector_load %arg10[%get3A_1759] {strides = array<i32>} : memref<8192xf32, #tpu.memory_space<vmem>>, vector<16xf32>,
        %mul3A_1761 = arith.constant 6.553700e+04 : f32
        %mul3A_1762 = vector.broadcast %mul3A_1761 : f32 to vector<16xf32>
        %mul3A_1763 = arith.mulf %get3A_1760, %mul3A_1762 : vector<16xf32>
        %sub3A_1764 = arith.subf %mul3A_1763, %get3A_1760 : vector<16xf32>
        %sub3A_1765 = arith.subf %mul3A_1763, %sub3A_1764 : vector<16xf32>
        %add3A_1766 = arith.constant 384 : i32
        %add3A_1767 = arith.addi %add3A_1403, %add3A_1766 : i32
        %get3A_1768 = arith.index_cast %add3A_1767 : i32 to index
        %get3A_1769 = tpu.vector_load %arg10[%get3A_1768] {strides = array<i32>} : memref<8192xf32, #tpu.memory_space<vmem>>, vector<16xf32>,
        %mul3A_1770 = arith.constant 6.553700e+04 : f32
        %mul3A_1771 = vector.broadcast %mul3A_1770 : f32 to vector<16xf32>
        %mul3A_1772 = arith.mulf %get3A_1769, %mul3A_1771 : vector<16xf32>
        %sub3A_1773 = arith.subf %mul3A_1772, %get3A_1769 : vector<16xf32>
        %sub3A_1774 = arith.subf %mul3A_1772, %sub3A_1773 : vector<16xf32>
        %add3A_1775 = arith.constant 512 : i32
        %add3A_1776 = arith.addi %add3A_1403, %add3A_1775 : i32
        %get3A_1777 = arith.index_cast %add3A_1776 : i32 to index
        %get3A_1778 = tpu.vector_load %arg10[%get3A_1777] {strides = array<i32>} : memref<8192xf32, #tpu.memory_space<vmem>>, vector<16xf32>,
        %mul3A_1779 = arith.constant 6.553700e+04 : f32
        %mul3A_1780 = vector.broadcast %mul3A_1779 : f32 to vector<16xf32>
        %mul3A_1781 = arith.mulf %get3A_1778, %mul3A_1780 : vector<16xf32>
        %sub3A_1782 = arith.subf %mul3A_1781, %get3A_1778 : vector<16xf32>
        %sub3A_1783 = arith.subf %mul3A_1781, %sub3A_1782 : vector<16xf32>
        %add3A_1784 = arith.constant 640 : i32
        %add3A_1785 = arith.addi %add3A_1403, %add3A_1784 : i32
        %get3A_1786 = arith.index_cast %add3A_1785 : i32 to index
        %get3A_1787 = tpu.vector_load %arg10[%get3A_1786] {strides = array<i32>} : memref<8192xf32, #tpu.memory_space<vmem>>, vector<16xf32>,
        %mul3A_1788 = arith.constant 6.553700e+04 : f32
        %mul3A_1789 = vector.broadcast %mul3A_1788 : f32 to vector<16xf32>
        %mul3A_1790 = arith.mulf %get3A_1787, %mul3A_1789 : vector<16xf32>
        %sub3A_1791 = arith.subf %mul3A_1790, %get3A_1787 : vector<16xf32>
        %sub3A_1792 = arith.subf %mul3A_1790, %sub3A_1791 : vector<16xf32>
        %add3A_1793 = arith.constant 768 : i32
        %add3A_1794 = arith.addi %add3A_1403, %add3A_1793 : i32
        %get3A_1795 = arith.index_cast %add3A_1794 : i32 to index
        %get3A_1796 = tpu.vector_load %arg10[%get3A_1795] {strides = array<i32>} : memref<8192xf32, #tpu.memory_space<vmem>>, vector<16xf32>,
        %mul3A_1797 = arith.constant 6.553700e+04 : f32
        %mul3A_1798 = vector.broadcast %mul3A_1797 : f32 to vector<16xf32>
        %mul3A_1799 = arith.mulf %get3A_1796, %mul3A_1798 : vector<16xf32>
        %sub3A_1800 = arith.subf %mul3A_1799, %get3A_1796 : vector<16xf32>
        %sub3A_1801 = arith.subf %mul3A_1799, %sub3A_1800 : vector<16xf32>
        %add3A_1802 = arith.constant 896 : i32
        %add3A_1803 = arith.addi %add3A_1403, %add3A_1802 : i32
        %get3A_1804 = arith.index_cast %add3A_1803 : i32 to index
        %get3A_1805 = tpu.vector_load %arg10[%get3A_1804] {strides = array<i32>} : memref<8192xf32, #tpu.memory_space<vmem>>, vector<16xf32>,
        %mul3A_1806 = arith.constant 6.553700e+04 : f32
        %mul3A_1807 = vector.broadcast %mul3A_1806 : f32 to vector<16xf32>
        %mul3A_1808 = arith.mulf %get3A_1805, %mul3A_1807 : vector<16xf32>
        %sub3A_1809 = arith.subf %mul3A_1808, %get3A_1805 : vector<16xf32>
        %sub3A_1810 = arith.subf %mul3A_1808, %sub3A_1809 : vector<16xf32>
        %add3A_1811 = arith.constant 0 : i32
        %add3A_1812 = arith.addi %add3A_1403, %add3A_1811 : i32
        %get3A_1813 = arith.index_cast %add3A_1812 : i32 to index
        %get3A_1814 = tpu.vector_load %arg11[%get3A_1813] {strides = array<i32>} : memref<8192xf32, #tpu.memory_space<vmem>>, vector<16xf32>,
        %mul3A_1815 = arith.constant 6.553700e+04 : f32
        %mul3A_1816 = vector.broadcast %mul3A_1815 : f32 to vector<16xf32>
        %mul3A_1817 = arith.mulf %get3A_1814, %mul3A_1816 : vector<16xf32>
        %sub3A_1818 = arith.subf %mul3A_1817, %get3A_1814 : vector<16xf32>
        %sub3A_1819 = arith.subf %mul3A_1817, %sub3A_1818 : vector<16xf32>
        %add3A_1820 = arith.constant 128 : i32
        %add3A_1821 = arith.addi %add3A_1403, %add3A_1820 : i32
        %get3A_1822 = arith.index_cast %add3A_1821 : i32 to index
        %get3A_1823 = tpu.vector_load %arg11[%get3A_1822] {strides = array<i32>} : memref<8192xf32, #tpu.memory_space<vmem>>, vector<16xf32>,
        %mul3A_1824 = arith.constant 6.553700e+04 : f32
        %mul3A_1825 = vector.broadcast %mul3A_1824 : f32 to vector<16xf32>
        %mul3A_1826 = arith.mulf %get3A_1823, %mul3A_1825 : vector<16xf32>
        %sub3A_1827 = arith.subf %mul3A_1826, %get3A_1823 : vector<16xf32>
        %sub3A_1828 = arith.subf %mul3A_1826, %sub3A_1827 : vector<16xf32>
        %add3A_1829 = arith.constant 256 : i32
        %add3A_1830 = arith.addi %add3A_1403, %add3A_1829 : i32
        %get3A_1831 = arith.index_cast %add3A_1830 : i32 to index
        %get3A_1832 = tpu.vector_load %arg11[%get3A_1831] {strides = array<i32>} : memref<8192xf32, #tpu.memory_space<vmem>>, vector<16xf32>,
        %mul3A_1833 = arith.constant 6.553700e+04 : f32
        %mul3A_1834 = vector.broadcast %mul3A_1833 : f32 to vector<16xf32>
        %mul3A_1835 = arith.mulf %get3A_1832, %mul3A_1834 : vector<16xf32>
        %sub3A_1836 = arith.subf %mul3A_1835, %get3A_1832 : vector<16xf32>
        %sub3A_1837 = arith.subf %mul3A_1835, %sub3A_1836 : vector<16xf32>
        %add3A_1838 = arith.constant 384 : i32
        %add3A_1839 = arith.addi %add3A_1403, %add3A_1838 : i32
        %get3A_1840 = arith.index_cast %add3A_1839 : i32 to index
        %get3A_1841 = tpu.vector_load %arg11[%get3A_1840] {strides = array<i32>} : memref<8192xf32, #tpu.memory_space<vmem>>, vector<16xf32>,
        %mul3A_1842 = arith.constant 6.553700e+04 : f32
        %mul3A_1843 = vector.broadcast %mul3A_1842 : f32 to vector<16xf32>
        %mul3A_1844 = arith.mulf %get3A_1841, %mul3A_1843 : vector<16xf32>
        %sub3A_1845 = arith.subf %mul3A_1844, %get3A_1841 : vector<16xf32>
        %sub3A_1846 = arith.subf %mul3A_1844, %sub3A_1845 : vector<16xf32>
        %add3A_1847 = arith.constant 512 : i32
        %add3A_1848 = arith.addi %add3A_1403, %add3A_1847 : i32
        %get3A_1849 = arith.index_cast %add3A_1848 : i32 to index
        %get3A_1850 = tpu.vector_load %arg11[%get3A_1849] {strides = array<i32>} : memref<8192xf32, #tpu.memory_space<vmem>>, vector<16xf32>,
        %mul3A_1851 = arith.constant 6.553700e+04 : f32
        %mul3A_1852 = vector.broadcast %mul3A_1851 : f32 to vector<16xf32>
        %mul3A_1853 = arith.mulf %get3A_1850, %mul3A_1852 : vector<16xf32>
        %sub3A_1854 = arith.subf %mul3A_1853, %get3A_1850 : vector<16xf32>
        %sub3A_1855 = arith.subf %mul3A_1853, %sub3A_1854 : vector<16xf32>
        %add3A_1856 = arith.constant 640 : i32
        %add3A_1857 = arith.addi %add3A_1403, %add3A_1856 : i32
        %get3A_1858 = arith.index_cast %add3A_1857 : i32 to index
        %get3A_1859 = tpu.vector_load %arg11[%get3A_1858] {strides = array<i32>} : memref<8192xf32, #tpu.memory_space<vmem>>, vector<16xf32>,
        %mul3A_1860 = arith.constant 6.553700e+04 : f32
        %mul3A_1861 = vector.broadcast %mul3A_1860 : f32 to vector<16xf32>
        %mul3A_1862 = arith.mulf %get3A_1859, %mul3A_1861 : vector<16xf32>
        %sub3A_1863 = arith.subf %mul3A_1862, %get3A_1859 : vector<16xf32>
        %sub3A_1864 = arith.subf %mul3A_1862, %sub3A_1863 : vector<16xf32>
        %add3A_1865 = arith.constant 768 : i32
        %add3A_1866 = arith.addi %add3A_1403, %add3A_1865 : i32
        %get3A_1867 = arith.index_cast %add3A_1866 : i32 to index
        %get3A_1868 = tpu.vector_load %arg11[%get3A_1867] {strides = array<i32>} : memref<8192xf32, #tpu.memory_space<vmem>>, vector<16xf32>,
        %mul3A_1869 = arith.constant 6.553700e+04 : f32
        %mul3A_1870 = vector.broadcast %mul3A_1869 : f32 to vector<16xf32>
        %mul3A_1871 = arith.mulf %get3A_1868, %mul3A_1870 : vector<16xf32>
        %sub3A_1872 = arith.subf %mul3A_1871, %get3A_1868 : vector<16xf32>
        %sub3A_1873 = arith.subf %mul3A_1871, %sub3A_1872 : vector<16xf32>
        %add3A_1874 = arith.constant 896 : i32
        %add3A_1875 = arith.addi %add3A_1403, %add3A_1874 : i32
        %get3A_1876 = arith.index_cast %add3A_1875 : i32 to index
        %get3A_1877 = tpu.vector_load %arg11[%get3A_1876] {strides = array<i32>} : memref<8192xf32, #tpu.memory_space<vmem>>, vector<16xf32>,
        %mul3A_1878 = arith.constant 6.553700e+04 : f32
        %mul3A_1879 = vector.broadcast %mul3A_1878 : f32 to vector<16xf32>
        %mul3A_1880 = arith.mulf %get3A_1877, %mul3A_1879 : vector<16xf32>
        %sub3A_1881 = arith.subf %mul3A_1880, %get3A_1877 : vector<16xf32>
        %sub3A_1882 = arith.subf %mul3A_1880, %sub3A_1881 : vector<16xf32>
        %mul3A_1883 = arith.constant 128 : i32
        %mul3A_1884 = arith.muli %scan3A_1328, %mul3A_1883 : i32
        %mul3A_1885 = arith.constant 4 : i32
        %mul3A_1886 = arith.muli %mul3A_1885, %scan3A_1376 : i32
        %add3A_1887 = arith.constant 3 : i32
        %add3A_1888 = arith.addi %mul3A_1886, %add3A_1887 : i32
        %mul3A_1889 = arith.constant 16 : i32
        %mul3A_1890 = arith.muli %add3A_1888, %mul3A_1889 : i32
        %add3A_1891 = arith.addi %mul3A_1884, %mul3A_1890 : i32
        %get3A_1892 = arith.index_cast %add3A_1891 : i32 to index
        %get3A_1893 = tpu.vector_load %arg12[%get3A_1892] {strides = array<i32>} : memref<1024xi32, #tpu.memory_space<vmem>>, vector<16xi32>,
        %convert_element_type3A_1894 = arith.sitofp %get3A_1893 : vector<16xi32> to vector<16xf32>
        %lt3A_1895 = arith.cmpf olt, %convert_element_type3A_1894, %get3A_207 : vector<16xf32>
        %add3A_1896 = arith.constant 0 : i32
        %add3A_1897 = arith.addi %add3A_1412, %add3A_1896 : i32
        %get3A_1898 = arith.index_cast %add3A_1897 : i32 to index
        %get3A_1899 = tpu.vector_load %arg10[%get3A_1898] {strides = array<i32>} : memref<8192xf32, #tpu.memory_space<vmem>>, vector<16xf32>,
        %mul3A_1900 = arith.constant 6.553700e+04 : f32
        %mul3A_1901 = vector.broadcast %mul3A_1900 : f32 to vector<16xf32>
        %mul3A_1902 = arith.mulf %get3A_1899, %mul3A_1901 : vector<16xf32>
        %sub3A_1903 = arith.subf %mul3A_1902, %get3A_1899 : vector<16xf32>
        %sub3A_1904 = arith.subf %mul3A_1902, %sub3A_1903 : vector<16xf32>
        %add3A_1905 = arith.constant 128 : i32
        %add3A_1906 = arith.addi %add3A_1412, %add3A_1905 : i32
        %get3A_1907 = arith.index_cast %add3A_1906 : i32 to index
        %get3A_1908 = tpu.vector_load %arg10[%get3A_1907] {strides = array<i32>} : memref<8192xf32, #tpu.memory_space<vmem>>, vector<16xf32>,
        %mul3A_1909 = arith.constant 6.553700e+04 : f32
        %mul3A_1910 = vector.broadcast %mul3A_1909 : f32 to vector<16xf32>
        %mul3A_1911 = arith.mulf %get3A_1908, %mul3A_1910 : vector<16xf32>
        %sub3A_1912 = arith.subf %mul3A_1911, %get3A_1908 : vector<16xf32>
        %sub3A_1913 = arith.subf %mul3A_1911, %sub3A_1912 : vector<16xf32>
        %add3A_1914 = arith.constant 256 : i32
        %add3A_1915 = arith.addi %add3A_1412, %add3A_1914 : i32
        %get3A_1916 = arith.index_cast %add3A_1915 : i32 to index
        %get3A_1917 = tpu.vector_load %arg10[%get3A_1916] {strides = array<i32>} : memref<8192xf32, #tpu.memory_space<vmem>>, vector<16xf32>,
        %mul3A_1918 = arith.constant 6.553700e+04 : f32
        %mul3A_1919 = vector.broadcast %mul3A_1918 : f32 to vector<16xf32>
        %mul3A_1920 = arith.mulf %get3A_1917, %mul3A_1919 : vector<16xf32>
        %sub3A_1921 = arith.subf %mul3A_1920, %get3A_1917 : vector<16xf32>
        %sub3A_1922 = arith.subf %mul3A_1920, %sub3A_1921 : vector<16xf32>
        %add3A_1923 = arith.constant 384 : i32
        %add3A_1924 = arith.addi %add3A_1412, %add3A_1923 : i32
        %get3A_1925 = arith.index_cast %add3A_1924 : i32 to index
        %get3A_1926 = tpu.vector_load %arg10[%get3A_1925] {strides = array<i32>} : memref<8192xf32, #tpu.memory_space<vmem>>, vector<16xf32>,
        %mul3A_1927 = arith.constant 6.553700e+04 : f32
        %mul3A_1928 = vector.broadcast %mul3A_1927 : f32 to vector<16xf32>
        %mul3A_1929 = arith.mulf %get3A_1926, %mul3A_1928 : vector<16xf32>
        %sub3A_1930 = arith.subf %mul3A_1929, %get3A_1926 : vector<16xf32>
        %sub3A_1931 = arith.subf %mul3A_1929, %sub3A_1930 : vector<16xf32>
        %add3A_1932 = arith.constant 512 : i32
        %add3A_1933 = arith.addi %add3A_1412, %add3A_1932 : i32
        %get3A_1934 = arith.index_cast %add3A_1933 : i32 to index
        %get3A_1935 = tpu.vector_load %arg10[%get3A_1934] {strides = array<i32>} : memref<8192xf32, #tpu.memory_space<vmem>>, vector<16xf32>,
        %mul3A_1936 = arith.constant 6.553700e+04 : f32
        %mul3A_1937 = vector.broadcast %mul3A_1936 : f32 to vector<16xf32>
        %mul3A_1938 = arith.mulf %get3A_1935, %mul3A_1937 : vector<16xf32>
        %sub3A_1939 = arith.subf %mul3A_1938, %get3A_1935 : vector<16xf32>
        %sub3A_1940 = arith.subf %mul3A_1938, %sub3A_1939 : vector<16xf32>
        %add3A_1941 = arith.constant 640 : i32
        %add3A_1942 = arith.addi %add3A_1412, %add3A_1941 : i32
        %get3A_1943 = arith.index_cast %add3A_1942 : i32 to index
        %get3A_1944 = tpu.vector_load %arg10[%get3A_1943] {strides = array<i32>} : memref<8192xf32, #tpu.memory_space<vmem>>, vector<16xf32>,
        %mul3A_1945 = arith.constant 6.553700e+04 : f32
        %mul3A_1946 = vector.broadcast %mul3A_1945 : f32 to vector<16xf32>
        %mul3A_1947 = arith.mulf %get3A_1944, %mul3A_1946 : vector<16xf32>
        %sub3A_1948 = arith.subf %mul3A_1947, %get3A_1944 : vector<16xf32>
        %sub3A_1949 = arith.subf %mul3A_1947, %sub3A_1948 : vector<16xf32>
        %add3A_1950 = arith.constant 768 : i32
        %add3A_1951 = arith.addi %add3A_1412, %add3A_1950 : i32
        %get3A_1952 = arith.index_cast %add3A_1951 : i32 to index
        %get3A_1953 = tpu.vector_load %arg10[%get3A_1952] {strides = array<i32>} : memref<8192xf32, #tpu.memory_space<vmem>>, vector<16xf32>,
        %mul3A_1954 = arith.constant 6.553700e+04 : f32
        %mul3A_1955 = vector.broadcast %mul3A_1954 : f32 to vector<16xf32>
        %mul3A_1956 = arith.mulf %get3A_1953, %mul3A_1955 : vector<16xf32>
        %sub3A_1957 = arith.subf %mul3A_1956, %get3A_1953 : vector<16xf32>
        %sub3A_1958 = arith.subf %mul3A_1956, %sub3A_1957 : vector<16xf32>
        %add3A_1959 = arith.constant 896 : i32
        %add3A_1960 = arith.addi %add3A_1412, %add3A_1959 : i32
        %get3A_1961 = arith.index_cast %add3A_1960 : i32 to index
        %get3A_1962 = tpu.vector_load %arg10[%get3A_1961] {strides = array<i32>} : memref<8192xf32, #tpu.memory_space<vmem>>, vector<16xf32>,
        %mul3A_1963 = arith.constant 6.553700e+04 : f32
        %mul3A_1964 = vector.broadcast %mul3A_1963 : f32 to vector<16xf32>
        %mul3A_1965 = arith.mulf %get3A_1962, %mul3A_1964 : vector<16xf32>
        %sub3A_1966 = arith.subf %mul3A_1965, %get3A_1962 : vector<16xf32>
        %sub3A_1967 = arith.subf %mul3A_1965, %sub3A_1966 : vector<16xf32>
        %add3A_1968 = arith.constant 0 : i32
        %add3A_1969 = arith.addi %add3A_1412, %add3A_1968 : i32
        %get3A_1970 = arith.index_cast %add3A_1969 : i32 to index
        %get3A_1971 = tpu.vector_load %arg11[%get3A_1970] {strides = array<i32>} : memref<8192xf32, #tpu.memory_space<vmem>>, vector<16xf32>,
        %mul3A_1972 = arith.constant 6.553700e+04 : f32
        %mul3A_1973 = vector.broadcast %mul3A_1972 : f32 to vector<16xf32>
        %mul3A_1974 = arith.mulf %get3A_1971, %mul3A_1973 : vector<16xf32>
        %sub3A_1975 = arith.subf %mul3A_1974, %get3A_1971 : vector<16xf32>
        %sub3A_1976 = arith.subf %mul3A_1974, %sub3A_1975 : vector<16xf32>
        %add3A_1977 = arith.constant 128 : i32
        %add3A_1978 = arith.addi %add3A_1412, %add3A_1977 : i32
        %get3A_1979 = arith.index_cast %add3A_1978 : i32 to index
        %get3A_1980 = tpu.vector_load %arg11[%get3A_1979] {strides = array<i32>} : memref<8192xf32, #tpu.memory_space<vmem>>, vector<16xf32>,
        %mul3A_1981 = arith.constant 6.553700e+04 : f32
        %mul3A_1982 = vector.broadcast %mul3A_1981 : f32 to vector<16xf32>
        %mul3A_1983 = arith.mulf %get3A_1980, %mul3A_1982 : vector<16xf32>
        %sub3A_1984 = arith.subf %mul3A_1983, %get3A_1980 : vector<16xf32>
        %sub3A_1985 = arith.subf %mul3A_1983, %sub3A_1984 : vector<16xf32>
        %add3A_1986 = arith.constant 256 : i32
        %add3A_1987 = arith.addi %add3A_1412, %add3A_1986 : i32
        %get3A_1988 = arith.index_cast %add3A_1987 : i32 to index
        %get3A_1989 = tpu.vector_load %arg11[%get3A_1988] {strides = array<i32>} : memref<8192xf32, #tpu.memory_space<vmem>>, vector<16xf32>,
        %mul3A_1990 = arith.constant 6.553700e+04 : f32
        %mul3A_1991 = vector.broadcast %mul3A_1990 : f32 to vector<16xf32>
        %mul3A_1992 = arith.mulf %get3A_1989, %mul3A_1991 : vector<16xf32>
        %sub3A_1993 = arith.subf %mul3A_1992, %get3A_1989 : vector<16xf32>
        %sub3A_1994 = arith.subf %mul3A_1992, %sub3A_1993 : vector<16xf32>
        %add3A_1995 = arith.constant 384 : i32
        %add3A_1996 = arith.addi %add3A_1412, %add3A_1995 : i32
        %get3A_1997 = arith.index_cast %add3A_1996 : i32 to index
        %get3A_1998 = tpu.vector_load %arg11[%get3A_1997] {strides = array<i32>} : memref<8192xf32, #tpu.memory_space<vmem>>, vector<16xf32>,
        %mul3A_1999 = arith.constant 6.553700e+04 : f32
        %mul3A_2000 = vector.broadcast %mul3A_1999 : f32 to vector<16xf32>
        %mul3A_2001 = arith.mulf %get3A_1998, %mul3A_2000 : vector<16xf32>
        %sub3A_2002 = arith.subf %mul3A_2001, %get3A_1998 : vector<16xf32>
        %sub3A_2003 = arith.subf %mul3A_2001, %sub3A_2002 : vector<16xf32>
        %add3A_2004 = arith.constant 512 : i32
        %add3A_2005 = arith.addi %add3A_1412, %add3A_2004 : i32
        %get3A_2006 = arith.index_cast %add3A_2005 : i32 to index
        %get3A_2007 = tpu.vector_load %arg11[%get3A_2006] {strides = array<i32>} : memref<8192xf32, #tpu.memory_space<vmem>>, vector<16xf32>,
        %mul3A_2008 = arith.constant 6.553700e+04 : f32
        %mul3A_2009 = vector.broadcast %mul3A_2008 : f32 to vector<16xf32>
        %mul3A_2010 = arith.mulf %get3A_2007, %mul3A_2009 : vector<16xf32>
        %sub3A_2011 = arith.subf %mul3A_2010, %get3A_2007 : vector<16xf32>
        %sub3A_2012 = arith.subf %mul3A_2010, %sub3A_2011 : vector<16xf32>
        %add3A_2013 = arith.constant 640 : i32
        %add3A_2014 = arith.addi %add3A_1412, %add3A_2013 : i32
        %get3A_2015 = arith.index_cast %add3A_2014 : i32 to index
        %get3A_2016 = tpu.vector_load %arg11[%get3A_2015] {strides = array<i32>} : memref<8192xf32, #tpu.memory_space<vmem>>, vector<16xf32>,
        %mul3A_2017 = arith.constant 6.553700e+04 : f32
        %mul3A_2018 = vector.broadcast %mul3A_2017 : f32 to vector<16xf32>
        %mul3A_2019 = arith.mulf %get3A_2016, %mul3A_2018 : vector<16xf32>
        %sub3A_2020 = arith.subf %mul3A_2019, %get3A_2016 : vector<16xf32>
        %sub3A_2021 = arith.subf %mul3A_2019, %sub3A_2020 : vector<16xf32>
        %add3A_2022 = arith.constant 768 : i32
        %add3A_2023 = arith.addi %add3A_1412, %add3A_2022 : i32
        %get3A_2024 = arith.index_cast %add3A_2023 : i32 to index
        %get3A_2025 = tpu.vector_load %arg11[%get3A_2024] {strides = array<i32>} : memref<8192xf32, #tpu.memory_space<vmem>>, vector<16xf32>,
        %mul3A_2026 = arith.constant 6.553700e+04 : f32
        %mul3A_2027 = vector.broadcast %mul3A_2026 : f32 to vector<16xf32>
        %mul3A_2028 = arith.mulf %get3A_2025, %mul3A_2027 : vector<16xf32>
        %sub3A_2029 = arith.subf %mul3A_2028, %get3A_2025 : vector<16xf32>
        %sub3A_2030 = arith.subf %mul3A_2028, %sub3A_2029 : vector<16xf32>
        %add3A_2031 = arith.constant 896 : i32
        %add3A_2032 = arith.addi %add3A_1412, %add3A_2031 : i32
        %get3A_2033 = arith.index_cast %add3A_2032 : i32 to index
        %get3A_2034 = tpu.vector_load %arg11[%get3A_2033] {strides = array<i32>} : memref<8192xf32, #tpu.memory_space<vmem>>, vector<16xf32>,
        %mul3A_2035 = arith.constant 6.553700e+04 : f32
        %mul3A_2036 = vector.broadcast %mul3A_2035 : f32 to vector<16xf32>
        %mul3A_2037 = arith.mulf %get3A_2034, %mul3A_2036 : vector<16xf32>
        %sub3A_2038 = arith.subf %mul3A_2037, %get3A_2034 : vector<16xf32>
        %sub3A_2039 = arith.subf %mul3A_2037, %sub3A_2038 : vector<16xf32>
        %mul3A_2040 = arith.constant 1024 : i32
        %mul3A_2041 = arith.muli %scan3A_1328, %mul3A_2040 : i32
        %mul3A_2042 = arith.constant 4 : i32
        %mul3A_2043 = arith.muli %mul3A_2042, %scan3A_1376 : i32
        %add3A_2044 = arith.constant 0 : i32
        %add3A_2045 = arith.addi %mul3A_2043, %add3A_2044 : i32
        %mul3A_2046 = arith.constant 16 : i32
        %mul3A_2047 = arith.muli %add3A_2045, %mul3A_2046 : i32
        %add3A_2048 = arith.addi %mul3A_2041, %mul3A_2047 : i32
        %mul3A_2049 = arith.constant 1024 : i32
        %mul3A_2050 = arith.muli %scan3A_1328, %mul3A_2049 : i32
        %mul3A_2051 = arith.constant 4 : i32
        %mul3A_2052 = arith.muli %mul3A_2051, %scan3A_1376 : i32
        %add3A_2053 = arith.constant 1 : i32
        %add3A_2054 = arith.addi %mul3A_2052, %add3A_2053 : i32
        %mul3A_2055 = arith.constant 16 : i32
        %mul3A_2056 = arith.muli %add3A_2054, %mul3A_2055 : i32
        %add3A_2057 = arith.addi %mul3A_2050, %mul3A_2056 : i32
        %mul3A_2058 = arith.constant 1024 : i32
        %mul3A_2059 = arith.muli %scan3A_1328, %mul3A_2058 : i32
        %mul3A_2060 = arith.constant 4 : i32
        %mul3A_2061 = arith.muli %mul3A_2060, %scan3A_1376 : i32
        %add3A_2062 = arith.constant 2 : i32
        %add3A_2063 = arith.addi %mul3A_2061, %add3A_2062 : i32
        %mul3A_2064 = arith.constant 16 : i32
        %mul3A_2065 = arith.muli %add3A_2063, %mul3A_2064 : i32
        %add3A_2066 = arith.addi %mul3A_2059, %mul3A_2065 : i32
        %mul3A_2067 = arith.constant 1024 : i32
        %mul3A_2068 = arith.muli %scan3A_1328, %mul3A_2067 : i32
        %mul3A_2069 = arith.constant 4 : i32
        %mul3A_2070 = arith.muli %mul3A_2069, %scan3A_1376 : i32
        %add3A_2071 = arith.constant 3 : i32
        %add3A_2072 = arith.addi %mul3A_2070, %add3A_2071 : i32
        %mul3A_2073 = arith.constant 16 : i32
        %mul3A_2074 = arith.muli %add3A_2072, %mul3A_2073 : i32
        %add3A_2075 = arith.addi %mul3A_2068, %mul3A_2074 : i32
        %get3A_2076 = arith.constant 0 : index
        %get3A_2077 = tpu.vector_load %arg14[%get3A_2076] {strides = array<i32>} : memref<2048xf32, #tpu.memory_space<vmem>>, vector<16xf32>,
        %mul3A_2078 = arith.mulf %sub3A_1433, %get3A_2077 : vector<16xf32>
        %mul3A_2079 = arith.mulf %sub3A_1590, %get3A_2077 : vector<16xf32>
        %mul3A_2080 = arith.mulf %sub3A_1747, %get3A_2077 : vector<16xf32>
        %mul3A_2081 = arith.mulf %sub3A_1904, %get3A_2077 : vector<16xf32>
        %get3A_2082 = arith.constant 16 : index
        %get3A_2083 = tpu.vector_load %arg14[%get3A_2082] {strides = array<i32>} : memref<2048xf32, #tpu.memory_space<vmem>>, vector<16xf32>,
        %mul3A_2084 = arith.mulf %sub3A_1442, %get3A_2083 : vector<16xf32>
        %add3A_2085 = arith.addf %mul3A_2078, %mul3A_2084 : vector<16xf32>
        %mul3A_2086 = arith.mulf %sub3A_1599, %get3A_2083 : vector<16xf32>
        %add3A_2087 = arith.addf %mul3A_2079, %mul3A_2086 : vector<16xf32>
        %mul3A_2088 = arith.mulf %sub3A_1756, %get3A_2083 : vector<16xf32>
        %add3A_2089 = arith.addf %mul3A_2080, %mul3A_2088 : vector<16xf32>
        %mul3A_2090 = arith.mulf %sub3A_1913, %get3A_2083 : vector<16xf32>
        %add3A_2091 = arith.addf %mul3A_2081, %mul3A_2090 : vector<16xf32>
        %get3A_2092 = arith.constant 32 : index
        %get3A_2093 = tpu.vector_load %arg14[%get3A_2092] {strides = array<i32>} : memref<2048xf32, #tpu.memory_space<vmem>>, vector<16xf32>,
        %mul3A_2094 = arith.mulf %sub3A_1451, %get3A_2093 : vector<16xf32>
        %add3A_2095 = arith.addf %add3A_2085, %mul3A_2094 : vector<16xf32>
        %mul3A_2096 = arith.mulf %sub3A_1608, %get3A_2093 : vector<16xf32>
        %add3A_2097 = arith.addf %add3A_2087, %mul3A_2096 : vector<16xf32>
        %mul3A_2098 = arith.mulf %sub3A_1765, %get3A_2093 : vector<16xf32>
        %add3A_2099 = arith.addf %add3A_2089, %mul3A_2098 : vector<16xf32>
        %mul3A_2100 = arith.mulf %sub3A_1922, %get3A_2093 : vector<16xf32>
        %add3A_2101 = arith.addf %add3A_2091, %mul3A_2100 : vector<16xf32>
        %get3A_2102 = arith.constant 48 : index
        %get3A_2103 = tpu.vector_load %arg14[%get3A_2102] {strides = array<i32>} : memref<2048xf32, #tpu.memory_space<vmem>>, vector<16xf32>,
        %mul3A_2104 = arith.mulf %sub3A_1460, %get3A_2103 : vector<16xf32>
        %add3A_2105 = arith.addf %add3A_2095, %mul3A_2104 : vector<16xf32>
        %mul3A_2106 = arith.mulf %sub3A_1617, %get3A_2103 : vector<16xf32>
        %add3A_2107 = arith.addf %add3A_2097, %mul3A_2106 : vector<16xf32>
        %mul3A_2108 = arith.mulf %sub3A_1774, %get3A_2103 : vector<16xf32>
        %add3A_2109 = arith.addf %add3A_2099, %mul3A_2108 : vector<16xf32>
        %mul3A_2110 = arith.mulf %sub3A_1931, %get3A_2103 : vector<16xf32>
        %add3A_2111 = arith.addf %add3A_2101, %mul3A_2110 : vector<16xf32>
        %get3A_2112 = arith.constant 64 : index
        %get3A_2113 = tpu.vector_load %arg14[%get3A_2112] {strides = array<i32>} : memref<2048xf32, #tpu.memory_space<vmem>>, vector<16xf32>,
        %mul3A_2114 = arith.mulf %sub3A_1469, %get3A_2113 : vector<16xf32>
        %add3A_2115 = arith.addf %add3A_2105, %mul3A_2114 : vector<16xf32>
        %mul3A_2116 = arith.mulf %sub3A_1626, %get3A_2113 : vector<16xf32>
        %add3A_2117 = arith.addf %add3A_2107, %mul3A_2116 : vector<16xf32>
        %mul3A_2118 = arith.mulf %sub3A_1783, %get3A_2113 : vector<16xf32>
        %add3A_2119 = arith.addf %add3A_2109, %mul3A_2118 : vector<16xf32>
        %mul3A_2120 = arith.mulf %sub3A_1940, %get3A_2113 : vector<16xf32>
        %add3A_2121 = arith.addf %add3A_2111, %mul3A_2120 : vector<16xf32>
        %get3A_2122 = arith.constant 80 : index
        %get3A_2123 = tpu.vector_load %arg14[%get3A_2122] {strides = array<i32>} : memref<2048xf32, #tpu.memory_space<vmem>>, vector<16xf32>,
        %mul3A_2124 = arith.mulf %sub3A_1478, %get3A_2123 : vector<16xf32>
        %add3A_2125 = arith.addf %add3A_2115, %mul3A_2124 : vector<16xf32>
        %mul3A_2126 = arith.mulf %sub3A_1635, %get3A_2123 : vector<16xf32>
        %add3A_2127 = arith.addf %add3A_2117, %mul3A_2126 : vector<16xf32>
        %mul3A_2128 = arith.mulf %sub3A_1792, %get3A_2123 : vector<16xf32>
        %add3A_2129 = arith.addf %add3A_2119, %mul3A_2128 : vector<16xf32>
        %mul3A_2130 = arith.mulf %sub3A_1949, %get3A_2123 : vector<16xf32>
        %add3A_2131 = arith.addf %add3A_2121, %mul3A_2130 : vector<16xf32>
        %get3A_2132 = arith.constant 96 : index
        %get3A_2133 = tpu.vector_load %arg14[%get3A_2132] {strides = array<i32>} : memref<2048xf32, #tpu.memory_space<vmem>>, vector<16xf32>,
        %mul3A_2134 = arith.mulf %sub3A_1487, %get3A_2133 : vector<16xf32>
        %add3A_2135 = arith.addf %add3A_2125, %mul3A_2134 : vector<16xf32>
        %mul3A_2136 = arith.mulf %sub3A_1644, %get3A_2133 : vector<16xf32>
        %add3A_2137 = arith.addf %add3A_2127, %mul3A_2136 : vector<16xf32>
        %mul3A_2138 = arith.mulf %sub3A_1801, %get3A_2133 : vector<16xf32>
        %add3A_2139 = arith.addf %add3A_2129, %mul3A_2138 : vector<16xf32>
        %mul3A_2140 = arith.mulf %sub3A_1958, %get3A_2133 : vector<16xf32>
        %add3A_2141 = arith.addf %add3A_2131, %mul3A_2140 : vector<16xf32>
        %get3A_2142 = arith.constant 112 : index
        %get3A_2143 = tpu.vector_load %arg14[%get3A_2142] {strides = array<i32>} : memref<2048xf32, #tpu.memory_space<vmem>>, vector<16xf32>,
        %mul3A_2144 = arith.mulf %sub3A_1496, %get3A_2143 : vector<16xf32>
        %add3A_2145 = arith.addf %add3A_2135, %mul3A_2144 : vector<16xf32>
        %mul3A_2146 = arith.mulf %sub3A_1653, %get3A_2143 : vector<16xf32>
        %add3A_2147 = arith.addf %add3A_2137, %mul3A_2146 : vector<16xf32>
        %mul3A_2148 = arith.mulf %sub3A_1810, %get3A_2143 : vector<16xf32>
        %add3A_2149 = arith.addf %add3A_2139, %mul3A_2148 : vector<16xf32>
        %mul3A_2150 = arith.mulf %sub3A_1967, %get3A_2143 : vector<16xf32>
        %add3A_2151 = arith.addf %add3A_2141, %mul3A_2150 : vector<16xf32>
        %get3A_2152 = arith.constant 128 : index
        %get3A_2153 = tpu.vector_load %arg14[%get3A_2152] {strides = array<i32>} : memref<2048xf32, #tpu.memory_space<vmem>>, vector<16xf32>,
        %mul3A_2154 = arith.mulf %sub3A_1505, %get3A_2153 : vector<16xf32>
        %add3A_2155 = arith.addf %add3A_2145, %mul3A_2154 : vector<16xf32>
        %mul3A_2156 = arith.mulf %sub3A_1662, %get3A_2153 : vector<16xf32>
        %add3A_2157 = arith.addf %add3A_2147, %mul3A_2156 : vector<16xf32>
        %mul3A_2158 = arith.mulf %sub3A_1819, %get3A_2153 : vector<16xf32>
        %add3A_2159 = arith.addf %add3A_2149, %mul3A_2158 : vector<16xf32>
        %mul3A_2160 = arith.mulf %sub3A_1976, %get3A_2153 : vector<16xf32>
        %add3A_2161 = arith.addf %add3A_2151, %mul3A_2160 : vector<16xf32>
        %get3A_2162 = arith.constant 144 : index
        %get3A_2163 = tpu.vector_load %arg14[%get3A_2162] {strides = array<i32>} : memref<2048xf32, #tpu.memory_space<vmem>>, vector<16xf32>,
        %mul3A_2164 = arith.mulf %sub3A_1514, %get3A_2163 : vector<16xf32>
        %add3A_2165 = arith.addf %add3A_2155, %mul3A_2164 : vector<16xf32>
        %mul3A_2166 = arith.mulf %sub3A_1671, %get3A_2163 : vector<16xf32>
        %add3A_2167 = arith.addf %add3A_2157, %mul3A_2166 : vector<16xf32>
        %mul3A_2168 = arith.mulf %sub3A_1828, %get3A_2163 : vector<16xf32>
        %add3A_2169 = arith.addf %add3A_2159, %mul3A_2168 : vector<16xf32>
        %mul3A_2170 = arith.mulf %sub3A_1985, %get3A_2163 : vector<16xf32>
        %add3A_2171 = arith.addf %add3A_2161, %mul3A_2170 : vector<16xf32>
        %get3A_2172 = arith.constant 160 : index
        %get3A_2173 = tpu.vector_load %arg14[%get3A_2172] {strides = array<i32>} : memref<2048xf32, #tpu.memory_space<vmem>>, vector<16xf32>,
        %mul3A_2174 = arith.mulf %sub3A_1523, %get3A_2173 : vector<16xf32>
        %add3A_2175 = arith.addf %add3A_2165, %mul3A_2174 : vector<16xf32>
        %mul3A_2176 = arith.mulf %sub3A_1680, %get3A_2173 : vector<16xf32>
        %add3A_2177 = arith.addf %add3A_2167, %mul3A_2176 : vector<16xf32>
        %mul3A_2178 = arith.mulf %sub3A_1837, %get3A_2173 : vector<16xf32>
        %add3A_2179 = arith.addf %add3A_2169, %mul3A_2178 : vector<16xf32>
        %mul3A_2180 = arith.mulf %sub3A_1994, %get3A_2173 : vector<16xf32>
        %add3A_2181 = arith.addf %add3A_2171, %mul3A_2180 : vector<16xf32>
        %get3A_2182 = arith.constant 176 : index
        %get3A_2183 = tpu.vector_load %arg14[%get3A_2182] {strides = array<i32>} : memref<2048xf32, #tpu.memory_space<vmem>>, vector<16xf32>,
        %mul3A_2184 = arith.mulf %sub3A_1532, %get3A_2183 : vector<16xf32>
        %add3A_2185 = arith.addf %add3A_2175, %mul3A_2184 : vector<16xf32>
        %mul3A_2186 = arith.mulf %sub3A_1689, %get3A_2183 : vector<16xf32>
        %add3A_2187 = arith.addf %add3A_2177, %mul3A_2186 : vector<16xf32>
        %mul3A_2188 = arith.mulf %sub3A_1846, %get3A_2183 : vector<16xf32>
        %add3A_2189 = arith.addf %add3A_2179, %mul3A_2188 : vector<16xf32>
        %mul3A_2190 = arith.mulf %sub3A_2003, %get3A_2183 : vector<16xf32>
        %add3A_2191 = arith.addf %add3A_2181, %mul3A_2190 : vector<16xf32>
        %get3A_2192 = arith.constant 192 : index
        %get3A_2193 = tpu.vector_load %arg14[%get3A_2192] {strides = array<i32>} : memref<2048xf32, #tpu.memory_space<vmem>>, vector<16xf32>,
        %mul3A_2194 = arith.mulf %sub3A_1541, %get3A_2193 : vector<16xf32>
        %add3A_2195 = arith.addf %add3A_2185, %mul3A_2194 : vector<16xf32>
        %mul3A_2196 = arith.mulf %sub3A_1698, %get3A_2193 : vector<16xf32>
        %add3A_2197 = arith.addf %add3A_2187, %mul3A_2196 : vector<16xf32>
        %mul3A_2198 = arith.mulf %sub3A_1855, %get3A_2193 : vector<16xf32>
        %add3A_2199 = arith.addf %add3A_2189, %mul3A_2198 : vector<16xf32>
        %mul3A_2200 = arith.mulf %sub3A_2012, %get3A_2193 : vector<16xf32>
        %add3A_2201 = arith.addf %add3A_2191, %mul3A_2200 : vector<16xf32>
        %get3A_2202 = arith.constant 208 : index
        %get3A_2203 = tpu.vector_load %arg14[%get3A_2202] {strides = array<i32>} : memref<2048xf32, #tpu.memory_space<vmem>>, vector<16xf32>,
        %mul3A_2204 = arith.mulf %sub3A_1550, %get3A_2203 : vector<16xf32>
        %add3A_2205 = arith.addf %add3A_2195, %mul3A_2204 : vector<16xf32>
        %mul3A_2206 = arith.mulf %sub3A_1707, %get3A_2203 : vector<16xf32>
        %add3A_2207 = arith.addf %add3A_2197, %mul3A_2206 : vector<16xf32>
        %mul3A_2208 = arith.mulf %sub3A_1864, %get3A_2203 : vector<16xf32>
        %add3A_2209 = arith.addf %add3A_2199, %mul3A_2208 : vector<16xf32>
        %mul3A_2210 = arith.mulf %sub3A_2021, %get3A_2203 : vector<16xf32>
        %add3A_2211 = arith.addf %add3A_2201, %mul3A_2210 : vector<16xf32>
        %get3A_2212 = arith.constant 224 : index
        %get3A_2213 = tpu.vector_load %arg14[%get3A_2212] {strides = array<i32>} : memref<2048xf32, #tpu.memory_space<vmem>>, vector<16xf32>,
        %mul3A_2214 = arith.mulf %sub3A_1559, %get3A_2213 : vector<16xf32>
        %add3A_2215 = arith.addf %add3A_2205, %mul3A_2214 : vector<16xf32>
        %mul3A_2216 = arith.mulf %sub3A_1716, %get3A_2213 : vector<16xf32>
        %add3A_2217 = arith.addf %add3A_2207, %mul3A_2216 : vector<16xf32>
        %mul3A_2218 = arith.mulf %sub3A_1873, %get3A_2213 : vector<16xf32>
        %add3A_2219 = arith.addf %add3A_2209, %mul3A_2218 : vector<16xf32>
        %mul3A_2220 = arith.mulf %sub3A_2030, %get3A_2213 : vector<16xf32>
        %add3A_2221 = arith.addf %add3A_2211, %mul3A_2220 : vector<16xf32>
        %get3A_2222 = arith.constant 240 : index
        %get3A_2223 = tpu.vector_load %arg14[%get3A_2222] {strides = array<i32>} : memref<2048xf32, #tpu.memory_space<vmem>>, vector<16xf32>,
        %mul3A_2224 = arith.mulf %sub3A_1568, %get3A_2223 : vector<16xf32>
        %add3A_2225 = arith.addf %add3A_2215, %mul3A_2224 : vector<16xf32>
        %mul3A_2226 = arith.mulf %sub3A_1725, %get3A_2223 : vector<16xf32>
        %add3A_2227 = arith.addf %add3A_2217, %mul3A_2226 : vector<16xf32>
        %mul3A_2228 = arith.mulf %sub3A_1882, %get3A_2223 : vector<16xf32>
        %add3A_2229 = arith.addf %add3A_2219, %mul3A_2228 : vector<16xf32>
        %mul3A_2230 = arith.mulf %sub3A_2039, %get3A_2223 : vector<16xf32>
        %add3A_2231 = arith.addf %add3A_2221, %mul3A_2230 : vector<16xf32>
        %select_n3A_2232 = arith.select %lt3A_1424, %broadcast_in_dim3A_874, %broadcast_in_dim3A_880 : vector<16xi1>, vector<16xf32>
        %mul3A_2233 = arith.mulf %get3A_209, %select_n3A_2232 : vector<16xf32>
        %mul3A_2234 = arith.mulf %get3A_211, %add3A_2225 : vector<16xf32>
        %add3A_2235 = arith.addf %mul3A_2233, %mul3A_2234 : vector<16xf32>
        %add3A_2236 = arith.constant 0 : i32
        %add3A_2237 = arith.addi %add3A_2048, %add3A_2236 : i32
        %swap3A_2238 = arith.index_cast %add3A_2237 : i32 to index
        %swap3A_2239 = tpu.vector_load %arg15[%swap3A_2238] {strides = array<i32>} : memref<8192xf32, #tpu.memory_space<vmem>>, vector<16xf32>,
        tpu.vector_store %arg15[%swap3A_2238], %select_n3A_2232 {strides = array<i32>} : memref<8192xf32, #tpu.memory_space<vmem>>, vector<16xf32>,
        %add3A_2240 = arith.constant 0 : i32
        %add3A_2241 = arith.addi %add3A_2048, %add3A_2240 : i32
        %swap3A_2242 = arith.index_cast %add3A_2241 : i32 to index
        %swap3A_2243 = tpu.vector_load %arg16[%swap3A_2242] {strides = array<i32>} : memref<8192xf32, #tpu.memory_space<vmem>>, vector<16xf32>,
        tpu.vector_store %arg16[%swap3A_2242], %add3A_2225 {strides = array<i32>} : memref<8192xf32, #tpu.memory_space<vmem>>, vector<16xf32>,
        %add3A_2244 = arith.constant 0 : i32
        %add3A_2245 = arith.addi %add3A_2048, %add3A_2244 : i32
        %swap3A_2246 = arith.index_cast %add3A_2245 : i32 to index
        %swap3A_2247 = tpu.vector_load %arg17[%swap3A_2246] {strides = array<i32>} : memref<8192xf32, #tpu.memory_space<vmem>>, vector<16xf32>,
        tpu.vector_store %arg17[%swap3A_2246], %add3A_2235 {strides = array<i32>} : memref<8192xf32, #tpu.memory_space<vmem>>, vector<16xf32>,
        %broadcast_in_dim3A_2248 = arith.constant 0 : i32
        %broadcast_in_dim3A_2249 = vector.broadcast %broadcast_in_dim3A_2248 : i32 to vector<16xi32>
        %select_n3A_2250 = arith.select %lt3A_1581, %broadcast_in_dim3A_874, %broadcast_in_dim3A_880 : vector<16xi1>, vector<16xf32>
        %mul3A_2251 = arith.mulf %get3A_209, %select_n3A_2250 : vector<16xf32>
        %mul3A_2252 = arith.mulf %get3A_211, %add3A_2227 : vector<16xf32>
        %add3A_2253 = arith.addf %mul3A_2251, %mul3A_2252 : vector<16xf32>
        %add3A_2254 = arith.constant 0 : i32
        %add3A_2255 = arith.addi %add3A_2057, %add3A_2254 : i32
        %swap3A_2256 = arith.index_cast %add3A_2255 : i32 to index
        %swap3A_2257 = tpu.vector_load %arg15[%swap3A_2256] {strides = array<i32>} : memref<8192xf32, #tpu.memory_space<vmem>>, vector<16xf32>,
        tpu.vector_store %arg15[%swap3A_2256], %select_n3A_2250 {strides = array<i32>} : memref<8192xf32, #tpu.memory_space<vmem>>, vector<16xf32>,
        %add3A_2258 = arith.constant 0 : i32
        %add3A_2259 = arith.addi %add3A_2057, %add3A_2258 : i32
        %swap3A_2260 = arith.index_cast %add3A_2259 : i32 to index
        %swap3A_2261 = tpu.vector_load %arg16[%swap3A_2260] {strides = array<i32>} : memref<8192xf32, #tpu.memory_space<vmem>>, vector<16xf32>,
        tpu.vector_store %arg16[%swap3A_2260], %add3A_2227 {strides = array<i32>} : memref<8192xf32, #tpu.memory_space<vmem>>, vector<16xf32>,
        %add3A_2262 = arith.constant 0 : i32
        %add3A_2263 = arith.addi %add3A_2057, %add3A_2262 : i32
        %swap3A_2264 = arith.index_cast %add3A_2263 : i32 to index
        %swap3A_2265 = tpu.vector_load %arg17[%swap3A_2264] {strides = array<i32>} : memref<8192xf32, #tpu.memory_space<vmem>>, vector<16xf32>,
        tpu.vector_store %arg17[%swap3A_2264], %add3A_2253 {strides = array<i32>} : memref<8192xf32, #tpu.memory_space<vmem>>, vector<16xf32>,
        %broadcast_in_dim3A_2266 = arith.constant 0 : i32
        %broadcast_in_dim3A_2267 = vector.broadcast %broadcast_in_dim3A_2266 : i32 to vector<16xi32>
        %select_n3A_2268 = arith.select %lt3A_1738, %broadcast_in_dim3A_874, %broadcast_in_dim3A_880 : vector<16xi1>, vector<16xf32>
        %mul3A_2269 = arith.mulf %get3A_209, %select_n3A_2268 : vector<16xf32>
        %mul3A_2270 = arith.mulf %get3A_211, %add3A_2229 : vector<16xf32>
        %add3A_2271 = arith.addf %mul3A_2269, %mul3A_2270 : vector<16xf32>
        %add3A_2272 = arith.constant 0 : i32
        %add3A_2273 = arith.addi %add3A_2066, %add3A_2272 : i32
        %swap3A_2274 = arith.index_cast %add3A_2273 : i32 to index
        %swap3A_2275 = tpu.vector_load %arg15[%swap3A_2274] {strides = array<i32>} : memref<8192xf32, #tpu.memory_space<vmem>>, vector<16xf32>,
        tpu.vector_store %arg15[%swap3A_2274], %select_n3A_2268 {strides = array<i32>} : memref<8192xf32, #tpu.memory_space<vmem>>, vector<16xf32>,
        %add3A_2276 = arith.constant 0 : i32
        %add3A_2277 = arith.addi %add3A_2066, %add3A_2276 : i32
        %swap3A_2278 = arith.index_cast %add3A_2277 : i32 to index
        %swap3A_2279 = tpu.vector_load %arg16[%swap3A_2278] {strides = array<i32>} : memref<8192xf32, #tpu.memory_space<vmem>>, vector<16xf32>,
        tpu.vector_store %arg16[%swap3A_2278], %add3A_2229 {strides = array<i32>} : memref<8192xf32, #tpu.memory_space<vmem>>, vector<16xf32>,
        %add3A_2280 = arith.constant 0 : i32
        %add3A_2281 = arith.addi %add3A_2066, %add3A_2280 : i32
        %swap3A_2282 = arith.index_cast %add3A_2281 : i32 to index
        %swap3A_2283 = tpu.vector_load %arg17[%swap3A_2282] {strides = array<i32>} : memref<8192xf32, #tpu.memory_space<vmem>>, vector<16xf32>,
        tpu.vector_store %arg17[%swap3A_2282], %add3A_2271 {strides = array<i32>} : memref<8192xf32, #tpu.memory_space<vmem>>, vector<16xf32>,
        %broadcast_in_dim3A_2284 = arith.constant 0 : i32
        %broadcast_in_dim3A_2285 = vector.broadcast %broadcast_in_dim3A_2284 : i32 to vector<16xi32>
        %select_n3A_2286 = arith.select %lt3A_1895, %broadcast_in_dim3A_874, %broadcast_in_dim3A_880 : vector<16xi1>, vector<16xf32>
        %mul3A_2287 = arith.mulf %get3A_209, %select_n3A_2286 : vector<16xf32>
        %mul3A_2288 = arith.mulf %get3A_211, %add3A_2231 : vector<16xf32>
        %add3A_2289 = arith.addf %mul3A_2287, %mul3A_2288 : vector<16xf32>
        %add3A_2290 = arith.constant 0 : i32
        %add3A_2291 = arith.addi %add3A_2075, %add3A_2290 : i32
        %swap3A_2292 = arith.index_cast %add3A_2291 : i32 to index
        %swap3A_2293 = tpu.vector_load %arg15[%swap3A_2292] {strides = array<i32>} : memref<8192xf32, #tpu.memory_space<vmem>>, vector<16xf32>,
        tpu.vector_store %arg15[%swap3A_2292], %select_n3A_2286 {strides = array<i32>} : memref<8192xf32, #tpu.memory_space<vmem>>, vector<16xf32>,
        %add3A_2294 = arith.constant 0 : i32
        %add3A_2295 = arith.addi %add3A_2075, %add3A_2294 : i32
        %swap3A_2296 = arith.index_cast %add3A_2295 : i32 to index
        %swap3A_2297 = tpu.vector_load %arg16[%swap3A_2296] {strides = array<i32>} : memref<8192xf32, #tpu.memory_space<vmem>>, vector<16xf32>,
        tpu.vector_store %arg16[%swap3A_2296], %add3A_2231 {strides = array<i32>} : memref<8192xf32, #tpu.memory_space<vmem>>, vector<16xf32>,
        %add3A_2298 = arith.constant 0 : i32
        %add3A_2299 = arith.addi %add3A_2075, %add3A_2298 : i32
        %swap3A_2300 = arith.index_cast %add3A_2299 : i32 to index
        %swap3A_2301 = tpu.vector_load %arg17[%swap3A_2300] {strides = array<i32>} : memref<8192xf32, #tpu.memory_space<vmem>>, vector<16xf32>,
        tpu.vector_store %arg17[%swap3A_2300], %add3A_2289 {strides = array<i32>} : memref<8192xf32, #tpu.memory_space<vmem>>, vector<16xf32>,
        %broadcast_in_dim3A_2302 = arith.constant 0 : i32
        %broadcast_in_dim3A_2303 = vector.broadcast %broadcast_in_dim3A_2302 : i32 to vector<16xi32>
        %get3A_2304 = arith.constant 256 : index
        %get3A_2305 = tpu.vector_load %arg14[%get3A_2304] {strides = array<i32>} : memref<2048xf32, #tpu.memory_space<vmem>>, vector<16xf32>,
        %mul3A_2306 = arith.mulf %sub3A_1433, %get3A_2305 : vector<16xf32>
        %mul3A_2307 = arith.mulf %sub3A_1590, %get3A_2305 : vector<16xf32>
        %mul3A_2308 = arith.mulf %sub3A_1747, %get3A_2305 : vector<16xf32>
        %mul3A_2309 = arith.mulf %sub3A_1904, %get3A_2305 : vector<16xf32>
        %get3A_2310 = arith.constant 272 : index
        %get3A_2311 = tpu.vector_load %arg14[%get3A_2310] {strides = array<i32>} : memref<2048xf32, #tpu.memory_space<vmem>>, vector<16xf32>,
        %mul3A_2312 = arith.mulf %sub3A_1442, %get3A_2311 : vector<16xf32>
        %add3A_2313 = arith.addf %mul3A_2306, %mul3A_2312 : vector<16xf32>
        %mul3A_2314 = arith.mulf %sub3A_1599, %get3A_2311 : vector<16xf32>
        %add3A_2315 = arith.addf %mul3A_2307, %mul3A_2314 : vector<16xf32>
        %mul3A_2316 = arith.mulf %sub3A_1756, %get3A_2311 : vector<16xf32>
        %add3A_2317 = arith.addf %mul3A_2308, %mul3A_2316 : vector<16xf32>
        %mul3A_2318 = arith.mulf %sub3A_1913, %get3A_2311 : vector<16xf32>
        %add3A_2319 = arith.addf %mul3A_2309, %mul3A_2318 : vector<16xf32>
        %get3A_2320 = arith.constant 288 : index
        %get3A_2321 = tpu.vector_load %arg14[%get3A_2320] {strides = array<i32>} : memref<2048xf32, #tpu.memory_space<vmem>>, vector<16xf32>,
        %mul3A_2322 = arith.mulf %sub3A_1451, %get3A_2321 : vector<16xf32>
        %add3A_2323 = arith.addf %add3A_2313, %mul3A_2322 : vector<16xf32>
        %mul3A_2324 = arith.mulf %sub3A_1608, %get3A_2321 : vector<16xf32>
        %add3A_2325 = arith.addf %add3A_2315, %mul3A_2324 : vector<16xf32>
        %mul3A_2326 = arith.mulf %sub3A_1765, %get3A_2321 : vector<16xf32>
        %add3A_2327 = arith.addf %add3A_2317, %mul3A_2326 : vector<16xf32>
        %mul3A_2328 = arith.mulf %sub3A_1922, %get3A_2321 : vector<16xf32>
        %add3A_2329 = arith.addf %add3A_2319, %mul3A_2328 : vector<16xf32>
        %get3A_2330 = arith.constant 304 : index
        %get3A_2331 = tpu.vector_load %arg14[%get3A_2330] {strides = array<i32>} : memref<2048xf32, #tpu.memory_space<vmem>>, vector<16xf32>,
        %mul3A_2332 = arith.mulf %sub3A_1460, %get3A_2331 : vector<16xf32>
        %add3A_2333 = arith.addf %add3A_2323, %mul3A_2332 : vector<16xf32>
        %mul3A_2334 = arith.mulf %sub3A_1617, %get3A_2331 : vector<16xf32>
        %add3A_2335 = arith.addf %add3A_2325, %mul3A_2334 : vector<16xf32>
        %mul3A_2336 = arith.mulf %sub3A_1774, %get3A_2331 : vector<16xf32>
        %add3A_2337 = arith.addf %add3A_2327, %mul3A_2336 : vector<16xf32>
        %mul3A_2338 = arith.mulf %sub3A_1931, %get3A_2331 : vector<16xf32>
        %add3A_2339 = arith.addf %add3A_2329, %mul3A_2338 : vector<16xf32>
        %get3A_2340 = arith.constant 320 : index
        %get3A_2341 = tpu.vector_load %arg14[%get3A_2340] {strides = array<i32>} : memref<2048xf32, #tpu.memory_space<vmem>>, vector<16xf32>,
        %mul3A_2342 = arith.mulf %sub3A_1469, %get3A_2341 : vector<16xf32>
        %add3A_2343 = arith.addf %add3A_2333, %mul3A_2342 : vector<16xf32>
        %mul3A_2344 = arith.mulf %sub3A_1626, %get3A_2341 : vector<16xf32>
        %add3A_2345 = arith.addf %add3A_2335, %mul3A_2344 : vector<16xf32>
        %mul3A_2346 = arith.mulf %sub3A_1783, %get3A_2341 : vector<16xf32>
        %add3A_2347 = arith.addf %add3A_2337, %mul3A_2346 : vector<16xf32>
        %mul3A_2348 = arith.mulf %sub3A_1940, %get3A_2341 : vector<16xf32>
        %add3A_2349 = arith.addf %add3A_2339, %mul3A_2348 : vector<16xf32>
        %get3A_2350 = arith.constant 336 : index
        %get3A_2351 = tpu.vector_load %arg14[%get3A_2350] {strides = array<i32>} : memref<2048xf32, #tpu.memory_space<vmem>>, vector<16xf32>,
        %mul3A_2352 = arith.mulf %sub3A_1478, %get3A_2351 : vector<16xf32>
        %add3A_2353 = arith.addf %add3A_2343, %mul3A_2352 : vector<16xf32>
        %mul3A_2354 = arith.mulf %sub3A_1635, %get3A_2351 : vector<16xf32>
        %add3A_2355 = arith.addf %add3A_2345, %mul3A_2354 : vector<16xf32>
        %mul3A_2356 = arith.mulf %sub3A_1792, %get3A_2351 : vector<16xf32>
        %add3A_2357 = arith.addf %add3A_2347, %mul3A_2356 : vector<16xf32>
        %mul3A_2358 = arith.mulf %sub3A_1949, %get3A_2351 : vector<16xf32>
        %add3A_2359 = arith.addf %add3A_2349, %mul3A_2358 : vector<16xf32>
        %get3A_2360 = arith.constant 352 : index
        %get3A_2361 = tpu.vector_load %arg14[%get3A_2360] {strides = array<i32>} : memref<2048xf32, #tpu.memory_space<vmem>>, vector<16xf32>,
        %mul3A_2362 = arith.mulf %sub3A_1487, %get3A_2361 : vector<16xf32>
        %add3A_2363 = arith.addf %add3A_2353, %mul3A_2362 : vector<16xf32>
        %mul3A_2364 = arith.mulf %sub3A_1644, %get3A_2361 : vector<16xf32>
        %add3A_2365 = arith.addf %add3A_2355, %mul3A_2364 : vector<16xf32>
        %mul3A_2366 = arith.mulf %sub3A_1801, %get3A_2361 : vector<16xf32>
        %add3A_2367 = arith.addf %add3A_2357, %mul3A_2366 : vector<16xf32>
        %mul3A_2368 = arith.mulf %sub3A_1958, %get3A_2361 : vector<16xf32>
        %add3A_2369 = arith.addf %add3A_2359, %mul3A_2368 : vector<16xf32>
        %get3A_2370 = arith.constant 368 : index
        %get3A_2371 = tpu.vector_load %arg14[%get3A_2370] {strides = array<i32>} : memref<2048xf32, #tpu.memory_space<vmem>>, vector<16xf32>,
        %mul3A_2372 = arith.mulf %sub3A_1496, %get3A_2371 : vector<16xf32>
        %add3A_2373 = arith.addf %add3A_2363, %mul3A_2372 : vector<16xf32>
        %mul3A_2374 = arith.mulf %sub3A_1653, %get3A_2371 : vector<16xf32>
        %add3A_2375 = arith.addf %add3A_2365, %mul3A_2374 : vector<16xf32>
        %mul3A_2376 = arith.mulf %sub3A_1810, %get3A_2371 : vector<16xf32>
        %add3A_2377 = arith.addf %add3A_2367, %mul3A_2376 : vector<16xf32>
        %mul3A_2378 = arith.mulf %sub3A_1967, %get3A_2371 : vector<16xf32>
        %add3A_2379 = arith.addf %add3A_2369, %mul3A_2378 : vector<16xf32>
        %get3A_2380 = arith.constant 384 : index
        %get3A_2381 = tpu.vector_load %arg14[%get3A_2380] {strides = array<i32>} : memref<2048xf32, #tpu.memory_space<vmem>>, vector<16xf32>,
        %mul3A_2382 = arith.mulf %sub3A_1505, %get3A_2381 : vector<16xf32>
        %add3A_2383 = arith.addf %add3A_2373, %mul3A_2382 : vector<16xf32>
        %mul3A_2384 = arith.mulf %sub3A_1662, %get3A_2381 : vector<16xf32>
        %add3A_2385 = arith.addf %add3A_2375, %mul3A_2384 : vector<16xf32>
        %mul3A_2386 = arith.mulf %sub3A_1819, %get3A_2381 : vector<16xf32>
        %add3A_2387 = arith.addf %add3A_2377, %mul3A_2386 : vector<16xf32>
        %mul3A_2388 = arith.mulf %sub3A_1976, %get3A_2381 : vector<16xf32>
        %add3A_2389 = arith.addf %add3A_2379, %mul3A_2388 : vector<16xf32>
        %get3A_2390 = arith.constant 400 : index
        %get3A_2391 = tpu.vector_load %arg14[%get3A_2390] {strides = array<i32>} : memref<2048xf32, #tpu.memory_space<vmem>>, vector<16xf32>,
        %mul3A_2392 = arith.mulf %sub3A_1514, %get3A_2391 : vector<16xf32>
        %add3A_2393 = arith.addf %add3A_2383, %mul3A_2392 : vector<16xf32>
        %mul3A_2394 = arith.mulf %sub3A_1671, %get3A_2391 : vector<16xf32>
        %add3A_2395 = arith.addf %add3A_2385, %mul3A_2394 : vector<16xf32>
        %mul3A_2396 = arith.mulf %sub3A_1828, %get3A_2391 : vector<16xf32>
        %add3A_2397 = arith.addf %add3A_2387, %mul3A_2396 : vector<16xf32>
        %mul3A_2398 = arith.mulf %sub3A_1985, %get3A_2391 : vector<16xf32>
        %add3A_2399 = arith.addf %add3A_2389, %mul3A_2398 : vector<16xf32>
        %get3A_2400 = arith.constant 416 : index
        %get3A_2401 = tpu.vector_load %arg14[%get3A_2400] {strides = array<i32>} : memref<2048xf32, #tpu.memory_space<vmem>>, vector<16xf32>,
        %mul3A_2402 = arith.mulf %sub3A_1523, %get3A_2401 : vector<16xf32>
        %add3A_2403 = arith.addf %add3A_2393, %mul3A_2402 : vector<16xf32>
        %mul3A_2404 = arith.mulf %sub3A_1680, %get3A_2401 : vector<16xf32>
        %add3A_2405 = arith.addf %add3A_2395, %mul3A_2404 : vector<16xf32>
        %mul3A_2406 = arith.mulf %sub3A_1837, %get3A_2401 : vector<16xf32>
        %add3A_2407 = arith.addf %add3A_2397, %mul3A_2406 : vector<16xf32>
        %mul3A_2408 = arith.mulf %sub3A_1994, %get3A_2401 : vector<16xf32>
        %add3A_2409 = arith.addf %add3A_2399, %mul3A_2408 : vector<16xf32>
        %get3A_2410 = arith.constant 432 : index
        %get3A_2411 = tpu.vector_load %arg14[%get3A_2410] {strides = array<i32>} : memref<2048xf32, #tpu.memory_space<vmem>>, vector<16xf32>,
        %mul3A_2412 = arith.mulf %sub3A_1532, %get3A_2411 : vector<16xf32>
        %add3A_2413 = arith.addf %add3A_2403, %mul3A_2412 : vector<16xf32>
        %mul3A_2414 = arith.mulf %sub3A_1689, %get3A_2411 : vector<16xf32>
        %add3A_2415 = arith.addf %add3A_2405, %mul3A_2414 : vector<16xf32>
        %mul3A_2416 = arith.mulf %sub3A_1846, %get3A_2411 : vector<16xf32>
        %add3A_2417 = arith.addf %add3A_2407, %mul3A_2416 : vector<16xf32>
        %mul3A_2418 = arith.mulf %sub3A_2003, %get3A_2411 : vector<16xf32>
        %add3A_2419 = arith.addf %add3A_2409, %mul3A_2418 : vector<16xf32>
        %get3A_2420 = arith.constant 448 : index
        %get3A_2421 = tpu.vector_load %arg14[%get3A_2420] {strides = array<i32>} : memref<2048xf32, #tpu.memory_space<vmem>>, vector<16xf32>,
        %mul3A_2422 = arith.mulf %sub3A_1541, %get3A_2421 : vector<16xf32>
        %add3A_2423 = arith.addf %add3A_2413, %mul3A_2422 : vector<16xf32>
        %mul3A_2424 = arith.mulf %sub3A_1698, %get3A_2421 : vector<16xf32>
        %add3A_2425 = arith.addf %add3A_2415, %mul3A_2424 : vector<16xf32>
        %mul3A_2426 = arith.mulf %sub3A_1855, %get3A_2421 : vector<16xf32>
        %add3A_2427 = arith.addf %add3A_2417, %mul3A_2426 : vector<16xf32>
        %mul3A_2428 = arith.mulf %sub3A_2012, %get3A_2421 : vector<16xf32>
        %add3A_2429 = arith.addf %add3A_2419, %mul3A_2428 : vector<16xf32>
        %get3A_2430 = arith.constant 464 : index
        %get3A_2431 = tpu.vector_load %arg14[%get3A_2430] {strides = array<i32>} : memref<2048xf32, #tpu.memory_space<vmem>>, vector<16xf32>,
        %mul3A_2432 = arith.mulf %sub3A_1550, %get3A_2431 : vector<16xf32>
        %add3A_2433 = arith.addf %add3A_2423, %mul3A_2432 : vector<16xf32>
        %mul3A_2434 = arith.mulf %sub3A_1707, %get3A_2431 : vector<16xf32>
        %add3A_2435 = arith.addf %add3A_2425, %mul3A_2434 : vector<16xf32>
        %mul3A_2436 = arith.mulf %sub3A_1864, %get3A_2431 : vector<16xf32>
        %add3A_2437 = arith.addf %add3A_2427, %mul3A_2436 : vector<16xf32>
        %mul3A_2438 = arith.mulf %sub3A_2021, %get3A_2431 : vector<16xf32>
        %add3A_2439 = arith.addf %add3A_2429, %mul3A_2438 : vector<16xf32>
        %get3A_2440 = arith.constant 480 : index
        %get3A_2441 = tpu.vector_load %arg14[%get3A_2440] {strides = array<i32>} : memref<2048xf32, #tpu.memory_space<vmem>>, vector<16xf32>,
        %mul3A_2442 = arith.mulf %sub3A_1559, %get3A_2441 : vector<16xf32>
        %add3A_2443 = arith.addf %add3A_2433, %mul3A_2442 : vector<16xf32>
        %mul3A_2444 = arith.mulf %sub3A_1716, %get3A_2441 : vector<16xf32>
        %add3A_2445 = arith.addf %add3A_2435, %mul3A_2444 : vector<16xf32>
        %mul3A_2446 = arith.mulf %sub3A_1873, %get3A_2441 : vector<16xf32>
        %add3A_2447 = arith.addf %add3A_2437, %mul3A_2446 : vector<16xf32>
        %mul3A_2448 = arith.mulf %sub3A_2030, %get3A_2441 : vector<16xf32>
        %add3A_2449 = arith.addf %add3A_2439, %mul3A_2448 : vector<16xf32>
        %get3A_2450 = arith.constant 496 : index
        %get3A_2451 = tpu.vector_load %arg14[%get3A_2450] {strides = array<i32>} : memref<2048xf32, #tpu.memory_space<vmem>>, vector<16xf32>,
        %mul3A_2452 = arith.mulf %sub3A_1568, %get3A_2451 : vector<16xf32>
        %add3A_2453 = arith.addf %add3A_2443, %mul3A_2452 : vector<16xf32>
        %mul3A_2454 = arith.mulf %sub3A_1725, %get3A_2451 : vector<16xf32>
        %add3A_2455 = arith.addf %add3A_2445, %mul3A_2454 : vector<16xf32>
        %mul3A_2456 = arith.mulf %sub3A_1882, %get3A_2451 : vector<16xf32>
        %add3A_2457 = arith.addf %add3A_2447, %mul3A_2456 : vector<16xf32>
        %mul3A_2458 = arith.mulf %sub3A_2039, %get3A_2451 : vector<16xf32>
        %add3A_2459 = arith.addf %add3A_2449, %mul3A_2458 : vector<16xf32>
        %select_n3A_2460 = arith.select %lt3A_1424, %broadcast_in_dim3A_888, %broadcast_in_dim3A_894 : vector<16xi1>, vector<16xf32>
        %mul3A_2461 = arith.mulf %get3A_209, %select_n3A_2460 : vector<16xf32>
        %mul3A_2462 = arith.mulf %get3A_211, %add3A_2453 : vector<16xf32>
        %add3A_2463 = arith.addf %mul3A_2461, %mul3A_2462 : vector<16xf32>
        %add3A_2464 = arith.constant 128 : i32
        %add3A_2465 = arith.addi %add3A_2048, %add3A_2464 : i32
        %swap3A_2466 = arith.index_cast %add3A_2465 : i32 to index
        %swap3A_2467 = tpu.vector_load %arg15[%swap3A_2466] {strides = array<i32>} : memref<8192xf32, #tpu.memory_space<vmem>>, vector<16xf32>,
        tpu.vector_store %arg15[%swap3A_2466], %select_n3A_2460 {strides = array<i32>} : memref<8192xf32, #tpu.memory_space<vmem>>, vector<16xf32>,
        %add3A_2468 = arith.constant 128 : i32
        %add3A_2469 = arith.addi %add3A_2048, %add3A_2468 : i32
        %swap3A_2470 = arith.index_cast %add3A_2469 : i32 to index
        %swap3A_2471 = tpu.vector_load %arg16[%swap3A_2470] {strides = array<i32>} : memref<8192xf32, #tpu.memory_space<vmem>>, vector<16xf32>,
        tpu.vector_store %arg16[%swap3A_2470], %add3A_2453 {strides = array<i32>} : memref<8192xf32, #tpu.memory_space<vmem>>, vector<16xf32>,
        %add3A_2472 = arith.constant 128 : i32
        %add3A_2473 = arith.addi %add3A_2048, %add3A_2472 : i32
        %swap3A_2474 = arith.index_cast %add3A_2473 : i32 to index
        %swap3A_2475 = tpu.vector_load %arg17[%swap3A_2474] {strides = array<i32>} : memref<8192xf32, #tpu.memory_space<vmem>>, vector<16xf32>,
        tpu.vector_store %arg17[%swap3A_2474], %add3A_2463 {strides = array<i32>} : memref<8192xf32, #tpu.memory_space<vmem>>, vector<16xf32>,
        %gt3A = arith.cmpf ogt, %add3A_2463, %add3A_2235 : vector<16xf32>
        %select_n3A_2476 = arith.select %gt3A, %add3A_2463, %add3A_2235 : vector<16xi1>, vector<16xf32>
        %broadcast_in_dim3A_2477 = arith.constant 1 : i32
        %broadcast_in_dim3A_2478 = vector.broadcast %broadcast_in_dim3A_2477 : i32 to vector<16xi32>
        %select_n3A_2479 = arith.select %gt3A, %broadcast_in_dim3A_2478, %broadcast_in_dim3A_2249 : vector<16xi1>, vector<16xi32>
        %select_n3A_2480 = arith.select %lt3A_1581, %broadcast_in_dim3A_888, %broadcast_in_dim3A_894 : vector<16xi1>, vector<16xf32>
        %mul3A_2481 = arith.mulf %get3A_209, %select_n3A_2480 : vector<16xf32>
        %mul3A_2482 = arith.mulf %get3A_211, %add3A_2455 : vector<16xf32>
        %add3A_2483 = arith.addf %mul3A_2481, %mul3A_2482 : vector<16xf32>
        %add3A_2484 = arith.constant 128 : i32
        %add3A_2485 = arith.addi %add3A_2057, %add3A_2484 : i32
        %swap3A_2486 = arith.index_cast %add3A_2485 : i32 to index
        %swap3A_2487 = tpu.vector_load %arg15[%swap3A_2486] {strides = array<i32>} : memref<8192xf32, #tpu.memory_space<vmem>>, vector<16xf32>,
        tpu.vector_store %arg15[%swap3A_2486], %select_n3A_2480 {strides = array<i32>} : memref<8192xf32, #tpu.memory_space<vmem>>, vector<16xf32>,
        %add3A_2488 = arith.constant 128 : i32
        %add3A_2489 = arith.addi %add3A_2057, %add3A_2488 : i32
        %swap3A_2490 = arith.index_cast %add3A_2489 : i32 to index
        %swap3A_2491 = tpu.vector_load %arg16[%swap3A_2490] {strides = array<i32>} : memref<8192xf32, #tpu.memory_space<vmem>>, vector<16xf32>,
        tpu.vector_store %arg16[%swap3A_2490], %add3A_2455 {strides = array<i32>} : memref<8192xf32, #tpu.memory_space<vmem>>, vector<16xf32>,
        %add3A_2492 = arith.constant 128 : i32
        %add3A_2493 = arith.addi %add3A_2057, %add3A_2492 : i32
        %swap3A_2494 = arith.index_cast %add3A_2493 : i32 to index
        %swap3A_2495 = tpu.vector_load %arg17[%swap3A_2494] {strides = array<i32>} : memref<8192xf32, #tpu.memory_space<vmem>>, vector<16xf32>,
        tpu.vector_store %arg17[%swap3A_2494], %add3A_2483 {strides = array<i32>} : memref<8192xf32, #tpu.memory_space<vmem>>, vector<16xf32>,
        %gt3A_2496 = arith.cmpf ogt, %add3A_2483, %add3A_2253 : vector<16xf32>
        %select_n3A_2497 = arith.select %gt3A_2496, %add3A_2483, %add3A_2253 : vector<16xi1>, vector<16xf32>
        %broadcast_in_dim3A_2498 = arith.constant 1 : i32
        %broadcast_in_dim3A_2499 = vector.broadcast %broadcast_in_dim3A_2498 : i32 to vector<16xi32>
        %select_n3A_2500 = arith.select %gt3A_2496, %broadcast_in_dim3A_2499, %broadcast_in_dim3A_2267 : vector<16xi1>, vector<16xi32>
        %select_n3A_2501 = arith.select %lt3A_1738, %broadcast_in_dim3A_888, %broadcast_in_dim3A_894 : vector<16xi1>, vector<16xf32>
        %mul3A_2502 = arith.mulf %get3A_209, %select_n3A_2501 : vector<16xf32>
        %mul3A_2503 = arith.mulf %get3A_211, %add3A_2457 : vector<16xf32>
        %add3A_2504 = arith.addf %mul3A_2502, %mul3A_2503 : vector<16xf32>
        %add3A_2505 = arith.constant 128 : i32
        %add3A_2506 = arith.addi %add3A_2066, %add3A_2505 : i32
        %swap3A_2507 = arith.index_cast %add3A_2506 : i32 to index
        %swap3A_2508 = tpu.vector_load %arg15[%swap3A_2507] {strides = array<i32>} : memref<8192xf32, #tpu.memory_space<vmem>>, vector<16xf32>,
        tpu.vector_store %arg15[%swap3A_2507], %select_n3A_2501 {strides = array<i32>} : memref<8192xf32, #tpu.memory_space<vmem>>, vector<16xf32>,
        %add3A_2509 = arith.constant 128 : i32
        %add3A_2510 = arith.addi %add3A_2066, %add3A_2509 : i32
        %swap3A_2511 = arith.index_cast %add3A_2510 : i32 to index
        %swap3A_2512 = tpu.vector_load %arg16[%swap3A_2511] {strides = array<i32>} : memref<8192xf32, #tpu.memory_space<vmem>>, vector<16xf32>,
        tpu.vector_store %arg16[%swap3A_2511], %add3A_2457 {strides = array<i32>} : memref<8192xf32, #tpu.memory_space<vmem>>, vector<16xf32>,
        %add3A_2513 = arith.constant 128 : i32
        %add3A_2514 = arith.addi %add3A_2066, %add3A_2513 : i32
        %swap3A_2515 = arith.index_cast %add3A_2514 : i32 to index
        %swap3A_2516 = tpu.vector_load %arg17[%swap3A_2515] {strides = array<i32>} : memref<8192xf32, #tpu.memory_space<vmem>>, vector<16xf32>,
        tpu.vector_store %arg17[%swap3A_2515], %add3A_2504 {strides = array<i32>} : memref<8192xf32, #tpu.memory_space<vmem>>, vector<16xf32>,
        %gt3A_2517 = arith.cmpf ogt, %add3A_2504, %add3A_2271 : vector<16xf32>
        %select_n3A_2518 = arith.select %gt3A_2517, %add3A_2504, %add3A_2271 : vector<16xi1>, vector<16xf32>
        %broadcast_in_dim3A_2519 = arith.constant 1 : i32
        %broadcast_in_dim3A_2520 = vector.broadcast %broadcast_in_dim3A_2519 : i32 to vector<16xi32>
        %select_n3A_2521 = arith.select %gt3A_2517, %broadcast_in_dim3A_2520, %broadcast_in_dim3A_2285 : vector<16xi1>, vector<16xi32>
        %select_n3A_2522 = arith.select %lt3A_1895, %broadcast_in_dim3A_888, %broadcast_in_dim3A_894 : vector<16xi1>, vector<16xf32>
        %mul3A_2523 = arith.mulf %get3A_209, %select_n3A_2522 : vector<16xf32>
        %mul3A_2524 = arith.mulf %get3A_211, %add3A_2459 : vector<16xf32>
        %add3A_2525 = arith.addf %mul3A_2523, %mul3A_2524 : vector<16xf32>
        %add3A_2526 = arith.constant 128 : i32
        %add3A_2527 = arith.addi %add3A_2075, %add3A_2526 : i32
        %swap3A_2528 = arith.index_cast %add3A_2527 : i32 to index
        %swap3A_2529 = tpu.vector_load %arg15[%swap3A_2528] {strides = array<i32>} : memref<8192xf32, #tpu.memory_space<vmem>>, vector<16xf32>,
        tpu.vector_store %arg15[%swap3A_2528], %select_n3A_2522 {strides = array<i32>} : memref<8192xf32, #tpu.memory_space<vmem>>, vector<16xf32>,
        %add3A_2530 = arith.constant 128 : i32
        %add3A_2531 = arith.addi %add3A_2075, %add3A_2530 : i32
        %swap3A_2532 = arith.index_cast %add3A_2531 : i32 to index
        %swap3A_2533 = tpu.vector_load %arg16[%swap3A_2532] {strides = array<i32>} : memref<8192xf32, #tpu.memory_space<vmem>>, vector<16xf32>,
        tpu.vector_store %arg16[%swap3A_2532], %add3A_2459 {strides = array<i32>} : memref<8192xf32, #tpu.memory_space<vmem>>, vector<16xf32>,
        %add3A_2534 = arith.constant 128 : i32
        %add3A_2535 = arith.addi %add3A_2075, %add3A_2534 : i32
        %swap3A_2536 = arith.index_cast %add3A_2535 : i32 to index
        %swap3A_2537 = tpu.vector_load %arg17[%swap3A_2536] {strides = array<i32>} : memref<8192xf32, #tpu.memory_space<vmem>>, vector<16xf32>,
        tpu.vector_store %arg17[%swap3A_2536], %add3A_2525 {strides = array<i32>} : memref<8192xf32, #tpu.memory_space<vmem>>, vector<16xf32>,
        %gt3A_2538 = arith.cmpf ogt, %add3A_2525, %add3A_2289 : vector<16xf32>
        %select_n3A_2539 = arith.select %gt3A_2538, %add3A_2525, %add3A_2289 : vector<16xi1>, vector<16xf32>
        %broadcast_in_dim3A_2540 = arith.constant 1 : i32
        %broadcast_in_dim3A_2541 = vector.broadcast %broadcast_in_dim3A_2540 : i32 to vector<16xi32>
        %select_n3A_2542 = arith.select %gt3A_2538, %broadcast_in_dim3A_2541, %broadcast_in_dim3A_2303 : vector<16xi1>, vector<16xi32>
        %get3A_2543 = arith.constant 512 : index
        %get3A_2544 = tpu.vector_load %arg14[%get3A_2543] {strides = array<i32>} : memref<2048xf32, #tpu.memory_space<vmem>>, vector<16xf32>,
        %mul3A_2545 = arith.mulf %sub3A_1433, %get3A_2544 : vector<16xf32>
        %mul3A_2546 = arith.mulf %sub3A_1590, %get3A_2544 : vector<16xf32>
        %mul3A_2547 = arith.mulf %sub3A_1747, %get3A_2544 : vector<16xf32>
        %mul3A_2548 = arith.mulf %sub3A_1904, %get3A_2544 : vector<16xf32>
        %get3A_2549 = arith.constant 528 : index
        %get3A_2550 = tpu.vector_load %arg14[%get3A_2549] {strides = array<i32>} : memref<2048xf32, #tpu.memory_space<vmem>>, vector<16xf32>,
        %mul3A_2551 = arith.mulf %sub3A_1442, %get3A_2550 : vector<16xf32>
        %add3A_2552 = arith.addf %mul3A_2545, %mul3A_2551 : vector<16xf32>
        %mul3A_2553 = arith.mulf %sub3A_1599, %get3A_2550 : vector<16xf32>
        %add3A_2554 = arith.addf %mul3A_2546, %mul3A_2553 : vector<16xf32>
        %mul3A_2555 = arith.mulf %sub3A_1756, %get3A_2550 : vector<16xf32>
        %add3A_2556 = arith.addf %mul3A_2547, %mul3A_2555 : vector<16xf32>
        %mul3A_2557 = arith.mulf %sub3A_1913, %get3A_2550 : vector<16xf32>
        %add3A_2558 = arith.addf %mul3A_2548, %mul3A_2557 : vector<16xf32>
        %get3A_2559 = arith.constant 544 : index
        %get3A_2560 = tpu.vector_load %arg14[%get3A_2559] {strides = array<i32>} : memref<2048xf32, #tpu.memory_space<vmem>>, vector<16xf32>,
        %mul3A_2561 = arith.mulf %sub3A_1451, %get3A_2560 : vector<16xf32>
        %add3A_2562 = arith.addf %add3A_2552, %mul3A_2561 : vector<16xf32>
        %mul3A_2563 = arith.mulf %sub3A_1608, %get3A_2560 : vector<16xf32>
        %add3A_2564 = arith.addf %add3A_2554, %mul3A_2563 : vector<16xf32>
        %mul3A_2565 = arith.mulf %sub3A_1765, %get3A_2560 : vector<16xf32>
        %add3A_2566 = arith.addf %add3A_2556, %mul3A_2565 : vector<16xf32>
        %mul3A_2567 = arith.mulf %sub3A_1922, %get3A_2560 : vector<16xf32>
        %add3A_2568 = arith.addf %add3A_2558, %mul3A_2567 : vector<16xf32>
        %get3A_2569 = arith.constant 560 : index
        %get3A_2570 = tpu.vector_load %arg14[%get3A_2569] {strides = array<i32>} : memref<2048xf32, #tpu.memory_space<vmem>>, vector<16xf32>,
        %mul3A_2571 = arith.mulf %sub3A_1460, %get3A_2570 : vector<16xf32>
        %add3A_2572 = arith.addf %add3A_2562, %mul3A_2571 : vector<16xf32>
        %mul3A_2573 = arith.mulf %sub3A_1617, %get3A_2570 : vector<16xf32>
        %add3A_2574 = arith.addf %add3A_2564, %mul3A_2573 : vector<16xf32>
        %mul3A_2575 = arith.mulf %sub3A_1774, %get3A_2570 : vector<16xf32>
        %add3A_2576 = arith.addf %add3A_2566, %mul3A_2575 : vector<16xf32>
        %mul3A_2577 = arith.mulf %sub3A_1931, %get3A_2570 : vector<16xf32>
        %add3A_2578 = arith.addf %add3A_2568, %mul3A_2577 : vector<16xf32>
        %get3A_2579 = arith.constant 576 : index
        %get3A_2580 = tpu.vector_load %arg14[%get3A_2579] {strides = array<i32>} : memref<2048xf32, #tpu.memory_space<vmem>>, vector<16xf32>,
        %mul3A_2581 = arith.mulf %sub3A_1469, %get3A_2580 : vector<16xf32>
        %add3A_2582 = arith.addf %add3A_2572, %mul3A_2581 : vector<16xf32>
        %mul3A_2583 = arith.mulf %sub3A_1626, %get3A_2580 : vector<16xf32>
        %add3A_2584 = arith.addf %add3A_2574, %mul3A_2583 : vector<16xf32>
        %mul3A_2585 = arith.mulf %sub3A_1783, %get3A_2580 : vector<16xf32>
        %add3A_2586 = arith.addf %add3A_2576, %mul3A_2585 : vector<16xf32>
        %mul3A_2587 = arith.mulf %sub3A_1940, %get3A_2580 : vector<16xf32>
        %add3A_2588 = arith.addf %add3A_2578, %mul3A_2587 : vector<16xf32>
        %get3A_2589 = arith.constant 592 : index
        %get3A_2590 = tpu.vector_load %arg14[%get3A_2589] {strides = array<i32>} : memref<2048xf32, #tpu.memory_space<vmem>>, vector<16xf32>,
        %mul3A_2591 = arith.mulf %sub3A_1478, %get3A_2590 : vector<16xf32>
        %add3A_2592 = arith.addf %add3A_2582, %mul3A_2591 : vector<16xf32>
        %mul3A_2593 = arith.mulf %sub3A_1635, %get3A_2590 : vector<16xf32>
        %add3A_2594 = arith.addf %add3A_2584, %mul3A_2593 : vector<16xf32>
        %mul3A_2595 = arith.mulf %sub3A_1792, %get3A_2590 : vector<16xf32>
        %add3A_2596 = arith.addf %add3A_2586, %mul3A_2595 : vector<16xf32>
        %mul3A_2597 = arith.mulf %sub3A_1949, %get3A_2590 : vector<16xf32>
        %add3A_2598 = arith.addf %add3A_2588, %mul3A_2597 : vector<16xf32>
        %get3A_2599 = arith.constant 608 : index
        %get3A_2600 = tpu.vector_load %arg14[%get3A_2599] {strides = array<i32>} : memref<2048xf32, #tpu.memory_space<vmem>>, vector<16xf32>,
        %mul3A_2601 = arith.mulf %sub3A_1487, %get3A_2600 : vector<16xf32>
        %add3A_2602 = arith.addf %add3A_2592, %mul3A_2601 : vector<16xf32>
        %mul3A_2603 = arith.mulf %sub3A_1644, %get3A_2600 : vector<16xf32>
        %add3A_2604 = arith.addf %add3A_2594, %mul3A_2603 : vector<16xf32>
        %mul3A_2605 = arith.mulf %sub3A_1801, %get3A_2600 : vector<16xf32>
        %add3A_2606 = arith.addf %add3A_2596, %mul3A_2605 : vector<16xf32>
        %mul3A_2607 = arith.mulf %sub3A_1958, %get3A_2600 : vector<16xf32>
        %add3A_2608 = arith.addf %add3A_2598, %mul3A_2607 : vector<16xf32>
        %get3A_2609 = arith.constant 624 : index
        %get3A_2610 = tpu.vector_load %arg14[%get3A_2609] {strides = array<i32>} : memref<2048xf32, #tpu.memory_space<vmem>>, vector<16xf32>,
        %mul3A_2611 = arith.mulf %sub3A_1496, %get3A_2610 : vector<16xf32>
        %add3A_2612 = arith.addf %add3A_2602, %mul3A_2611 : vector<16xf32>
        %mul3A_2613 = arith.mulf %sub3A_1653, %get3A_2610 : vector<16xf32>
        %add3A_2614 = arith.addf %add3A_2604, %mul3A_2613 : vector<16xf32>
        %mul3A_2615 = arith.mulf %sub3A_1810, %get3A_2610 : vector<16xf32>
        %add3A_2616 = arith.addf %add3A_2606, %mul3A_2615 : vector<16xf32>
        %mul3A_2617 = arith.mulf %sub3A_1967, %get3A_2610 : vector<16xf32>
        %add3A_2618 = arith.addf %add3A_2608, %mul3A_2617 : vector<16xf32>
        %get3A_2619 = arith.constant 640 : index
        %get3A_2620 = tpu.vector_load %arg14[%get3A_2619] {strides = array<i32>} : memref<2048xf32, #tpu.memory_space<vmem>>, vector<16xf32>,
        %mul3A_2621 = arith.mulf %sub3A_1505, %get3A_2620 : vector<16xf32>
        %add3A_2622 = arith.addf %add3A_2612, %mul3A_2621 : vector<16xf32>
        %mul3A_2623 = arith.mulf %sub3A_1662, %get3A_2620 : vector<16xf32>
        %add3A_2624 = arith.addf %add3A_2614, %mul3A_2623 : vector<16xf32>
        %mul3A_2625 = arith.mulf %sub3A_1819, %get3A_2620 : vector<16xf32>
        %add3A_2626 = arith.addf %add3A_2616, %mul3A_2625 : vector<16xf32>
        %mul3A_2627 = arith.mulf %sub3A_1976, %get3A_2620 : vector<16xf32>
        %add3A_2628 = arith.addf %add3A_2618, %mul3A_2627 : vector<16xf32>
        %get3A_2629 = arith.constant 656 : index
        %get3A_2630 = tpu.vector_load %arg14[%get3A_2629] {strides = array<i32>} : memref<2048xf32, #tpu.memory_space<vmem>>, vector<16xf32>,
        %mul3A_2631 = arith.mulf %sub3A_1514, %get3A_2630 : vector<16xf32>
        %add3A_2632 = arith.addf %add3A_2622, %mul3A_2631 : vector<16xf32>
        %mul3A_2633 = arith.mulf %sub3A_1671, %get3A_2630 : vector<16xf32>
        %add3A_2634 = arith.addf %add3A_2624, %mul3A_2633 : vector<16xf32>
        %mul3A_2635 = arith.mulf %sub3A_1828, %get3A_2630 : vector<16xf32>
        %add3A_2636 = arith.addf %add3A_2626, %mul3A_2635 : vector<16xf32>
        %mul3A_2637 = arith.mulf %sub3A_1985, %get3A_2630 : vector<16xf32>
        %add3A_2638 = arith.addf %add3A_2628, %mul3A_2637 : vector<16xf32>
        %get3A_2639 = arith.constant 672 : index
        %get3A_2640 = tpu.vector_load %arg14[%get3A_2639] {strides = array<i32>} : memref<2048xf32, #tpu.memory_space<vmem>>, vector<16xf32>,
        %mul3A_2641 = arith.mulf %sub3A_1523, %get3A_2640 : vector<16xf32>
        %add3A_2642 = arith.addf %add3A_2632, %mul3A_2641 : vector<16xf32>
        %mul3A_2643 = arith.mulf %sub3A_1680, %get3A_2640 : vector<16xf32>
        %add3A_2644 = arith.addf %add3A_2634, %mul3A_2643 : vector<16xf32>
        %mul3A_2645 = arith.mulf %sub3A_1837, %get3A_2640 : vector<16xf32>
        %add3A_2646 = arith.addf %add3A_2636, %mul3A_2645 : vector<16xf32>
        %mul3A_2647 = arith.mulf %sub3A_1994, %get3A_2640 : vector<16xf32>
        %add3A_2648 = arith.addf %add3A_2638, %mul3A_2647 : vector<16xf32>
        %get3A_2649 = arith.constant 688 : index
        %get3A_2650 = tpu.vector_load %arg14[%get3A_2649] {strides = array<i32>} : memref<2048xf32, #tpu.memory_space<vmem>>, vector<16xf32>,
        %mul3A_2651 = arith.mulf %sub3A_1532, %get3A_2650 : vector<16xf32>
        %add3A_2652 = arith.addf %add3A_2642, %mul3A_2651 : vector<16xf32>
        %mul3A_2653 = arith.mulf %sub3A_1689, %get3A_2650 : vector<16xf32>
        %add3A_2654 = arith.addf %add3A_2644, %mul3A_2653 : vector<16xf32>
        %mul3A_2655 = arith.mulf %sub3A_1846, %get3A_2650 : vector<16xf32>
        %add3A_2656 = arith.addf %add3A_2646, %mul3A_2655 : vector<16xf32>
        %mul3A_2657 = arith.mulf %sub3A_2003, %get3A_2650 : vector<16xf32>
        %add3A_2658 = arith.addf %add3A_2648, %mul3A_2657 : vector<16xf32>
        %get3A_2659 = arith.constant 704 : index
        %get3A_2660 = tpu.vector_load %arg14[%get3A_2659] {strides = array<i32>} : memref<2048xf32, #tpu.memory_space<vmem>>, vector<16xf32>,
        %mul3A_2661 = arith.mulf %sub3A_1541, %get3A_2660 : vector<16xf32>
        %add3A_2662 = arith.addf %add3A_2652, %mul3A_2661 : vector<16xf32>
        %mul3A_2663 = arith.mulf %sub3A_1698, %get3A_2660 : vector<16xf32>
        %add3A_2664 = arith.addf %add3A_2654, %mul3A_2663 : vector<16xf32>
        %mul3A_2665 = arith.mulf %sub3A_1855, %get3A_2660 : vector<16xf32>
        %add3A_2666 = arith.addf %add3A_2656, %mul3A_2665 : vector<16xf32>
        %mul3A_2667 = arith.mulf %sub3A_2012, %get3A_2660 : vector<16xf32>
        %add3A_2668 = arith.addf %add3A_2658, %mul3A_2667 : vector<16xf32>
        %get3A_2669 = arith.constant 720 : index
        %get3A_2670 = tpu.vector_load %arg14[%get3A_2669] {strides = array<i32>} : memref<2048xf32, #tpu.memory_space<vmem>>, vector<16xf32>,
        %mul3A_2671 = arith.mulf %sub3A_1550, %get3A_2670 : vector<16xf32>
        %add3A_2672 = arith.addf %add3A_2662, %mul3A_2671 : vector<16xf32>
        %mul3A_2673 = arith.mulf %sub3A_1707, %get3A_2670 : vector<16xf32>
        %add3A_2674 = arith.addf %add3A_2664, %mul3A_2673 : vector<16xf32>
        %mul3A_2675 = arith.mulf %sub3A_1864, %get3A_2670 : vector<16xf32>
        %add3A_2676 = arith.addf %add3A_2666, %mul3A_2675 : vector<16xf32>
        %mul3A_2677 = arith.mulf %sub3A_2021, %get3A_2670 : vector<16xf32>
        %add3A_2678 = arith.addf %add3A_2668, %mul3A_2677 : vector<16xf32>
        %get3A_2679 = arith.constant 736 : index
        %get3A_2680 = tpu.vector_load %arg14[%get3A_2679] {strides = array<i32>} : memref<2048xf32, #tpu.memory_space<vmem>>, vector<16xf32>,
        %mul3A_2681 = arith.mulf %sub3A_1559, %get3A_2680 : vector<16xf32>
        %add3A_2682 = arith.addf %add3A_2672, %mul3A_2681 : vector<16xf32>
        %mul3A_2683 = arith.mulf %sub3A_1716, %get3A_2680 : vector<16xf32>
        %add3A_2684 = arith.addf %add3A_2674, %mul3A_2683 : vector<16xf32>
        %mul3A_2685 = arith.mulf %sub3A_1873, %get3A_2680 : vector<16xf32>
        %add3A_2686 = arith.addf %add3A_2676, %mul3A_2685 : vector<16xf32>
        %mul3A_2687 = arith.mulf %sub3A_2030, %get3A_2680 : vector<16xf32>
        %add3A_2688 = arith.addf %add3A_2678, %mul3A_2687 : vector<16xf32>
        %get3A_2689 = arith.constant 752 : index
        %get3A_2690 = tpu.vector_load %arg14[%get3A_2689] {strides = array<i32>} : memref<2048xf32, #tpu.memory_space<vmem>>, vector<16xf32>,
        %mul3A_2691 = arith.mulf %sub3A_1568, %get3A_2690 : vector<16xf32>
        %add3A_2692 = arith.addf %add3A_2682, %mul3A_2691 : vector<16xf32>
        %mul3A_2693 = arith.mulf %sub3A_1725, %get3A_2690 : vector<16xf32>
        %add3A_2694 = arith.addf %add3A_2684, %mul3A_2693 : vector<16xf32>
        %mul3A_2695 = arith.mulf %sub3A_1882, %get3A_2690 : vector<16xf32>
        %add3A_2696 = arith.addf %add3A_2686, %mul3A_2695 : vector<16xf32>
        %mul3A_2697 = arith.mulf %sub3A_2039, %get3A_2690 : vector<16xf32>
        %add3A_2698 = arith.addf %add3A_2688, %mul3A_2697 : vector<16xf32>
        %select_n3A_2699 = arith.select %lt3A_1424, %broadcast_in_dim3A_902, %broadcast_in_dim3A_908 : vector<16xi1>, vector<16xf32>
        %mul3A_2700 = arith.mulf %get3A_209, %select_n3A_2699 : vector<16xf32>
        %mul3A_2701 = arith.mulf %get3A_211, %add3A_2692 : vector<16xf32>
        %add3A_2702 = arith.addf %mul3A_2700, %mul3A_2701 : vector<16xf32>
        %add3A_2703 = arith.constant 256 : i32
        %add3A_2704 = arith.addi %add3A_2048, %add3A_2703 : i32
        %swap3A_2705 = arith.index_cast %add3A_2704 : i32 to index
        %swap3A_2706 = tpu.vector_load %arg15[%swap3A_2705] {strides = array<i32>} : memref<8192xf32, #tpu.memory_space<vmem>>, vector<16xf32>,
        tpu.vector_store %arg15[%swap3A_2705], %select_n3A_2699 {strides = array<i32>} : memref<8192xf32, #tpu.memory_space<vmem>>, vector<16xf32>,
        %add3A_2707 = arith.constant 256 : i32
        %add3A_2708 = arith.addi %add3A_2048, %add3A_2707 : i32
        %swap3A_2709 = arith.index_cast %add3A_2708 : i32 to index
        %swap3A_2710 = tpu.vector_load %arg16[%swap3A_2709] {strides = array<i32>} : memref<8192xf32, #tpu.memory_space<vmem>>, vector<16xf32>,
        tpu.vector_store %arg16[%swap3A_2709], %add3A_2692 {strides = array<i32>} : memref<8192xf32, #tpu.memory_space<vmem>>, vector<16xf32>,
        %add3A_2711 = arith.constant 256 : i32
        %add3A_2712 = arith.addi %add3A_2048, %add3A_2711 : i32
        %swap3A_2713 = arith.index_cast %add3A_2712 : i32 to index
        %swap3A_2714 = tpu.vector_load %arg17[%swap3A_2713] {strides = array<i32>} : memref<8192xf32, #tpu.memory_space<vmem>>, vector<16xf32>,
        tpu.vector_store %arg17[%swap3A_2713], %add3A_2702 {strides = array<i32>} : memref<8192xf32, #tpu.memory_space<vmem>>, vector<16xf32>,
        %gt3A_2715 = arith.cmpf ogt, %add3A_2702, %select_n3A_2476 : vector<16xf32>
        %select_n3A_2716 = arith.select %gt3A_2715, %add3A_2702, %select_n3A_2476 : vector<16xi1>, vector<16xf32>
        %broadcast_in_dim3A_2717 = arith.constant 2 : i32
        %broadcast_in_dim3A_2718 = vector.broadcast %broadcast_in_dim3A_2717 : i32 to vector<16xi32>
        %select_n3A_2719 = arith.select %gt3A_2715, %broadcast_in_dim3A_2718, %select_n3A_2479 : vector<16xi1>, vector<16xi32>
        %select_n3A_2720 = arith.select %lt3A_1581, %broadcast_in_dim3A_902, %broadcast_in_dim3A_908 : vector<16xi1>, vector<16xf32>
        %mul3A_2721 = arith.mulf %get3A_209, %select_n3A_2720 : vector<16xf32>
        %mul3A_2722 = arith.mulf %get3A_211, %add3A_2694 : vector<16xf32>
        %add3A_2723 = arith.addf %mul3A_2721, %mul3A_2722 : vector<16xf32>
        %add3A_2724 = arith.constant 256 : i32
        %add3A_2725 = arith.addi %add3A_2057, %add3A_2724 : i32
        %swap3A_2726 = arith.index_cast %add3A_2725 : i32 to index
        %swap3A_2727 = tpu.vector_load %arg15[%swap3A_2726] {strides = array<i32>} : memref<8192xf32, #tpu.memory_space<vmem>>, vector<16xf32>,
        tpu.vector_store %arg15[%swap3A_2726], %select_n3A_2720 {strides = array<i32>} : memref<8192xf32, #tpu.memory_space<vmem>>, vector<16xf32>,
        %add3A_2728 = arith.constant 256 : i32
        %add3A_2729 = arith.addi %add3A_2057, %add3A_2728 : i32
        %swap3A_2730 = arith.index_cast %add3A_2729 : i32 to index
        %swap3A_2731 = tpu.vector_load %arg16[%swap3A_2730] {strides = array<i32>} : memref<8192xf32, #tpu.memory_space<vmem>>, vector<16xf32>,
        tpu.vector_store %arg16[%swap3A_2730], %add3A_2694 {strides = array<i32>} : memref<8192xf32, #tpu.memory_space<vmem>>, vector<16xf32>,
        %add3A_2732 = arith.constant 256 : i32
        %add3A_2733 = arith.addi %add3A_2057, %add3A_2732 : i32
        %swap3A_2734 = arith.index_cast %add3A_2733 : i32 to index
        %swap3A_2735 = tpu.vector_load %arg17[%swap3A_2734] {strides = array<i32>} : memref<8192xf32, #tpu.memory_space<vmem>>, vector<16xf32>,
        tpu.vector_store %arg17[%swap3A_2734], %add3A_2723 {strides = array<i32>} : memref<8192xf32, #tpu.memory_space<vmem>>, vector<16xf32>,
        %gt3A_2736 = arith.cmpf ogt, %add3A_2723, %select_n3A_2497 : vector<16xf32>
        %select_n3A_2737 = arith.select %gt3A_2736, %add3A_2723, %select_n3A_2497 : vector<16xi1>, vector<16xf32>
        %broadcast_in_dim3A_2738 = arith.constant 2 : i32
        %broadcast_in_dim3A_2739 = vector.broadcast %broadcast_in_dim3A_2738 : i32 to vector<16xi32>
        %select_n3A_2740 = arith.select %gt3A_2736, %broadcast_in_dim3A_2739, %select_n3A_2500 : vector<16xi1>, vector<16xi32>
        %select_n3A_2741 = arith.select %lt3A_1738, %broadcast_in_dim3A_902, %broadcast_in_dim3A_908 : vector<16xi1>, vector<16xf32>
        %mul3A_2742 = arith.mulf %get3A_209, %select_n3A_2741 : vector<16xf32>
        %mul3A_2743 = arith.mulf %get3A_211, %add3A_2696 : vector<16xf32>
        %add3A_2744 = arith.addf %mul3A_2742, %mul3A_2743 : vector<16xf32>
        %add3A_2745 = arith.constant 256 : i32
        %add3A_2746 = arith.addi %add3A_2066, %add3A_2745 : i32
        %swap3A_2747 = arith.index_cast %add3A_2746 : i32 to index
        %swap3A_2748 = tpu.vector_load %arg15[%swap3A_2747] {strides = array<i32>} : memref<8192xf32, #tpu.memory_space<vmem>>, vector<16xf32>,
        tpu.vector_store %arg15[%swap3A_2747], %select_n3A_2741 {strides = array<i32>} : memref<8192xf32, #tpu.memory_space<vmem>>, vector<16xf32>,
        %add3A_2749 = arith.constant 256 : i32
        %add3A_2750 = arith.addi %add3A_2066, %add3A_2749 : i32
        %swap3A_2751 = arith.index_cast %add3A_2750 : i32 to index
        %swap3A_2752 = tpu.vector_load %arg16[%swap3A_2751] {strides = array<i32>} : memref<8192xf32, #tpu.memory_space<vmem>>, vector<16xf32>,
        tpu.vector_store %arg16[%swap3A_2751], %add3A_2696 {strides = array<i32>} : memref<8192xf32, #tpu.memory_space<vmem>>, vector<16xf32>,
        %add3A_2753 = arith.constant 256 : i32
        %add3A_2754 = arith.addi %add3A_2066, %add3A_2753 : i32
        %swap3A_2755 = arith.index_cast %add3A_2754 : i32 to index
        %swap3A_2756 = tpu.vector_load %arg17[%swap3A_2755] {strides = array<i32>} : memref<8192xf32, #tpu.memory_space<vmem>>, vector<16xf32>,
        tpu.vector_store %arg17[%swap3A_2755], %add3A_2744 {strides = array<i32>} : memref<8192xf32, #tpu.memory_space<vmem>>, vector<16xf32>,
        %gt3A_2757 = arith.cmpf ogt, %add3A_2744, %select_n3A_2518 : vector<16xf32>
        %select_n3A_2758 = arith.select %gt3A_2757, %add3A_2744, %select_n3A_2518 : vector<16xi1>, vector<16xf32>
        %broadcast_in_dim3A_2759 = arith.constant 2 : i32
        %broadcast_in_dim3A_2760 = vector.broadcast %broadcast_in_dim3A_2759 : i32 to vector<16xi32>
        %select_n3A_2761 = arith.select %gt3A_2757, %broadcast_in_dim3A_2760, %select_n3A_2521 : vector<16xi1>, vector<16xi32>
        %select_n3A_2762 = arith.select %lt3A_1895, %broadcast_in_dim3A_902, %broadcast_in_dim3A_908 : vector<16xi1>, vector<16xf32>
        %mul3A_2763 = arith.mulf %get3A_209, %select_n3A_2762 : vector<16xf32>
        %mul3A_2764 = arith.mulf %get3A_211, %add3A_2698 : vector<16xf32>
        %add3A_2765 = arith.addf %mul3A_2763, %mul3A_2764 : vector<16xf32>
        %add3A_2766 = arith.constant 256 : i32
        %add3A_2767 = arith.addi %add3A_2075, %add3A_2766 : i32
        %swap3A_2768 = arith.index_cast %add3A_2767 : i32 to index
        %swap3A_2769 = tpu.vector_load %arg15[%swap3A_2768] {strides = array<i32>} : memref<8192xf32, #tpu.memory_space<vmem>>, vector<16xf32>,
        tpu.vector_store %arg15[%swap3A_2768], %select_n3A_2762 {strides = array<i32>} : memref<8192xf32, #tpu.memory_space<vmem>>, vector<16xf32>,
        %add3A_2770 = arith.constant 256 : i32
        %add3A_2771 = arith.addi %add3A_2075, %add3A_2770 : i32
        %swap3A_2772 = arith.index_cast %add3A_2771 : i32 to index
        %swap3A_2773 = tpu.vector_load %arg16[%swap3A_2772] {strides = array<i32>} : memref<8192xf32, #tpu.memory_space<vmem>>, vector<16xf32>,
        tpu.vector_store %arg16[%swap3A_2772], %add3A_2698 {strides = array<i32>} : memref<8192xf32, #tpu.memory_space<vmem>>, vector<16xf32>,
        %add3A_2774 = arith.constant 256 : i32
        %add3A_2775 = arith.addi %add3A_2075, %add3A_2774 : i32
        %swap3A_2776 = arith.index_cast %add3A_2775 : i32 to index
        %swap3A_2777 = tpu.vector_load %arg17[%swap3A_2776] {strides = array<i32>} : memref<8192xf32, #tpu.memory_space<vmem>>, vector<16xf32>,
        tpu.vector_store %arg17[%swap3A_2776], %add3A_2765 {strides = array<i32>} : memref<8192xf32, #tpu.memory_space<vmem>>, vector<16xf32>,
        %gt3A_2778 = arith.cmpf ogt, %add3A_2765, %select_n3A_2539 : vector<16xf32>
        %select_n3A_2779 = arith.select %gt3A_2778, %add3A_2765, %select_n3A_2539 : vector<16xi1>, vector<16xf32>
        %broadcast_in_dim3A_2780 = arith.constant 2 : i32
        %broadcast_in_dim3A_2781 = vector.broadcast %broadcast_in_dim3A_2780 : i32 to vector<16xi32>
        %select_n3A_2782 = arith.select %gt3A_2778, %broadcast_in_dim3A_2781, %select_n3A_2542 : vector<16xi1>, vector<16xi32>
        %get3A_2783 = arith.constant 768 : index
        %get3A_2784 = tpu.vector_load %arg14[%get3A_2783] {strides = array<i32>} : memref<2048xf32, #tpu.memory_space<vmem>>, vector<16xf32>,
        %mul3A_2785 = arith.mulf %sub3A_1433, %get3A_2784 : vector<16xf32>
        %mul3A_2786 = arith.mulf %sub3A_1590, %get3A_2784 : vector<16xf32>
        %mul3A_2787 = arith.mulf %sub3A_1747, %get3A_2784 : vector<16xf32>
        %mul3A_2788 = arith.mulf %sub3A_1904, %get3A_2784 : vector<16xf32>
        %get3A_2789 = arith.constant 784 : index
        %get3A_2790 = tpu.vector_load %arg14[%get3A_2789] {strides = array<i32>} : memref<2048xf32, #tpu.memory_space<vmem>>, vector<16xf32>,
        %mul3A_2791 = arith.mulf %sub3A_1442, %get3A_2790 : vector<16xf32>
        %add3A_2792 = arith.addf %mul3A_2785, %mul3A_2791 : vector<16xf32>
        %mul3A_2793 = arith.mulf %sub3A_1599, %get3A_2790 : vector<16xf32>
        %add3A_2794 = arith.addf %mul3A_2786, %mul3A_2793 : vector<16xf32>
        %mul3A_2795 = arith.mulf %sub3A_1756, %get3A_2790 : vector<16xf32>
        %add3A_2796 = arith.addf %mul3A_2787, %mul3A_2795 : vector<16xf32>
        %mul3A_2797 = arith.mulf %sub3A_1913, %get3A_2790 : vector<16xf32>
        %add3A_2798 = arith.addf %mul3A_2788, %mul3A_2797 : vector<16xf32>
        %get3A_2799 = arith.constant 800 : index
        %get3A_2800 = tpu.vector_load %arg14[%get3A_2799] {strides = array<i32>} : memref<2048xf32, #tpu.memory_space<vmem>>, vector<16xf32>,
        %mul3A_2801 = arith.mulf %sub3A_1451, %get3A_2800 : vector<16xf32>
        %add3A_2802 = arith.addf %add3A_2792, %mul3A_2801 : vector<16xf32>
        %mul3A_2803 = arith.mulf %sub3A_1608, %get3A_2800 : vector<16xf32>
        %add3A_2804 = arith.addf %add3A_2794, %mul3A_2803 : vector<16xf32>
        %mul3A_2805 = arith.mulf %sub3A_1765, %get3A_2800 : vector<16xf32>
        %add3A_2806 = arith.addf %add3A_2796, %mul3A_2805 : vector<16xf32>
        %mul3A_2807 = arith.mulf %sub3A_1922, %get3A_2800 : vector<16xf32>
        %add3A_2808 = arith.addf %add3A_2798, %mul3A_2807 : vector<16xf32>
        %get3A_2809 = arith.constant 816 : index
        %get3A_2810 = tpu.vector_load %arg14[%get3A_2809] {strides = array<i32>} : memref<2048xf32, #tpu.memory_space<vmem>>, vector<16xf32>,
        %mul3A_2811 = arith.mulf %sub3A_1460, %get3A_2810 : vector<16xf32>
        %add3A_2812 = arith.addf %add3A_2802, %mul3A_2811 : vector<16xf32>
        %mul3A_2813 = arith.mulf %sub3A_1617, %get3A_2810 : vector<16xf32>
        %add3A_2814 = arith.addf %add3A_2804, %mul3A_2813 : vector<16xf32>
        %mul3A_2815 = arith.mulf %sub3A_1774, %get3A_2810 : vector<16xf32>
        %add3A_2816 = arith.addf %add3A_2806, %mul3A_2815 : vector<16xf32>
        %mul3A_2817 = arith.mulf %sub3A_1931, %get3A_2810 : vector<16xf32>
        %add3A_2818 = arith.addf %add3A_2808, %mul3A_2817 : vector<16xf32>
        %get3A_2819 = arith.constant 832 : index
        %get3A_2820 = tpu.vector_load %arg14[%get3A_2819] {strides = array<i32>} : memref<2048xf32, #tpu.memory_space<vmem>>, vector<16xf32>,
        %mul3A_2821 = arith.mulf %sub3A_1469, %get3A_2820 : vector<16xf32>
        %add3A_2822 = arith.addf %add3A_2812, %mul3A_2821 : vector<16xf32>
        %mul3A_2823 = arith.mulf %sub3A_1626, %get3A_2820 : vector<16xf32>
        %add3A_2824 = arith.addf %add3A_2814, %mul3A_2823 : vector<16xf32>
        %mul3A_2825 = arith.mulf %sub3A_1783, %get3A_2820 : vector<16xf32>
        %add3A_2826 = arith.addf %add3A_2816, %mul3A_2825 : vector<16xf32>
        %mul3A_2827 = arith.mulf %sub3A_1940, %get3A_2820 : vector<16xf32>
        %add3A_2828 = arith.addf %add3A_2818, %mul3A_2827 : vector<16xf32>
        %get3A_2829 = arith.constant 848 : index
        %get3A_2830 = tpu.vector_load %arg14[%get3A_2829] {strides = array<i32>} : memref<2048xf32, #tpu.memory_space<vmem>>, vector<16xf32>,
        %mul3A_2831 = arith.mulf %sub3A_1478, %get3A_2830 : vector<16xf32>
        %add3A_2832 = arith.addf %add3A_2822, %mul3A_2831 : vector<16xf32>
        %mul3A_2833 = arith.mulf %sub3A_1635, %get3A_2830 : vector<16xf32>
        %add3A_2834 = arith.addf %add3A_2824, %mul3A_2833 : vector<16xf32>
        %mul3A_2835 = arith.mulf %sub3A_1792, %get3A_2830 : vector<16xf32>
        %add3A_2836 = arith.addf %add3A_2826, %mul3A_2835 : vector<16xf32>
        %mul3A_2837 = arith.mulf %sub3A_1949, %get3A_2830 : vector<16xf32>
        %add3A_2838 = arith.addf %add3A_2828, %mul3A_2837 : vector<16xf32>
        %get3A_2839 = arith.constant 864 : index
        %get3A_2840 = tpu.vector_load %arg14[%get3A_2839] {strides = array<i32>} : memref<2048xf32, #tpu.memory_space<vmem>>, vector<16xf32>,
        %mul3A_2841 = arith.mulf %sub3A_1487, %get3A_2840 : vector<16xf32>
        %add3A_2842 = arith.addf %add3A_2832, %mul3A_2841 : vector<16xf32>
        %mul3A_2843 = arith.mulf %sub3A_1644, %get3A_2840 : vector<16xf32>
        %add3A_2844 = arith.addf %add3A_2834, %mul3A_2843 : vector<16xf32>
        %mul3A_2845 = arith.mulf %sub3A_1801, %get3A_2840 : vector<16xf32>
        %add3A_2846 = arith.addf %add3A_2836, %mul3A_2845 : vector<16xf32>
        %mul3A_2847 = arith.mulf %sub3A_1958, %get3A_2840 : vector<16xf32>
        %add3A_2848 = arith.addf %add3A_2838, %mul3A_2847 : vector<16xf32>
        %get3A_2849 = arith.constant 880 : index
        %get3A_2850 = tpu.vector_load %arg14[%get3A_2849] {strides = array<i32>} : memref<2048xf32, #tpu.memory_space<vmem>>, vector<16xf32>,
        %mul3A_2851 = arith.mulf %sub3A_1496, %get3A_2850 : vector<16xf32>
        %add3A_2852 = arith.addf %add3A_2842, %mul3A_2851 : vector<16xf32>
        %mul3A_2853 = arith.mulf %sub3A_1653, %get3A_2850 : vector<16xf32>
        %add3A_2854 = arith.addf %add3A_2844, %mul3A_2853 : vector<16xf32>
        %mul3A_2855 = arith.mulf %sub3A_1810, %get3A_2850 : vector<16xf32>
        %add3A_2856 = arith.addf %add3A_2846, %mul3A_2855 : vector<16xf32>
        %mul3A_2857 = arith.mulf %sub3A_1967, %get3A_2850 : vector<16xf32>
        %add3A_2858 = arith.addf %add3A_2848, %mul3A_2857 : vector<16xf32>
        %get3A_2859 = arith.constant 896 : index
        %get3A_2860 = tpu.vector_load %arg14[%get3A_2859] {strides = array<i32>} : memref<2048xf32, #tpu.memory_space<vmem>>, vector<16xf32>,
        %mul3A_2861 = arith.mulf %sub3A_1505, %get3A_2860 : vector<16xf32>
        %add3A_2862 = arith.addf %add3A_2852, %mul3A_2861 : vector<16xf32>
        %mul3A_2863 = arith.mulf %sub3A_1662, %get3A_2860 : vector<16xf32>
        %add3A_2864 = arith.addf %add3A_2854, %mul3A_2863 : vector<16xf32>
        %mul3A_2865 = arith.mulf %sub3A_1819, %get3A_2860 : vector<16xf32>
        %add3A_2866 = arith.addf %add3A_2856, %mul3A_2865 : vector<16xf32>
        %mul3A_2867 = arith.mulf %sub3A_1976, %get3A_2860 : vector<16xf32>
        %add3A_2868 = arith.addf %add3A_2858, %mul3A_2867 : vector<16xf32>
        %get3A_2869 = arith.constant 912 : index
        %get3A_2870 = tpu.vector_load %arg14[%get3A_2869] {strides = array<i32>} : memref<2048xf32, #tpu.memory_space<vmem>>, vector<16xf32>,
        %mul3A_2871 = arith.mulf %sub3A_1514, %get3A_2870 : vector<16xf32>
        %add3A_2872 = arith.addf %add3A_2862, %mul3A_2871 : vector<16xf32>
        %mul3A_2873 = arith.mulf %sub3A_1671, %get3A_2870 : vector<16xf32>
        %add3A_2874 = arith.addf %add3A_2864, %mul3A_2873 : vector<16xf32>
        %mul3A_2875 = arith.mulf %sub3A_1828, %get3A_2870 : vector<16xf32>
        %add3A_2876 = arith.addf %add3A_2866, %mul3A_2875 : vector<16xf32>
        %mul3A_2877 = arith.mulf %sub3A_1985, %get3A_2870 : vector<16xf32>
        %add3A_2878 = arith.addf %add3A_2868, %mul3A_2877 : vector<16xf32>
        %get3A_2879 = arith.constant 928 : index
        %get3A_2880 = tpu.vector_load %arg14[%get3A_2879] {strides = array<i32>} : memref<2048xf32, #tpu.memory_space<vmem>>, vector<16xf32>,
        %mul3A_2881 = arith.mulf %sub3A_1523, %get3A_2880 : vector<16xf32>
        %add3A_2882 = arith.addf %add3A_2872, %mul3A_2881 : vector<16xf32>
        %mul3A_2883 = arith.mulf %sub3A_1680, %get3A_2880 : vector<16xf32>
        %add3A_2884 = arith.addf %add3A_2874, %mul3A_2883 : vector<16xf32>
        %mul3A_2885 = arith.mulf %sub3A_1837, %get3A_2880 : vector<16xf32>
        %add3A_2886 = arith.addf %add3A_2876, %mul3A_2885 : vector<16xf32>
        %mul3A_2887 = arith.mulf %sub3A_1994, %get3A_2880 : vector<16xf32>
        %add3A_2888 = arith.addf %add3A_2878, %mul3A_2887 : vector<16xf32>
        %get3A_2889 = arith.constant 944 : index
        %get3A_2890 = tpu.vector_load %arg14[%get3A_2889] {strides = array<i32>} : memref<2048xf32, #tpu.memory_space<vmem>>, vector<16xf32>,
        %mul3A_2891 = arith.mulf %sub3A_1532, %get3A_2890 : vector<16xf32>
        %add3A_2892 = arith.addf %add3A_2882, %mul3A_2891 : vector<16xf32>
        %mul3A_2893 = arith.mulf %sub3A_1689, %get3A_2890 : vector<16xf32>
        %add3A_2894 = arith.addf %add3A_2884, %mul3A_2893 : vector<16xf32>
        %mul3A_2895 = arith.mulf %sub3A_1846, %get3A_2890 : vector<16xf32>
        %add3A_2896 = arith.addf %add3A_2886, %mul3A_2895 : vector<16xf32>
        %mul3A_2897 = arith.mulf %sub3A_2003, %get3A_2890 : vector<16xf32>
        %add3A_2898 = arith.addf %add3A_2888, %mul3A_2897 : vector<16xf32>
        %get3A_2899 = arith.constant 960 : index
        %get3A_2900 = tpu.vector_load %arg14[%get3A_2899] {strides = array<i32>} : memref<2048xf32, #tpu.memory_space<vmem>>, vector<16xf32>,
        %mul3A_2901 = arith.mulf %sub3A_1541, %get3A_2900 : vector<16xf32>
        %add3A_2902 = arith.addf %add3A_2892, %mul3A_2901 : vector<16xf32>
        %mul3A_2903 = arith.mulf %sub3A_1698, %get3A_2900 : vector<16xf32>
        %add3A_2904 = arith.addf %add3A_2894, %mul3A_2903 : vector<16xf32>
        %mul3A_2905 = arith.mulf %sub3A_1855, %get3A_2900 : vector<16xf32>
        %add3A_2906 = arith.addf %add3A_2896, %mul3A_2905 : vector<16xf32>
        %mul3A_2907 = arith.mulf %sub3A_2012, %get3A_2900 : vector<16xf32>
        %add3A_2908 = arith.addf %add3A_2898, %mul3A_2907 : vector<16xf32>
        %get3A_2909 = arith.constant 976 : index
        %get3A_2910 = tpu.vector_load %arg14[%get3A_2909] {strides = array<i32>} : memref<2048xf32, #tpu.memory_space<vmem>>, vector<16xf32>,
        %mul3A_2911 = arith.mulf %sub3A_1550, %get3A_2910 : vector<16xf32>
        %add3A_2912 = arith.addf %add3A_2902, %mul3A_2911 : vector<16xf32>
        %mul3A_2913 = arith.mulf %sub3A_1707, %get3A_2910 : vector<16xf32>
        %add3A_2914 = arith.addf %add3A_2904, %mul3A_2913 : vector<16xf32>
        %mul3A_2915 = arith.mulf %sub3A_1864, %get3A_2910 : vector<16xf32>
        %add3A_2916 = arith.addf %add3A_2906, %mul3A_2915 : vector<16xf32>
        %mul3A_2917 = arith.mulf %sub3A_2021, %get3A_2910 : vector<16xf32>
        %add3A_2918 = arith.addf %add3A_2908, %mul3A_2917 : vector<16xf32>
        %get3A_2919 = arith.constant 992 : index
        %get3A_2920 = tpu.vector_load %arg14[%get3A_2919] {strides = array<i32>} : memref<2048xf32, #tpu.memory_space<vmem>>, vector<16xf32>,
        %mul3A_2921 = arith.mulf %sub3A_1559, %get3A_2920 : vector<16xf32>
        %add3A_2922 = arith.addf %add3A_2912, %mul3A_2921 : vector<16xf32>
        %mul3A_2923 = arith.mulf %sub3A_1716, %get3A_2920 : vector<16xf32>
        %add3A_2924 = arith.addf %add3A_2914, %mul3A_2923 : vector<16xf32>
        %mul3A_2925 = arith.mulf %sub3A_1873, %get3A_2920 : vector<16xf32>
        %add3A_2926 = arith.addf %add3A_2916, %mul3A_2925 : vector<16xf32>
        %mul3A_2927 = arith.mulf %sub3A_2030, %get3A_2920 : vector<16xf32>
        %add3A_2928 = arith.addf %add3A_2918, %mul3A_2927 : vector<16xf32>
        %get3A_2929 = arith.constant 1008 : index
        %get3A_2930 = tpu.vector_load %arg14[%get3A_2929] {strides = array<i32>} : memref<2048xf32, #tpu.memory_space<vmem>>, vector<16xf32>,
        %mul3A_2931 = arith.mulf %sub3A_1568, %get3A_2930 : vector<16xf32>
        %add3A_2932 = arith.addf %add3A_2922, %mul3A_2931 : vector<16xf32>
        %mul3A_2933 = arith.mulf %sub3A_1725, %get3A_2930 : vector<16xf32>
        %add3A_2934 = arith.addf %add3A_2924, %mul3A_2933 : vector<16xf32>
        %mul3A_2935 = arith.mulf %sub3A_1882, %get3A_2930 : vector<16xf32>
        %add3A_2936 = arith.addf %add3A_2926, %mul3A_2935 : vector<16xf32>
        %mul3A_2937 = arith.mulf %sub3A_2039, %get3A_2930 : vector<16xf32>
        %add3A_2938 = arith.addf %add3A_2928, %mul3A_2937 : vector<16xf32>
        %select_n3A_2939 = arith.select %lt3A_1424, %broadcast_in_dim3A_916, %broadcast_in_dim3A_922 : vector<16xi1>, vector<16xf32>
        %mul3A_2940 = arith.mulf %get3A_209, %select_n3A_2939 : vector<16xf32>
        %mul3A_2941 = arith.mulf %get3A_211, %add3A_2932 : vector<16xf32>
        %add3A_2942 = arith.addf %mul3A_2940, %mul3A_2941 : vector<16xf32>
        %add3A_2943 = arith.constant 384 : i32
        %add3A_2944 = arith.addi %add3A_2048, %add3A_2943 : i32
        %swap3A_2945 = arith.index_cast %add3A_2944 : i32 to index
        %swap3A_2946 = tpu.vector_load %arg15[%swap3A_2945] {strides = array<i32>} : memref<8192xf32, #tpu.memory_space<vmem>>, vector<16xf32>,
        tpu.vector_store %arg15[%swap3A_2945], %select_n3A_2939 {strides = array<i32>} : memref<8192xf32, #tpu.memory_space<vmem>>, vector<16xf32>,
        %add3A_2947 = arith.constant 384 : i32
        %add3A_2948 = arith.addi %add3A_2048, %add3A_2947 : i32
        %swap3A_2949 = arith.index_cast %add3A_2948 : i32 to index
        %swap3A_2950 = tpu.vector_load %arg16[%swap3A_2949] {strides = array<i32>} : memref<8192xf32, #tpu.memory_space<vmem>>, vector<16xf32>,
        tpu.vector_store %arg16[%swap3A_2949], %add3A_2932 {strides = array<i32>} : memref<8192xf32, #tpu.memory_space<vmem>>, vector<16xf32>,
        %add3A_2951 = arith.constant 384 : i32
        %add3A_2952 = arith.addi %add3A_2048, %add3A_2951 : i32
        %swap3A_2953 = arith.index_cast %add3A_2952 : i32 to index
        %swap3A_2954 = tpu.vector_load %arg17[%swap3A_2953] {strides = array<i32>} : memref<8192xf32, #tpu.memory_space<vmem>>, vector<16xf32>,
        tpu.vector_store %arg17[%swap3A_2953], %add3A_2942 {strides = array<i32>} : memref<8192xf32, #tpu.memory_space<vmem>>, vector<16xf32>,
        %gt3A_2955 = arith.cmpf ogt, %add3A_2942, %select_n3A_2716 : vector<16xf32>
        %select_n3A_2956 = arith.select %gt3A_2955, %add3A_2942, %select_n3A_2716 : vector<16xi1>, vector<16xf32>
        %broadcast_in_dim3A_2957 = arith.constant 3 : i32
        %broadcast_in_dim3A_2958 = vector.broadcast %broadcast_in_dim3A_2957 : i32 to vector<16xi32>
        %select_n3A_2959 = arith.select %gt3A_2955, %broadcast_in_dim3A_2958, %select_n3A_2719 : vector<16xi1>, vector<16xi32>
        %select_n3A_2960 = arith.select %lt3A_1581, %broadcast_in_dim3A_916, %broadcast_in_dim3A_922 : vector<16xi1>, vector<16xf32>
        %mul3A_2961 = arith.mulf %get3A_209, %select_n3A_2960 : vector<16xf32>
        %mul3A_2962 = arith.mulf %get3A_211, %add3A_2934 : vector<16xf32>
        %add3A_2963 = arith.addf %mul3A_2961, %mul3A_2962 : vector<16xf32>
        %add3A_2964 = arith.constant 384 : i32
        %add3A_2965 = arith.addi %add3A_2057, %add3A_2964 : i32
        %swap3A_2966 = arith.index_cast %add3A_2965 : i32 to index
        %swap3A_2967 = tpu.vector_load %arg15[%swap3A_2966] {strides = array<i32>} : memref<8192xf32, #tpu.memory_space<vmem>>, vector<16xf32>,
        tpu.vector_store %arg15[%swap3A_2966], %select_n3A_2960 {strides = array<i32>} : memref<8192xf32, #tpu.memory_space<vmem>>, vector<16xf32>,
        %add3A_2968 = arith.constant 384 : i32
        %add3A_2969 = arith.addi %add3A_2057, %add3A_2968 : i32
        %swap3A_2970 = arith.index_cast %add3A_2969 : i32 to index
        %swap3A_2971 = tpu.vector_load %arg16[%swap3A_2970] {strides = array<i32>} : memref<8192xf32, #tpu.memory_space<vmem>>, vector<16xf32>,
        tpu.vector_store %arg16[%swap3A_2970], %add3A_2934 {strides = array<i32>} : memref<8192xf32, #tpu.memory_space<vmem>>, vector<16xf32>,
        %add3A_2972 = arith.constant 384 : i32
        %add3A_2973 = arith.addi %add3A_2057, %add3A_2972 : i32
        %swap3A_2974 = arith.index_cast %add3A_2973 : i32 to index
        %swap3A_2975 = tpu.vector_load %arg17[%swap3A_2974] {strides = array<i32>} : memref<8192xf32, #tpu.memory_space<vmem>>, vector<16xf32>,
        tpu.vector_store %arg17[%swap3A_2974], %add3A_2963 {strides = array<i32>} : memref<8192xf32, #tpu.memory_space<vmem>>, vector<16xf32>,
        %gt3A_2976 = arith.cmpf ogt, %add3A_2963, %select_n3A_2737 : vector<16xf32>
        %select_n3A_2977 = arith.select %gt3A_2976, %add3A_2963, %select_n3A_2737 : vector<16xi1>, vector<16xf32>
        %broadcast_in_dim3A_2978 = arith.constant 3 : i32
        %broadcast_in_dim3A_2979 = vector.broadcast %broadcast_in_dim3A_2978 : i32 to vector<16xi32>
        %select_n3A_2980 = arith.select %gt3A_2976, %broadcast_in_dim3A_2979, %select_n3A_2740 : vector<16xi1>, vector<16xi32>
        %select_n3A_2981 = arith.select %lt3A_1738, %broadcast_in_dim3A_916, %broadcast_in_dim3A_922 : vector<16xi1>, vector<16xf32>
        %mul3A_2982 = arith.mulf %get3A_209, %select_n3A_2981 : vector<16xf32>
        %mul3A_2983 = arith.mulf %get3A_211, %add3A_2936 : vector<16xf32>
        %add3A_2984 = arith.addf %mul3A_2982, %mul3A_2983 : vector<16xf32>
        %add3A_2985 = arith.constant 384 : i32
        %add3A_2986 = arith.addi %add3A_2066, %add3A_2985 : i32
        %swap3A_2987 = arith.index_cast %add3A_2986 : i32 to index
        %swap3A_2988 = tpu.vector_load %arg15[%swap3A_2987] {strides = array<i32>} : memref<8192xf32, #tpu.memory_space<vmem>>, vector<16xf32>,
        tpu.vector_store %arg15[%swap3A_2987], %select_n3A_2981 {strides = array<i32>} : memref<8192xf32, #tpu.memory_space<vmem>>, vector<16xf32>,
        %add3A_2989 = arith.constant 384 : i32
        %add3A_2990 = arith.addi %add3A_2066, %add3A_2989 : i32
        %swap3A_2991 = arith.index_cast %add3A_2990 : i32 to index
        %swap3A_2992 = tpu.vector_load %arg16[%swap3A_2991] {strides = array<i32>} : memref<8192xf32, #tpu.memory_space<vmem>>, vector<16xf32>,
        tpu.vector_store %arg16[%swap3A_2991], %add3A_2936 {strides = array<i32>} : memref<8192xf32, #tpu.memory_space<vmem>>, vector<16xf32>,
        %add3A_2993 = arith.constant 384 : i32
        %add3A_2994 = arith.addi %add3A_2066, %add3A_2993 : i32
        %swap3A_2995 = arith.index_cast %add3A_2994 : i32 to index
        %swap3A_2996 = tpu.vector_load %arg17[%swap3A_2995] {strides = array<i32>} : memref<8192xf32, #tpu.memory_space<vmem>>, vector<16xf32>,
        tpu.vector_store %arg17[%swap3A_2995], %add3A_2984 {strides = array<i32>} : memref<8192xf32, #tpu.memory_space<vmem>>, vector<16xf32>,
        %gt3A_2997 = arith.cmpf ogt, %add3A_2984, %select_n3A_2758 : vector<16xf32>
        %select_n3A_2998 = arith.select %gt3A_2997, %add3A_2984, %select_n3A_2758 : vector<16xi1>, vector<16xf32>
        %broadcast_in_dim3A_2999 = arith.constant 3 : i32
        %broadcast_in_dim3A_3000 = vector.broadcast %broadcast_in_dim3A_2999 : i32 to vector<16xi32>
        %select_n3A_3001 = arith.select %gt3A_2997, %broadcast_in_dim3A_3000, %select_n3A_2761 : vector<16xi1>, vector<16xi32>
        %select_n3A_3002 = arith.select %lt3A_1895, %broadcast_in_dim3A_916, %broadcast_in_dim3A_922 : vector<16xi1>, vector<16xf32>
        %mul3A_3003 = arith.mulf %get3A_209, %select_n3A_3002 : vector<16xf32>
        %mul3A_3004 = arith.mulf %get3A_211, %add3A_2938 : vector<16xf32>
        %add3A_3005 = arith.addf %mul3A_3003, %mul3A_3004 : vector<16xf32>
        %add3A_3006 = arith.constant 384 : i32
        %add3A_3007 = arith.addi %add3A_2075, %add3A_3006 : i32
        %swap3A_3008 = arith.index_cast %add3A_3007 : i32 to index
        %swap3A_3009 = tpu.vector_load %arg15[%swap3A_3008] {strides = array<i32>} : memref<8192xf32, #tpu.memory_space<vmem>>, vector<16xf32>,
        tpu.vector_store %arg15[%swap3A_3008], %select_n3A_3002 {strides = array<i32>} : memref<8192xf32, #tpu.memory_space<vmem>>, vector<16xf32>,
        %add3A_3010 = arith.constant 384 : i32
        %add3A_3011 = arith.addi %add3A_2075, %add3A_3010 : i32
        %swap3A_3012 = arith.index_cast %add3A_3011 : i32 to index
        %swap3A_3013 = tpu.vector_load %arg16[%swap3A_3012] {strides = array<i32>} : memref<8192xf32, #tpu.memory_space<vmem>>, vector<16xf32>,
        tpu.vector_store %arg16[%swap3A_3012], %add3A_2938 {strides = array<i32>} : memref<8192xf32, #tpu.memory_space<vmem>>, vector<16xf32>,
        %add3A_3014 = arith.constant 384 : i32
        %add3A_3015 = arith.addi %add3A_2075, %add3A_3014 : i32
        %swap3A_3016 = arith.index_cast %add3A_3015 : i32 to index
        %swap3A_3017 = tpu.vector_load %arg17[%swap3A_3016] {strides = array<i32>} : memref<8192xf32, #tpu.memory_space<vmem>>, vector<16xf32>,
        tpu.vector_store %arg17[%swap3A_3016], %add3A_3005 {strides = array<i32>} : memref<8192xf32, #tpu.memory_space<vmem>>, vector<16xf32>,
        %gt3A_3018 = arith.cmpf ogt, %add3A_3005, %select_n3A_2779 : vector<16xf32>
        %select_n3A_3019 = arith.select %gt3A_3018, %add3A_3005, %select_n3A_2779 : vector<16xi1>, vector<16xf32>
        %broadcast_in_dim3A_3020 = arith.constant 3 : i32
        %broadcast_in_dim3A_3021 = vector.broadcast %broadcast_in_dim3A_3020 : i32 to vector<16xi32>
        %select_n3A_3022 = arith.select %gt3A_3018, %broadcast_in_dim3A_3021, %select_n3A_2782 : vector<16xi1>, vector<16xi32>
        %get3A_3023 = arith.constant 1024 : index
        %get3A_3024 = tpu.vector_load %arg14[%get3A_3023] {strides = array<i32>} : memref<2048xf32, #tpu.memory_space<vmem>>, vector<16xf32>,
        %mul3A_3025 = arith.mulf %sub3A_1433, %get3A_3024 : vector<16xf32>
        %mul3A_3026 = arith.mulf %sub3A_1590, %get3A_3024 : vector<16xf32>
        %mul3A_3027 = arith.mulf %sub3A_1747, %get3A_3024 : vector<16xf32>
        %mul3A_3028 = arith.mulf %sub3A_1904, %get3A_3024 : vector<16xf32>
        %get3A_3029 = arith.constant 1040 : index
        %get3A_3030 = tpu.vector_load %arg14[%get3A_3029] {strides = array<i32>} : memref<2048xf32, #tpu.memory_space<vmem>>, vector<16xf32>,
        %mul3A_3031 = arith.mulf %sub3A_1442, %get3A_3030 : vector<16xf32>
        %add3A_3032 = arith.addf %mul3A_3025, %mul3A_3031 : vector<16xf32>
        %mul3A_3033 = arith.mulf %sub3A_1599, %get3A_3030 : vector<16xf32>
        %add3A_3034 = arith.addf %mul3A_3026, %mul3A_3033 : vector<16xf32>
        %mul3A_3035 = arith.mulf %sub3A_1756, %get3A_3030 : vector<16xf32>
        %add3A_3036 = arith.addf %mul3A_3027, %mul3A_3035 : vector<16xf32>
        %mul3A_3037 = arith.mulf %sub3A_1913, %get3A_3030 : vector<16xf32>
        %add3A_3038 = arith.addf %mul3A_3028, %mul3A_3037 : vector<16xf32>
        %get3A_3039 = arith.constant 1056 : index
        %get3A_3040 = tpu.vector_load %arg14[%get3A_3039] {strides = array<i32>} : memref<2048xf32, #tpu.memory_space<vmem>>, vector<16xf32>,
        %mul3A_3041 = arith.mulf %sub3A_1451, %get3A_3040 : vector<16xf32>
        %add3A_3042 = arith.addf %add3A_3032, %mul3A_3041 : vector<16xf32>
        %mul3A_3043 = arith.mulf %sub3A_1608, %get3A_3040 : vector<16xf32>
        %add3A_3044 = arith.addf %add3A_3034, %mul3A_3043 : vector<16xf32>
        %mul3A_3045 = arith.mulf %sub3A_1765, %get3A_3040 : vector<16xf32>
        %add3A_3046 = arith.addf %add3A_3036, %mul3A_3045 : vector<16xf32>
        %mul3A_3047 = arith.mulf %sub3A_1922, %get3A_3040 : vector<16xf32>
        %add3A_3048 = arith.addf %add3A_3038, %mul3A_3047 : vector<16xf32>
        %get3A_3049 = arith.constant 1072 : index
        %get3A_3050 = tpu.vector_load %arg14[%get3A_3049] {strides = array<i32>} : memref<2048xf32, #tpu.memory_space<vmem>>, vector<16xf32>,
        %mul3A_3051 = arith.mulf %sub3A_1460, %get3A_3050 : vector<16xf32>
        %add3A_3052 = arith.addf %add3A_3042, %mul3A_3051 : vector<16xf32>
        %mul3A_3053 = arith.mulf %sub3A_1617, %get3A_3050 : vector<16xf32>
        %add3A_3054 = arith.addf %add3A_3044, %mul3A_3053 : vector<16xf32>
        %mul3A_3055 = arith.mulf %sub3A_1774, %get3A_3050 : vector<16xf32>
        %add3A_3056 = arith.addf %add3A_3046, %mul3A_3055 : vector<16xf32>
        %mul3A_3057 = arith.mulf %sub3A_1931, %get3A_3050 : vector<16xf32>
        %add3A_3058 = arith.addf %add3A_3048, %mul3A_3057 : vector<16xf32>
        %get3A_3059 = arith.constant 1088 : index
        %get3A_3060 = tpu.vector_load %arg14[%get3A_3059] {strides = array<i32>} : memref<2048xf32, #tpu.memory_space<vmem>>, vector<16xf32>,
        %mul3A_3061 = arith.mulf %sub3A_1469, %get3A_3060 : vector<16xf32>
        %add3A_3062 = arith.addf %add3A_3052, %mul3A_3061 : vector<16xf32>
        %mul3A_3063 = arith.mulf %sub3A_1626, %get3A_3060 : vector<16xf32>
        %add3A_3064 = arith.addf %add3A_3054, %mul3A_3063 : vector<16xf32>
        %mul3A_3065 = arith.mulf %sub3A_1783, %get3A_3060 : vector<16xf32>
        %add3A_3066 = arith.addf %add3A_3056, %mul3A_3065 : vector<16xf32>
        %mul3A_3067 = arith.mulf %sub3A_1940, %get3A_3060 : vector<16xf32>
        %add3A_3068 = arith.addf %add3A_3058, %mul3A_3067 : vector<16xf32>
        %get3A_3069 = arith.constant 1104 : index
        %get3A_3070 = tpu.vector_load %arg14[%get3A_3069] {strides = array<i32>} : memref<2048xf32, #tpu.memory_space<vmem>>, vector<16xf32>,
        %mul3A_3071 = arith.mulf %sub3A_1478, %get3A_3070 : vector<16xf32>
        %add3A_3072 = arith.addf %add3A_3062, %mul3A_3071 : vector<16xf32>
        %mul3A_3073 = arith.mulf %sub3A_1635, %get3A_3070 : vector<16xf32>
        %add3A_3074 = arith.addf %add3A_3064, %mul3A_3073 : vector<16xf32>
        %mul3A_3075 = arith.mulf %sub3A_1792, %get3A_3070 : vector<16xf32>
        %add3A_3076 = arith.addf %add3A_3066, %mul3A_3075 : vector<16xf32>
        %mul3A_3077 = arith.mulf %sub3A_1949, %get3A_3070 : vector<16xf32>
        %add3A_3078 = arith.addf %add3A_3068, %mul3A_3077 : vector<16xf32>
        %get3A_3079 = arith.constant 1120 : index
        %get3A_3080 = tpu.vector_load %arg14[%get3A_3079] {strides = array<i32>} : memref<2048xf32, #tpu.memory_space<vmem>>, vector<16xf32>,
        %mul3A_3081 = arith.mulf %sub3A_1487, %get3A_3080 : vector<16xf32>
        %add3A_3082 = arith.addf %add3A_3072, %mul3A_3081 : vector<16xf32>
        %mul3A_3083 = arith.mulf %sub3A_1644, %get3A_3080 : vector<16xf32>
        %add3A_3084 = arith.addf %add3A_3074, %mul3A_3083 : vector<16xf32>
        %mul3A_3085 = arith.mulf %sub3A_1801, %get3A_3080 : vector<16xf32>
        %add3A_3086 = arith.addf %add3A_3076, %mul3A_3085 : vector<16xf32>
        %mul3A_3087 = arith.mulf %sub3A_1958, %get3A_3080 : vector<16xf32>
        %add3A_3088 = arith.addf %add3A_3078, %mul3A_3087 : vector<16xf32>
        %get3A_3089 = arith.constant 1136 : index
        %get3A_3090 = tpu.vector_load %arg14[%get3A_3089] {strides = array<i32>} : memref<2048xf32, #tpu.memory_space<vmem>>, vector<16xf32>,
        %mul3A_3091 = arith.mulf %sub3A_1496, %get3A_3090 : vector<16xf32>
        %add3A_3092 = arith.addf %add3A_3082, %mul3A_3091 : vector<16xf32>
        %mul3A_3093 = arith.mulf %sub3A_1653, %get3A_3090 : vector<16xf32>
        %add3A_3094 = arith.addf %add3A_3084, %mul3A_3093 : vector<16xf32>
        %mul3A_3095 = arith.mulf %sub3A_1810, %get3A_3090 : vector<16xf32>
        %add3A_3096 = arith.addf %add3A_3086, %mul3A_3095 : vector<16xf32>
        %mul3A_3097 = arith.mulf %sub3A_1967, %get3A_3090 : vector<16xf32>
        %add3A_3098 = arith.addf %add3A_3088, %mul3A_3097 : vector<16xf32>
        %get3A_3099 = arith.constant 1152 : index
        %get3A_3100 = tpu.vector_load %arg14[%get3A_3099] {strides = array<i32>} : memref<2048xf32, #tpu.memory_space<vmem>>, vector<16xf32>,
        %mul3A_3101 = arith.mulf %sub3A_1505, %get3A_3100 : vector<16xf32>
        %add3A_3102 = arith.addf %add3A_3092, %mul3A_3101 : vector<16xf32>
        %mul3A_3103 = arith.mulf %sub3A_1662, %get3A_3100 : vector<16xf32>
        %add3A_3104 = arith.addf %add3A_3094, %mul3A_3103 : vector<16xf32>
        %mul3A_3105 = arith.mulf %sub3A_1819, %get3A_3100 : vector<16xf32>
        %add3A_3106 = arith.addf %add3A_3096, %mul3A_3105 : vector<16xf32>
        %mul3A_3107 = arith.mulf %sub3A_1976, %get3A_3100 : vector<16xf32>
        %add3A_3108 = arith.addf %add3A_3098, %mul3A_3107 : vector<16xf32>
        %get3A_3109 = arith.constant 1168 : index
        %get3A_3110 = tpu.vector_load %arg14[%get3A_3109] {strides = array<i32>} : memref<2048xf32, #tpu.memory_space<vmem>>, vector<16xf32>,
        %mul3A_3111 = arith.mulf %sub3A_1514, %get3A_3110 : vector<16xf32>
        %add3A_3112 = arith.addf %add3A_3102, %mul3A_3111 : vector<16xf32>
        %mul3A_3113 = arith.mulf %sub3A_1671, %get3A_3110 : vector<16xf32>
        %add3A_3114 = arith.addf %add3A_3104, %mul3A_3113 : vector<16xf32>
        %mul3A_3115 = arith.mulf %sub3A_1828, %get3A_3110 : vector<16xf32>
        %add3A_3116 = arith.addf %add3A_3106, %mul3A_3115 : vector<16xf32>
        %mul3A_3117 = arith.mulf %sub3A_1985, %get3A_3110 : vector<16xf32>
        %add3A_3118 = arith.addf %add3A_3108, %mul3A_3117 : vector<16xf32>
        %get3A_3119 = arith.constant 1184 : index
        %get3A_3120 = tpu.vector_load %arg14[%get3A_3119] {strides = array<i32>} : memref<2048xf32, #tpu.memory_space<vmem>>, vector<16xf32>,
        %mul3A_3121 = arith.mulf %sub3A_1523, %get3A_3120 : vector<16xf32>
        %add3A_3122 = arith.addf %add3A_3112, %mul3A_3121 : vector<16xf32>
        %mul3A_3123 = arith.mulf %sub3A_1680, %get3A_3120 : vector<16xf32>
        %add3A_3124 = arith.addf %add3A_3114, %mul3A_3123 : vector<16xf32>
        %mul3A_3125 = arith.mulf %sub3A_1837, %get3A_3120 : vector<16xf32>
        %add3A_3126 = arith.addf %add3A_3116, %mul3A_3125 : vector<16xf32>
        %mul3A_3127 = arith.mulf %sub3A_1994, %get3A_3120 : vector<16xf32>
        %add3A_3128 = arith.addf %add3A_3118, %mul3A_3127 : vector<16xf32>
        %get3A_3129 = arith.constant 1200 : index
        %get3A_3130 = tpu.vector_load %arg14[%get3A_3129] {strides = array<i32>} : memref<2048xf32, #tpu.memory_space<vmem>>, vector<16xf32>,
        %mul3A_3131 = arith.mulf %sub3A_1532, %get3A_3130 : vector<16xf32>
        %add3A_3132 = arith.addf %add3A_3122, %mul3A_3131 : vector<16xf32>
        %mul3A_3133 = arith.mulf %sub3A_1689, %get3A_3130 : vector<16xf32>
        %add3A_3134 = arith.addf %add3A_3124, %mul3A_3133 : vector<16xf32>
        %mul3A_3135 = arith.mulf %sub3A_1846, %get3A_3130 : vector<16xf32>
        %add3A_3136 = arith.addf %add3A_3126, %mul3A_3135 : vector<16xf32>
        %mul3A_3137 = arith.mulf %sub3A_2003, %get3A_3130 : vector<16xf32>
        %add3A_3138 = arith.addf %add3A_3128, %mul3A_3137 : vector<16xf32>
        %get3A_3139 = arith.constant 1216 : index
        %get3A_3140 = tpu.vector_load %arg14[%get3A_3139] {strides = array<i32>} : memref<2048xf32, #tpu.memory_space<vmem>>, vector<16xf32>,
        %mul3A_3141 = arith.mulf %sub3A_1541, %get3A_3140 : vector<16xf32>
        %add3A_3142 = arith.addf %add3A_3132, %mul3A_3141 : vector<16xf32>
        %mul3A_3143 = arith.mulf %sub3A_1698, %get3A_3140 : vector<16xf32>
        %add3A_3144 = arith.addf %add3A_3134, %mul3A_3143 : vector<16xf32>
        %mul3A_3145 = arith.mulf %sub3A_1855, %get3A_3140 : vector<16xf32>
        %add3A_3146 = arith.addf %add3A_3136, %mul3A_3145 : vector<16xf32>
        %mul3A_3147 = arith.mulf %sub3A_2012, %get3A_3140 : vector<16xf32>
        %add3A_3148 = arith.addf %add3A_3138, %mul3A_3147 : vector<16xf32>
        %get3A_3149 = arith.constant 1232 : index
        %get3A_3150 = tpu.vector_load %arg14[%get3A_3149] {strides = array<i32>} : memref<2048xf32, #tpu.memory_space<vmem>>, vector<16xf32>,
        %mul3A_3151 = arith.mulf %sub3A_1550, %get3A_3150 : vector<16xf32>
        %add3A_3152 = arith.addf %add3A_3142, %mul3A_3151 : vector<16xf32>
        %mul3A_3153 = arith.mulf %sub3A_1707, %get3A_3150 : vector<16xf32>
        %add3A_3154 = arith.addf %add3A_3144, %mul3A_3153 : vector<16xf32>
        %mul3A_3155 = arith.mulf %sub3A_1864, %get3A_3150 : vector<16xf32>
        %add3A_3156 = arith.addf %add3A_3146, %mul3A_3155 : vector<16xf32>
        %mul3A_3157 = arith.mulf %sub3A_2021, %get3A_3150 : vector<16xf32>
        %add3A_3158 = arith.addf %add3A_3148, %mul3A_3157 : vector<16xf32>
        %get3A_3159 = arith.constant 1248 : index
        %get3A_3160 = tpu.vector_load %arg14[%get3A_3159] {strides = array<i32>} : memref<2048xf32, #tpu.memory_space<vmem>>, vector<16xf32>,
        %mul3A_3161 = arith.mulf %sub3A_1559, %get3A_3160 : vector<16xf32>
        %add3A_3162 = arith.addf %add3A_3152, %mul3A_3161 : vector<16xf32>
        %mul3A_3163 = arith.mulf %sub3A_1716, %get3A_3160 : vector<16xf32>
        %add3A_3164 = arith.addf %add3A_3154, %mul3A_3163 : vector<16xf32>
        %mul3A_3165 = arith.mulf %sub3A_1873, %get3A_3160 : vector<16xf32>
        %add3A_3166 = arith.addf %add3A_3156, %mul3A_3165 : vector<16xf32>
        %mul3A_3167 = arith.mulf %sub3A_2030, %get3A_3160 : vector<16xf32>
        %add3A_3168 = arith.addf %add3A_3158, %mul3A_3167 : vector<16xf32>
        %get3A_3169 = arith.constant 1264 : index
        %get3A_3170 = tpu.vector_load %arg14[%get3A_3169] {strides = array<i32>} : memref<2048xf32, #tpu.memory_space<vmem>>, vector<16xf32>,
        %mul3A_3171 = arith.mulf %sub3A_1568, %get3A_3170 : vector<16xf32>
        %add3A_3172 = arith.addf %add3A_3162, %mul3A_3171 : vector<16xf32>
        %mul3A_3173 = arith.mulf %sub3A_1725, %get3A_3170 : vector<16xf32>
        %add3A_3174 = arith.addf %add3A_3164, %mul3A_3173 : vector<16xf32>
        %mul3A_3175 = arith.mulf %sub3A_1882, %get3A_3170 : vector<16xf32>
        %add3A_3176 = arith.addf %add3A_3166, %mul3A_3175 : vector<16xf32>
        %mul3A_3177 = arith.mulf %sub3A_2039, %get3A_3170 : vector<16xf32>
        %add3A_3178 = arith.addf %add3A_3168, %mul3A_3177 : vector<16xf32>
        %select_n3A_3179 = arith.select %lt3A_1424, %broadcast_in_dim3A_930, %broadcast_in_dim3A_936 : vector<16xi1>, vector<16xf32>
        %mul3A_3180 = arith.mulf %get3A_209, %select_n3A_3179 : vector<16xf32>
        %mul3A_3181 = arith.mulf %get3A_211, %add3A_3172 : vector<16xf32>
        %add3A_3182 = arith.addf %mul3A_3180, %mul3A_3181 : vector<16xf32>
        %add3A_3183 = arith.constant 512 : i32
        %add3A_3184 = arith.addi %add3A_2048, %add3A_3183 : i32
        %swap3A_3185 = arith.index_cast %add3A_3184 : i32 to index
        %swap3A_3186 = tpu.vector_load %arg15[%swap3A_3185] {strides = array<i32>} : memref<8192xf32, #tpu.memory_space<vmem>>, vector<16xf32>,
        tpu.vector_store %arg15[%swap3A_3185], %select_n3A_3179 {strides = array<i32>} : memref<8192xf32, #tpu.memory_space<vmem>>, vector<16xf32>,
        %add3A_3187 = arith.constant 512 : i32
        %add3A_3188 = arith.addi %add3A_2048, %add3A_3187 : i32
        %swap3A_3189 = arith.index_cast %add3A_3188 : i32 to index
        %swap3A_3190 = tpu.vector_load %arg16[%swap3A_3189] {strides = array<i32>} : memref<8192xf32, #tpu.memory_space<vmem>>, vector<16xf32>,
        tpu.vector_store %arg16[%swap3A_3189], %add3A_3172 {strides = array<i32>} : memref<8192xf32, #tpu.memory_space<vmem>>, vector<16xf32>,
        %add3A_3191 = arith.constant 512 : i32
        %add3A_3192 = arith.addi %add3A_2048, %add3A_3191 : i32
        %swap3A_3193 = arith.index_cast %add3A_3192 : i32 to index
        %swap3A_3194 = tpu.vector_load %arg17[%swap3A_3193] {strides = array<i32>} : memref<8192xf32, #tpu.memory_space<vmem>>, vector<16xf32>,
        tpu.vector_store %arg17[%swap3A_3193], %add3A_3182 {strides = array<i32>} : memref<8192xf32, #tpu.memory_space<vmem>>, vector<16xf32>,
        %gt3A_3195 = arith.cmpf ogt, %add3A_3182, %select_n3A_2956 : vector<16xf32>
        %select_n3A_3196 = arith.select %gt3A_3195, %add3A_3182, %select_n3A_2956 : vector<16xi1>, vector<16xf32>
        %broadcast_in_dim3A_3197 = arith.constant 4 : i32
        %broadcast_in_dim3A_3198 = vector.broadcast %broadcast_in_dim3A_3197 : i32 to vector<16xi32>
        %select_n3A_3199 = arith.select %gt3A_3195, %broadcast_in_dim3A_3198, %select_n3A_2959 : vector<16xi1>, vector<16xi32>
        %select_n3A_3200 = arith.select %lt3A_1581, %broadcast_in_dim3A_930, %broadcast_in_dim3A_936 : vector<16xi1>, vector<16xf32>
        %mul3A_3201 = arith.mulf %get3A_209, %select_n3A_3200 : vector<16xf32>
        %mul3A_3202 = arith.mulf %get3A_211, %add3A_3174 : vector<16xf32>
        %add3A_3203 = arith.addf %mul3A_3201, %mul3A_3202 : vector<16xf32>
        %add3A_3204 = arith.constant 512 : i32
        %add3A_3205 = arith.addi %add3A_2057, %add3A_3204 : i32
        %swap3A_3206 = arith.index_cast %add3A_3205 : i32 to index
        %swap3A_3207 = tpu.vector_load %arg15[%swap3A_3206] {strides = array<i32>} : memref<8192xf32, #tpu.memory_space<vmem>>, vector<16xf32>,
        tpu.vector_store %arg15[%swap3A_3206], %select_n3A_3200 {strides = array<i32>} : memref<8192xf32, #tpu.memory_space<vmem>>, vector<16xf32>,
        %add3A_3208 = arith.constant 512 : i32
        %add3A_3209 = arith.addi %add3A_2057, %add3A_3208 : i32
        %swap3A_3210 = arith.index_cast %add3A_3209 : i32 to index
        %swap3A_3211 = tpu.vector_load %arg16[%swap3A_3210] {strides = array<i32>} : memref<8192xf32, #tpu.memory_space<vmem>>, vector<16xf32>,
        tpu.vector_store %arg16[%swap3A_3210], %add3A_3174 {strides = array<i32>} : memref<8192xf32, #tpu.memory_space<vmem>>, vector<16xf32>,
        %add3A_3212 = arith.constant 512 : i32
        %add3A_3213 = arith.addi %add3A_2057, %add3A_3212 : i32
        %swap3A_3214 = arith.index_cast %add3A_3213 : i32 to index
        %swap3A_3215 = tpu.vector_load %arg17[%swap3A_3214] {strides = array<i32>} : memref<8192xf32, #tpu.memory_space<vmem>>, vector<16xf32>,
        tpu.vector_store %arg17[%swap3A_3214], %add3A_3203 {strides = array<i32>} : memref<8192xf32, #tpu.memory_space<vmem>>, vector<16xf32>,
        %gt3A_3216 = arith.cmpf ogt, %add3A_3203, %select_n3A_2977 : vector<16xf32>
        %select_n3A_3217 = arith.select %gt3A_3216, %add3A_3203, %select_n3A_2977 : vector<16xi1>, vector<16xf32>
        %broadcast_in_dim3A_3218 = arith.constant 4 : i32
        %broadcast_in_dim3A_3219 = vector.broadcast %broadcast_in_dim3A_3218 : i32 to vector<16xi32>
        %select_n3A_3220 = arith.select %gt3A_3216, %broadcast_in_dim3A_3219, %select_n3A_2980 : vector<16xi1>, vector<16xi32>
        %select_n3A_3221 = arith.select %lt3A_1738, %broadcast_in_dim3A_930, %broadcast_in_dim3A_936 : vector<16xi1>, vector<16xf32>
        %mul3A_3222 = arith.mulf %get3A_209, %select_n3A_3221 : vector<16xf32>
        %mul3A_3223 = arith.mulf %get3A_211, %add3A_3176 : vector<16xf32>
        %add3A_3224 = arith.addf %mul3A_3222, %mul3A_3223 : vector<16xf32>
        %add3A_3225 = arith.constant 512 : i32
        %add3A_3226 = arith.addi %add3A_2066, %add3A_3225 : i32
        %swap3A_3227 = arith.index_cast %add3A_3226 : i32 to index
        %swap3A_3228 = tpu.vector_load %arg15[%swap3A_3227] {strides = array<i32>} : memref<8192xf32, #tpu.memory_space<vmem>>, vector<16xf32>,
        tpu.vector_store %arg15[%swap3A_3227], %select_n3A_3221 {strides = array<i32>} : memref<8192xf32, #tpu.memory_space<vmem>>, vector<16xf32>,
        %add3A_3229 = arith.constant 512 : i32
        %add3A_3230 = arith.addi %add3A_2066, %add3A_3229 : i32
        %swap3A_3231 = arith.index_cast %add3A_3230 : i32 to index
        %swap3A_3232 = tpu.vector_load %arg16[%swap3A_3231] {strides = array<i32>} : memref<8192xf32, #tpu.memory_space<vmem>>, vector<16xf32>,
        tpu.vector_store %arg16[%swap3A_3231], %add3A_3176 {strides = array<i32>} : memref<8192xf32, #tpu.memory_space<vmem>>, vector<16xf32>,
        %add3A_3233 = arith.constant 512 : i32
        %add3A_3234 = arith.addi %add3A_2066, %add3A_3233 : i32
        %swap3A_3235 = arith.index_cast %add3A_3234 : i32 to index
        %swap3A_3236 = tpu.vector_load %arg17[%swap3A_3235] {strides = array<i32>} : memref<8192xf32, #tpu.memory_space<vmem>>, vector<16xf32>,
        tpu.vector_store %arg17[%swap3A_3235], %add3A_3224 {strides = array<i32>} : memref<8192xf32, #tpu.memory_space<vmem>>, vector<16xf32>,
        %gt3A_3237 = arith.cmpf ogt, %add3A_3224, %select_n3A_2998 : vector<16xf32>
        %select_n3A_3238 = arith.select %gt3A_3237, %add3A_3224, %select_n3A_2998 : vector<16xi1>, vector<16xf32>
        %broadcast_in_dim3A_3239 = arith.constant 4 : i32
        %broadcast_in_dim3A_3240 = vector.broadcast %broadcast_in_dim3A_3239 : i32 to vector<16xi32>
        %select_n3A_3241 = arith.select %gt3A_3237, %broadcast_in_dim3A_3240, %select_n3A_3001 : vector<16xi1>, vector<16xi32>
        %select_n3A_3242 = arith.select %lt3A_1895, %broadcast_in_dim3A_930, %broadcast_in_dim3A_936 : vector<16xi1>, vector<16xf32>
        %mul3A_3243 = arith.mulf %get3A_209, %select_n3A_3242 : vector<16xf32>
        %mul3A_3244 = arith.mulf %get3A_211, %add3A_3178 : vector<16xf32>
        %add3A_3245 = arith.addf %mul3A_3243, %mul3A_3244 : vector<16xf32>
        %add3A_3246 = arith.constant 512 : i32
        %add3A_3247 = arith.addi %add3A_2075, %add3A_3246 : i32
        %swap3A_3248 = arith.index_cast %add3A_3247 : i32 to index
        %swap3A_3249 = tpu.vector_load %arg15[%swap3A_3248] {strides = array<i32>} : memref<8192xf32, #tpu.memory_space<vmem>>, vector<16xf32>,
        tpu.vector_store %arg15[%swap3A_3248], %select_n3A_3242 {strides = array<i32>} : memref<8192xf32, #tpu.memory_space<vmem>>, vector<16xf32>,
        %add3A_3250 = arith.constant 512 : i32
        %add3A_3251 = arith.addi %add3A_2075, %add3A_3250 : i32
        %swap3A_3252 = arith.index_cast %add3A_3251 : i32 to index
        %swap3A_3253 = tpu.vector_load %arg16[%swap3A_3252] {strides = array<i32>} : memref<8192xf32, #tpu.memory_space<vmem>>, vector<16xf32>,
        tpu.vector_store %arg16[%swap3A_3252], %add3A_3178 {strides = array<i32>} : memref<8192xf32, #tpu.memory_space<vmem>>, vector<16xf32>,
        %add3A_3254 = arith.constant 512 : i32
        %add3A_3255 = arith.addi %add3A_2075, %add3A_3254 : i32
        %swap3A_3256 = arith.index_cast %add3A_3255 : i32 to index
        %swap3A_3257 = tpu.vector_load %arg17[%swap3A_3256] {strides = array<i32>} : memref<8192xf32, #tpu.memory_space<vmem>>, vector<16xf32>,
        tpu.vector_store %arg17[%swap3A_3256], %add3A_3245 {strides = array<i32>} : memref<8192xf32, #tpu.memory_space<vmem>>, vector<16xf32>,
        %gt3A_3258 = arith.cmpf ogt, %add3A_3245, %select_n3A_3019 : vector<16xf32>
        %select_n3A_3259 = arith.select %gt3A_3258, %add3A_3245, %select_n3A_3019 : vector<16xi1>, vector<16xf32>
        %broadcast_in_dim3A_3260 = arith.constant 4 : i32
        %broadcast_in_dim3A_3261 = vector.broadcast %broadcast_in_dim3A_3260 : i32 to vector<16xi32>
        %select_n3A_3262 = arith.select %gt3A_3258, %broadcast_in_dim3A_3261, %select_n3A_3022 : vector<16xi1>, vector<16xi32>
        %get3A_3263 = arith.constant 1280 : index
        %get3A_3264 = tpu.vector_load %arg14[%get3A_3263] {strides = array<i32>} : memref<2048xf32, #tpu.memory_space<vmem>>, vector<16xf32>,
        %mul3A_3265 = arith.mulf %sub3A_1433, %get3A_3264 : vector<16xf32>
        %mul3A_3266 = arith.mulf %sub3A_1590, %get3A_3264 : vector<16xf32>
        %mul3A_3267 = arith.mulf %sub3A_1747, %get3A_3264 : vector<16xf32>
        %mul3A_3268 = arith.mulf %sub3A_1904, %get3A_3264 : vector<16xf32>
        %get3A_3269 = arith.constant 1296 : index
        %get3A_3270 = tpu.vector_load %arg14[%get3A_3269] {strides = array<i32>} : memref<2048xf32, #tpu.memory_space<vmem>>, vector<16xf32>,
        %mul3A_3271 = arith.mulf %sub3A_1442, %get3A_3270 : vector<16xf32>
        %add3A_3272 = arith.addf %mul3A_3265, %mul3A_3271 : vector<16xf32>
        %mul3A_3273 = arith.mulf %sub3A_1599, %get3A_3270 : vector<16xf32>
        %add3A_3274 = arith.addf %mul3A_3266, %mul3A_3273 : vector<16xf32>
        %mul3A_3275 = arith.mulf %sub3A_1756, %get3A_3270 : vector<16xf32>
        %add3A_3276 = arith.addf %mul3A_3267, %mul3A_3275 : vector<16xf32>
        %mul3A_3277 = arith.mulf %sub3A_1913, %get3A_3270 : vector<16xf32>
        %add3A_3278 = arith.addf %mul3A_3268, %mul3A_3277 : vector<16xf32>
        %get3A_3279 = arith.constant 1312 : index
        %get3A_3280 = tpu.vector_load %arg14[%get3A_3279] {strides = array<i32>} : memref<2048xf32, #tpu.memory_space<vmem>>, vector<16xf32>,
        %mul3A_3281 = arith.mulf %sub3A_1451, %get3A_3280 : vector<16xf32>
        %add3A_3282 = arith.addf %add3A_3272, %mul3A_3281 : vector<16xf32>
        %mul3A_3283 = arith.mulf %sub3A_1608, %get3A_3280 : vector<16xf32>
        %add3A_3284 = arith.addf %add3A_3274, %mul3A_3283 : vector<16xf32>
        %mul3A_3285 = arith.mulf %sub3A_1765, %get3A_3280 : vector<16xf32>
        %add3A_3286 = arith.addf %add3A_3276, %mul3A_3285 : vector<16xf32>
        %mul3A_3287 = arith.mulf %sub3A_1922, %get3A_3280 : vector<16xf32>
        %add3A_3288 = arith.addf %add3A_3278, %mul3A_3287 : vector<16xf32>
        %get3A_3289 = arith.constant 1328 : index
        %get3A_3290 = tpu.vector_load %arg14[%get3A_3289] {strides = array<i32>} : memref<2048xf32, #tpu.memory_space<vmem>>, vector<16xf32>,
        %mul3A_3291 = arith.mulf %sub3A_1460, %get3A_3290 : vector<16xf32>
        %add3A_3292 = arith.addf %add3A_3282, %mul3A_3291 : vector<16xf32>
        %mul3A_3293 = arith.mulf %sub3A_1617, %get3A_3290 : vector<16xf32>
        %add3A_3294 = arith.addf %add3A_3284, %mul3A_3293 : vector<16xf32>
        %mul3A_3295 = arith.mulf %sub3A_1774, %get3A_3290 : vector<16xf32>
        %add3A_3296 = arith.addf %add3A_3286, %mul3A_3295 : vector<16xf32>
        %mul3A_3297 = arith.mulf %sub3A_1931, %get3A_3290 : vector<16xf32>
        %add3A_3298 = arith.addf %add3A_3288, %mul3A_3297 : vector<16xf32>
        %get3A_3299 = arith.constant 1344 : index
        %get3A_3300 = tpu.vector_load %arg14[%get3A_3299] {strides = array<i32>} : memref<2048xf32, #tpu.memory_space<vmem>>, vector<16xf32>,
        %mul3A_3301 = arith.mulf %sub3A_1469, %get3A_3300 : vector<16xf32>
        %add3A_3302 = arith.addf %add3A_3292, %mul3A_3301 : vector<16xf32>
        %mul3A_3303 = arith.mulf %sub3A_1626, %get3A_3300 : vector<16xf32>
        %add3A_3304 = arith.addf %add3A_3294, %mul3A_3303 : vector<16xf32>
        %mul3A_3305 = arith.mulf %sub3A_1783, %get3A_3300 : vector<16xf32>
        %add3A_3306 = arith.addf %add3A_3296, %mul3A_3305 : vector<16xf32>
        %mul3A_3307 = arith.mulf %sub3A_1940, %get3A_3300 : vector<16xf32>
        %add3A_3308 = arith.addf %add3A_3298, %mul3A_3307 : vector<16xf32>
        %get3A_3309 = arith.constant 1360 : index
        %get3A_3310 = tpu.vector_load %arg14[%get3A_3309] {strides = array<i32>} : memref<2048xf32, #tpu.memory_space<vmem>>, vector<16xf32>,
        %mul3A_3311 = arith.mulf %sub3A_1478, %get3A_3310 : vector<16xf32>
        %add3A_3312 = arith.addf %add3A_3302, %mul3A_3311 : vector<16xf32>
        %mul3A_3313 = arith.mulf %sub3A_1635, %get3A_3310 : vector<16xf32>
        %add3A_3314 = arith.addf %add3A_3304, %mul3A_3313 : vector<16xf32>
        %mul3A_3315 = arith.mulf %sub3A_1792, %get3A_3310 : vector<16xf32>
        %add3A_3316 = arith.addf %add3A_3306, %mul3A_3315 : vector<16xf32>
        %mul3A_3317 = arith.mulf %sub3A_1949, %get3A_3310 : vector<16xf32>
        %add3A_3318 = arith.addf %add3A_3308, %mul3A_3317 : vector<16xf32>
        %get3A_3319 = arith.constant 1376 : index
        %get3A_3320 = tpu.vector_load %arg14[%get3A_3319] {strides = array<i32>} : memref<2048xf32, #tpu.memory_space<vmem>>, vector<16xf32>,
        %mul3A_3321 = arith.mulf %sub3A_1487, %get3A_3320 : vector<16xf32>
        %add3A_3322 = arith.addf %add3A_3312, %mul3A_3321 : vector<16xf32>
        %mul3A_3323 = arith.mulf %sub3A_1644, %get3A_3320 : vector<16xf32>
        %add3A_3324 = arith.addf %add3A_3314, %mul3A_3323 : vector<16xf32>
        %mul3A_3325 = arith.mulf %sub3A_1801, %get3A_3320 : vector<16xf32>
        %add3A_3326 = arith.addf %add3A_3316, %mul3A_3325 : vector<16xf32>
        %mul3A_3327 = arith.mulf %sub3A_1958, %get3A_3320 : vector<16xf32>
        %add3A_3328 = arith.addf %add3A_3318, %mul3A_3327 : vector<16xf32>
        %get3A_3329 = arith.constant 1392 : index
        %get3A_3330 = tpu.vector_load %arg14[%get3A_3329] {strides = array<i32>} : memref<2048xf32, #tpu.memory_space<vmem>>, vector<16xf32>,
        %mul3A_3331 = arith.mulf %sub3A_1496, %get3A_3330 : vector<16xf32>
        %add3A_3332 = arith.addf %add3A_3322, %mul3A_3331 : vector<16xf32>
        %mul3A_3333 = arith.mulf %sub3A_1653, %get3A_3330 : vector<16xf32>
        %add3A_3334 = arith.addf %add3A_3324, %mul3A_3333 : vector<16xf32>
        %mul3A_3335 = arith.mulf %sub3A_1810, %get3A_3330 : vector<16xf32>
        %add3A_3336 = arith.addf %add3A_3326, %mul3A_3335 : vector<16xf32>
        %mul3A_3337 = arith.mulf %sub3A_1967, %get3A_3330 : vector<16xf32>
        %add3A_3338 = arith.addf %add3A_3328, %mul3A_3337 : vector<16xf32>
        %get3A_3339 = arith.constant 1408 : index
        %get3A_3340 = tpu.vector_load %arg14[%get3A_3339] {strides = array<i32>} : memref<2048xf32, #tpu.memory_space<vmem>>, vector<16xf32>,
        %mul3A_3341 = arith.mulf %sub3A_1505, %get3A_3340 : vector<16xf32>
        %add3A_3342 = arith.addf %add3A_3332, %mul3A_3341 : vector<16xf32>
        %mul3A_3343 = arith.mulf %sub3A_1662, %get3A_3340 : vector<16xf32>
        %add3A_3344 = arith.addf %add3A_3334, %mul3A_3343 : vector<16xf32>
        %mul3A_3345 = arith.mulf %sub3A_1819, %get3A_3340 : vector<16xf32>
        %add3A_3346 = arith.addf %add3A_3336, %mul3A_3345 : vector<16xf32>
        %mul3A_3347 = arith.mulf %sub3A_1976, %get3A_3340 : vector<16xf32>
        %add3A_3348 = arith.addf %add3A_3338, %mul3A_3347 : vector<16xf32>
        %get3A_3349 = arith.constant 1424 : index
        %get3A_3350 = tpu.vector_load %arg14[%get3A_3349] {strides = array<i32>} : memref<2048xf32, #tpu.memory_space<vmem>>, vector<16xf32>,
        %mul3A_3351 = arith.mulf %sub3A_1514, %get3A_3350 : vector<16xf32>
        %add3A_3352 = arith.addf %add3A_3342, %mul3A_3351 : vector<16xf32>
        %mul3A_3353 = arith.mulf %sub3A_1671, %get3A_3350 : vector<16xf32>
        %add3A_3354 = arith.addf %add3A_3344, %mul3A_3353 : vector<16xf32>
        %mul3A_3355 = arith.mulf %sub3A_1828, %get3A_3350 : vector<16xf32>
        %add3A_3356 = arith.addf %add3A_3346, %mul3A_3355 : vector<16xf32>
        %mul3A_3357 = arith.mulf %sub3A_1985, %get3A_3350 : vector<16xf32>
        %add3A_3358 = arith.addf %add3A_3348, %mul3A_3357 : vector<16xf32>
        %get3A_3359 = arith.constant 1440 : index
        %get3A_3360 = tpu.vector_load %arg14[%get3A_3359] {strides = array<i32>} : memref<2048xf32, #tpu.memory_space<vmem>>, vector<16xf32>,
        %mul3A_3361 = arith.mulf %sub3A_1523, %get3A_3360 : vector<16xf32>
        %add3A_3362 = arith.addf %add3A_3352, %mul3A_3361 : vector<16xf32>
        %mul3A_3363 = arith.mulf %sub3A_1680, %get3A_3360 : vector<16xf32>
        %add3A_3364 = arith.addf %add3A_3354, %mul3A_3363 : vector<16xf32>
        %mul3A_3365 = arith.mulf %sub3A_1837, %get3A_3360 : vector<16xf32>
        %add3A_3366 = arith.addf %add3A_3356, %mul3A_3365 : vector<16xf32>
        %mul3A_3367 = arith.mulf %sub3A_1994, %get3A_3360 : vector<16xf32>
        %add3A_3368 = arith.addf %add3A_3358, %mul3A_3367 : vector<16xf32>
        %get3A_3369 = arith.constant 1456 : index
        %get3A_3370 = tpu.vector_load %arg14[%get3A_3369] {strides = array<i32>} : memref<2048xf32, #tpu.memory_space<vmem>>, vector<16xf32>,
        %mul3A_3371 = arith.mulf %sub3A_1532, %get3A_3370 : vector<16xf32>
        %add3A_3372 = arith.addf %add3A_3362, %mul3A_3371 : vector<16xf32>
        %mul3A_3373 = arith.mulf %sub3A_1689, %get3A_3370 : vector<16xf32>
        %add3A_3374 = arith.addf %add3A_3364, %mul3A_3373 : vector<16xf32>
        %mul3A_3375 = arith.mulf %sub3A_1846, %get3A_3370 : vector<16xf32>
        %add3A_3376 = arith.addf %add3A_3366, %mul3A_3375 : vector<16xf32>
        %mul3A_3377 = arith.mulf %sub3A_2003, %get3A_3370 : vector<16xf32>
        %add3A_3378 = arith.addf %add3A_3368, %mul3A_3377 : vector<16xf32>
        %get3A_3379 = arith.constant 1472 : index
        %get3A_3380 = tpu.vector_load %arg14[%get3A_3379] {strides = array<i32>} : memref<2048xf32, #tpu.memory_space<vmem>>, vector<16xf32>,
        %mul3A_3381 = arith.mulf %sub3A_1541, %get3A_3380 : vector<16xf32>
        %add3A_3382 = arith.addf %add3A_3372, %mul3A_3381 : vector<16xf32>
        %mul3A_3383 = arith.mulf %sub3A_1698, %get3A_3380 : vector<16xf32>
        %add3A_3384 = arith.addf %add3A_3374, %mul3A_3383 : vector<16xf32>
        %mul3A_3385 = arith.mulf %sub3A_1855, %get3A_3380 : vector<16xf32>
        %add3A_3386 = arith.addf %add3A_3376, %mul3A_3385 : vector<16xf32>
        %mul3A_3387 = arith.mulf %sub3A_2012, %get3A_3380 : vector<16xf32>
        %add3A_3388 = arith.addf %add3A_3378, %mul3A_3387 : vector<16xf32>
        %get3A_3389 = arith.constant 1488 : index
        %get3A_3390 = tpu.vector_load %arg14[%get3A_3389] {strides = array<i32>} : memref<2048xf32, #tpu.memory_space<vmem>>, vector<16xf32>,
        %mul3A_3391 = arith.mulf %sub3A_1550, %get3A_3390 : vector<16xf32>
        %add3A_3392 = arith.addf %add3A_3382, %mul3A_3391 : vector<16xf32>
        %mul3A_3393 = arith.mulf %sub3A_1707, %get3A_3390 : vector<16xf32>
        %add3A_3394 = arith.addf %add3A_3384, %mul3A_3393 : vector<16xf32>
        %mul3A_3395 = arith.mulf %sub3A_1864, %get3A_3390 : vector<16xf32>
        %add3A_3396 = arith.addf %add3A_3386, %mul3A_3395 : vector<16xf32>
        %mul3A_3397 = arith.mulf %sub3A_2021, %get3A_3390 : vector<16xf32>
        %add3A_3398 = arith.addf %add3A_3388, %mul3A_3397 : vector<16xf32>
        %get3A_3399 = arith.constant 1504 : index
        %get3A_3400 = tpu.vector_load %arg14[%get3A_3399] {strides = array<i32>} : memref<2048xf32, #tpu.memory_space<vmem>>, vector<16xf32>,
        %mul3A_3401 = arith.mulf %sub3A_1559, %get3A_3400 : vector<16xf32>
        %add3A_3402 = arith.addf %add3A_3392, %mul3A_3401 : vector<16xf32>
        %mul3A_3403 = arith.mulf %sub3A_1716, %get3A_3400 : vector<16xf32>
        %add3A_3404 = arith.addf %add3A_3394, %mul3A_3403 : vector<16xf32>
        %mul3A_3405 = arith.mulf %sub3A_1873, %get3A_3400 : vector<16xf32>
        %add3A_3406 = arith.addf %add3A_3396, %mul3A_3405 : vector<16xf32>
        %mul3A_3407 = arith.mulf %sub3A_2030, %get3A_3400 : vector<16xf32>
        %add3A_3408 = arith.addf %add3A_3398, %mul3A_3407 : vector<16xf32>
        %get3A_3409 = arith.constant 1520 : index
        %get3A_3410 = tpu.vector_load %arg14[%get3A_3409] {strides = array<i32>} : memref<2048xf32, #tpu.memory_space<vmem>>, vector<16xf32>,
        %mul3A_3411 = arith.mulf %sub3A_1568, %get3A_3410 : vector<16xf32>
        %add3A_3412 = arith.addf %add3A_3402, %mul3A_3411 : vector<16xf32>
        %mul3A_3413 = arith.mulf %sub3A_1725, %get3A_3410 : vector<16xf32>
        %add3A_3414 = arith.addf %add3A_3404, %mul3A_3413 : vector<16xf32>
        %mul3A_3415 = arith.mulf %sub3A_1882, %get3A_3410 : vector<16xf32>
        %add3A_3416 = arith.addf %add3A_3406, %mul3A_3415 : vector<16xf32>
        %mul3A_3417 = arith.mulf %sub3A_2039, %get3A_3410 : vector<16xf32>
        %add3A_3418 = arith.addf %add3A_3408, %mul3A_3417 : vector<16xf32>
        %select_n3A_3419 = arith.select %lt3A_1424, %broadcast_in_dim3A_944, %broadcast_in_dim3A_950 : vector<16xi1>, vector<16xf32>
        %mul3A_3420 = arith.mulf %get3A_209, %select_n3A_3419 : vector<16xf32>
        %mul3A_3421 = arith.mulf %get3A_211, %add3A_3412 : vector<16xf32>
        %add3A_3422 = arith.addf %mul3A_3420, %mul3A_3421 : vector<16xf32>
        %add3A_3423 = arith.constant 640 : i32
        %add3A_3424 = arith.addi %add3A_2048, %add3A_3423 : i32
        %swap3A_3425 = arith.index_cast %add3A_3424 : i32 to index
        %swap3A_3426 = tpu.vector_load %arg15[%swap3A_3425] {strides = array<i32>} : memref<8192xf32, #tpu.memory_space<vmem>>, vector<16xf32>,
        tpu.vector_store %arg15[%swap3A_3425], %select_n3A_3419 {strides = array<i32>} : memref<8192xf32, #tpu.memory_space<vmem>>, vector<16xf32>,
        %add3A_3427 = arith.constant 640 : i32
        %add3A_3428 = arith.addi %add3A_2048, %add3A_3427 : i32
        %swap3A_3429 = arith.index_cast %add3A_3428 : i32 to index
        %swap3A_3430 = tpu.vector_load %arg16[%swap3A_3429] {strides = array<i32>} : memref<8192xf32, #tpu.memory_space<vmem>>, vector<16xf32>,
        tpu.vector_store %arg16[%swap3A_3429], %add3A_3412 {strides = array<i32>} : memref<8192xf32, #tpu.memory_space<vmem>>, vector<16xf32>,
        %add3A_3431 = arith.constant 640 : i32
        %add3A_3432 = arith.addi %add3A_2048, %add3A_3431 : i32
        %swap3A_3433 = arith.index_cast %add3A_3432 : i32 to index
        %swap3A_3434 = tpu.vector_load %arg17[%swap3A_3433] {strides = array<i32>} : memref<8192xf32, #tpu.memory_space<vmem>>, vector<16xf32>,
        tpu.vector_store %arg17[%swap3A_3433], %add3A_3422 {strides = array<i32>} : memref<8192xf32, #tpu.memory_space<vmem>>, vector<16xf32>,
        %gt3A_3435 = arith.cmpf ogt, %add3A_3422, %select_n3A_3196 : vector<16xf32>
        %select_n3A_3436 = arith.select %gt3A_3435, %add3A_3422, %select_n3A_3196 : vector<16xi1>, vector<16xf32>
        %broadcast_in_dim3A_3437 = arith.constant 5 : i32
        %broadcast_in_dim3A_3438 = vector.broadcast %broadcast_in_dim3A_3437 : i32 to vector<16xi32>
        %select_n3A_3439 = arith.select %gt3A_3435, %broadcast_in_dim3A_3438, %select_n3A_3199 : vector<16xi1>, vector<16xi32>
        %select_n3A_3440 = arith.select %lt3A_1581, %broadcast_in_dim3A_944, %broadcast_in_dim3A_950 : vector<16xi1>, vector<16xf32>
        %mul3A_3441 = arith.mulf %get3A_209, %select_n3A_3440 : vector<16xf32>
        %mul3A_3442 = arith.mulf %get3A_211, %add3A_3414 : vector<16xf32>
        %add3A_3443 = arith.addf %mul3A_3441, %mul3A_3442 : vector<16xf32>
        %add3A_3444 = arith.constant 640 : i32
        %add3A_3445 = arith.addi %add3A_2057, %add3A_3444 : i32
        %swap3A_3446 = arith.index_cast %add3A_3445 : i32 to index
        %swap3A_3447 = tpu.vector_load %arg15[%swap3A_3446] {strides = array<i32>} : memref<8192xf32, #tpu.memory_space<vmem>>, vector<16xf32>,
        tpu.vector_store %arg15[%swap3A_3446], %select_n3A_3440 {strides = array<i32>} : memref<8192xf32, #tpu.memory_space<vmem>>, vector<16xf32>,
        %add3A_3448 = arith.constant 640 : i32
        %add3A_3449 = arith.addi %add3A_2057, %add3A_3448 : i32
        %swap3A_3450 = arith.index_cast %add3A_3449 : i32 to index
        %swap3A_3451 = tpu.vector_load %arg16[%swap3A_3450] {strides = array<i32>} : memref<8192xf32, #tpu.memory_space<vmem>>, vector<16xf32>,
        tpu.vector_store %arg16[%swap3A_3450], %add3A_3414 {strides = array<i32>} : memref<8192xf32, #tpu.memory_space<vmem>>, vector<16xf32>,
        %add3A_3452 = arith.constant 640 : i32
        %add3A_3453 = arith.addi %add3A_2057, %add3A_3452 : i32
        %swap3A_3454 = arith.index_cast %add3A_3453 : i32 to index
        %swap3A_3455 = tpu.vector_load %arg17[%swap3A_3454] {strides = array<i32>} : memref<8192xf32, #tpu.memory_space<vmem>>, vector<16xf32>,
        tpu.vector_store %arg17[%swap3A_3454], %add3A_3443 {strides = array<i32>} : memref<8192xf32, #tpu.memory_space<vmem>>, vector<16xf32>,
        %gt3A_3456 = arith.cmpf ogt, %add3A_3443, %select_n3A_3217 : vector<16xf32>
        %select_n3A_3457 = arith.select %gt3A_3456, %add3A_3443, %select_n3A_3217 : vector<16xi1>, vector<16xf32>
        %broadcast_in_dim3A_3458 = arith.constant 5 : i32
        %broadcast_in_dim3A_3459 = vector.broadcast %broadcast_in_dim3A_3458 : i32 to vector<16xi32>
        %select_n3A_3460 = arith.select %gt3A_3456, %broadcast_in_dim3A_3459, %select_n3A_3220 : vector<16xi1>, vector<16xi32>
        %select_n3A_3461 = arith.select %lt3A_1738, %broadcast_in_dim3A_944, %broadcast_in_dim3A_950 : vector<16xi1>, vector<16xf32>
        %mul3A_3462 = arith.mulf %get3A_209, %select_n3A_3461 : vector<16xf32>
        %mul3A_3463 = arith.mulf %get3A_211, %add3A_3416 : vector<16xf32>
        %add3A_3464 = arith.addf %mul3A_3462, %mul3A_3463 : vector<16xf32>
        %add3A_3465 = arith.constant 640 : i32
        %add3A_3466 = arith.addi %add3A_2066, %add3A_3465 : i32
        %swap3A_3467 = arith.index_cast %add3A_3466 : i32 to index
        %swap3A_3468 = tpu.vector_load %arg15[%swap3A_3467] {strides = array<i32>} : memref<8192xf32, #tpu.memory_space<vmem>>, vector<16xf32>,
        tpu.vector_store %arg15[%swap3A_3467], %select_n3A_3461 {strides = array<i32>} : memref<8192xf32, #tpu.memory_space<vmem>>, vector<16xf32>,
        %add3A_3469 = arith.constant 640 : i32
        %add3A_3470 = arith.addi %add3A_2066, %add3A_3469 : i32
        %swap3A_3471 = arith.index_cast %add3A_3470 : i32 to index
        %swap3A_3472 = tpu.vector_load %arg16[%swap3A_3471] {strides = array<i32>} : memref<8192xf32, #tpu.memory_space<vmem>>, vector<16xf32>,
        tpu.vector_store %arg16[%swap3A_3471], %add3A_3416 {strides = array<i32>} : memref<8192xf32, #tpu.memory_space<vmem>>, vector<16xf32>,
        %add3A_3473 = arith.constant 640 : i32
        %add3A_3474 = arith.addi %add3A_2066, %add3A_3473 : i32
        %swap3A_3475 = arith.index_cast %add3A_3474 : i32 to index
        %swap3A_3476 = tpu.vector_load %arg17[%swap3A_3475] {strides = array<i32>} : memref<8192xf32, #tpu.memory_space<vmem>>, vector<16xf32>,
        tpu.vector_store %arg17[%swap3A_3475], %add3A_3464 {strides = array<i32>} : memref<8192xf32, #tpu.memory_space<vmem>>, vector<16xf32>,
        %gt3A_3477 = arith.cmpf ogt, %add3A_3464, %select_n3A_3238 : vector<16xf32>
        %select_n3A_3478 = arith.select %gt3A_3477, %add3A_3464, %select_n3A_3238 : vector<16xi1>, vector<16xf32>
        %broadcast_in_dim3A_3479 = arith.constant 5 : i32
        %broadcast_in_dim3A_3480 = vector.broadcast %broadcast_in_dim3A_3479 : i32 to vector<16xi32>
        %select_n3A_3481 = arith.select %gt3A_3477, %broadcast_in_dim3A_3480, %select_n3A_3241 : vector<16xi1>, vector<16xi32>
        %select_n3A_3482 = arith.select %lt3A_1895, %broadcast_in_dim3A_944, %broadcast_in_dim3A_950 : vector<16xi1>, vector<16xf32>
        %mul3A_3483 = arith.mulf %get3A_209, %select_n3A_3482 : vector<16xf32>
        %mul3A_3484 = arith.mulf %get3A_211, %add3A_3418 : vector<16xf32>
        %add3A_3485 = arith.addf %mul3A_3483, %mul3A_3484 : vector<16xf32>
        %add3A_3486 = arith.constant 640 : i32
        %add3A_3487 = arith.addi %add3A_2075, %add3A_3486 : i32
        %swap3A_3488 = arith.index_cast %add3A_3487 : i32 to index
        %swap3A_3489 = tpu.vector_load %arg15[%swap3A_3488] {strides = array<i32>} : memref<8192xf32, #tpu.memory_space<vmem>>, vector<16xf32>,
        tpu.vector_store %arg15[%swap3A_3488], %select_n3A_3482 {strides = array<i32>} : memref<8192xf32, #tpu.memory_space<vmem>>, vector<16xf32>,
        %add3A_3490 = arith.constant 640 : i32
        %add3A_3491 = arith.addi %add3A_2075, %add3A_3490 : i32
        %swap3A_3492 = arith.index_cast %add3A_3491 : i32 to index
        %swap3A_3493 = tpu.vector_load %arg16[%swap3A_3492] {strides = array<i32>} : memref<8192xf32, #tpu.memory_space<vmem>>, vector<16xf32>,
        tpu.vector_store %arg16[%swap3A_3492], %add3A_3418 {strides = array<i32>} : memref<8192xf32, #tpu.memory_space<vmem>>, vector<16xf32>,
        %add3A_3494 = arith.constant 640 : i32
        %add3A_3495 = arith.addi %add3A_2075, %add3A_3494 : i32
        %swap3A_3496 = arith.index_cast %add3A_3495 : i32 to index
        %swap3A_3497 = tpu.vector_load %arg17[%swap3A_3496] {strides = array<i32>} : memref<8192xf32, #tpu.memory_space<vmem>>, vector<16xf32>,
        tpu.vector_store %arg17[%swap3A_3496], %add3A_3485 {strides = array<i32>} : memref<8192xf32, #tpu.memory_space<vmem>>, vector<16xf32>,
        %gt3A_3498 = arith.cmpf ogt, %add3A_3485, %select_n3A_3259 : vector<16xf32>
        %select_n3A_3499 = arith.select %gt3A_3498, %add3A_3485, %select_n3A_3259 : vector<16xi1>, vector<16xf32>
        %broadcast_in_dim3A_3500 = arith.constant 5 : i32
        %broadcast_in_dim3A_3501 = vector.broadcast %broadcast_in_dim3A_3500 : i32 to vector<16xi32>
        %select_n3A_3502 = arith.select %gt3A_3498, %broadcast_in_dim3A_3501, %select_n3A_3262 : vector<16xi1>, vector<16xi32>
        %get3A_3503 = arith.constant 1536 : index
        %get3A_3504 = tpu.vector_load %arg14[%get3A_3503] {strides = array<i32>} : memref<2048xf32, #tpu.memory_space<vmem>>, vector<16xf32>,
        %mul3A_3505 = arith.mulf %sub3A_1433, %get3A_3504 : vector<16xf32>
        %mul3A_3506 = arith.mulf %sub3A_1590, %get3A_3504 : vector<16xf32>
        %mul3A_3507 = arith.mulf %sub3A_1747, %get3A_3504 : vector<16xf32>
        %mul3A_3508 = arith.mulf %sub3A_1904, %get3A_3504 : vector<16xf32>
        %get3A_3509 = arith.constant 1552 : index
        %get3A_3510 = tpu.vector_load %arg14[%get3A_3509] {strides = array<i32>} : memref<2048xf32, #tpu.memory_space<vmem>>, vector<16xf32>,
        %mul3A_3511 = arith.mulf %sub3A_1442, %get3A_3510 : vector<16xf32>
        %add3A_3512 = arith.addf %mul3A_3505, %mul3A_3511 : vector<16xf32>
        %mul3A_3513 = arith.mulf %sub3A_1599, %get3A_3510 : vector<16xf32>
        %add3A_3514 = arith.addf %mul3A_3506, %mul3A_3513 : vector<16xf32>
        %mul3A_3515 = arith.mulf %sub3A_1756, %get3A_3510 : vector<16xf32>
        %add3A_3516 = arith.addf %mul3A_3507, %mul3A_3515 : vector<16xf32>
        %mul3A_3517 = arith.mulf %sub3A_1913, %get3A_3510 : vector<16xf32>
        %add3A_3518 = arith.addf %mul3A_3508, %mul3A_3517 : vector<16xf32>
        %get3A_3519 = arith.constant 1568 : index
        %get3A_3520 = tpu.vector_load %arg14[%get3A_3519] {strides = array<i32>} : memref<2048xf32, #tpu.memory_space<vmem>>, vector<16xf32>,
        %mul3A_3521 = arith.mulf %sub3A_1451, %get3A_3520 : vector<16xf32>
        %add3A_3522 = arith.addf %add3A_3512, %mul3A_3521 : vector<16xf32>
        %mul3A_3523 = arith.mulf %sub3A_1608, %get3A_3520 : vector<16xf32>
        %add3A_3524 = arith.addf %add3A_3514, %mul3A_3523 : vector<16xf32>
        %mul3A_3525 = arith.mulf %sub3A_1765, %get3A_3520 : vector<16xf32>
        %add3A_3526 = arith.addf %add3A_3516, %mul3A_3525 : vector<16xf32>
        %mul3A_3527 = arith.mulf %sub3A_1922, %get3A_3520 : vector<16xf32>
        %add3A_3528 = arith.addf %add3A_3518, %mul3A_3527 : vector<16xf32>
        %get3A_3529 = arith.constant 1584 : index
        %get3A_3530 = tpu.vector_load %arg14[%get3A_3529] {strides = array<i32>} : memref<2048xf32, #tpu.memory_space<vmem>>, vector<16xf32>,
        %mul3A_3531 = arith.mulf %sub3A_1460, %get3A_3530 : vector<16xf32>
        %add3A_3532 = arith.addf %add3A_3522, %mul3A_3531 : vector<16xf32>
        %mul3A_3533 = arith.mulf %sub3A_1617, %get3A_3530 : vector<16xf32>
        %add3A_3534 = arith.addf %add3A_3524, %mul3A_3533 : vector<16xf32>
        %mul3A_3535 = arith.mulf %sub3A_1774, %get3A_3530 : vector<16xf32>
        %add3A_3536 = arith.addf %add3A_3526, %mul3A_3535 : vector<16xf32>
        %mul3A_3537 = arith.mulf %sub3A_1931, %get3A_3530 : vector<16xf32>
        %add3A_3538 = arith.addf %add3A_3528, %mul3A_3537 : vector<16xf32>
        %get3A_3539 = arith.constant 1600 : index
        %get3A_3540 = tpu.vector_load %arg14[%get3A_3539] {strides = array<i32>} : memref<2048xf32, #tpu.memory_space<vmem>>, vector<16xf32>,
        %mul3A_3541 = arith.mulf %sub3A_1469, %get3A_3540 : vector<16xf32>
        %add3A_3542 = arith.addf %add3A_3532, %mul3A_3541 : vector<16xf32>
        %mul3A_3543 = arith.mulf %sub3A_1626, %get3A_3540 : vector<16xf32>
        %add3A_3544 = arith.addf %add3A_3534, %mul3A_3543 : vector<16xf32>
        %mul3A_3545 = arith.mulf %sub3A_1783, %get3A_3540 : vector<16xf32>
        %add3A_3546 = arith.addf %add3A_3536, %mul3A_3545 : vector<16xf32>
        %mul3A_3547 = arith.mulf %sub3A_1940, %get3A_3540 : vector<16xf32>
        %add3A_3548 = arith.addf %add3A_3538, %mul3A_3547 : vector<16xf32>
        %get3A_3549 = arith.constant 1616 : index
        %get3A_3550 = tpu.vector_load %arg14[%get3A_3549] {strides = array<i32>} : memref<2048xf32, #tpu.memory_space<vmem>>, vector<16xf32>,
        %mul3A_3551 = arith.mulf %sub3A_1478, %get3A_3550 : vector<16xf32>
        %add3A_3552 = arith.addf %add3A_3542, %mul3A_3551 : vector<16xf32>
        %mul3A_3553 = arith.mulf %sub3A_1635, %get3A_3550 : vector<16xf32>
        %add3A_3554 = arith.addf %add3A_3544, %mul3A_3553 : vector<16xf32>
        %mul3A_3555 = arith.mulf %sub3A_1792, %get3A_3550 : vector<16xf32>
        %add3A_3556 = arith.addf %add3A_3546, %mul3A_3555 : vector<16xf32>
        %mul3A_3557 = arith.mulf %sub3A_1949, %get3A_3550 : vector<16xf32>
        %add3A_3558 = arith.addf %add3A_3548, %mul3A_3557 : vector<16xf32>
        %get3A_3559 = arith.constant 1632 : index
        %get3A_3560 = tpu.vector_load %arg14[%get3A_3559] {strides = array<i32>} : memref<2048xf32, #tpu.memory_space<vmem>>, vector<16xf32>,
        %mul3A_3561 = arith.mulf %sub3A_1487, %get3A_3560 : vector<16xf32>
        %add3A_3562 = arith.addf %add3A_3552, %mul3A_3561 : vector<16xf32>
        %mul3A_3563 = arith.mulf %sub3A_1644, %get3A_3560 : vector<16xf32>
        %add3A_3564 = arith.addf %add3A_3554, %mul3A_3563 : vector<16xf32>
        %mul3A_3565 = arith.mulf %sub3A_1801, %get3A_3560 : vector<16xf32>
        %add3A_3566 = arith.addf %add3A_3556, %mul3A_3565 : vector<16xf32>
        %mul3A_3567 = arith.mulf %sub3A_1958, %get3A_3560 : vector<16xf32>
        %add3A_3568 = arith.addf %add3A_3558, %mul3A_3567 : vector<16xf32>
        %get3A_3569 = arith.constant 1648 : index
        %get3A_3570 = tpu.vector_load %arg14[%get3A_3569] {strides = array<i32>} : memref<2048xf32, #tpu.memory_space<vmem>>, vector<16xf32>,
        %mul3A_3571 = arith.mulf %sub3A_1496, %get3A_3570 : vector<16xf32>
        %add3A_3572 = arith.addf %add3A_3562, %mul3A_3571 : vector<16xf32>
        %mul3A_3573 = arith.mulf %sub3A_1653, %get3A_3570 : vector<16xf32>
        %add3A_3574 = arith.addf %add3A_3564, %mul3A_3573 : vector<16xf32>
        %mul3A_3575 = arith.mulf %sub3A_1810, %get3A_3570 : vector<16xf32>
        %add3A_3576 = arith.addf %add3A_3566, %mul3A_3575 : vector<16xf32>
        %mul3A_3577 = arith.mulf %sub3A_1967, %get3A_3570 : vector<16xf32>
        %add3A_3578 = arith.addf %add3A_3568, %mul3A_3577 : vector<16xf32>
        %get3A_3579 = arith.constant 1664 : index
        %get3A_3580 = tpu.vector_load %arg14[%get3A_3579] {strides = array<i32>} : memref<2048xf32, #tpu.memory_space<vmem>>, vector<16xf32>,
        %mul3A_3581 = arith.mulf %sub3A_1505, %get3A_3580 : vector<16xf32>
        %add3A_3582 = arith.addf %add3A_3572, %mul3A_3581 : vector<16xf32>
        %mul3A_3583 = arith.mulf %sub3A_1662, %get3A_3580 : vector<16xf32>
        %add3A_3584 = arith.addf %add3A_3574, %mul3A_3583 : vector<16xf32>
        %mul3A_3585 = arith.mulf %sub3A_1819, %get3A_3580 : vector<16xf32>
        %add3A_3586 = arith.addf %add3A_3576, %mul3A_3585 : vector<16xf32>
        %mul3A_3587 = arith.mulf %sub3A_1976, %get3A_3580 : vector<16xf32>
        %add3A_3588 = arith.addf %add3A_3578, %mul3A_3587 : vector<16xf32>
        %get3A_3589 = arith.constant 1680 : index
        %get3A_3590 = tpu.vector_load %arg14[%get3A_3589] {strides = array<i32>} : memref<2048xf32, #tpu.memory_space<vmem>>, vector<16xf32>,
        %mul3A_3591 = arith.mulf %sub3A_1514, %get3A_3590 : vector<16xf32>
        %add3A_3592 = arith.addf %add3A_3582, %mul3A_3591 : vector<16xf32>
        %mul3A_3593 = arith.mulf %sub3A_1671, %get3A_3590 : vector<16xf32>
        %add3A_3594 = arith.addf %add3A_3584, %mul3A_3593 : vector<16xf32>
        %mul3A_3595 = arith.mulf %sub3A_1828, %get3A_3590 : vector<16xf32>
        %add3A_3596 = arith.addf %add3A_3586, %mul3A_3595 : vector<16xf32>
        %mul3A_3597 = arith.mulf %sub3A_1985, %get3A_3590 : vector<16xf32>
        %add3A_3598 = arith.addf %add3A_3588, %mul3A_3597 : vector<16xf32>
        %get3A_3599 = arith.constant 1696 : index
        %get3A_3600 = tpu.vector_load %arg14[%get3A_3599] {strides = array<i32>} : memref<2048xf32, #tpu.memory_space<vmem>>, vector<16xf32>,
        %mul3A_3601 = arith.mulf %sub3A_1523, %get3A_3600 : vector<16xf32>
        %add3A_3602 = arith.addf %add3A_3592, %mul3A_3601 : vector<16xf32>
        %mul3A_3603 = arith.mulf %sub3A_1680, %get3A_3600 : vector<16xf32>
        %add3A_3604 = arith.addf %add3A_3594, %mul3A_3603 : vector<16xf32>
        %mul3A_3605 = arith.mulf %sub3A_1837, %get3A_3600 : vector<16xf32>
        %add3A_3606 = arith.addf %add3A_3596, %mul3A_3605 : vector<16xf32>
        %mul3A_3607 = arith.mulf %sub3A_1994, %get3A_3600 : vector<16xf32>
        %add3A_3608 = arith.addf %add3A_3598, %mul3A_3607 : vector<16xf32>
        %get3A_3609 = arith.constant 1712 : index
        %get3A_3610 = tpu.vector_load %arg14[%get3A_3609] {strides = array<i32>} : memref<2048xf32, #tpu.memory_space<vmem>>, vector<16xf32>,
        %mul3A_3611 = arith.mulf %sub3A_1532, %get3A_3610 : vector<16xf32>
        %add3A_3612 = arith.addf %add3A_3602, %mul3A_3611 : vector<16xf32>
        %mul3A_3613 = arith.mulf %sub3A_1689, %get3A_3610 : vector<16xf32>
        %add3A_3614 = arith.addf %add3A_3604, %mul3A_3613 : vector<16xf32>
        %mul3A_3615 = arith.mulf %sub3A_1846, %get3A_3610 : vector<16xf32>
        %add3A_3616 = arith.addf %add3A_3606, %mul3A_3615 : vector<16xf32>
        %mul3A_3617 = arith.mulf %sub3A_2003, %get3A_3610 : vector<16xf32>
        %add3A_3618 = arith.addf %add3A_3608, %mul3A_3617 : vector<16xf32>
        %get3A_3619 = arith.constant 1728 : index
        %get3A_3620 = tpu.vector_load %arg14[%get3A_3619] {strides = array<i32>} : memref<2048xf32, #tpu.memory_space<vmem>>, vector<16xf32>,
        %mul3A_3621 = arith.mulf %sub3A_1541, %get3A_3620 : vector<16xf32>
        %add3A_3622 = arith.addf %add3A_3612, %mul3A_3621 : vector<16xf32>
        %mul3A_3623 = arith.mulf %sub3A_1698, %get3A_3620 : vector<16xf32>
        %add3A_3624 = arith.addf %add3A_3614, %mul3A_3623 : vector<16xf32>
        %mul3A_3625 = arith.mulf %sub3A_1855, %get3A_3620 : vector<16xf32>
        %add3A_3626 = arith.addf %add3A_3616, %mul3A_3625 : vector<16xf32>
        %mul3A_3627 = arith.mulf %sub3A_2012, %get3A_3620 : vector<16xf32>
        %add3A_3628 = arith.addf %add3A_3618, %mul3A_3627 : vector<16xf32>
        %get3A_3629 = arith.constant 1744 : index
        %get3A_3630 = tpu.vector_load %arg14[%get3A_3629] {strides = array<i32>} : memref<2048xf32, #tpu.memory_space<vmem>>, vector<16xf32>,
        %mul3A_3631 = arith.mulf %sub3A_1550, %get3A_3630 : vector<16xf32>
        %add3A_3632 = arith.addf %add3A_3622, %mul3A_3631 : vector<16xf32>
        %mul3A_3633 = arith.mulf %sub3A_1707, %get3A_3630 : vector<16xf32>
        %add3A_3634 = arith.addf %add3A_3624, %mul3A_3633 : vector<16xf32>
        %mul3A_3635 = arith.mulf %sub3A_1864, %get3A_3630 : vector<16xf32>
        %add3A_3636 = arith.addf %add3A_3626, %mul3A_3635 : vector<16xf32>
        %mul3A_3637 = arith.mulf %sub3A_2021, %get3A_3630 : vector<16xf32>
        %add3A_3638 = arith.addf %add3A_3628, %mul3A_3637 : vector<16xf32>
        %get3A_3639 = arith.constant 1760 : index
        %get3A_3640 = tpu.vector_load %arg14[%get3A_3639] {strides = array<i32>} : memref<2048xf32, #tpu.memory_space<vmem>>, vector<16xf32>,
        %mul3A_3641 = arith.mulf %sub3A_1559, %get3A_3640 : vector<16xf32>
        %add3A_3642 = arith.addf %add3A_3632, %mul3A_3641 : vector<16xf32>
        %mul3A_3643 = arith.mulf %sub3A_1716, %get3A_3640 : vector<16xf32>
        %add3A_3644 = arith.addf %add3A_3634, %mul3A_3643 : vector<16xf32>
        %mul3A_3645 = arith.mulf %sub3A_1873, %get3A_3640 : vector<16xf32>
        %add3A_3646 = arith.addf %add3A_3636, %mul3A_3645 : vector<16xf32>
        %mul3A_3647 = arith.mulf %sub3A_2030, %get3A_3640 : vector<16xf32>
        %add3A_3648 = arith.addf %add3A_3638, %mul3A_3647 : vector<16xf32>
        %get3A_3649 = arith.constant 1776 : index
        %get3A_3650 = tpu.vector_load %arg14[%get3A_3649] {strides = array<i32>} : memref<2048xf32, #tpu.memory_space<vmem>>, vector<16xf32>,
        %mul3A_3651 = arith.mulf %sub3A_1568, %get3A_3650 : vector<16xf32>
        %add3A_3652 = arith.addf %add3A_3642, %mul3A_3651 : vector<16xf32>
        %mul3A_3653 = arith.mulf %sub3A_1725, %get3A_3650 : vector<16xf32>
        %add3A_3654 = arith.addf %add3A_3644, %mul3A_3653 : vector<16xf32>
        %mul3A_3655 = arith.mulf %sub3A_1882, %get3A_3650 : vector<16xf32>
        %add3A_3656 = arith.addf %add3A_3646, %mul3A_3655 : vector<16xf32>
        %mul3A_3657 = arith.mulf %sub3A_2039, %get3A_3650 : vector<16xf32>
        %add3A_3658 = arith.addf %add3A_3648, %mul3A_3657 : vector<16xf32>
        %select_n3A_3659 = arith.select %lt3A_1424, %broadcast_in_dim3A_958, %broadcast_in_dim3A_964 : vector<16xi1>, vector<16xf32>
        %mul3A_3660 = arith.mulf %get3A_209, %select_n3A_3659 : vector<16xf32>
        %mul3A_3661 = arith.mulf %get3A_211, %add3A_3652 : vector<16xf32>
        %add3A_3662 = arith.addf %mul3A_3660, %mul3A_3661 : vector<16xf32>
        %add3A_3663 = arith.constant 768 : i32
        %add3A_3664 = arith.addi %add3A_2048, %add3A_3663 : i32
        %swap3A_3665 = arith.index_cast %add3A_3664 : i32 to index
        %swap3A_3666 = tpu.vector_load %arg15[%swap3A_3665] {strides = array<i32>} : memref<8192xf32, #tpu.memory_space<vmem>>, vector<16xf32>,
        tpu.vector_store %arg15[%swap3A_3665], %select_n3A_3659 {strides = array<i32>} : memref<8192xf32, #tpu.memory_space<vmem>>, vector<16xf32>,
        %add3A_3667 = arith.constant 768 : i32
        %add3A_3668 = arith.addi %add3A_2048, %add3A_3667 : i32
        %swap3A_3669 = arith.index_cast %add3A_3668 : i32 to index
        %swap3A_3670 = tpu.vector_load %arg16[%swap3A_3669] {strides = array<i32>} : memref<8192xf32, #tpu.memory_space<vmem>>, vector<16xf32>,
        tpu.vector_store %arg16[%swap3A_3669], %add3A_3652 {strides = array<i32>} : memref<8192xf32, #tpu.memory_space<vmem>>, vector<16xf32>,
        %add3A_3671 = arith.constant 768 : i32
        %add3A_3672 = arith.addi %add3A_2048, %add3A_3671 : i32
        %swap3A_3673 = arith.index_cast %add3A_3672 : i32 to index
        %swap3A_3674 = tpu.vector_load %arg17[%swap3A_3673] {strides = array<i32>} : memref<8192xf32, #tpu.memory_space<vmem>>, vector<16xf32>,
        tpu.vector_store %arg17[%swap3A_3673], %add3A_3662 {strides = array<i32>} : memref<8192xf32, #tpu.memory_space<vmem>>, vector<16xf32>,
        %gt3A_3675 = arith.cmpf ogt, %add3A_3662, %select_n3A_3436 : vector<16xf32>
        %select_n3A_3676 = arith.select %gt3A_3675, %add3A_3662, %select_n3A_3436 : vector<16xi1>, vector<16xf32>
        %broadcast_in_dim3A_3677 = arith.constant 6 : i32
        %broadcast_in_dim3A_3678 = vector.broadcast %broadcast_in_dim3A_3677 : i32 to vector<16xi32>
        %select_n3A_3679 = arith.select %gt3A_3675, %broadcast_in_dim3A_3678, %select_n3A_3439 : vector<16xi1>, vector<16xi32>
        %select_n3A_3680 = arith.select %lt3A_1581, %broadcast_in_dim3A_958, %broadcast_in_dim3A_964 : vector<16xi1>, vector<16xf32>
        %mul3A_3681 = arith.mulf %get3A_209, %select_n3A_3680 : vector<16xf32>
        %mul3A_3682 = arith.mulf %get3A_211, %add3A_3654 : vector<16xf32>
        %add3A_3683 = arith.addf %mul3A_3681, %mul3A_3682 : vector<16xf32>
        %add3A_3684 = arith.constant 768 : i32
        %add3A_3685 = arith.addi %add3A_2057, %add3A_3684 : i32
        %swap3A_3686 = arith.index_cast %add3A_3685 : i32 to index
        %swap3A_3687 = tpu.vector_load %arg15[%swap3A_3686] {strides = array<i32>} : memref<8192xf32, #tpu.memory_space<vmem>>, vector<16xf32>,
        tpu.vector_store %arg15[%swap3A_3686], %select_n3A_3680 {strides = array<i32>} : memref<8192xf32, #tpu.memory_space<vmem>>, vector<16xf32>,
        %add3A_3688 = arith.constant 768 : i32
        %add3A_3689 = arith.addi %add3A_2057, %add3A_3688 : i32
        %swap3A_3690 = arith.index_cast %add3A_3689 : i32 to index
        %swap3A_3691 = tpu.vector_load %arg16[%swap3A_3690] {strides = array<i32>} : memref<8192xf32, #tpu.memory_space<vmem>>, vector<16xf32>,
        tpu.vector_store %arg16[%swap3A_3690], %add3A_3654 {strides = array<i32>} : memref<8192xf32, #tpu.memory_space<vmem>>, vector<16xf32>,
        %add3A_3692 = arith.constant 768 : i32
        %add3A_3693 = arith.addi %add3A_2057, %add3A_3692 : i32
        %swap3A_3694 = arith.index_cast %add3A_3693 : i32 to index
        %swap3A_3695 = tpu.vector_load %arg17[%swap3A_3694] {strides = array<i32>} : memref<8192xf32, #tpu.memory_space<vmem>>, vector<16xf32>,
        tpu.vector_store %arg17[%swap3A_3694], %add3A_3683 {strides = array<i32>} : memref<8192xf32, #tpu.memory_space<vmem>>, vector<16xf32>,
        %gt3A_3696 = arith.cmpf ogt, %add3A_3683, %select_n3A_3457 : vector<16xf32>
        %select_n3A_3697 = arith.select %gt3A_3696, %add3A_3683, %select_n3A_3457 : vector<16xi1>, vector<16xf32>
        %broadcast_in_dim3A_3698 = arith.constant 6 : i32
        %broadcast_in_dim3A_3699 = vector.broadcast %broadcast_in_dim3A_3698 : i32 to vector<16xi32>
        %select_n3A_3700 = arith.select %gt3A_3696, %broadcast_in_dim3A_3699, %select_n3A_3460 : vector<16xi1>, vector<16xi32>
        %select_n3A_3701 = arith.select %lt3A_1738, %broadcast_in_dim3A_958, %broadcast_in_dim3A_964 : vector<16xi1>, vector<16xf32>
        %mul3A_3702 = arith.mulf %get3A_209, %select_n3A_3701 : vector<16xf32>
        %mul3A_3703 = arith.mulf %get3A_211, %add3A_3656 : vector<16xf32>
        %add3A_3704 = arith.addf %mul3A_3702, %mul3A_3703 : vector<16xf32>
        %add3A_3705 = arith.constant 768 : i32
        %add3A_3706 = arith.addi %add3A_2066, %add3A_3705 : i32
        %swap3A_3707 = arith.index_cast %add3A_3706 : i32 to index
        %swap3A_3708 = tpu.vector_load %arg15[%swap3A_3707] {strides = array<i32>} : memref<8192xf32, #tpu.memory_space<vmem>>, vector<16xf32>,
        tpu.vector_store %arg15[%swap3A_3707], %select_n3A_3701 {strides = array<i32>} : memref<8192xf32, #tpu.memory_space<vmem>>, vector<16xf32>,
        %add3A_3709 = arith.constant 768 : i32
        %add3A_3710 = arith.addi %add3A_2066, %add3A_3709 : i32
        %swap3A_3711 = arith.index_cast %add3A_3710 : i32 to index
        %swap3A_3712 = tpu.vector_load %arg16[%swap3A_3711] {strides = array<i32>} : memref<8192xf32, #tpu.memory_space<vmem>>, vector<16xf32>,
        tpu.vector_store %arg16[%swap3A_3711], %add3A_3656 {strides = array<i32>} : memref<8192xf32, #tpu.memory_space<vmem>>, vector<16xf32>,
        %add3A_3713 = arith.constant 768 : i32
        %add3A_3714 = arith.addi %add3A_2066, %add3A_3713 : i32
        %swap3A_3715 = arith.index_cast %add3A_3714 : i32 to index
        %swap3A_3716 = tpu.vector_load %arg17[%swap3A_3715] {strides = array<i32>} : memref<8192xf32, #tpu.memory_space<vmem>>, vector<16xf32>,
        tpu.vector_store %arg17[%swap3A_3715], %add3A_3704 {strides = array<i32>} : memref<8192xf32, #tpu.memory_space<vmem>>, vector<16xf32>,
        %gt3A_3717 = arith.cmpf ogt, %add3A_3704, %select_n3A_3478 : vector<16xf32>
        %select_n3A_3718 = arith.select %gt3A_3717, %add3A_3704, %select_n3A_3478 : vector<16xi1>, vector<16xf32>
        %broadcast_in_dim3A_3719 = arith.constant 6 : i32
        %broadcast_in_dim3A_3720 = vector.broadcast %broadcast_in_dim3A_3719 : i32 to vector<16xi32>
        %select_n3A_3721 = arith.select %gt3A_3717, %broadcast_in_dim3A_3720, %select_n3A_3481 : vector<16xi1>, vector<16xi32>
        %select_n3A_3722 = arith.select %lt3A_1895, %broadcast_in_dim3A_958, %broadcast_in_dim3A_964 : vector<16xi1>, vector<16xf32>
        %mul3A_3723 = arith.mulf %get3A_209, %select_n3A_3722 : vector<16xf32>
        %mul3A_3724 = arith.mulf %get3A_211, %add3A_3658 : vector<16xf32>
        %add3A_3725 = arith.addf %mul3A_3723, %mul3A_3724 : vector<16xf32>
        %add3A_3726 = arith.constant 768 : i32
        %add3A_3727 = arith.addi %add3A_2075, %add3A_3726 : i32
        %swap3A_3728 = arith.index_cast %add3A_3727 : i32 to index
        %swap3A_3729 = tpu.vector_load %arg15[%swap3A_3728] {strides = array<i32>} : memref<8192xf32, #tpu.memory_space<vmem>>, vector<16xf32>,
        tpu.vector_store %arg15[%swap3A_3728], %select_n3A_3722 {strides = array<i32>} : memref<8192xf32, #tpu.memory_space<vmem>>, vector<16xf32>,
        %add3A_3730 = arith.constant 768 : i32
        %add3A_3731 = arith.addi %add3A_2075, %add3A_3730 : i32
        %swap3A_3732 = arith.index_cast %add3A_3731 : i32 to index
        %swap3A_3733 = tpu.vector_load %arg16[%swap3A_3732] {strides = array<i32>} : memref<8192xf32, #tpu.memory_space<vmem>>, vector<16xf32>,
        tpu.vector_store %arg16[%swap3A_3732], %add3A_3658 {strides = array<i32>} : memref<8192xf32, #tpu.memory_space<vmem>>, vector<16xf32>,
        %add3A_3734 = arith.constant 768 : i32
        %add3A_3735 = arith.addi %add3A_2075, %add3A_3734 : i32
        %swap3A_3736 = arith.index_cast %add3A_3735 : i32 to index
        %swap3A_3737 = tpu.vector_load %arg17[%swap3A_3736] {strides = array<i32>} : memref<8192xf32, #tpu.memory_space<vmem>>, vector<16xf32>,
        tpu.vector_store %arg17[%swap3A_3736], %add3A_3725 {strides = array<i32>} : memref<8192xf32, #tpu.memory_space<vmem>>, vector<16xf32>,
        %gt3A_3738 = arith.cmpf ogt, %add3A_3725, %select_n3A_3499 : vector<16xf32>
        %select_n3A_3739 = arith.select %gt3A_3738, %add3A_3725, %select_n3A_3499 : vector<16xi1>, vector<16xf32>
        %broadcast_in_dim3A_3740 = arith.constant 6 : i32
        %broadcast_in_dim3A_3741 = vector.broadcast %broadcast_in_dim3A_3740 : i32 to vector<16xi32>
        %select_n3A_3742 = arith.select %gt3A_3738, %broadcast_in_dim3A_3741, %select_n3A_3502 : vector<16xi1>, vector<16xi32>
        %get3A_3743 = arith.constant 1792 : index
        %get3A_3744 = tpu.vector_load %arg14[%get3A_3743] {strides = array<i32>} : memref<2048xf32, #tpu.memory_space<vmem>>, vector<16xf32>,
        %mul3A_3745 = arith.mulf %sub3A_1433, %get3A_3744 : vector<16xf32>
        %mul3A_3746 = arith.mulf %sub3A_1590, %get3A_3744 : vector<16xf32>
        %mul3A_3747 = arith.mulf %sub3A_1747, %get3A_3744 : vector<16xf32>
        %mul3A_3748 = arith.mulf %sub3A_1904, %get3A_3744 : vector<16xf32>
        %get3A_3749 = arith.constant 1808 : index
        %get3A_3750 = tpu.vector_load %arg14[%get3A_3749] {strides = array<i32>} : memref<2048xf32, #tpu.memory_space<vmem>>, vector<16xf32>,
        %mul3A_3751 = arith.mulf %sub3A_1442, %get3A_3750 : vector<16xf32>
        %add3A_3752 = arith.addf %mul3A_3745, %mul3A_3751 : vector<16xf32>
        %mul3A_3753 = arith.mulf %sub3A_1599, %get3A_3750 : vector<16xf32>
        %add3A_3754 = arith.addf %mul3A_3746, %mul3A_3753 : vector<16xf32>
        %mul3A_3755 = arith.mulf %sub3A_1756, %get3A_3750 : vector<16xf32>
        %add3A_3756 = arith.addf %mul3A_3747, %mul3A_3755 : vector<16xf32>
        %mul3A_3757 = arith.mulf %sub3A_1913, %get3A_3750 : vector<16xf32>
        %add3A_3758 = arith.addf %mul3A_3748, %mul3A_3757 : vector<16xf32>
        %get3A_3759 = arith.constant 1824 : index
        %get3A_3760 = tpu.vector_load %arg14[%get3A_3759] {strides = array<i32>} : memref<2048xf32, #tpu.memory_space<vmem>>, vector<16xf32>,
        %mul3A_3761 = arith.mulf %sub3A_1451, %get3A_3760 : vector<16xf32>
        %add3A_3762 = arith.addf %add3A_3752, %mul3A_3761 : vector<16xf32>
        %mul3A_3763 = arith.mulf %sub3A_1608, %get3A_3760 : vector<16xf32>
        %add3A_3764 = arith.addf %add3A_3754, %mul3A_3763 : vector<16xf32>
        %mul3A_3765 = arith.mulf %sub3A_1765, %get3A_3760 : vector<16xf32>
        %add3A_3766 = arith.addf %add3A_3756, %mul3A_3765 : vector<16xf32>
        %mul3A_3767 = arith.mulf %sub3A_1922, %get3A_3760 : vector<16xf32>
        %add3A_3768 = arith.addf %add3A_3758, %mul3A_3767 : vector<16xf32>
        %get3A_3769 = arith.constant 1840 : index
        %get3A_3770 = tpu.vector_load %arg14[%get3A_3769] {strides = array<i32>} : memref<2048xf32, #tpu.memory_space<vmem>>, vector<16xf32>,
        %mul3A_3771 = arith.mulf %sub3A_1460, %get3A_3770 : vector<16xf32>
        %add3A_3772 = arith.addf %add3A_3762, %mul3A_3771 : vector<16xf32>
        %mul3A_3773 = arith.mulf %sub3A_1617, %get3A_3770 : vector<16xf32>
        %add3A_3774 = arith.addf %add3A_3764, %mul3A_3773 : vector<16xf32>
        %mul3A_3775 = arith.mulf %sub3A_1774, %get3A_3770 : vector<16xf32>
        %add3A_3776 = arith.addf %add3A_3766, %mul3A_3775 : vector<16xf32>
        %mul3A_3777 = arith.mulf %sub3A_1931, %get3A_3770 : vector<16xf32>
        %add3A_3778 = arith.addf %add3A_3768, %mul3A_3777 : vector<16xf32>
        %get3A_3779 = arith.constant 1856 : index
        %get3A_3780 = tpu.vector_load %arg14[%get3A_3779] {strides = array<i32>} : memref<2048xf32, #tpu.memory_space<vmem>>, vector<16xf32>,
        %mul3A_3781 = arith.mulf %sub3A_1469, %get3A_3780 : vector<16xf32>
        %add3A_3782 = arith.addf %add3A_3772, %mul3A_3781 : vector<16xf32>
        %mul3A_3783 = arith.mulf %sub3A_1626, %get3A_3780 : vector<16xf32>
        %add3A_3784 = arith.addf %add3A_3774, %mul3A_3783 : vector<16xf32>
        %mul3A_3785 = arith.mulf %sub3A_1783, %get3A_3780 : vector<16xf32>
        %add3A_3786 = arith.addf %add3A_3776, %mul3A_3785 : vector<16xf32>
        %mul3A_3787 = arith.mulf %sub3A_1940, %get3A_3780 : vector<16xf32>
        %add3A_3788 = arith.addf %add3A_3778, %mul3A_3787 : vector<16xf32>
        %get3A_3789 = arith.constant 1872 : index
        %get3A_3790 = tpu.vector_load %arg14[%get3A_3789] {strides = array<i32>} : memref<2048xf32, #tpu.memory_space<vmem>>, vector<16xf32>,
        %mul3A_3791 = arith.mulf %sub3A_1478, %get3A_3790 : vector<16xf32>
        %add3A_3792 = arith.addf %add3A_3782, %mul3A_3791 : vector<16xf32>
        %mul3A_3793 = arith.mulf %sub3A_1635, %get3A_3790 : vector<16xf32>
        %add3A_3794 = arith.addf %add3A_3784, %mul3A_3793 : vector<16xf32>
        %mul3A_3795 = arith.mulf %sub3A_1792, %get3A_3790 : vector<16xf32>
        %add3A_3796 = arith.addf %add3A_3786, %mul3A_3795 : vector<16xf32>
        %mul3A_3797 = arith.mulf %sub3A_1949, %get3A_3790 : vector<16xf32>
        %add3A_3798 = arith.addf %add3A_3788, %mul3A_3797 : vector<16xf32>
        %get3A_3799 = arith.constant 1888 : index
        %get3A_3800 = tpu.vector_load %arg14[%get3A_3799] {strides = array<i32>} : memref<2048xf32, #tpu.memory_space<vmem>>, vector<16xf32>,
        %mul3A_3801 = arith.mulf %sub3A_1487, %get3A_3800 : vector<16xf32>
        %add3A_3802 = arith.addf %add3A_3792, %mul3A_3801 : vector<16xf32>
        %mul3A_3803 = arith.mulf %sub3A_1644, %get3A_3800 : vector<16xf32>
        %add3A_3804 = arith.addf %add3A_3794, %mul3A_3803 : vector<16xf32>
        %mul3A_3805 = arith.mulf %sub3A_1801, %get3A_3800 : vector<16xf32>
        %add3A_3806 = arith.addf %add3A_3796, %mul3A_3805 : vector<16xf32>
        %mul3A_3807 = arith.mulf %sub3A_1958, %get3A_3800 : vector<16xf32>
        %add3A_3808 = arith.addf %add3A_3798, %mul3A_3807 : vector<16xf32>
        %get3A_3809 = arith.constant 1904 : index
        %get3A_3810 = tpu.vector_load %arg14[%get3A_3809] {strides = array<i32>} : memref<2048xf32, #tpu.memory_space<vmem>>, vector<16xf32>,
        %mul3A_3811 = arith.mulf %sub3A_1496, %get3A_3810 : vector<16xf32>
        %add3A_3812 = arith.addf %add3A_3802, %mul3A_3811 : vector<16xf32>
        %mul3A_3813 = arith.mulf %sub3A_1653, %get3A_3810 : vector<16xf32>
        %add3A_3814 = arith.addf %add3A_3804, %mul3A_3813 : vector<16xf32>
        %mul3A_3815 = arith.mulf %sub3A_1810, %get3A_3810 : vector<16xf32>
        %add3A_3816 = arith.addf %add3A_3806, %mul3A_3815 : vector<16xf32>
        %mul3A_3817 = arith.mulf %sub3A_1967, %get3A_3810 : vector<16xf32>
        %add3A_3818 = arith.addf %add3A_3808, %mul3A_3817 : vector<16xf32>
        %get3A_3819 = arith.constant 1920 : index
        %get3A_3820 = tpu.vector_load %arg14[%get3A_3819] {strides = array<i32>} : memref<2048xf32, #tpu.memory_space<vmem>>, vector<16xf32>,
        %mul3A_3821 = arith.mulf %sub3A_1505, %get3A_3820 : vector<16xf32>
        %add3A_3822 = arith.addf %add3A_3812, %mul3A_3821 : vector<16xf32>
        %mul3A_3823 = arith.mulf %sub3A_1662, %get3A_3820 : vector<16xf32>
        %add3A_3824 = arith.addf %add3A_3814, %mul3A_3823 : vector<16xf32>
        %mul3A_3825 = arith.mulf %sub3A_1819, %get3A_3820 : vector<16xf32>
        %add3A_3826 = arith.addf %add3A_3816, %mul3A_3825 : vector<16xf32>
        %mul3A_3827 = arith.mulf %sub3A_1976, %get3A_3820 : vector<16xf32>
        %add3A_3828 = arith.addf %add3A_3818, %mul3A_3827 : vector<16xf32>
        %get3A_3829 = arith.constant 1936 : index
        %get3A_3830 = tpu.vector_load %arg14[%get3A_3829] {strides = array<i32>} : memref<2048xf32, #tpu.memory_space<vmem>>, vector<16xf32>,
        %mul3A_3831 = arith.mulf %sub3A_1514, %get3A_3830 : vector<16xf32>
        %add3A_3832 = arith.addf %add3A_3822, %mul3A_3831 : vector<16xf32>
        %mul3A_3833 = arith.mulf %sub3A_1671, %get3A_3830 : vector<16xf32>
        %add3A_3834 = arith.addf %add3A_3824, %mul3A_3833 : vector<16xf32>
        %mul3A_3835 = arith.mulf %sub3A_1828, %get3A_3830 : vector<16xf32>
        %add3A_3836 = arith.addf %add3A_3826, %mul3A_3835 : vector<16xf32>
        %mul3A_3837 = arith.mulf %sub3A_1985, %get3A_3830 : vector<16xf32>
        %add3A_3838 = arith.addf %add3A_3828, %mul3A_3837 : vector<16xf32>
        %get3A_3839 = arith.constant 1952 : index
        %get3A_3840 = tpu.vector_load %arg14[%get3A_3839] {strides = array<i32>} : memref<2048xf32, #tpu.memory_space<vmem>>, vector<16xf32>,
        %mul3A_3841 = arith.mulf %sub3A_1523, %get3A_3840 : vector<16xf32>
        %add3A_3842 = arith.addf %add3A_3832, %mul3A_3841 : vector<16xf32>
        %mul3A_3843 = arith.mulf %sub3A_1680, %get3A_3840 : vector<16xf32>
        %add3A_3844 = arith.addf %add3A_3834, %mul3A_3843 : vector<16xf32>
        %mul3A_3845 = arith.mulf %sub3A_1837, %get3A_3840 : vector<16xf32>
        %add3A_3846 = arith.addf %add3A_3836, %mul3A_3845 : vector<16xf32>
        %mul3A_3847 = arith.mulf %sub3A_1994, %get3A_3840 : vector<16xf32>
        %add3A_3848 = arith.addf %add3A_3838, %mul3A_3847 : vector<16xf32>
        %get3A_3849 = arith.constant 1968 : index
        %get3A_3850 = tpu.vector_load %arg14[%get3A_3849] {strides = array<i32>} : memref<2048xf32, #tpu.memory_space<vmem>>, vector<16xf32>,
        %mul3A_3851 = arith.mulf %sub3A_1532, %get3A_3850 : vector<16xf32>
        %add3A_3852 = arith.addf %add3A_3842, %mul3A_3851 : vector<16xf32>
        %mul3A_3853 = arith.mulf %sub3A_1689, %get3A_3850 : vector<16xf32>
        %add3A_3854 = arith.addf %add3A_3844, %mul3A_3853 : vector<16xf32>
        %mul3A_3855 = arith.mulf %sub3A_1846, %get3A_3850 : vector<16xf32>
        %add3A_3856 = arith.addf %add3A_3846, %mul3A_3855 : vector<16xf32>
        %mul3A_3857 = arith.mulf %sub3A_2003, %get3A_3850 : vector<16xf32>
        %add3A_3858 = arith.addf %add3A_3848, %mul3A_3857 : vector<16xf32>
        %get3A_3859 = arith.constant 1984 : index
        %get3A_3860 = tpu.vector_load %arg14[%get3A_3859] {strides = array<i32>} : memref<2048xf32, #tpu.memory_space<vmem>>, vector<16xf32>,
        %mul3A_3861 = arith.mulf %sub3A_1541, %get3A_3860 : vector<16xf32>
        %add3A_3862 = arith.addf %add3A_3852, %mul3A_3861 : vector<16xf32>
        %mul3A_3863 = arith.mulf %sub3A_1698, %get3A_3860 : vector<16xf32>
        %add3A_3864 = arith.addf %add3A_3854, %mul3A_3863 : vector<16xf32>
        %mul3A_3865 = arith.mulf %sub3A_1855, %get3A_3860 : vector<16xf32>
        %add3A_3866 = arith.addf %add3A_3856, %mul3A_3865 : vector<16xf32>
        %mul3A_3867 = arith.mulf %sub3A_2012, %get3A_3860 : vector<16xf32>
        %add3A_3868 = arith.addf %add3A_3858, %mul3A_3867 : vector<16xf32>
        %get3A_3869 = arith.constant 2000 : index
        %get3A_3870 = tpu.vector_load %arg14[%get3A_3869] {strides = array<i32>} : memref<2048xf32, #tpu.memory_space<vmem>>, vector<16xf32>,
        %mul3A_3871 = arith.mulf %sub3A_1550, %get3A_3870 : vector<16xf32>
        %add3A_3872 = arith.addf %add3A_3862, %mul3A_3871 : vector<16xf32>
        %mul3A_3873 = arith.mulf %sub3A_1707, %get3A_3870 : vector<16xf32>
        %add3A_3874 = arith.addf %add3A_3864, %mul3A_3873 : vector<16xf32>
        %mul3A_3875 = arith.mulf %sub3A_1864, %get3A_3870 : vector<16xf32>
        %add3A_3876 = arith.addf %add3A_3866, %mul3A_3875 : vector<16xf32>
        %mul3A_3877 = arith.mulf %sub3A_2021, %get3A_3870 : vector<16xf32>
        %add3A_3878 = arith.addf %add3A_3868, %mul3A_3877 : vector<16xf32>
        %get3A_3879 = arith.constant 2016 : index
        %get3A_3880 = tpu.vector_load %arg14[%get3A_3879] {strides = array<i32>} : memref<2048xf32, #tpu.memory_space<vmem>>, vector<16xf32>,
        %mul3A_3881 = arith.mulf %sub3A_1559, %get3A_3880 : vector<16xf32>
        %add3A_3882 = arith.addf %add3A_3872, %mul3A_3881 : vector<16xf32>
        %mul3A_3883 = arith.mulf %sub3A_1716, %get3A_3880 : vector<16xf32>
        %add3A_3884 = arith.addf %add3A_3874, %mul3A_3883 : vector<16xf32>
        %mul3A_3885 = arith.mulf %sub3A_1873, %get3A_3880 : vector<16xf32>
        %add3A_3886 = arith.addf %add3A_3876, %mul3A_3885 : vector<16xf32>
        %mul3A_3887 = arith.mulf %sub3A_2030, %get3A_3880 : vector<16xf32>
        %add3A_3888 = arith.addf %add3A_3878, %mul3A_3887 : vector<16xf32>
        %get3A_3889 = arith.constant 2032 : index
        %get3A_3890 = tpu.vector_load %arg14[%get3A_3889] {strides = array<i32>} : memref<2048xf32, #tpu.memory_space<vmem>>, vector<16xf32>,
        %mul3A_3891 = arith.mulf %sub3A_1568, %get3A_3890 : vector<16xf32>
        %add3A_3892 = arith.addf %add3A_3882, %mul3A_3891 : vector<16xf32>
        %mul3A_3893 = arith.mulf %sub3A_1725, %get3A_3890 : vector<16xf32>
        %add3A_3894 = arith.addf %add3A_3884, %mul3A_3893 : vector<16xf32>
        %mul3A_3895 = arith.mulf %sub3A_1882, %get3A_3890 : vector<16xf32>
        %add3A_3896 = arith.addf %add3A_3886, %mul3A_3895 : vector<16xf32>
        %mul3A_3897 = arith.mulf %sub3A_2039, %get3A_3890 : vector<16xf32>
        %add3A_3898 = arith.addf %add3A_3888, %mul3A_3897 : vector<16xf32>
        %select_n3A_3899 = arith.select %lt3A_1424, %broadcast_in_dim3A_972, %broadcast_in_dim3A_978 : vector<16xi1>, vector<16xf32>
        %mul3A_3900 = arith.mulf %get3A_209, %select_n3A_3899 : vector<16xf32>
        %mul3A_3901 = arith.mulf %get3A_211, %add3A_3892 : vector<16xf32>
        %add3A_3902 = arith.addf %mul3A_3900, %mul3A_3901 : vector<16xf32>
        %add3A_3903 = arith.constant 896 : i32
        %add3A_3904 = arith.addi %add3A_2048, %add3A_3903 : i32
        %swap3A_3905 = arith.index_cast %add3A_3904 : i32 to index
        %swap3A_3906 = tpu.vector_load %arg15[%swap3A_3905] {strides = array<i32>} : memref<8192xf32, #tpu.memory_space<vmem>>, vector<16xf32>,
        tpu.vector_store %arg15[%swap3A_3905], %select_n3A_3899 {strides = array<i32>} : memref<8192xf32, #tpu.memory_space<vmem>>, vector<16xf32>,
        %add3A_3907 = arith.constant 896 : i32
        %add3A_3908 = arith.addi %add3A_2048, %add3A_3907 : i32
        %swap3A_3909 = arith.index_cast %add3A_3908 : i32 to index
        %swap3A_3910 = tpu.vector_load %arg16[%swap3A_3909] {strides = array<i32>} : memref<8192xf32, #tpu.memory_space<vmem>>, vector<16xf32>,
        tpu.vector_store %arg16[%swap3A_3909], %add3A_3892 {strides = array<i32>} : memref<8192xf32, #tpu.memory_space<vmem>>, vector<16xf32>,
        %add3A_3911 = arith.constant 896 : i32
        %add3A_3912 = arith.addi %add3A_2048, %add3A_3911 : i32
        %swap3A_3913 = arith.index_cast %add3A_3912 : i32 to index
        %swap3A_3914 = tpu.vector_load %arg17[%swap3A_3913] {strides = array<i32>} : memref<8192xf32, #tpu.memory_space<vmem>>, vector<16xf32>,
        tpu.vector_store %arg17[%swap3A_3913], %add3A_3902 {strides = array<i32>} : memref<8192xf32, #tpu.memory_space<vmem>>, vector<16xf32>,
        %gt3A_3915 = arith.cmpf ogt, %add3A_3902, %select_n3A_3676 : vector<16xf32>
        %select_n3A_3916 = arith.select %gt3A_3915, %add3A_3902, %select_n3A_3676 : vector<16xi1>, vector<16xf32>
        %broadcast_in_dim3A_3917 = arith.constant 7 : i32
        %broadcast_in_dim3A_3918 = vector.broadcast %broadcast_in_dim3A_3917 : i32 to vector<16xi32>
        %select_n3A_3919 = arith.select %gt3A_3915, %broadcast_in_dim3A_3918, %select_n3A_3679 : vector<16xi1>, vector<16xi32>
        %select_n3A_3920 = arith.select %lt3A_1581, %broadcast_in_dim3A_972, %broadcast_in_dim3A_978 : vector<16xi1>, vector<16xf32>
        %mul3A_3921 = arith.mulf %get3A_209, %select_n3A_3920 : vector<16xf32>
        %mul3A_3922 = arith.mulf %get3A_211, %add3A_3894 : vector<16xf32>
        %add3A_3923 = arith.addf %mul3A_3921, %mul3A_3922 : vector<16xf32>
        %add3A_3924 = arith.constant 896 : i32
        %add3A_3925 = arith.addi %add3A_2057, %add3A_3924 : i32
        %swap3A_3926 = arith.index_cast %add3A_3925 : i32 to index
        %swap3A_3927 = tpu.vector_load %arg15[%swap3A_3926] {strides = array<i32>} : memref<8192xf32, #tpu.memory_space<vmem>>, vector<16xf32>,
        tpu.vector_store %arg15[%swap3A_3926], %select_n3A_3920 {strides = array<i32>} : memref<8192xf32, #tpu.memory_space<vmem>>, vector<16xf32>,
        %add3A_3928 = arith.constant 896 : i32
        %add3A_3929 = arith.addi %add3A_2057, %add3A_3928 : i32
        %swap3A_3930 = arith.index_cast %add3A_3929 : i32 to index
        %swap3A_3931 = tpu.vector_load %arg16[%swap3A_3930] {strides = array<i32>} : memref<8192xf32, #tpu.memory_space<vmem>>, vector<16xf32>,
        tpu.vector_store %arg16[%swap3A_3930], %add3A_3894 {strides = array<i32>} : memref<8192xf32, #tpu.memory_space<vmem>>, vector<16xf32>,
        %add3A_3932 = arith.constant 896 : i32
        %add3A_3933 = arith.addi %add3A_2057, %add3A_3932 : i32
        %swap3A_3934 = arith.index_cast %add3A_3933 : i32 to index
        %swap3A_3935 = tpu.vector_load %arg17[%swap3A_3934] {strides = array<i32>} : memref<8192xf32, #tpu.memory_space<vmem>>, vector<16xf32>,
        tpu.vector_store %arg17[%swap3A_3934], %add3A_3923 {strides = array<i32>} : memref<8192xf32, #tpu.memory_space<vmem>>, vector<16xf32>,
        %gt3A_3936 = arith.cmpf ogt, %add3A_3923, %select_n3A_3697 : vector<16xf32>
        %select_n3A_3937 = arith.select %gt3A_3936, %add3A_3923, %select_n3A_3697 : vector<16xi1>, vector<16xf32>
        %broadcast_in_dim3A_3938 = arith.constant 7 : i32
        %broadcast_in_dim3A_3939 = vector.broadcast %broadcast_in_dim3A_3938 : i32 to vector<16xi32>
        %select_n3A_3940 = arith.select %gt3A_3936, %broadcast_in_dim3A_3939, %select_n3A_3700 : vector<16xi1>, vector<16xi32>
        %select_n3A_3941 = arith.select %lt3A_1738, %broadcast_in_dim3A_972, %broadcast_in_dim3A_978 : vector<16xi1>, vector<16xf32>
        %mul3A_3942 = arith.mulf %get3A_209, %select_n3A_3941 : vector<16xf32>
        %mul3A_3943 = arith.mulf %get3A_211, %add3A_3896 : vector<16xf32>
        %add3A_3944 = arith.addf %mul3A_3942, %mul3A_3943 : vector<16xf32>
        %add3A_3945 = arith.constant 896 : i32
        %add3A_3946 = arith.addi %add3A_2066, %add3A_3945 : i32
        %swap3A_3947 = arith.index_cast %add3A_3946 : i32 to index
        %swap3A_3948 = tpu.vector_load %arg15[%swap3A_3947] {strides = array<i32>} : memref<8192xf32, #tpu.memory_space<vmem>>, vector<16xf32>,
        tpu.vector_store %arg15[%swap3A_3947], %select_n3A_3941 {strides = array<i32>} : memref<8192xf32, #tpu.memory_space<vmem>>, vector<16xf32>,
        %add3A_3949 = arith.constant 896 : i32
        %add3A_3950 = arith.addi %add3A_2066, %add3A_3949 : i32
        %swap3A_3951 = arith.index_cast %add3A_3950 : i32 to index
        %swap3A_3952 = tpu.vector_load %arg16[%swap3A_3951] {strides = array<i32>} : memref<8192xf32, #tpu.memory_space<vmem>>, vector<16xf32>,
        tpu.vector_store %arg16[%swap3A_3951], %add3A_3896 {strides = array<i32>} : memref<8192xf32, #tpu.memory_space<vmem>>, vector<16xf32>,
        %add3A_3953 = arith.constant 896 : i32
        %add3A_3954 = arith.addi %add3A_2066, %add3A_3953 : i32
        %swap3A_3955 = arith.index_cast %add3A_3954 : i32 to index
        %swap3A_3956 = tpu.vector_load %arg17[%swap3A_3955] {strides = array<i32>} : memref<8192xf32, #tpu.memory_space<vmem>>, vector<16xf32>,
        tpu.vector_store %arg17[%swap3A_3955], %add3A_3944 {strides = array<i32>} : memref<8192xf32, #tpu.memory_space<vmem>>, vector<16xf32>,
        %gt3A_3957 = arith.cmpf ogt, %add3A_3944, %select_n3A_3718 : vector<16xf32>
        %select_n3A_3958 = arith.select %gt3A_3957, %add3A_3944, %select_n3A_3718 : vector<16xi1>, vector<16xf32>
        %broadcast_in_dim3A_3959 = arith.constant 7 : i32
        %broadcast_in_dim3A_3960 = vector.broadcast %broadcast_in_dim3A_3959 : i32 to vector<16xi32>
        %select_n3A_3961 = arith.select %gt3A_3957, %broadcast_in_dim3A_3960, %select_n3A_3721 : vector<16xi1>, vector<16xi32>
        %select_n3A_3962 = arith.select %lt3A_1895, %broadcast_in_dim3A_972, %broadcast_in_dim3A_978 : vector<16xi1>, vector<16xf32>
        %mul3A_3963 = arith.mulf %get3A_209, %select_n3A_3962 : vector<16xf32>
        %mul3A_3964 = arith.mulf %get3A_211, %add3A_3898 : vector<16xf32>
        %add3A_3965 = arith.addf %mul3A_3963, %mul3A_3964 : vector<16xf32>
        %add3A_3966 = arith.constant 896 : i32
        %add3A_3967 = arith.addi %add3A_2075, %add3A_3966 : i32
        %swap3A_3968 = arith.index_cast %add3A_3967 : i32 to index
        %swap3A_3969 = tpu.vector_load %arg15[%swap3A_3968] {strides = array<i32>} : memref<8192xf32, #tpu.memory_space<vmem>>, vector<16xf32>,
        tpu.vector_store %arg15[%swap3A_3968], %select_n3A_3962 {strides = array<i32>} : memref<8192xf32, #tpu.memory_space<vmem>>, vector<16xf32>,
        %add3A_3970 = arith.constant 896 : i32
        %add3A_3971 = arith.addi %add3A_2075, %add3A_3970 : i32
        %swap3A_3972 = arith.index_cast %add3A_3971 : i32 to index
        %swap3A_3973 = tpu.vector_load %arg16[%swap3A_3972] {strides = array<i32>} : memref<8192xf32, #tpu.memory_space<vmem>>, vector<16xf32>,
        tpu.vector_store %arg16[%swap3A_3972], %add3A_3898 {strides = array<i32>} : memref<8192xf32, #tpu.memory_space<vmem>>, vector<16xf32>,
        %add3A_3974 = arith.constant 896 : i32
        %add3A_3975 = arith.addi %add3A_2075, %add3A_3974 : i32
        %swap3A_3976 = arith.index_cast %add3A_3975 : i32 to index
        %swap3A_3977 = tpu.vector_load %arg17[%swap3A_3976] {strides = array<i32>} : memref<8192xf32, #tpu.memory_space<vmem>>, vector<16xf32>,
        tpu.vector_store %arg17[%swap3A_3976], %add3A_3965 {strides = array<i32>} : memref<8192xf32, #tpu.memory_space<vmem>>, vector<16xf32>,
        %gt3A_3978 = arith.cmpf ogt, %add3A_3965, %select_n3A_3739 : vector<16xf32>
        %select_n3A_3979 = arith.select %gt3A_3978, %add3A_3965, %select_n3A_3739 : vector<16xi1>, vector<16xf32>
        %broadcast_in_dim3A_3980 = arith.constant 7 : i32
        %broadcast_in_dim3A_3981 = vector.broadcast %broadcast_in_dim3A_3980 : i32 to vector<16xi32>
        %select_n3A_3982 = arith.select %gt3A_3978, %broadcast_in_dim3A_3981, %select_n3A_3742 : vector<16xi1>, vector<16xi32>
        %broadcast_in_dim3A_3983 = arith.constant 0 : i32
        %broadcast_in_dim3A_3984 = vector.broadcast %broadcast_in_dim3A_3983 : i32 to vector<16xi32>
        %broadcast_in_dim3A_3985 = arith.constant 1 : i32
        %broadcast_in_dim3A_3986 = vector.broadcast %broadcast_in_dim3A_3985 : i32 to vector<16xi32>
        %select_n3A_3987 = arith.select %lt3A_1424, %broadcast_in_dim3A_3984, %broadcast_in_dim3A_3986 : vector<16xi1>, vector<16xi32>
        %gt3A_3988 = arith.constant 0.000000e+00 : f32
        %gt3A_3989 = vector.broadcast %gt3A_3988 : f32 to vector<16xf32>
        %gt3A_3990 = arith.cmpf ogt, %sub3A_1433, %gt3A_3989 : vector<16xf32>
        %convert_element_type3A_3991 = arith.extui %gt3A_3990 : vector<16xi1> to vector<16xi32>
        %gt3A_3992 = arith.constant 0.000000e+00 : f32
        %gt3A_3993 = vector.broadcast %gt3A_3992 : f32 to vector<16xf32>
        %gt3A_3994 = arith.cmpf ogt, %sub3A_1442, %gt3A_3993 : vector<16xf32>
        %convert_element_type3A_3995 = arith.extui %gt3A_3994 : vector<16xi1> to vector<16xi32>
        %mul3A_3996 = arith.constant 128 : i32
        %mul3A_3997 = arith.muli %scan3A_1328, %mul3A_3996 : i32
        %mul3A_3998 = arith.constant 4 : i32
        %mul3A_3999 = arith.muli %mul3A_3998, %scan3A_1376 : i32
        %add3A_4000 = arith.constant 0 : i32
        %add3A_4001 = arith.addi %mul3A_3999, %add3A_4000 : i32
        %mul3A_4002 = arith.constant 16 : i32
        %mul3A_4003 = arith.muli %add3A_4001, %mul3A_4002 : i32
        %add3A_4004 = arith.addi %mul3A_3997, %mul3A_4003 : i32
        %swap3A_4005 = arith.index_cast %add3A_4004 : i32 to index
        %swap3A_4006 = tpu.vector_load %arg18[%swap3A_4005] {strides = array<i32>} : memref<1024xi32, #tpu.memory_space<vmem>>, vector<16xi32>,
        tpu.vector_store %arg18[%swap3A_4005], %select_n3A_3919 {strides = array<i32>} : memref<1024xi32, #tpu.memory_space<vmem>>, vector<16xi32>,
        %mul3A_4007 = arith.constant 4 : i32
        %mul3A_4008 = vector.broadcast %mul3A_4007 : i32 to vector<16xi32>
        %mul3A_4009 = arith.muli %select_n3A_3987, %mul3A_4008 : vector<16xi32>
        %mul3A_4010 = arith.constant 2 : i32
        %mul3A_4011 = vector.broadcast %mul3A_4010 : i32 to vector<16xi32>
        %mul3A_4012 = arith.muli %convert_element_type3A_3991, %mul3A_4011 : vector<16xi32>
        %add3A_4013 = arith.addi %mul3A_4009, %mul3A_4012 : vector<16xi32>
        %add3A_4014 = arith.addi %add3A_4013, %convert_element_type3A_3995 : vector<16xi32>
        %mul3A_4015 = arith.constant 128 : i32
        %mul3A_4016 = arith.muli %scan3A_1328, %mul3A_4015 : i32
        %mul3A_4017 = arith.constant 4 : i32
        %mul3A_4018 = arith.muli %mul3A_4017, %scan3A_1376 : i32
        %add3A_4019 = arith.constant 0 : i32
        %add3A_4020 = arith.addi %mul3A_4018, %add3A_4019 : i32
        %mul3A_4021 = arith.constant 16 : i32
        %mul3A_4022 = arith.muli %add3A_4020, %mul3A_4021 : i32
        %add3A_4023 = arith.addi %mul3A_4016, %mul3A_4022 : i32
        %swap3A_4024 = arith.index_cast %add3A_4023 : i32 to index
        %swap3A_4025 = tpu.vector_load %arg19[%swap3A_4024] {strides = array<i32>} : memref<1024xi32, #tpu.memory_space<vmem>>, vector<16xi32>,
        tpu.vector_store %arg19[%swap3A_4024], %add3A_4014 {strides = array<i32>} : memref<1024xi32, #tpu.memory_space<vmem>>, vector<16xi32>,
        %broadcast_in_dim3A_4026 = arith.constant 0 : i32
        %broadcast_in_dim3A_4027 = vector.broadcast %broadcast_in_dim3A_4026 : i32 to vector<16xi32>
        %broadcast_in_dim3A_4028 = arith.constant 1 : i32
        %broadcast_in_dim3A_4029 = vector.broadcast %broadcast_in_dim3A_4028 : i32 to vector<16xi32>
        %select_n3A_4030 = arith.select %lt3A_1581, %broadcast_in_dim3A_4027, %broadcast_in_dim3A_4029 : vector<16xi1>, vector<16xi32>
        %gt3A_4031 = arith.constant 0.000000e+00 : f32
        %gt3A_4032 = vector.broadcast %gt3A_4031 : f32 to vector<16xf32>
        %gt3A_4033 = arith.cmpf ogt, %sub3A_1590, %gt3A_4032 : vector<16xf32>
        %convert_element_type3A_4034 = arith.extui %gt3A_4033 : vector<16xi1> to vector<16xi32>
        %gt3A_4035 = arith.constant 0.000000e+00 : f32
        %gt3A_4036 = vector.broadcast %gt3A_4035 : f32 to vector<16xf32>
        %gt3A_4037 = arith.cmpf ogt, %sub3A_1599, %gt3A_4036 : vector<16xf32>
        %convert_element_type3A_4038 = arith.extui %gt3A_4037 : vector<16xi1> to vector<16xi32>
        %mul3A_4039 = arith.constant 128 : i32
        %mul3A_4040 = arith.muli %scan3A_1328, %mul3A_4039 : i32
        %mul3A_4041 = arith.constant 4 : i32
        %mul3A_4042 = arith.muli %mul3A_4041, %scan3A_1376 : i32
        %add3A_4043 = arith.constant 1 : i32
        %add3A_4044 = arith.addi %mul3A_4042, %add3A_4043 : i32
        %mul3A_4045 = arith.constant 16 : i32
        %mul3A_4046 = arith.muli %add3A_4044, %mul3A_4045 : i32
        %add3A_4047 = arith.addi %mul3A_4040, %mul3A_4046 : i32
        %swap3A_4048 = arith.index_cast %add3A_4047 : i32 to index
        %swap3A_4049 = tpu.vector_load %arg18[%swap3A_4048] {strides = array<i32>} : memref<1024xi32, #tpu.memory_space<vmem>>, vector<16xi32>,
        tpu.vector_store %arg18[%swap3A_4048], %select_n3A_3940 {strides = array<i32>} : memref<1024xi32, #tpu.memory_space<vmem>>, vector<16xi32>,
        %mul3A_4050 = arith.constant 4 : i32
        %mul3A_4051 = vector.broadcast %mul3A_4050 : i32 to vector<16xi32>
        %mul3A_4052 = arith.muli %select_n3A_4030, %mul3A_4051 : vector<16xi32>
        %mul3A_4053 = arith.constant 2 : i32
        %mul3A_4054 = vector.broadcast %mul3A_4053 : i32 to vector<16xi32>
        %mul3A_4055 = arith.muli %convert_element_type3A_4034, %mul3A_4054 : vector<16xi32>
        %add3A_4056 = arith.addi %mul3A_4052, %mul3A_4055 : vector<16xi32>
        %add3A_4057 = arith.addi %add3A_4056, %convert_element_type3A_4038 : vector<16xi32>
        %mul3A_4058 = arith.constant 128 : i32
        %mul3A_4059 = arith.muli %scan3A_1328, %mul3A_4058 : i32
        %mul3A_4060 = arith.constant 4 : i32
        %mul3A_4061 = arith.muli %mul3A_4060, %scan3A_1376 : i32
        %add3A_4062 = arith.constant 1 : i32
        %add3A_4063 = arith.addi %mul3A_4061, %add3A_4062 : i32
        %mul3A_4064 = arith.constant 16 : i32
        %mul3A_4065 = arith.muli %add3A_4063, %mul3A_4064 : i32
        %add3A_4066 = arith.addi %mul3A_4059, %mul3A_4065 : i32
        %swap3A_4067 = arith.index_cast %add3A_4066 : i32 to index
        %swap3A_4068 = tpu.vector_load %arg19[%swap3A_4067] {strides = array<i32>} : memref<1024xi32, #tpu.memory_space<vmem>>, vector<16xi32>,
        tpu.vector_store %arg19[%swap3A_4067], %add3A_4057 {strides = array<i32>} : memref<1024xi32, #tpu.memory_space<vmem>>, vector<16xi32>,
        %broadcast_in_dim3A_4069 = arith.constant 0 : i32
        %broadcast_in_dim3A_4070 = vector.broadcast %broadcast_in_dim3A_4069 : i32 to vector<16xi32>
        %broadcast_in_dim3A_4071 = arith.constant 1 : i32
        %broadcast_in_dim3A_4072 = vector.broadcast %broadcast_in_dim3A_4071 : i32 to vector<16xi32>
        %select_n3A_4073 = arith.select %lt3A_1738, %broadcast_in_dim3A_4070, %broadcast_in_dim3A_4072 : vector<16xi1>, vector<16xi32>
        %gt3A_4074 = arith.constant 0.000000e+00 : f32
        %gt3A_4075 = vector.broadcast %gt3A_4074 : f32 to vector<16xf32>
        %gt3A_4076 = arith.cmpf ogt, %sub3A_1747, %gt3A_4075 : vector<16xf32>
        %convert_element_type3A_4077 = arith.extui %gt3A_4076 : vector<16xi1> to vector<16xi32>
        %gt3A_4078 = arith.constant 0.000000e+00 : f32
        %gt3A_4079 = vector.broadcast %gt3A_4078 : f32 to vector<16xf32>
        %gt3A_4080 = arith.cmpf ogt, %sub3A_1756, %gt3A_4079 : vector<16xf32>
        %convert_element_type3A_4081 = arith.extui %gt3A_4080 : vector<16xi1> to vector<16xi32>
        %mul3A_4082 = arith.constant 128 : i32
        %mul3A_4083 = arith.muli %scan3A_1328, %mul3A_4082 : i32
        %mul3A_4084 = arith.constant 4 : i32
        %mul3A_4085 = arith.muli %mul3A_4084, %scan3A_1376 : i32
        %add3A_4086 = arith.constant 2 : i32
        %add3A_4087 = arith.addi %mul3A_4085, %add3A_4086 : i32
        %mul3A_4088 = arith.constant 16 : i32
        %mul3A_4089 = arith.muli %add3A_4087, %mul3A_4088 : i32
        %add3A_4090 = arith.addi %mul3A_4083, %mul3A_4089 : i32
        %swap3A_4091 = arith.index_cast %add3A_4090 : i32 to index
        %swap3A_4092 = tpu.vector_load %arg18[%swap3A_4091] {strides = array<i32>} : memref<1024xi32, #tpu.memory_space<vmem>>, vector<16xi32>,
        tpu.vector_store %arg18[%swap3A_4091], %select_n3A_3961 {strides = array<i32>} : memref<1024xi32, #tpu.memory_space<vmem>>, vector<16xi32>,
        %mul3A_4093 = arith.constant 4 : i32
        %mul3A_4094 = vector.broadcast %mul3A_4093 : i32 to vector<16xi32>
        %mul3A_4095 = arith.muli %select_n3A_4073, %mul3A_4094 : vector<16xi32>
        %mul3A_4096 = arith.constant 2 : i32
        %mul3A_4097 = vector.broadcast %mul3A_4096 : i32 to vector<16xi32>
        %mul3A_4098 = arith.muli %convert_element_type3A_4077, %mul3A_4097 : vector<16xi32>
        %add3A_4099 = arith.addi %mul3A_4095, %mul3A_4098 : vector<16xi32>
        %add3A_4100 = arith.addi %add3A_4099, %convert_element_type3A_4081 : vector<16xi32>
        %mul3A_4101 = arith.constant 128 : i32
        %mul3A_4102 = arith.muli %scan3A_1328, %mul3A_4101 : i32
        %mul3A_4103 = arith.constant 4 : i32
        %mul3A_4104 = arith.muli %mul3A_4103, %scan3A_1376 : i32
        %add3A_4105 = arith.constant 2 : i32
        %add3A_4106 = arith.addi %mul3A_4104, %add3A_4105 : i32
        %mul3A_4107 = arith.constant 16 : i32
        %mul3A_4108 = arith.muli %add3A_4106, %mul3A_4107 : i32
        %add3A_4109 = arith.addi %mul3A_4102, %mul3A_4108 : i32
        %swap3A_4110 = arith.index_cast %add3A_4109 : i32 to index
        %swap3A_4111 = tpu.vector_load %arg19[%swap3A_4110] {strides = array<i32>} : memref<1024xi32, #tpu.memory_space<vmem>>, vector<16xi32>,
        tpu.vector_store %arg19[%swap3A_4110], %add3A_4100 {strides = array<i32>} : memref<1024xi32, #tpu.memory_space<vmem>>, vector<16xi32>,
        %broadcast_in_dim3A_4112 = arith.constant 0 : i32
        %broadcast_in_dim3A_4113 = vector.broadcast %broadcast_in_dim3A_4112 : i32 to vector<16xi32>
        %broadcast_in_dim3A_4114 = arith.constant 1 : i32
        %broadcast_in_dim3A_4115 = vector.broadcast %broadcast_in_dim3A_4114 : i32 to vector<16xi32>
        %select_n3A_4116 = arith.select %lt3A_1895, %broadcast_in_dim3A_4113, %broadcast_in_dim3A_4115 : vector<16xi1>, vector<16xi32>
        %gt3A_4117 = arith.constant 0.000000e+00 : f32
        %gt3A_4118 = vector.broadcast %gt3A_4117 : f32 to vector<16xf32>
        %gt3A_4119 = arith.cmpf ogt, %sub3A_1904, %gt3A_4118 : vector<16xf32>
        %convert_element_type3A_4120 = arith.extui %gt3A_4119 : vector<16xi1> to vector<16xi32>
        %gt3A_4121 = arith.constant 0.000000e+00 : f32
        %gt3A_4122 = vector.broadcast %gt3A_4121 : f32 to vector<16xf32>
        %gt3A_4123 = arith.cmpf ogt, %sub3A_1913, %gt3A_4122 : vector<16xf32>
        %convert_element_type3A_4124 = arith.extui %gt3A_4123 : vector<16xi1> to vector<16xi32>
        %mul3A_4125 = arith.constant 128 : i32
        %mul3A_4126 = arith.muli %scan3A_1328, %mul3A_4125 : i32
        %mul3A_4127 = arith.constant 4 : i32
        %mul3A_4128 = arith.muli %mul3A_4127, %scan3A_1376 : i32
        %add3A_4129 = arith.constant 3 : i32
        %add3A_4130 = arith.addi %mul3A_4128, %add3A_4129 : i32
        %mul3A_4131 = arith.constant 16 : i32
        %mul3A_4132 = arith.muli %add3A_4130, %mul3A_4131 : i32
        %add3A_4133 = arith.addi %mul3A_4126, %mul3A_4132 : i32
        %swap3A_4134 = arith.index_cast %add3A_4133 : i32 to index
        %swap3A_4135 = tpu.vector_load %arg18[%swap3A_4134] {strides = array<i32>} : memref<1024xi32, #tpu.memory_space<vmem>>, vector<16xi32>,
        tpu.vector_store %arg18[%swap3A_4134], %select_n3A_3982 {strides = array<i32>} : memref<1024xi32, #tpu.memory_space<vmem>>, vector<16xi32>,
        %mul3A_4136 = arith.constant 4 : i32
        %mul3A_4137 = vector.broadcast %mul3A_4136 : i32 to vector<16xi32>
        %mul3A_4138 = arith.muli %select_n3A_4116, %mul3A_4137 : vector<16xi32>
        %mul3A_4139 = arith.constant 2 : i32
        %mul3A_4140 = vector.broadcast %mul3A_4139 : i32 to vector<16xi32>
        %mul3A_4141 = arith.muli %convert_element_type3A_4120, %mul3A_4140 : vector<16xi32>
        %add3A_4142 = arith.addi %mul3A_4138, %mul3A_4141 : vector<16xi32>
        %add3A_4143 = arith.addi %add3A_4142, %convert_element_type3A_4124 : vector<16xi32>
        %mul3A_4144 = arith.constant 128 : i32
        %mul3A_4145 = arith.muli %scan3A_1328, %mul3A_4144 : i32
        %mul3A_4146 = arith.constant 4 : i32
        %mul3A_4147 = arith.muli %mul3A_4146, %scan3A_1376 : i32
        %add3A_4148 = arith.constant 3 : i32
        %add3A_4149 = arith.addi %mul3A_4147, %add3A_4148 : i32
        %mul3A_4150 = arith.constant 16 : i32
        %mul3A_4151 = arith.muli %add3A_4149, %mul3A_4150 : i32
        %add3A_4152 = arith.addi %mul3A_4145, %mul3A_4151 : i32
        %swap3A_4153 = arith.index_cast %add3A_4152 : i32 to index
        %swap3A_4154 = tpu.vector_load %arg19[%swap3A_4153] {strides = array<i32>} : memref<1024xi32, #tpu.memory_space<vmem>>, vector<16xi32>,
        tpu.vector_store %arg19[%swap3A_4153], %add3A_4143 {strides = array<i32>} : memref<1024xi32, #tpu.memory_space<vmem>>, vector<16xi32>,
      }
      %scan3A_1334 = arith.constant 2 : i32
      %add3A_1335 = arith.addi %mul3A_32, %scan3A_1328 : i32
      %mul3A_1336 = arith.constant 4 : i32
      %mul3A_1337 = arith.muli %add3A_1335, %mul3A_1336 : i32
      %add3A_1338 = arith.addi %mul3A_1337, %select_n3A : i32
      %mul3A_1339 = arith.constant 128 : i32
      %mul3A_1340 = arith.muli %add3A_1338, %mul3A_1339 : i32
      %mul3A_1341 = arith.constant 8 : i32
      %mul3A_1342 = arith.muli %add3A, %mul3A_1341 : i32
      %add3A_1343 = arith.addi %mul3A_1342, %scan3A_1328 : i32
      %mul3A_1344 = arith.constant 1024 : i32
      %mul3A_1345 = arith.muli %add3A_1343, %mul3A_1344 : i32
      %mul3A_1346 = arith.constant 1024 : i32
      %mul3A_1347 = arith.muli %scan3A_1328, %mul3A_1346 : i32
      %dma_start3A_1348 = tpu.memref_slice %arg15[%mul3A_1347] : memref<8192xf32, #tpu.memory_space<vmem>> -> memref<1024xf32, #tpu.memory_space<vmem>>
      %dma_start3A_1349 = tpu.memref_slice %arg7[%mul3A_1345] : memref<262144xf32, #tpu.memory_space<hbm>> -> memref<1024xf32, #tpu.memory_space<hbm>>
      %dma_start3A_1350 = tpu.memref_slice %arg7[%mul3A_1345] : memref<262144xf32, #tpu.memory_space<hbm>> -> memref<1024xf32, #tpu.memory_space<hbm>>
      %dma_start3A_1351 = tpu.memref_slice %arg15[%mul3A_1347] : memref<8192xf32, #tpu.memory_space<vmem>> -> memref<1024xf32, #tpu.memory_space<vmem>>
      tpu.enqueue_dma source(%dma_start3A_1351 : memref<1024xf32, #tpu.memory_space<vmem>>) target(%dma_start3A_1350 : memref<1024xf32, #tpu.memory_space<hbm>>) target_semaphore(%arg21 : memref<!tpu.dma_semaphore, #tpu.memory_space<semaphore_mem>>)
      %mul3A_1352 = arith.constant 1024 : i32
      %mul3A_1353 = arith.muli %scan3A_1328, %mul3A_1352 : i32
      %dma_start3A_1354 = tpu.memref_slice %arg16[%mul3A_1353] : memref<8192xf32, #tpu.memory_space<vmem>> -> memref<1024xf32, #tpu.memory_space<vmem>>
      %dma_start3A_1355 = tpu.memref_slice %arg8[%mul3A_1345] : memref<262144xf32, #tpu.memory_space<hbm>> -> memref<1024xf32, #tpu.memory_space<hbm>>
      %dma_start3A_1356 = tpu.memref_slice %arg8[%mul3A_1345] : memref<262144xf32, #tpu.memory_space<hbm>> -> memref<1024xf32, #tpu.memory_space<hbm>>
      %dma_start3A_1357 = tpu.memref_slice %arg16[%mul3A_1353] : memref<8192xf32, #tpu.memory_space<vmem>> -> memref<1024xf32, #tpu.memory_space<vmem>>
      tpu.enqueue_dma source(%dma_start3A_1357 : memref<1024xf32, #tpu.memory_space<vmem>>) target(%dma_start3A_1356 : memref<1024xf32, #tpu.memory_space<hbm>>) target_semaphore(%arg21 : memref<!tpu.dma_semaphore, #tpu.memory_space<semaphore_mem>>)
      %mul3A_1358 = arith.constant 1024 : i32
      %mul3A_1359 = arith.muli %scan3A_1328, %mul3A_1358 : i32
      %dma_start3A_1360 = tpu.memref_slice %arg17[%mul3A_1359] : memref<8192xf32, #tpu.memory_space<vmem>> -> memref<1024xf32, #tpu.memory_space<vmem>>
      %dma_start3A_1361 = tpu.memref_slice %arg9[%mul3A_1345] : memref<262144xf32, #tpu.memory_space<hbm>> -> memref<1024xf32, #tpu.memory_space<hbm>>
      %dma_start3A_1362 = tpu.memref_slice %arg9[%mul3A_1345] : memref<262144xf32, #tpu.memory_space<hbm>> -> memref<1024xf32, #tpu.memory_space<hbm>>
      %dma_start3A_1363 = tpu.memref_slice %arg17[%mul3A_1359] : memref<8192xf32, #tpu.memory_space<vmem>> -> memref<1024xf32, #tpu.memory_space<vmem>>
      tpu.enqueue_dma source(%dma_start3A_1363 : memref<1024xf32, #tpu.memory_space<vmem>>) target(%dma_start3A_1362 : memref<1024xf32, #tpu.memory_space<hbm>>) target_semaphore(%arg21 : memref<!tpu.dma_semaphore, #tpu.memory_space<semaphore_mem>>)
      %mul3A_1364 = arith.constant 128 : i32
      %mul3A_1365 = arith.muli %scan3A_1328, %mul3A_1364 : i32
      %dma_start3A_1366 = tpu.memref_slice %arg18[%mul3A_1365] : memref<1024xi32, #tpu.memory_space<vmem>> -> memref<128xi32, #tpu.memory_space<vmem>>
      %dma_start3A_1367 = tpu.memref_slice %arg5[%mul3A_1340] : memref<32768xi32, #tpu.memory_space<hbm>> -> memref<128xi32, #tpu.memory_space<hbm>>
      %dma_start3A_1368 = tpu.memref_slice %arg5[%mul3A_1340] : memref<32768xi32, #tpu.memory_space<hbm>> -> memref<128xi32, #tpu.memory_space<hbm>>
      %dma_start3A_1369 = tpu.memref_slice %arg18[%mul3A_1365] : memref<1024xi32, #tpu.memory_space<vmem>> -> memref<128xi32, #tpu.memory_space<vmem>>
      tpu.enqueue_dma source(%dma_start3A_1369 : memref<128xi32, #tpu.memory_space<vmem>>) target(%dma_start3A_1368 : memref<128xi32, #tpu.memory_space<hbm>>) target_semaphore(%arg21 : memref<!tpu.dma_semaphore, #tpu.memory_space<semaphore_mem>>)
      %mul3A_1370 = arith.constant 128 : i32
      %mul3A_1371 = arith.muli %scan3A_1328, %mul3A_1370 : i32
      %dma_start3A_1372 = tpu.memref_slice %arg19[%mul3A_1371] : memref<1024xi32, #tpu.memory_space<vmem>> -> memref<128xi32, #tpu.memory_space<vmem>>
      %dma_start3A_1373 = tpu.memref_slice %arg6[%mul3A_1340] : memref<32768xi32, #tpu.memory_space<hbm>> -> memref<128xi32, #tpu.memory_space<hbm>>
      %dma_start3A_1374 = tpu.memref_slice %arg6[%mul3A_1340] : memref<32768xi32, #tpu.memory_space<hbm>> -> memref<128xi32, #tpu.memory_space<hbm>>
      %dma_start3A_1375 = tpu.memref_slice %arg19[%mul3A_1371] : memref<1024xi32, #tpu.memory_space<vmem>> -> memref<128xi32, #tpu.memory_space<vmem>>
      tpu.enqueue_dma source(%dma_start3A_1375 : memref<128xi32, #tpu.memory_space<vmem>>) target(%dma_start3A_1374 : memref<128xi32, #tpu.memory_space<hbm>>) target_semaphore(%arg21 : memref<!tpu.dma_semaphore, #tpu.memory_space<semaphore_mem>>)
    }
    %scan3A_983 = arith.constant 8 : i32
    %add3A_984 = arith.constant 0 : i32
    %add3A_985 = arith.addi %mul3A_32, %add3A_984 : i32
    %mul3A_986 = arith.constant 4 : i32
    %mul3A_987 = arith.muli %add3A_985, %mul3A_986 : i32
    %add3A_988 = arith.addi %mul3A_987, %select_n3A : i32
    %mul3A_989 = arith.constant 128 : i32
    %mul3A_990 = arith.muli %add3A_988, %mul3A_989 : i32
    %mul3A_991 = arith.constant 8 : i32
    %mul3A_992 = arith.muli %add3A, %mul3A_991 : i32
    %add3A_993 = arith.constant 0 : i32
    %add3A_994 = arith.addi %mul3A_992, %add3A_993 : i32
    %mul3A_995 = arith.constant 1024 : i32
    %mul3A_996 = arith.muli %add3A_994, %mul3A_995 : i32
    %dma_wait3A_997 = arith.constant 0 : i32
    %dma_wait3A_998 = tpu.memref_slice %arg15[%dma_wait3A_997] : memref<8192xf32, #tpu.memory_space<vmem>> -> memref<1024xf32, #tpu.memory_space<vmem>>
    %dma_wait3A_999 = tpu.memref_slice %arg7[%mul3A_996] : memref<262144xf32, #tpu.memory_space<hbm>> -> memref<1024xf32, #tpu.memory_space<hbm>>
    %dma_wait3A_1000 = tpu.memref_slice %arg7[%mul3A_996] : memref<262144xf32, #tpu.memory_space<hbm>> -> memref<1024xf32, #tpu.memory_space<hbm>>
    %dma_wait3A_1001 = arith.constant 0 : i32
    %dma_wait3A_1002 = tpu.memref_slice %arg15[%dma_wait3A_1001] : memref<8192xf32, #tpu.memory_space<vmem>> -> memref<1024xf32, #tpu.memory_space<vmem>>
    tpu.wait_dma2 semaphore(%arg21 : memref<!tpu.dma_semaphore, #tpu.memory_space<semaphore_mem>>) src(%dma_wait3A_1002 : memref<1024xf32, #tpu.memory_space<vmem>>) dst(%dma_wait3A_1000 : memref<1024xf32, #tpu.memory_space<hbm>>)
    %dma_wait3A_1003 = arith.constant 0 : i32
    %dma_wait3A_1004 = tpu.memref_slice %arg16[%dma_wait3A_1003] : memref<8192xf32, #tpu.memory_space<vmem>> -> memref<1024xf32, #tpu.memory_space<vmem>>
    %dma_wait3A_1005 = tpu.memref_slice %arg8[%mul3A_996] : memref<262144xf32, #tpu.memory_space<hbm>> -> memref<1024xf32, #tpu.memory_space<hbm>>
    %dma_wait3A_1006 = tpu.memref_slice %arg8[%mul3A_996] : memref<262144xf32, #tpu.memory_space<hbm>> -> memref<1024xf32, #tpu.memory_space<hbm>>
    %dma_wait3A_1007 = arith.constant 0 : i32
    %dma_wait3A_1008 = tpu.memref_slice %arg16[%dma_wait3A_1007] : memref<8192xf32, #tpu.memory_space<vmem>> -> memref<1024xf32, #tpu.memory_space<vmem>>
    tpu.wait_dma2 semaphore(%arg21 : memref<!tpu.dma_semaphore, #tpu.memory_space<semaphore_mem>>) src(%dma_wait3A_1008 : memref<1024xf32, #tpu.memory_space<vmem>>) dst(%dma_wait3A_1006 : memref<1024xf32, #tpu.memory_space<hbm>>)
    %dma_wait3A_1009 = arith.constant 0 : i32
    %dma_wait3A_1010 = tpu.memref_slice %arg17[%dma_wait3A_1009] : memref<8192xf32, #tpu.memory_space<vmem>> -> memref<1024xf32, #tpu.memory_space<vmem>>
    %dma_wait3A_1011 = tpu.memref_slice %arg9[%mul3A_996] : memref<262144xf32, #tpu.memory_space<hbm>> -> memref<1024xf32, #tpu.memory_space<hbm>>
    %dma_wait3A_1012 = tpu.memref_slice %arg9[%mul3A_996] : memref<262144xf32, #tpu.memory_space<hbm>> -> memref<1024xf32, #tpu.memory_space<hbm>>
    %dma_wait3A_1013 = arith.constant 0 : i32
    %dma_wait3A_1014 = tpu.memref_slice %arg17[%dma_wait3A_1013] : memref<8192xf32, #tpu.memory_space<vmem>> -> memref<1024xf32, #tpu.memory_space<vmem>>
    tpu.wait_dma2 semaphore(%arg21 : memref<!tpu.dma_semaphore, #tpu.memory_space<semaphore_mem>>) src(%dma_wait3A_1014 : memref<1024xf32, #tpu.memory_space<vmem>>) dst(%dma_wait3A_1012 : memref<1024xf32, #tpu.memory_space<hbm>>)
    %dma_wait3A_1015 = arith.constant 0 : i32
    %dma_wait3A_1016 = tpu.memref_slice %arg18[%dma_wait3A_1015] : memref<1024xi32, #tpu.memory_space<vmem>> -> memref<128xi32, #tpu.memory_space<vmem>>
    %dma_wait3A_1017 = tpu.memref_slice %arg5[%mul3A_990] : memref<32768xi32, #tpu.memory_space<hbm>> -> memref<128xi32, #tpu.memory_space<hbm>>
    %dma_wait3A_1018 = tpu.memref_slice %arg5[%mul3A_990] : memref<32768xi32, #tpu.memory_space<hbm>> -> memref<128xi32, #tpu.memory_space<hbm>>
    %dma_wait3A_1019 = arith.constant 0 : i32
    %dma_wait3A_1020 = tpu.memref_slice %arg18[%dma_wait3A_1019] : memref<1024xi32, #tpu.memory_space<vmem>> -> memref<128xi32, #tpu.memory_space<vmem>>
    tpu.wait_dma2 semaphore(%arg21 : memref<!tpu.dma_semaphore, #tpu.memory_space<semaphore_mem>>) src(%dma_wait3A_1020 : memref<128xi32, #tpu.memory_space<vmem>>) dst(%dma_wait3A_1018 : memref<128xi32, #tpu.memory_space<hbm>>)
    %dma_wait3A_1021 = arith.constant 0 : i32
    %dma_wait3A_1022 = tpu.memref_slice %arg19[%dma_wait3A_1021] : memref<1024xi32, #tpu.memory_space<vmem>> -> memref<128xi32, #tpu.memory_space<vmem>>
    %dma_wait3A_1023 = tpu.memref_slice %arg6[%mul3A_990] : memref<32768xi32, #tpu.memory_space<hbm>> -> memref<128xi32, #tpu.memory_space<hbm>>
    %dma_wait3A_1024 = tpu.memref_slice %arg6[%mul3A_990] : memref<32768xi32, #tpu.memory_space<hbm>> -> memref<128xi32, #tpu.memory_space<hbm>>
    %dma_wait3A_1025 = arith.constant 0 : i32
    %dma_wait3A_1026 = tpu.memref_slice %arg19[%dma_wait3A_1025] : memref<1024xi32, #tpu.memory_space<vmem>> -> memref<128xi32, #tpu.memory_space<vmem>>
    tpu.wait_dma2 semaphore(%arg21 : memref<!tpu.dma_semaphore, #tpu.memory_space<semaphore_mem>>) src(%dma_wait3A_1026 : memref<128xi32, #tpu.memory_space<vmem>>) dst(%dma_wait3A_1024 : memref<128xi32, #tpu.memory_space<hbm>>)
    %add3A_1027 = arith.constant 1 : i32
    %add3A_1028 = arith.addi %mul3A_32, %add3A_1027 : i32
    %mul3A_1029 = arith.constant 4 : i32
    %mul3A_1030 = arith.muli %add3A_1028, %mul3A_1029 : i32
    %add3A_1031 = arith.addi %mul3A_1030, %select_n3A : i32
    %mul3A_1032 = arith.constant 128 : i32
    %mul3A_1033 = arith.muli %add3A_1031, %mul3A_1032 : i32
    %mul3A_1034 = arith.constant 8 : i32
    %mul3A_1035 = arith.muli %add3A, %mul3A_1034 : i32
    %add3A_1036 = arith.constant 1 : i32
    %add3A_1037 = arith.addi %mul3A_1035, %add3A_1036 : i32
    %mul3A_1038 = arith.constant 1024 : i32
    %mul3A_1039 = arith.muli %add3A_1037, %mul3A_1038 : i32
    %dma_wait3A_1040 = arith.constant 1024 : i32
    %dma_wait3A_1041 = tpu.memref_slice %arg15[%dma_wait3A_1040] : memref<8192xf32, #tpu.memory_space<vmem>> -> memref<1024xf32, #tpu.memory_space<vmem>>
    %dma_wait3A_1042 = tpu.memref_slice %arg7[%mul3A_1039] : memref<262144xf32, #tpu.memory_space<hbm>> -> memref<1024xf32, #tpu.memory_space<hbm>>
    %dma_wait3A_1043 = tpu.memref_slice %arg7[%mul3A_1039] : memref<262144xf32, #tpu.memory_space<hbm>> -> memref<1024xf32, #tpu.memory_space<hbm>>
    %dma_wait3A_1044 = arith.constant 1024 : i32
    %dma_wait3A_1045 = tpu.memref_slice %arg15[%dma_wait3A_1044] : memref<8192xf32, #tpu.memory_space<vmem>> -> memref<1024xf32, #tpu.memory_space<vmem>>
    tpu.wait_dma2 semaphore(%arg21 : memref<!tpu.dma_semaphore, #tpu.memory_space<semaphore_mem>>) src(%dma_wait3A_1045 : memref<1024xf32, #tpu.memory_space<vmem>>) dst(%dma_wait3A_1043 : memref<1024xf32, #tpu.memory_space<hbm>>)
    %dma_wait3A_1046 = arith.constant 1024 : i32
    %dma_wait3A_1047 = tpu.memref_slice %arg16[%dma_wait3A_1046] : memref<8192xf32, #tpu.memory_space<vmem>> -> memref<1024xf32, #tpu.memory_space<vmem>>
    %dma_wait3A_1048 = tpu.memref_slice %arg8[%mul3A_1039] : memref<262144xf32, #tpu.memory_space<hbm>> -> memref<1024xf32, #tpu.memory_space<hbm>>
    %dma_wait3A_1049 = tpu.memref_slice %arg8[%mul3A_1039] : memref<262144xf32, #tpu.memory_space<hbm>> -> memref<1024xf32, #tpu.memory_space<hbm>>
    %dma_wait3A_1050 = arith.constant 1024 : i32
    %dma_wait3A_1051 = tpu.memref_slice %arg16[%dma_wait3A_1050] : memref<8192xf32, #tpu.memory_space<vmem>> -> memref<1024xf32, #tpu.memory_space<vmem>>
    tpu.wait_dma2 semaphore(%arg21 : memref<!tpu.dma_semaphore, #tpu.memory_space<semaphore_mem>>) src(%dma_wait3A_1051 : memref<1024xf32, #tpu.memory_space<vmem>>) dst(%dma_wait3A_1049 : memref<1024xf32, #tpu.memory_space<hbm>>)
    %dma_wait3A_1052 = arith.constant 1024 : i32
    %dma_wait3A_1053 = tpu.memref_slice %arg17[%dma_wait3A_1052] : memref<8192xf32, #tpu.memory_space<vmem>> -> memref<1024xf32, #tpu.memory_space<vmem>>
    %dma_wait3A_1054 = tpu.memref_slice %arg9[%mul3A_1039] : memref<262144xf32, #tpu.memory_space<hbm>> -> memref<1024xf32, #tpu.memory_space<hbm>>
    %dma_wait3A_1055 = tpu.memref_slice %arg9[%mul3A_1039] : memref<262144xf32, #tpu.memory_space<hbm>> -> memref<1024xf32, #tpu.memory_space<hbm>>
    %dma_wait3A_1056 = arith.constant 1024 : i32
    %dma_wait3A_1057 = tpu.memref_slice %arg17[%dma_wait3A_1056] : memref<8192xf32, #tpu.memory_space<vmem>> -> memref<1024xf32, #tpu.memory_space<vmem>>
    tpu.wait_dma2 semaphore(%arg21 : memref<!tpu.dma_semaphore, #tpu.memory_space<semaphore_mem>>) src(%dma_wait3A_1057 : memref<1024xf32, #tpu.memory_space<vmem>>) dst(%dma_wait3A_1055 : memref<1024xf32, #tpu.memory_space<hbm>>)
    %dma_wait3A_1058 = arith.constant 128 : i32
    %dma_wait3A_1059 = tpu.memref_slice %arg18[%dma_wait3A_1058] : memref<1024xi32, #tpu.memory_space<vmem>> -> memref<128xi32, #tpu.memory_space<vmem>>
    %dma_wait3A_1060 = tpu.memref_slice %arg5[%mul3A_1033] : memref<32768xi32, #tpu.memory_space<hbm>> -> memref<128xi32, #tpu.memory_space<hbm>>
    %dma_wait3A_1061 = tpu.memref_slice %arg5[%mul3A_1033] : memref<32768xi32, #tpu.memory_space<hbm>> -> memref<128xi32, #tpu.memory_space<hbm>>
    %dma_wait3A_1062 = arith.constant 128 : i32
    %dma_wait3A_1063 = tpu.memref_slice %arg18[%dma_wait3A_1062] : memref<1024xi32, #tpu.memory_space<vmem>> -> memref<128xi32, #tpu.memory_space<vmem>>
    tpu.wait_dma2 semaphore(%arg21 : memref<!tpu.dma_semaphore, #tpu.memory_space<semaphore_mem>>) src(%dma_wait3A_1063 : memref<128xi32, #tpu.memory_space<vmem>>) dst(%dma_wait3A_1061 : memref<128xi32, #tpu.memory_space<hbm>>)
    %dma_wait3A_1064 = arith.constant 128 : i32
    %dma_wait3A_1065 = tpu.memref_slice %arg19[%dma_wait3A_1064] : memref<1024xi32, #tpu.memory_space<vmem>> -> memref<128xi32, #tpu.memory_space<vmem>>
    %dma_wait3A_1066 = tpu.memref_slice %arg6[%mul3A_1033] : memref<32768xi32, #tpu.memory_space<hbm>> -> memref<128xi32, #tpu.memory_space<hbm>>
    %dma_wait3A_1067 = tpu.memref_slice %arg6[%mul3A_1033] : memref<32768xi32, #tpu.memory_space<hbm>> -> memref<128xi32, #tpu.memory_space<hbm>>
    %dma_wait3A_1068 = arith.constant 128 : i32
    %dma_wait3A_1069 = tpu.memref_slice %arg19[%dma_wait3A_1068] : memref<1024xi32, #tpu.memory_space<vmem>> -> memref<128xi32, #tpu.memory_space<vmem>>
    tpu.wait_dma2 semaphore(%arg21 : memref<!tpu.dma_semaphore, #tpu.memory_space<semaphore_mem>>) src(%dma_wait3A_1069 : memref<128xi32, #tpu.memory_space<vmem>>) dst(%dma_wait3A_1067 : memref<128xi32, #tpu.memory_space<hbm>>)
    %add3A_1070 = arith.constant 2 : i32
    %add3A_1071 = arith.addi %mul3A_32, %add3A_1070 : i32
    %mul3A_1072 = arith.constant 4 : i32
    %mul3A_1073 = arith.muli %add3A_1071, %mul3A_1072 : i32
    %add3A_1074 = arith.addi %mul3A_1073, %select_n3A : i32
    %mul3A_1075 = arith.constant 128 : i32
    %mul3A_1076 = arith.muli %add3A_1074, %mul3A_1075 : i32
    %mul3A_1077 = arith.constant 8 : i32
    %mul3A_1078 = arith.muli %add3A, %mul3A_1077 : i32
    %add3A_1079 = arith.constant 2 : i32
    %add3A_1080 = arith.addi %mul3A_1078, %add3A_1079 : i32
    %mul3A_1081 = arith.constant 1024 : i32
    %mul3A_1082 = arith.muli %add3A_1080, %mul3A_1081 : i32
    %dma_wait3A_1083 = arith.constant 2048 : i32
    %dma_wait3A_1084 = tpu.memref_slice %arg15[%dma_wait3A_1083] : memref<8192xf32, #tpu.memory_space<vmem>> -> memref<1024xf32, #tpu.memory_space<vmem>>
    %dma_wait3A_1085 = tpu.memref_slice %arg7[%mul3A_1082] : memref<262144xf32, #tpu.memory_space<hbm>> -> memref<1024xf32, #tpu.memory_space<hbm>>
    %dma_wait3A_1086 = tpu.memref_slice %arg7[%mul3A_1082] : memref<262144xf32, #tpu.memory_space<hbm>> -> memref<1024xf32, #tpu.memory_space<hbm>>
    %dma_wait3A_1087 = arith.constant 2048 : i32
    %dma_wait3A_1088 = tpu.memref_slice %arg15[%dma_wait3A_1087] : memref<8192xf32, #tpu.memory_space<vmem>> -> memref<1024xf32, #tpu.memory_space<vmem>>
    tpu.wait_dma2 semaphore(%arg21 : memref<!tpu.dma_semaphore, #tpu.memory_space<semaphore_mem>>) src(%dma_wait3A_1088 : memref<1024xf32, #tpu.memory_space<vmem>>) dst(%dma_wait3A_1086 : memref<1024xf32, #tpu.memory_space<hbm>>)
    %dma_wait3A_1089 = arith.constant 2048 : i32
    %dma_wait3A_1090 = tpu.memref_slice %arg16[%dma_wait3A_1089] : memref<8192xf32, #tpu.memory_space<vmem>> -> memref<1024xf32, #tpu.memory_space<vmem>>
    %dma_wait3A_1091 = tpu.memref_slice %arg8[%mul3A_1082] : memref<262144xf32, #tpu.memory_space<hbm>> -> memref<1024xf32, #tpu.memory_space<hbm>>
    %dma_wait3A_1092 = tpu.memref_slice %arg8[%mul3A_1082] : memref<262144xf32, #tpu.memory_space<hbm>> -> memref<1024xf32, #tpu.memory_space<hbm>>
    %dma_wait3A_1093 = arith.constant 2048 : i32
    %dma_wait3A_1094 = tpu.memref_slice %arg16[%dma_wait3A_1093] : memref<8192xf32, #tpu.memory_space<vmem>> -> memref<1024xf32, #tpu.memory_space<vmem>>
    tpu.wait_dma2 semaphore(%arg21 : memref<!tpu.dma_semaphore, #tpu.memory_space<semaphore_mem>>) src(%dma_wait3A_1094 : memref<1024xf32, #tpu.memory_space<vmem>>) dst(%dma_wait3A_1092 : memref<1024xf32, #tpu.memory_space<hbm>>)
    %dma_wait3A_1095 = arith.constant 2048 : i32
    %dma_wait3A_1096 = tpu.memref_slice %arg17[%dma_wait3A_1095] : memref<8192xf32, #tpu.memory_space<vmem>> -> memref<1024xf32, #tpu.memory_space<vmem>>
    %dma_wait3A_1097 = tpu.memref_slice %arg9[%mul3A_1082] : memref<262144xf32, #tpu.memory_space<hbm>> -> memref<1024xf32, #tpu.memory_space<hbm>>
    %dma_wait3A_1098 = tpu.memref_slice %arg9[%mul3A_1082] : memref<262144xf32, #tpu.memory_space<hbm>> -> memref<1024xf32, #tpu.memory_space<hbm>>
    %dma_wait3A_1099 = arith.constant 2048 : i32
    %dma_wait3A_1100 = tpu.memref_slice %arg17[%dma_wait3A_1099] : memref<8192xf32, #tpu.memory_space<vmem>> -> memref<1024xf32, #tpu.memory_space<vmem>>
    tpu.wait_dma2 semaphore(%arg21 : memref<!tpu.dma_semaphore, #tpu.memory_space<semaphore_mem>>) src(%dma_wait3A_1100 : memref<1024xf32, #tpu.memory_space<vmem>>) dst(%dma_wait3A_1098 : memref<1024xf32, #tpu.memory_space<hbm>>)
    %dma_wait3A_1101 = arith.constant 256 : i32
    %dma_wait3A_1102 = tpu.memref_slice %arg18[%dma_wait3A_1101] : memref<1024xi32, #tpu.memory_space<vmem>> -> memref<128xi32, #tpu.memory_space<vmem>>
    %dma_wait3A_1103 = tpu.memref_slice %arg5[%mul3A_1076] : memref<32768xi32, #tpu.memory_space<hbm>> -> memref<128xi32, #tpu.memory_space<hbm>>
    %dma_wait3A_1104 = tpu.memref_slice %arg5[%mul3A_1076] : memref<32768xi32, #tpu.memory_space<hbm>> -> memref<128xi32, #tpu.memory_space<hbm>>
    %dma_wait3A_1105 = arith.constant 256 : i32
    %dma_wait3A_1106 = tpu.memref_slice %arg18[%dma_wait3A_1105] : memref<1024xi32, #tpu.memory_space<vmem>> -> memref<128xi32, #tpu.memory_space<vmem>>
    tpu.wait_dma2 semaphore(%arg21 : memref<!tpu.dma_semaphore, #tpu.memory_space<semaphore_mem>>) src(%dma_wait3A_1106 : memref<128xi32, #tpu.memory_space<vmem>>) dst(%dma_wait3A_1104 : memref<128xi32, #tpu.memory_space<hbm>>)
    %dma_wait3A_1107 = arith.constant 256 : i32
    %dma_wait3A_1108 = tpu.memref_slice %arg19[%dma_wait3A_1107] : memref<1024xi32, #tpu.memory_space<vmem>> -> memref<128xi32, #tpu.memory_space<vmem>>
    %dma_wait3A_1109 = tpu.memref_slice %arg6[%mul3A_1076] : memref<32768xi32, #tpu.memory_space<hbm>> -> memref<128xi32, #tpu.memory_space<hbm>>
    %dma_wait3A_1110 = tpu.memref_slice %arg6[%mul3A_1076] : memref<32768xi32, #tpu.memory_space<hbm>> -> memref<128xi32, #tpu.memory_space<hbm>>
    %dma_wait3A_1111 = arith.constant 256 : i32
    %dma_wait3A_1112 = tpu.memref_slice %arg19[%dma_wait3A_1111] : memref<1024xi32, #tpu.memory_space<vmem>> -> memref<128xi32, #tpu.memory_space<vmem>>
    tpu.wait_dma2 semaphore(%arg21 : memref<!tpu.dma_semaphore, #tpu.memory_space<semaphore_mem>>) src(%dma_wait3A_1112 : memref<128xi32, #tpu.memory_space<vmem>>) dst(%dma_wait3A_1110 : memref<128xi32, #tpu.memory_space<hbm>>)
    %add3A_1113 = arith.constant 3 : i32
    %add3A_1114 = arith.addi %mul3A_32, %add3A_1113 : i32
    %mul3A_1115 = arith.constant 4 : i32
    %mul3A_1116 = arith.muli %add3A_1114, %mul3A_1115 : i32
    %add3A_1117 = arith.addi %mul3A_1116, %select_n3A : i32
    %mul3A_1118 = arith.constant 128 : i32
    %mul3A_1119 = arith.muli %add3A_1117, %mul3A_1118 : i32
    %mul3A_1120 = arith.constant 8 : i32
    %mul3A_1121 = arith.muli %add3A, %mul3A_1120 : i32
    %add3A_1122 = arith.constant 3 : i32
    %add3A_1123 = arith.addi %mul3A_1121, %add3A_1122 : i32
    %mul3A_1124 = arith.constant 1024 : i32
    %mul3A_1125 = arith.muli %add3A_1123, %mul3A_1124 : i32
    %dma_wait3A_1126 = arith.constant 3072 : i32
    %dma_wait3A_1127 = tpu.memref_slice %arg15[%dma_wait3A_1126] : memref<8192xf32, #tpu.memory_space<vmem>> -> memref<1024xf32, #tpu.memory_space<vmem>>
    %dma_wait3A_1128 = tpu.memref_slice %arg7[%mul3A_1125] : memref<262144xf32, #tpu.memory_space<hbm>> -> memref<1024xf32, #tpu.memory_space<hbm>>
    %dma_wait3A_1129 = tpu.memref_slice %arg7[%mul3A_1125] : memref<262144xf32, #tpu.memory_space<hbm>> -> memref<1024xf32, #tpu.memory_space<hbm>>
    %dma_wait3A_1130 = arith.constant 3072 : i32
    %dma_wait3A_1131 = tpu.memref_slice %arg15[%dma_wait3A_1130] : memref<8192xf32, #tpu.memory_space<vmem>> -> memref<1024xf32, #tpu.memory_space<vmem>>
    tpu.wait_dma2 semaphore(%arg21 : memref<!tpu.dma_semaphore, #tpu.memory_space<semaphore_mem>>) src(%dma_wait3A_1131 : memref<1024xf32, #tpu.memory_space<vmem>>) dst(%dma_wait3A_1129 : memref<1024xf32, #tpu.memory_space<hbm>>)
    %dma_wait3A_1132 = arith.constant 3072 : i32
    %dma_wait3A_1133 = tpu.memref_slice %arg16[%dma_wait3A_1132] : memref<8192xf32, #tpu.memory_space<vmem>> -> memref<1024xf32, #tpu.memory_space<vmem>>
    %dma_wait3A_1134 = tpu.memref_slice %arg8[%mul3A_1125] : memref<262144xf32, #tpu.memory_space<hbm>> -> memref<1024xf32, #tpu.memory_space<hbm>>
    %dma_wait3A_1135 = tpu.memref_slice %arg8[%mul3A_1125] : memref<262144xf32, #tpu.memory_space<hbm>> -> memref<1024xf32, #tpu.memory_space<hbm>>
    %dma_wait3A_1136 = arith.constant 3072 : i32
    %dma_wait3A_1137 = tpu.memref_slice %arg16[%dma_wait3A_1136] : memref<8192xf32, #tpu.memory_space<vmem>> -> memref<1024xf32, #tpu.memory_space<vmem>>
    tpu.wait_dma2 semaphore(%arg21 : memref<!tpu.dma_semaphore, #tpu.memory_space<semaphore_mem>>) src(%dma_wait3A_1137 : memref<1024xf32, #tpu.memory_space<vmem>>) dst(%dma_wait3A_1135 : memref<1024xf32, #tpu.memory_space<hbm>>)
    %dma_wait3A_1138 = arith.constant 3072 : i32
    %dma_wait3A_1139 = tpu.memref_slice %arg17[%dma_wait3A_1138] : memref<8192xf32, #tpu.memory_space<vmem>> -> memref<1024xf32, #tpu.memory_space<vmem>>
    %dma_wait3A_1140 = tpu.memref_slice %arg9[%mul3A_1125] : memref<262144xf32, #tpu.memory_space<hbm>> -> memref<1024xf32, #tpu.memory_space<hbm>>
    %dma_wait3A_1141 = tpu.memref_slice %arg9[%mul3A_1125] : memref<262144xf32, #tpu.memory_space<hbm>> -> memref<1024xf32, #tpu.memory_space<hbm>>
    %dma_wait3A_1142 = arith.constant 3072 : i32
    %dma_wait3A_1143 = tpu.memref_slice %arg17[%dma_wait3A_1142] : memref<8192xf32, #tpu.memory_space<vmem>> -> memref<1024xf32, #tpu.memory_space<vmem>>
    tpu.wait_dma2 semaphore(%arg21 : memref<!tpu.dma_semaphore, #tpu.memory_space<semaphore_mem>>) src(%dma_wait3A_1143 : memref<1024xf32, #tpu.memory_space<vmem>>) dst(%dma_wait3A_1141 : memref<1024xf32, #tpu.memory_space<hbm>>)
    %dma_wait3A_1144 = arith.constant 384 : i32
    %dma_wait3A_1145 = tpu.memref_slice %arg18[%dma_wait3A_1144] : memref<1024xi32, #tpu.memory_space<vmem>> -> memref<128xi32, #tpu.memory_space<vmem>>
    %dma_wait3A_1146 = tpu.memref_slice %arg5[%mul3A_1119] : memref<32768xi32, #tpu.memory_space<hbm>> -> memref<128xi32, #tpu.memory_space<hbm>>
    %dma_wait3A_1147 = tpu.memref_slice %arg5[%mul3A_1119] : memref<32768xi32, #tpu.memory_space<hbm>> -> memref<128xi32, #tpu.memory_space<hbm>>
    %dma_wait3A_1148 = arith.constant 384 : i32
    %dma_wait3A_1149 = tpu.memref_slice %arg18[%dma_wait3A_1148] : memref<1024xi32, #tpu.memory_space<vmem>> -> memref<128xi32, #tpu.memory_space<vmem>>
    tpu.wait_dma2 semaphore(%arg21 : memref<!tpu.dma_semaphore, #tpu.memory_space<semaphore_mem>>) src(%dma_wait3A_1149 : memref<128xi32, #tpu.memory_space<vmem>>) dst(%dma_wait3A_1147 : memref<128xi32, #tpu.memory_space<hbm>>)
    %dma_wait3A_1150 = arith.constant 384 : i32
    %dma_wait3A_1151 = tpu.memref_slice %arg19[%dma_wait3A_1150] : memref<1024xi32, #tpu.memory_space<vmem>> -> memref<128xi32, #tpu.memory_space<vmem>>
    %dma_wait3A_1152 = tpu.memref_slice %arg6[%mul3A_1119] : memref<32768xi32, #tpu.memory_space<hbm>> -> memref<128xi32, #tpu.memory_space<hbm>>
    %dma_wait3A_1153 = tpu.memref_slice %arg6[%mul3A_1119] : memref<32768xi32, #tpu.memory_space<hbm>> -> memref<128xi32, #tpu.memory_space<hbm>>
    %dma_wait3A_1154 = arith.constant 384 : i32
    %dma_wait3A_1155 = tpu.memref_slice %arg19[%dma_wait3A_1154] : memref<1024xi32, #tpu.memory_space<vmem>> -> memref<128xi32, #tpu.memory_space<vmem>>
    tpu.wait_dma2 semaphore(%arg21 : memref<!tpu.dma_semaphore, #tpu.memory_space<semaphore_mem>>) src(%dma_wait3A_1155 : memref<128xi32, #tpu.memory_space<vmem>>) dst(%dma_wait3A_1153 : memref<128xi32, #tpu.memory_space<hbm>>)
    %add3A_1156 = arith.constant 4 : i32
    %add3A_1157 = arith.addi %mul3A_32, %add3A_1156 : i32
    %mul3A_1158 = arith.constant 4 : i32
    %mul3A_1159 = arith.muli %add3A_1157, %mul3A_1158 : i32
    %add3A_1160 = arith.addi %mul3A_1159, %select_n3A : i32
    %mul3A_1161 = arith.constant 128 : i32
    %mul3A_1162 = arith.muli %add3A_1160, %mul3A_1161 : i32
    %mul3A_1163 = arith.constant 8 : i32
    %mul3A_1164 = arith.muli %add3A, %mul3A_1163 : i32
    %add3A_1165 = arith.constant 4 : i32
    %add3A_1166 = arith.addi %mul3A_1164, %add3A_1165 : i32
    %mul3A_1167 = arith.constant 1024 : i32
    %mul3A_1168 = arith.muli %add3A_1166, %mul3A_1167 : i32
    %dma_wait3A_1169 = arith.constant 4096 : i32
    %dma_wait3A_1170 = tpu.memref_slice %arg15[%dma_wait3A_1169] : memref<8192xf32, #tpu.memory_space<vmem>> -> memref<1024xf32, #tpu.memory_space<vmem>>
    %dma_wait3A_1171 = tpu.memref_slice %arg7[%mul3A_1168] : memref<262144xf32, #tpu.memory_space<hbm>> -> memref<1024xf32, #tpu.memory_space<hbm>>
    %dma_wait3A_1172 = tpu.memref_slice %arg7[%mul3A_1168] : memref<262144xf32, #tpu.memory_space<hbm>> -> memref<1024xf32, #tpu.memory_space<hbm>>
    %dma_wait3A_1173 = arith.constant 4096 : i32
    %dma_wait3A_1174 = tpu.memref_slice %arg15[%dma_wait3A_1173] : memref<8192xf32, #tpu.memory_space<vmem>> -> memref<1024xf32, #tpu.memory_space<vmem>>
    tpu.wait_dma2 semaphore(%arg21 : memref<!tpu.dma_semaphore, #tpu.memory_space<semaphore_mem>>) src(%dma_wait3A_1174 : memref<1024xf32, #tpu.memory_space<vmem>>) dst(%dma_wait3A_1172 : memref<1024xf32, #tpu.memory_space<hbm>>)
    %dma_wait3A_1175 = arith.constant 4096 : i32
    %dma_wait3A_1176 = tpu.memref_slice %arg16[%dma_wait3A_1175] : memref<8192xf32, #tpu.memory_space<vmem>> -> memref<1024xf32, #tpu.memory_space<vmem>>
    %dma_wait3A_1177 = tpu.memref_slice %arg8[%mul3A_1168] : memref<262144xf32, #tpu.memory_space<hbm>> -> memref<1024xf32, #tpu.memory_space<hbm>>
    %dma_wait3A_1178 = tpu.memref_slice %arg8[%mul3A_1168] : memref<262144xf32, #tpu.memory_space<hbm>> -> memref<1024xf32, #tpu.memory_space<hbm>>
    %dma_wait3A_1179 = arith.constant 4096 : i32
    %dma_wait3A_1180 = tpu.memref_slice %arg16[%dma_wait3A_1179] : memref<8192xf32, #tpu.memory_space<vmem>> -> memref<1024xf32, #tpu.memory_space<vmem>>
    tpu.wait_dma2 semaphore(%arg21 : memref<!tpu.dma_semaphore, #tpu.memory_space<semaphore_mem>>) src(%dma_wait3A_1180 : memref<1024xf32, #tpu.memory_space<vmem>>) dst(%dma_wait3A_1178 : memref<1024xf32, #tpu.memory_space<hbm>>)
    %dma_wait3A_1181 = arith.constant 4096 : i32
    %dma_wait3A_1182 = tpu.memref_slice %arg17[%dma_wait3A_1181] : memref<8192xf32, #tpu.memory_space<vmem>> -> memref<1024xf32, #tpu.memory_space<vmem>>
    %dma_wait3A_1183 = tpu.memref_slice %arg9[%mul3A_1168] : memref<262144xf32, #tpu.memory_space<hbm>> -> memref<1024xf32, #tpu.memory_space<hbm>>
    %dma_wait3A_1184 = tpu.memref_slice %arg9[%mul3A_1168] : memref<262144xf32, #tpu.memory_space<hbm>> -> memref<1024xf32, #tpu.memory_space<hbm>>
    %dma_wait3A_1185 = arith.constant 4096 : i32
    %dma_wait3A_1186 = tpu.memref_slice %arg17[%dma_wait3A_1185] : memref<8192xf32, #tpu.memory_space<vmem>> -> memref<1024xf32, #tpu.memory_space<vmem>>
    tpu.wait_dma2 semaphore(%arg21 : memref<!tpu.dma_semaphore, #tpu.memory_space<semaphore_mem>>) src(%dma_wait3A_1186 : memref<1024xf32, #tpu.memory_space<vmem>>) dst(%dma_wait3A_1184 : memref<1024xf32, #tpu.memory_space<hbm>>)
    %dma_wait3A_1187 = arith.constant 512 : i32
    %dma_wait3A_1188 = tpu.memref_slice %arg18[%dma_wait3A_1187] : memref<1024xi32, #tpu.memory_space<vmem>> -> memref<128xi32, #tpu.memory_space<vmem>>
    %dma_wait3A_1189 = tpu.memref_slice %arg5[%mul3A_1162] : memref<32768xi32, #tpu.memory_space<hbm>> -> memref<128xi32, #tpu.memory_space<hbm>>
    %dma_wait3A_1190 = tpu.memref_slice %arg5[%mul3A_1162] : memref<32768xi32, #tpu.memory_space<hbm>> -> memref<128xi32, #tpu.memory_space<hbm>>
    %dma_wait3A_1191 = arith.constant 512 : i32
    %dma_wait3A_1192 = tpu.memref_slice %arg18[%dma_wait3A_1191] : memref<1024xi32, #tpu.memory_space<vmem>> -> memref<128xi32, #tpu.memory_space<vmem>>
    tpu.wait_dma2 semaphore(%arg21 : memref<!tpu.dma_semaphore, #tpu.memory_space<semaphore_mem>>) src(%dma_wait3A_1192 : memref<128xi32, #tpu.memory_space<vmem>>) dst(%dma_wait3A_1190 : memref<128xi32, #tpu.memory_space<hbm>>)
    %dma_wait3A_1193 = arith.constant 512 : i32
    %dma_wait3A_1194 = tpu.memref_slice %arg19[%dma_wait3A_1193] : memref<1024xi32, #tpu.memory_space<vmem>> -> memref<128xi32, #tpu.memory_space<vmem>>
    %dma_wait3A_1195 = tpu.memref_slice %arg6[%mul3A_1162] : memref<32768xi32, #tpu.memory_space<hbm>> -> memref<128xi32, #tpu.memory_space<hbm>>
    %dma_wait3A_1196 = tpu.memref_slice %arg6[%mul3A_1162] : memref<32768xi32, #tpu.memory_space<hbm>> -> memref<128xi32, #tpu.memory_space<hbm>>
    %dma_wait3A_1197 = arith.constant 512 : i32
    %dma_wait3A_1198 = tpu.memref_slice %arg19[%dma_wait3A_1197] : memref<1024xi32, #tpu.memory_space<vmem>> -> memref<128xi32, #tpu.memory_space<vmem>>
    tpu.wait_dma2 semaphore(%arg21 : memref<!tpu.dma_semaphore, #tpu.memory_space<semaphore_mem>>) src(%dma_wait3A_1198 : memref<128xi32, #tpu.memory_space<vmem>>) dst(%dma_wait3A_1196 : memref<128xi32, #tpu.memory_space<hbm>>)
    %add3A_1199 = arith.constant 5 : i32
    %add3A_1200 = arith.addi %mul3A_32, %add3A_1199 : i32
    %mul3A_1201 = arith.constant 4 : i32
    %mul3A_1202 = arith.muli %add3A_1200, %mul3A_1201 : i32
    %add3A_1203 = arith.addi %mul3A_1202, %select_n3A : i32
    %mul3A_1204 = arith.constant 128 : i32
    %mul3A_1205 = arith.muli %add3A_1203, %mul3A_1204 : i32
    %mul3A_1206 = arith.constant 8 : i32
    %mul3A_1207 = arith.muli %add3A, %mul3A_1206 : i32
    %add3A_1208 = arith.constant 5 : i32
    %add3A_1209 = arith.addi %mul3A_1207, %add3A_1208 : i32
    %mul3A_1210 = arith.constant 1024 : i32
    %mul3A_1211 = arith.muli %add3A_1209, %mul3A_1210 : i32
    %dma_wait3A_1212 = arith.constant 5120 : i32
    %dma_wait3A_1213 = tpu.memref_slice %arg15[%dma_wait3A_1212] : memref<8192xf32, #tpu.memory_space<vmem>> -> memref<1024xf32, #tpu.memory_space<vmem>>
    %dma_wait3A_1214 = tpu.memref_slice %arg7[%mul3A_1211] : memref<262144xf32, #tpu.memory_space<hbm>> -> memref<1024xf32, #tpu.memory_space<hbm>>
    %dma_wait3A_1215 = tpu.memref_slice %arg7[%mul3A_1211] : memref<262144xf32, #tpu.memory_space<hbm>> -> memref<1024xf32, #tpu.memory_space<hbm>>
    %dma_wait3A_1216 = arith.constant 5120 : i32
    %dma_wait3A_1217 = tpu.memref_slice %arg15[%dma_wait3A_1216] : memref<8192xf32, #tpu.memory_space<vmem>> -> memref<1024xf32, #tpu.memory_space<vmem>>
    tpu.wait_dma2 semaphore(%arg21 : memref<!tpu.dma_semaphore, #tpu.memory_space<semaphore_mem>>) src(%dma_wait3A_1217 : memref<1024xf32, #tpu.memory_space<vmem>>) dst(%dma_wait3A_1215 : memref<1024xf32, #tpu.memory_space<hbm>>)
    %dma_wait3A_1218 = arith.constant 5120 : i32
    %dma_wait3A_1219 = tpu.memref_slice %arg16[%dma_wait3A_1218] : memref<8192xf32, #tpu.memory_space<vmem>> -> memref<1024xf32, #tpu.memory_space<vmem>>
    %dma_wait3A_1220 = tpu.memref_slice %arg8[%mul3A_1211] : memref<262144xf32, #tpu.memory_space<hbm>> -> memref<1024xf32, #tpu.memory_space<hbm>>
    %dma_wait3A_1221 = tpu.memref_slice %arg8[%mul3A_1211] : memref<262144xf32, #tpu.memory_space<hbm>> -> memref<1024xf32, #tpu.memory_space<hbm>>
    %dma_wait3A_1222 = arith.constant 5120 : i32
    %dma_wait3A_1223 = tpu.memref_slice %arg16[%dma_wait3A_1222] : memref<8192xf32, #tpu.memory_space<vmem>> -> memref<1024xf32, #tpu.memory_space<vmem>>
    tpu.wait_dma2 semaphore(%arg21 : memref<!tpu.dma_semaphore, #tpu.memory_space<semaphore_mem>>) src(%dma_wait3A_1223 : memref<1024xf32, #tpu.memory_space<vmem>>) dst(%dma_wait3A_1221 : memref<1024xf32, #tpu.memory_space<hbm>>)
    %dma_wait3A_1224 = arith.constant 5120 : i32
    %dma_wait3A_1225 = tpu.memref_slice %arg17[%dma_wait3A_1224] : memref<8192xf32, #tpu.memory_space<vmem>> -> memref<1024xf32, #tpu.memory_space<vmem>>
    %dma_wait3A_1226 = tpu.memref_slice %arg9[%mul3A_1211] : memref<262144xf32, #tpu.memory_space<hbm>> -> memref<1024xf32, #tpu.memory_space<hbm>>
    %dma_wait3A_1227 = tpu.memref_slice %arg9[%mul3A_1211] : memref<262144xf32, #tpu.memory_space<hbm>> -> memref<1024xf32, #tpu.memory_space<hbm>>
    %dma_wait3A_1228 = arith.constant 5120 : i32
    %dma_wait3A_1229 = tpu.memref_slice %arg17[%dma_wait3A_1228] : memref<8192xf32, #tpu.memory_space<vmem>> -> memref<1024xf32, #tpu.memory_space<vmem>>
    tpu.wait_dma2 semaphore(%arg21 : memref<!tpu.dma_semaphore, #tpu.memory_space<semaphore_mem>>) src(%dma_wait3A_1229 : memref<1024xf32, #tpu.memory_space<vmem>>) dst(%dma_wait3A_1227 : memref<1024xf32, #tpu.memory_space<hbm>>)
    %dma_wait3A_1230 = arith.constant 640 : i32
    %dma_wait3A_1231 = tpu.memref_slice %arg18[%dma_wait3A_1230] : memref<1024xi32, #tpu.memory_space<vmem>> -> memref<128xi32, #tpu.memory_space<vmem>>
    %dma_wait3A_1232 = tpu.memref_slice %arg5[%mul3A_1205] : memref<32768xi32, #tpu.memory_space<hbm>> -> memref<128xi32, #tpu.memory_space<hbm>>
    %dma_wait3A_1233 = tpu.memref_slice %arg5[%mul3A_1205] : memref<32768xi32, #tpu.memory_space<hbm>> -> memref<128xi32, #tpu.memory_space<hbm>>
    %dma_wait3A_1234 = arith.constant 640 : i32
    %dma_wait3A_1235 = tpu.memref_slice %arg18[%dma_wait3A_1234] : memref<1024xi32, #tpu.memory_space<vmem>> -> memref<128xi32, #tpu.memory_space<vmem>>
    tpu.wait_dma2 semaphore(%arg21 : memref<!tpu.dma_semaphore, #tpu.memory_space<semaphore_mem>>) src(%dma_wait3A_1235 : memref<128xi32, #tpu.memory_space<vmem>>) dst(%dma_wait3A_1233 : memref<128xi32, #tpu.memory_space<hbm>>)
    %dma_wait3A_1236 = arith.constant 640 : i32
    %dma_wait3A_1237 = tpu.memref_slice %arg19[%dma_wait3A_1236] : memref<1024xi32, #tpu.memory_space<vmem>> -> memref<128xi32, #tpu.memory_space<vmem>>
    %dma_wait3A_1238 = tpu.memref_slice %arg6[%mul3A_1205] : memref<32768xi32, #tpu.memory_space<hbm>> -> memref<128xi32, #tpu.memory_space<hbm>>
    %dma_wait3A_1239 = tpu.memref_slice %arg6[%mul3A_1205] : memref<32768xi32, #tpu.memory_space<hbm>> -> memref<128xi32, #tpu.memory_space<hbm>>
    %dma_wait3A_1240 = arith.constant 640 : i32
    %dma_wait3A_1241 = tpu.memref_slice %arg19[%dma_wait3A_1240] : memref<1024xi32, #tpu.memory_space<vmem>> -> memref<128xi32, #tpu.memory_space<vmem>>
    tpu.wait_dma2 semaphore(%arg21 : memref<!tpu.dma_semaphore, #tpu.memory_space<semaphore_mem>>) src(%dma_wait3A_1241 : memref<128xi32, #tpu.memory_space<vmem>>) dst(%dma_wait3A_1239 : memref<128xi32, #tpu.memory_space<hbm>>)
    %add3A_1242 = arith.constant 6 : i32
    %add3A_1243 = arith.addi %mul3A_32, %add3A_1242 : i32
    %mul3A_1244 = arith.constant 4 : i32
    %mul3A_1245 = arith.muli %add3A_1243, %mul3A_1244 : i32
    %add3A_1246 = arith.addi %mul3A_1245, %select_n3A : i32
    %mul3A_1247 = arith.constant 128 : i32
    %mul3A_1248 = arith.muli %add3A_1246, %mul3A_1247 : i32
    %mul3A_1249 = arith.constant 8 : i32
    %mul3A_1250 = arith.muli %add3A, %mul3A_1249 : i32
    %add3A_1251 = arith.constant 6 : i32
    %add3A_1252 = arith.addi %mul3A_1250, %add3A_1251 : i32
    %mul3A_1253 = arith.constant 1024 : i32
    %mul3A_1254 = arith.muli %add3A_1252, %mul3A_1253 : i32
    %dma_wait3A_1255 = arith.constant 6144 : i32
    %dma_wait3A_1256 = tpu.memref_slice %arg15[%dma_wait3A_1255] : memref<8192xf32, #tpu.memory_space<vmem>> -> memref<1024xf32, #tpu.memory_space<vmem>>
    %dma_wait3A_1257 = tpu.memref_slice %arg7[%mul3A_1254] : memref<262144xf32, #tpu.memory_space<hbm>> -> memref<1024xf32, #tpu.memory_space<hbm>>
    %dma_wait3A_1258 = tpu.memref_slice %arg7[%mul3A_1254] : memref<262144xf32, #tpu.memory_space<hbm>> -> memref<1024xf32, #tpu.memory_space<hbm>>
    %dma_wait3A_1259 = arith.constant 6144 : i32
    %dma_wait3A_1260 = tpu.memref_slice %arg15[%dma_wait3A_1259] : memref<8192xf32, #tpu.memory_space<vmem>> -> memref<1024xf32, #tpu.memory_space<vmem>>
    tpu.wait_dma2 semaphore(%arg21 : memref<!tpu.dma_semaphore, #tpu.memory_space<semaphore_mem>>) src(%dma_wait3A_1260 : memref<1024xf32, #tpu.memory_space<vmem>>) dst(%dma_wait3A_1258 : memref<1024xf32, #tpu.memory_space<hbm>>)
    %dma_wait3A_1261 = arith.constant 6144 : i32
    %dma_wait3A_1262 = tpu.memref_slice %arg16[%dma_wait3A_1261] : memref<8192xf32, #tpu.memory_space<vmem>> -> memref<1024xf32, #tpu.memory_space<vmem>>
    %dma_wait3A_1263 = tpu.memref_slice %arg8[%mul3A_1254] : memref<262144xf32, #tpu.memory_space<hbm>> -> memref<1024xf32, #tpu.memory_space<hbm>>
    %dma_wait3A_1264 = tpu.memref_slice %arg8[%mul3A_1254] : memref<262144xf32, #tpu.memory_space<hbm>> -> memref<1024xf32, #tpu.memory_space<hbm>>
    %dma_wait3A_1265 = arith.constant 6144 : i32
    %dma_wait3A_1266 = tpu.memref_slice %arg16[%dma_wait3A_1265] : memref<8192xf32, #tpu.memory_space<vmem>> -> memref<1024xf32, #tpu.memory_space<vmem>>
    tpu.wait_dma2 semaphore(%arg21 : memref<!tpu.dma_semaphore, #tpu.memory_space<semaphore_mem>>) src(%dma_wait3A_1266 : memref<1024xf32, #tpu.memory_space<vmem>>) dst(%dma_wait3A_1264 : memref<1024xf32, #tpu.memory_space<hbm>>)
    %dma_wait3A_1267 = arith.constant 6144 : i32
    %dma_wait3A_1268 = tpu.memref_slice %arg17[%dma_wait3A_1267] : memref<8192xf32, #tpu.memory_space<vmem>> -> memref<1024xf32, #tpu.memory_space<vmem>>
    %dma_wait3A_1269 = tpu.memref_slice %arg9[%mul3A_1254] : memref<262144xf32, #tpu.memory_space<hbm>> -> memref<1024xf32, #tpu.memory_space<hbm>>
    %dma_wait3A_1270 = tpu.memref_slice %arg9[%mul3A_1254] : memref<262144xf32, #tpu.memory_space<hbm>> -> memref<1024xf32, #tpu.memory_space<hbm>>
    %dma_wait3A_1271 = arith.constant 6144 : i32
    %dma_wait3A_1272 = tpu.memref_slice %arg17[%dma_wait3A_1271] : memref<8192xf32, #tpu.memory_space<vmem>> -> memref<1024xf32, #tpu.memory_space<vmem>>
    tpu.wait_dma2 semaphore(%arg21 : memref<!tpu.dma_semaphore, #tpu.memory_space<semaphore_mem>>) src(%dma_wait3A_1272 : memref<1024xf32, #tpu.memory_space<vmem>>) dst(%dma_wait3A_1270 : memref<1024xf32, #tpu.memory_space<hbm>>)
    %dma_wait3A_1273 = arith.constant 768 : i32
    %dma_wait3A_1274 = tpu.memref_slice %arg18[%dma_wait3A_1273] : memref<1024xi32, #tpu.memory_space<vmem>> -> memref<128xi32, #tpu.memory_space<vmem>>
    %dma_wait3A_1275 = tpu.memref_slice %arg5[%mul3A_1248] : memref<32768xi32, #tpu.memory_space<hbm>> -> memref<128xi32, #tpu.memory_space<hbm>>
    %dma_wait3A_1276 = tpu.memref_slice %arg5[%mul3A_1248] : memref<32768xi32, #tpu.memory_space<hbm>> -> memref<128xi32, #tpu.memory_space<hbm>>
    %dma_wait3A_1277 = arith.constant 768 : i32
    %dma_wait3A_1278 = tpu.memref_slice %arg18[%dma_wait3A_1277] : memref<1024xi32, #tpu.memory_space<vmem>> -> memref<128xi32, #tpu.memory_space<vmem>>
    tpu.wait_dma2 semaphore(%arg21 : memref<!tpu.dma_semaphore, #tpu.memory_space<semaphore_mem>>) src(%dma_wait3A_1278 : memref<128xi32, #tpu.memory_space<vmem>>) dst(%dma_wait3A_1276 : memref<128xi32, #tpu.memory_space<hbm>>)
    %dma_wait3A_1279 = arith.constant 768 : i32
    %dma_wait3A_1280 = tpu.memref_slice %arg19[%dma_wait3A_1279] : memref<1024xi32, #tpu.memory_space<vmem>> -> memref<128xi32, #tpu.memory_space<vmem>>
    %dma_wait3A_1281 = tpu.memref_slice %arg6[%mul3A_1248] : memref<32768xi32, #tpu.memory_space<hbm>> -> memref<128xi32, #tpu.memory_space<hbm>>
    %dma_wait3A_1282 = tpu.memref_slice %arg6[%mul3A_1248] : memref<32768xi32, #tpu.memory_space<hbm>> -> memref<128xi32, #tpu.memory_space<hbm>>
    %dma_wait3A_1283 = arith.constant 768 : i32
    %dma_wait3A_1284 = tpu.memref_slice %arg19[%dma_wait3A_1283] : memref<1024xi32, #tpu.memory_space<vmem>> -> memref<128xi32, #tpu.memory_space<vmem>>
    tpu.wait_dma2 semaphore(%arg21 : memref<!tpu.dma_semaphore, #tpu.memory_space<semaphore_mem>>) src(%dma_wait3A_1284 : memref<128xi32, #tpu.memory_space<vmem>>) dst(%dma_wait3A_1282 : memref<128xi32, #tpu.memory_space<hbm>>)
    %add3A_1285 = arith.constant 7 : i32
    %add3A_1286 = arith.addi %mul3A_32, %add3A_1285 : i32
    %mul3A_1287 = arith.constant 4 : i32
    %mul3A_1288 = arith.muli %add3A_1286, %mul3A_1287 : i32
    %add3A_1289 = arith.addi %mul3A_1288, %select_n3A : i32
    %mul3A_1290 = arith.constant 128 : i32
    %mul3A_1291 = arith.muli %add3A_1289, %mul3A_1290 : i32
    %mul3A_1292 = arith.constant 8 : i32
    %mul3A_1293 = arith.muli %add3A, %mul3A_1292 : i32
    %add3A_1294 = arith.constant 7 : i32
    %add3A_1295 = arith.addi %mul3A_1293, %add3A_1294 : i32
    %mul3A_1296 = arith.constant 1024 : i32
    %mul3A_1297 = arith.muli %add3A_1295, %mul3A_1296 : i32
    %dma_wait3A_1298 = arith.constant 7168 : i32
    %dma_wait3A_1299 = tpu.memref_slice %arg15[%dma_wait3A_1298] : memref<8192xf32, #tpu.memory_space<vmem>> -> memref<1024xf32, #tpu.memory_space<vmem>>
    %dma_wait3A_1300 = tpu.memref_slice %arg7[%mul3A_1297] : memref<262144xf32, #tpu.memory_space<hbm>> -> memref<1024xf32, #tpu.memory_space<hbm>>
    %dma_wait3A_1301 = tpu.memref_slice %arg7[%mul3A_1297] : memref<262144xf32, #tpu.memory_space<hbm>> -> memref<1024xf32, #tpu.memory_space<hbm>>
    %dma_wait3A_1302 = arith.constant 7168 : i32
    %dma_wait3A_1303 = tpu.memref_slice %arg15[%dma_wait3A_1302] : memref<8192xf32, #tpu.memory_space<vmem>> -> memref<1024xf32, #tpu.memory_space<vmem>>
    tpu.wait_dma2 semaphore(%arg21 : memref<!tpu.dma_semaphore, #tpu.memory_space<semaphore_mem>>) src(%dma_wait3A_1303 : memref<1024xf32, #tpu.memory_space<vmem>>) dst(%dma_wait3A_1301 : memref<1024xf32, #tpu.memory_space<hbm>>)
    %dma_wait3A_1304 = arith.constant 7168 : i32
    %dma_wait3A_1305 = tpu.memref_slice %arg16[%dma_wait3A_1304] : memref<8192xf32, #tpu.memory_space<vmem>> -> memref<1024xf32, #tpu.memory_space<vmem>>
    %dma_wait3A_1306 = tpu.memref_slice %arg8[%mul3A_1297] : memref<262144xf32, #tpu.memory_space<hbm>> -> memref<1024xf32, #tpu.memory_space<hbm>>
    %dma_wait3A_1307 = tpu.memref_slice %arg8[%mul3A_1297] : memref<262144xf32, #tpu.memory_space<hbm>> -> memref<1024xf32, #tpu.memory_space<hbm>>
    %dma_wait3A_1308 = arith.constant 7168 : i32
    %dma_wait3A_1309 = tpu.memref_slice %arg16[%dma_wait3A_1308] : memref<8192xf32, #tpu.memory_space<vmem>> -> memref<1024xf32, #tpu.memory_space<vmem>>
    tpu.wait_dma2 semaphore(%arg21 : memref<!tpu.dma_semaphore, #tpu.memory_space<semaphore_mem>>) src(%dma_wait3A_1309 : memref<1024xf32, #tpu.memory_space<vmem>>) dst(%dma_wait3A_1307 : memref<1024xf32, #tpu.memory_space<hbm>>)
    %dma_wait3A_1310 = arith.constant 7168 : i32
    %dma_wait3A_1311 = tpu.memref_slice %arg17[%dma_wait3A_1310] : memref<8192xf32, #tpu.memory_space<vmem>> -> memref<1024xf32, #tpu.memory_space<vmem>>
    %dma_wait3A_1312 = tpu.memref_slice %arg9[%mul3A_1297] : memref<262144xf32, #tpu.memory_space<hbm>> -> memref<1024xf32, #tpu.memory_space<hbm>>
    %dma_wait3A_1313 = tpu.memref_slice %arg9[%mul3A_1297] : memref<262144xf32, #tpu.memory_space<hbm>> -> memref<1024xf32, #tpu.memory_space<hbm>>
    %dma_wait3A_1314 = arith.constant 7168 : i32
    %dma_wait3A_1315 = tpu.memref_slice %arg17[%dma_wait3A_1314] : memref<8192xf32, #tpu.memory_space<vmem>> -> memref<1024xf32, #tpu.memory_space<vmem>>
    tpu.wait_dma2 semaphore(%arg21 : memref<!tpu.dma_semaphore, #tpu.memory_space<semaphore_mem>>) src(%dma_wait3A_1315 : memref<1024xf32, #tpu.memory_space<vmem>>) dst(%dma_wait3A_1313 : memref<1024xf32, #tpu.memory_space<hbm>>)
    %dma_wait3A_1316 = arith.constant 896 : i32
    %dma_wait3A_1317 = tpu.memref_slice %arg18[%dma_wait3A_1316] : memref<1024xi32, #tpu.memory_space<vmem>> -> memref<128xi32, #tpu.memory_space<vmem>>
    %dma_wait3A_1318 = tpu.memref_slice %arg5[%mul3A_1291] : memref<32768xi32, #tpu.memory_space<hbm>> -> memref<128xi32, #tpu.memory_space<hbm>>
    %dma_wait3A_1319 = tpu.memref_slice %arg5[%mul3A_1291] : memref<32768xi32, #tpu.memory_space<hbm>> -> memref<128xi32, #tpu.memory_space<hbm>>
    %dma_wait3A_1320 = arith.constant 896 : i32
    %dma_wait3A_1321 = tpu.memref_slice %arg18[%dma_wait3A_1320] : memref<1024xi32, #tpu.memory_space<vmem>> -> memref<128xi32, #tpu.memory_space<vmem>>
    tpu.wait_dma2 semaphore(%arg21 : memref<!tpu.dma_semaphore, #tpu.memory_space<semaphore_mem>>) src(%dma_wait3A_1321 : memref<128xi32, #tpu.memory_space<vmem>>) dst(%dma_wait3A_1319 : memref<128xi32, #tpu.memory_space<hbm>>)
    %dma_wait3A_1322 = arith.constant 896 : i32
    %dma_wait3A_1323 = tpu.memref_slice %arg19[%dma_wait3A_1322] : memref<1024xi32, #tpu.memory_space<vmem>> -> memref<128xi32, #tpu.memory_space<vmem>>
    %dma_wait3A_1324 = tpu.memref_slice %arg6[%mul3A_1291] : memref<32768xi32, #tpu.memory_space<hbm>> -> memref<128xi32, #tpu.memory_space<hbm>>
    %dma_wait3A_1325 = tpu.memref_slice %arg6[%mul3A_1291] : memref<32768xi32, #tpu.memory_space<hbm>> -> memref<128xi32, #tpu.memory_space<hbm>>
    %dma_wait3A_1326 = arith.constant 896 : i32
    %dma_wait3A_1327 = tpu.memref_slice %arg19[%dma_wait3A_1326] : memref<1024xi32, #tpu.memory_space<vmem>> -> memref<128xi32, #tpu.memory_space<vmem>>
    tpu.wait_dma2 semaphore(%arg21 : memref<!tpu.dma_semaphore, #tpu.memory_space<semaphore_mem>>) src(%dma_wait3A_1327 : memref<128xi32, #tpu.memory_space<vmem>>) dst(%dma_wait3A_1325 : memref<128xi32, #tpu.memory_space<hbm>>)
    return
  }
}

</mosaic_0001>

<sc_bundles>
// kernel: kernel.3.cloned.1.call-start
scs
__scs_entry_jumppad:
0x0: {  	(pc) =	sbr.rel $0x88, $3  }
0x1: {  	(tag) =	ssettag $0x0;
	lr =	simm.s32 $0x1  }
0x2: {  	[smem:$0x3F98] =	sst lr;
	_ =	strace $0xD0000000  }
0x3: {  	_ = 	snop  }
0x4: {  	_ = 	snop  }
0x5: {  	_ = 	snop  }
0x6: {  	_ = 	snop  }
0x7: {  	_ = 	snop  }
__scs_overlays_trampoline_lowered:
0x8: {  	[smem:$0x3FA7] =	sst s0  }
0x9: {  	[smem:$0x3FA8] =	sst s1  }
0xa: {  	[smem:$0x3FA9] =	sst s2  }
0xb: {  	[smem:$0x3FAA] =	sst s3  }
0xc: {  	[smem:$0x3FAB] =	sst s4  }
0xd: {  	[smem:$0x3FAC] =	sst s5  }
0xe: {  	[smem:$0x3FAD] =	sst s6  }
0xf: {  	[smem:$0x3FAE] =	sst s7  }
0x10: {  	[smem:$0x3FAF] =	sst s8  }
0x11: {  	[smem:$0x3FB0] =	sst s9;
	s0 =	simm.s32 @!p0 $0x0  }
0x12: {  	s1 =	sld [smem:$0x3F96];
	s0 =	simm.s32 @p0 $0x1  }
0x13: {  	[smem:$0x3FB1] =	sst s0;
	s0 =	simm.s32 @!p1 $0x0  }
0x14: {  	s2 =	sld [smem:$0x3F95];
	s0 =	simm.s32 @p1 $0x1  }
0x15: {  	[smem:$0x3FB2] =	sst s0;
	s0 =	simm.s32 @!p2 $0x0  }
0x16: {  	s3 =	sld [smem:$0x3FDB];
	s0 =	simm.s32 @p2 $0x1  }
0x17: {  	s4 =	simm.s32 $0x1BF5;
	[smem:$0x3FB4] =	sst s0  }
0x18: {  	s0 =	sld [smem:$0x3F97];
	_ =	swait.ge [sflag:s4], $0x0  }
0x19: {  	s7 =	sld [smem:$0x3F98]  }
0x1a: {  	s8 =	sadd.s32 $0xFFFFE003, lr  }
0x1b: {  	s9 =	sadd.s32 $0xFFFFFEF7, lr;
	s5 =	simm.s32 $0xFFFFFFFF;
	p2 =	slt.u32 s8, $0xFFFFF086  }
0x1c: {  	p1 =	slt.u32 s9, $0xF7A;
	s5 =	simm.s32 @!p2 $0x0  }
0x1d: {  	s5 =	simm.s32 @p1 $0x1;
	p0 =	seq.s32 s7, s2  }
0x1e: {  	s7 =	smul.u32 @!p0 $0xF7A, s2;
	p2 =	seq.s32 @!p0 s5, $0x0  }
0x1f: {  	s9 =	smul.u32 $0xF7A, s1;
	s8 =	simm.s32 @!p0 $0x1BF5;
	p2 =	por !p2, p0  }
0x20: {  	[sflag:s8] =	ssyncset.s32 @!p0 $0xFFFFF086;
	s6 =	sadd.s32 @!p0 s3, s7;
	s7 =	simm.s32 @!p0 $0x108  }
0x21: {  	s3 =	sadd.s32 s3, s9;
	s6 =	sadd.s32 @!p0 $0x88, s6;
	s7 =	simm.s32 @p2 $0x1082  }
0x22: {  	[simem:s7], [sflag:s8] =	dma.local @!p0 [hbm:s6], $0xF7A  }
0x23: {  	s9 =	sor.u32 $0xD0000000, s2;
	s6 =	simm.s32 $0x108;
	_ =	swait.ge @!p0 [sflag:s8], $0x0  }
0x24: {  	s3 =	sadd.s32 $0x88, s3;
	s6 =	simm.s32 @!p1 $0x1082;
	[sflag:s4] =	ssyncset.s32 $0xFFFFF086  }
0x25: {  	[simem:s6], [sflag:s4] =	dma.local [hbm:s3], $0xF7A  }
0x26: {  	[smem:$0x3F98] =	sst s1;
	(tag) =	ssettag s2;
	_ =	strace s9  }
0x27: {  	s1 =	sld [smem:$0x3FA8]  }
0x28: {  	s2 =	sld [smem:$0x3FA9]  }
0x29: {  	s4 =	sld [smem:$0x3FAB]  }
0x2a: {  	p0 =	seq.s32 s5, $0x0;
	s5 =	sld [smem:$0x3FAC]  }
0x2b: {  	s6 =	sld [smem:$0x3FAD]  }
0x2c: {  	s7 =	sld [smem:$0x3FAE]  }
0x2d: {  	s3 =	simm.s32 $0x108;
	s8 =	sld [smem:$0x3FAF]  }
0x2e: {  	s3 =	simm.s32 @!p0 $0x1082;
	s9 =	sld [smem:$0x3FB0]  }
0x2f: {  	lr =	sadd.s32 s0, s3;
	s0 =	sld [smem:$0x3FA7]  }
0x30: {  	s3 =	sld [smem:$0x3FAA]  }
0x31: {  	[smem:$0x3FB3] =	sst s10  }
0x32: {  	s10 =	sld [smem:$0x3FB1];
	_ =	sdelay $0x3  }
0x33: {  	p0 =	seq.s32 s10, $0x1;
	s10 =	sld [smem:$0x3FB3];
	_ =	sdelay $0x3  }
0x34: {  	[smem:$0x3FB3] =	sst s10  }
0x35: {  	s10 =	sld [smem:$0x3FB2];
	_ =	sdelay $0x3  }
0x36: {  	p1 =	seq.s32 s10, $0x1;
	s10 =	sld [smem:$0x3FB3];
	_ =	sdelay $0x3  }
0x37: {  	[smem:$0x3FB3] =	sst s10  }
0x38: {  	s10 =	sld [smem:$0x3FB4]  }
0x39: {  	_ = 	snop;
	(pc) =	sbr.ind lr, $3  }
0x3a: {  	_ = 	snop  }
0x3b: {  	_ = 	snop  }
0x3c: {  	p2 =	seq.s32 s10, $0x1;
	s10 =	sld [smem:$0x3FB3]  }
0x3d: {  	_ =	shalt  }
0x3e: {  	_ =	shalt  }
0x3f: {  	_ =	shalt  }
0x40: {  	_ =	shalt  }
0x41: {  	_ =	shalt  }
0x42: {  	_ =	shalt  }
0x43: {  	_ =	shalt  }
0x44: {  	_ =	shalt  }
0x45: {  	_ =	shalt  }
0x46: {  	_ =	shalt  }
0x47: {  	_ =	shalt  }
0x48: {  	_ =	shalt  }
0x49: {  	_ =	shalt  }
0x4a: {  	_ =	shalt  }
0x4b: {  	_ =	shalt  }
0x4c: {  	_ =	shalt  }
0x4d: {  	_ =	shalt  }
0x4e: {  	_ =	shalt  }
0x4f: {  	_ =	shalt  }
0x50: {  	_ =	shalt  }
0x51: {  	_ =	shalt  }
0x52: {  	_ =	shalt  }
0x53: {  	_ =	shalt  }
0x54: {  	_ =	shalt  }
0x55: {  	_ =	shalt  }
0x56: {  	_ =	shalt  }
0x57: {  	_ =	shalt  }
0x58: {  	_ =	shalt  }
0x59: {  	_ =	shalt  }
0x5a: {  	_ =	shalt  }
0x5b: {  	_ =	shalt  }
0x5c: {  	_ =	shalt  }
0x5d: {  	_ =	shalt  }
0x5e: {  	_ =	shalt  }
0x5f: {  	_ =	shalt  }
0x60: {  	_ =	shalt  }
0x61: {  	_ =	shalt  }
0x62: {  	_ =	shalt  }
0x63: {  	_ =	shalt  }
0x64: {  	_ =	shalt  }
0x65: {  	_ =	shalt  }
0x66: {  	_ =	shalt  }
0x67: {  	_ =	shalt  }
0x68: {  	_ =	shalt  }
0x69: {  	_ =	shalt  }
0x6a: {  	_ =	shalt  }
0x6b: {  	_ =	shalt  }
0x6c: {  	_ =	shalt  }
0x6d: {  	_ =	shalt  }
0x6e: {  	_ =	shalt  }
0x6f: {  	_ =	shalt  }
0x70: {  	_ =	shalt  }
0x71: {  	_ =	shalt  }
0x72: {  	_ =	shalt  }
0x73: {  	_ =	shalt  }
0x74: {  	_ =	shalt  }
0x75: {  	_ =	shalt  }
0x76: {  	_ =	shalt  }
0x77: {  	_ =	shalt  }
0x78: {  	_ =	shalt  }
0x79: {  	_ =	shalt  }
0x7a: {  	_ =	shalt  }
0x7b: {  	_ =	shalt  }
0x7c: {  	_ =	shalt  }
0x7d: {  	_ =	shalt  }
0x7e: {  	_ =	shalt  }
0x7f: {  	_ =	shalt  }
0x80: {  	_ =	shalt  }
0x81: {  	_ =	shalt  }
0x82: {  	_ =	shalt  }
0x83: {  	_ =	shalt  }
0x84: {  	_ =	shalt  }
0x85: {  	_ =	shalt  }
0x86: {  	_ =	shalt  }
0x87: {  	_ =	shalt  }
.Lfunc_end0:
.L_simem_size_0:
called_computation_lowered:
.L_overlay_start_0:
0x88: {  	s2 =	sld [smem:$0x3FD9]  }
0x89: {  	s3 =	sld [smem:$0x3FFE];
	_ =	sdelay $0x1  }
0x8a: {  	s1 =	srdreg.scid  }
0x8b: {  	s0 =	sand.u32 $0x1, s1  }
0x8c: {  	s14 =	sshll.u32 s0, $0xA;
	s2 =	sadd.s32 s3, s2  }
0x8d: {  	s2 =	sadd.s32 s2, s14  }
0x8e: {  	[smem:$0x3FBF] =	sst s2  }
0x8f: {  	_ = 	snop  }
0x90: {  	s2 =	sld [smem:$0x3FD0];
	_ =	sdelay $0x1  }
0x91: {  	s15 =	sld [smem:$0x3FC9]  }
0x92: {  	s5 =	simm.s32 $0xA;
	s6 =	simm.s32 $0x10;
	s4 =	sld [smem:$0x3FC8]  }
0x93: {  	[smem:s6], [sflag:s5] =	dma.local [hbm:s2], $0x1  }
0x94: {  	_ =	swait.eq [sflag:s5], $0x1  }
0x95: {  	s16 =	sld [smem:$0x10]  }
0x96: {  	s17 =	sld [smem:$0x11]  }
0x97: {  	s7 =	sld [smem:$0x12];
	[sflag:s5] =	ssyncset.done $0x0  }
0x98: {  	s8 =	sld [smem:$0x13];
	[sflag:s5] =	ssyncadd.s32 $0xFFFFFFFF  }
0x99: {  	s18 =	sld [smem:$0x14];
	(tm) =	ssettm $0x1  }
0x9a: {  	s9 =	sld [smem:$0x3FFB];
	_ =	sdelay $0x3  }
0x9b: {  	_ =	strace s9  }
0x9c: {  	s9 =	sld [smem:$0x3FFC];
	_ =	sdelay $0x3  }
0x9d: {  	_ =	strace s9  }
0x9e: {  	s9 =	sld [smem:$0x3FFD];
	_ =	sdelay $0x3  }
0x9f: {  	_ =	strace s9  }
0xa0: {  	_ =	strace $0x8FFFFFFF  }
0xa1: {  	s19 =	sld [smem:$0x3FDB];
	_ =	sdelay $0x1  }
0xa2: {  	s10 =	simm.s32 $_scs_section_size  }
0xa3: {  	s11 =	simm.s32 $_size__tile_overlayer_lowered;
	s12 =	simm.s32 $_tile_overlayer_lowered  }
0xa4: {  	s22 =	simm.s32 $0x1BFF;
	s21 =	sshll.u32 s12, $0x1;
	s9 =	sadd.s32 s10, s19  }
0xa5: {  	s13 =	simm.s32 $0x0;
	s20 =	sshll.u32 s11, $0x1;
	s11 =	sadd.s32 s21, s9  }
0xa6: {  	[timem:s13], [sflag:s22] =	dma.local [hbm:s11], s20  }
0xa7: {  	_ =	swait.ge [sflag:s22], s20  }
0xa8: {  	s10 =	ssub.s32 $0x0, s20;
	[sflag:s22] =	ssyncset.done $0x0  }
0xa9: {  	[sflag:s22] =	ssyncadd.s32 s10;
	_ =	sdelay $0x1  }
0xaa: {  	s23 =	simm.s32 $0x1B8B  }
0xab: {  	_ =	swait.ge [sflag:s23], $0x1  }
0xac: {  	[sflag:s23] =	ssyncset.done $0x0  }
0xad: {  	s25 =	simm.s32 $0x1B8E;
	s24 =	sld [smem:$0x3FFE];
	[sflag:s23] =	ssyncadd.s32 $0xFFFFFFFF  }
0xae: {  	s26 =	simm.s32 $execute0_lowered;
	[smem:$0x3FD2] =	sst s25  }
0xaf: {  	s11 =	sshll.u32 s26, $0x1;
	_ =	strace $0x80000046;
	[dreg:$0x1] =	wrdreg $0xFFFFFFFF  }
0xb0: {  	s28 =	simm.s32 $_size_execute0_lowered;
	s9 =	sadd.s32 s9, s11;
	[dreg:$0x0] =	wrdreg $0x0  }
0xb1: {  	s11 =	sshll.u32 s28, $0x1;
	[dreg:$0x2] =	wrdreg s9  }
0xb2: {  	[dreg:$0x3] =	wrdreg s11  }
0xb3: {  	[dreg:$0x4] =	wrdreg $0xC0  }
0xb4: {  	_ =	task [dreg:s13], $0x5FFFF  }
0xb5: {  	[dreg:$0x1] =	wrdreg $0xFFFFFFFF  }
0xb6: {  	[dreg:$0x0] =	wrdreg $0x60  }
0xb7: {  	[dreg:$0x2] =	wrdreg s15  }
0xb8: {  	[dreg:$0x3] =	wrdreg s4  }
0xb9: {  	[dreg:$0x4] =	wrdreg s24  }
0xba: {  	[dreg:$0x5] =	wrdreg s16  }
0xbb: {  	[dreg:$0x6] =	wrdreg s17  }
0xbc: {  	[dreg:$0x7] =	wrdreg s7  }
0xbd: {  	[dreg:$0x8] =	wrdreg s8  }
0xbe: {  	[dreg:$0x9] =	wrdreg s18  }
0xbf: {  	[dreg:$0xa] =	wrdreg $0x9  }
0xc0: {  	_ =	task.clear_ibuf [dreg:s13], $0xBFFFF;
	_ =	strace $0x90000046  }
0xc1: {  	s29 =	simm.s32 $0x9;
	_ =	strace $0x80000048  }
0xc2: {  	_ =	swait.ge [sflag:s29], $0x1  }
0xc3: {  	[sflag:s29] =	ssyncadd.s32 $0xFFFFFFFF  }
0xc4: {  	_ =	strace $0x90000048  }
0xc5: {  	_ =	sfence  }
0xc6: {  	s30 =	sld [smem:$0x0];
	_ =	sdelay $0x2  }
0xc7: {  	s31 =	sshll.u32 s1, $0xD;
	s1 =	sshrl.u32 s1, $0x2  }
0xc8: {  	s3 =	sand.u32 $0x4000, s31;
	s1 =	sadd.s32 s1, s30  }
0xc9: {  	s0 =	sor.u32 s3, s0;
	s1 =	sshll.u32 s1, $0x11  }
0xca: {  	s0 =	sor.u32 s1, s0  }
0xcb: {  	s0 =	sadd.s32 $0x8F2B, s0  }
0xcc: {  	[sflag:s0] =	ssyncadd.remote.s32 $0x1  }
0xcd: {  	_ =	sfence.sel $0xFFFF  }
0xce: {  	[dreg:$0x0] =	wrdreg $0xFFFFFFFF;
	(pc) =	sbr.abs _section_cstart, $3  }
0xcf: {  	[dreg:$0x1] =	wrdreg $0xFFFFFFFF  }
0xd0: {  	_ =	task.clear_ibuf [dreg:s13], $0x2FFFF;
	_ =	strace $0x9FFFFFFF  }
0xd1: {  	(tm) =	ssettm $0x7FFFFFFF  }
tec
execute0_lowered:
.L_overlay_start_1:
0x0: {  	(tag) =	ssettag $0x1  }
0x1: {  	s0 =	rddreg [dreg:$0x0]  }
0x2: {  	s5 =	rddreg [dreg:$0x1]  }
0x3: {  	s8 =	rddreg [dreg:$0x2]  }
0x4: {  	s1 =	rddreg [dreg:$0x3]  }
0x5: {  	s2 =	rddreg [dreg:$0x4]  }
0x6: {  	s3 =	rddreg [dreg:$0x5]  }
0x7: {  	s4 =	rddreg [dreg:$0x6]  }
0x8: {  	s6 =	rddreg [dreg:$0x7]  }
0x9: {  	s7 =	simm.s32 $0x0;
	s9 =	srdreg.scid;
	s11 =	stileid.u32  }
0xa: {  	s22 =	simm.s32 $0x2;
	s23 =	simm.s32 $0x0;
	[smem:$0x7FF] =	sst s7  }
0xb: {  	s9 =	sand.u32 $0x1, s9;
	s10 =	sshll.u32 s11, $0x1;
	s24 =	sshrl.u32 s11, $0x2  }
0xc: {  	s8 =	sadd.s32 $0x800, s8;
	_ =	strace $0x80000047;
	s12 =	sor.u32 s9, s10  }
0xd: {  	[dreg:$0x9] =	wrdreg s8;
	s11 =	sshll.u32 s24, $0xE;
	s14 =	ssub.s32 $0x2, s9  }
0xe: {  	s10 =	sshll.u32 s24, $0x4;
	s25 =	sand.u32 $0x7, s12;
	s26 =	sshrl.u32 s14, $0x1  }
0xf: {  	s20 =	sshll.u32 s12, $0xA;
	s13 =	sshll.u32 s25, $0xA;
	s8 =	sshll.u32 s25, $0x9  }
0x10: {  	s28 =	ssub.s32 s14, s26;
	s11 =	sor.u32 s11, s13;
	s9 =	sor.u32 s10, s8  }
0x11: {  	s21 =	smax.u32 s28, $0x1;
	s10 =	sadd.s32 s0, s11;
	s11 =	sadd.s32 s5, s9  }
0x12: {  	s5 =	simm.s32 $0x1;
	s29 =	sadd.s32 $0x2000, s10;
	s30 =	sadd.s32 $0x40, s11  }
0x13: {  	s31 =	sadd.s32 $0x80, s11;
	s15 =	sadd.s32 $0xC0, s11;
	[dreg:$0xa] =	wrdreg s29  }
0x14: {  	s16 =	sadd.s32 $0x100, s11;
	s17 =	sadd.s32 $0x140, s11;
	[dreg:$0xb] =	wrdreg s30  }
0x15: {  	s18 =	sadd.s32 $0x180, s11;
	s19 =	sadd.s32 $0x1C0, s11;
	[dreg:$0xc] =	wrdreg s31  }
.LBB2_1:
0x16: {  	s0 =	rddreg [dreg:$0x9];
	s8 =	simm.s32 $0x4400  }
0x17: {  	[tilespmem:s8], [sflag:$0x1] =	stream.linear.gather [hbm4b:s0+s7], $0x180, $0x38;
	[tilespmem:$0xB580] =	vst v63  }
0x18: {  	_ = 	snop  }
0x19: {  	[tilespmem:s7], [sflag:$0x1] =	stream.linear.gather [hbm4b:s10+s7], $0x2000, $0x38;
	[tilespmem:$0xB580] =	vst v63  }
0x1a: {  	s30 =	rddreg [dreg:$0xa];
	s31 =	simm.s32 $0x2000  }
0x1b: {  	[tilespmem:s31], [sflag:$0x1] =	stream.linear.gather [hbm4b:s30+s7], $0x2000, $0x38;
	[tilespmem:$0xB580] =	vst v63  }
0x1c: {  	s12 =	simm.s32 $0x4000  }
0x1d: {  	[tilespmem:s12], [sflag:$0x1] =	stream.linear.gather [hbm4b:s11+s7], $0x80, $0x38;
	[tilespmem:$0xB580] =	vst v63  }
0x1e: {  	s13 =	rddreg [dreg:$0xb];
	s14 =	simm.s32 $0x4080  }
0x1f: {  	[tilespmem:s14], [sflag:$0x1] =	stream.linear.gather [hbm4b:s13+s7], $0x80, $0x38;
	[tilespmem:$0xB580] =	vst v63  }
0x20: {  	s24 =	rddreg [dreg:$0xc];
	s25 =	simm.s32 $0x4100  }
0x21: {  	[tilespmem:s25], [sflag:$0x1] =	stream.linear.gather [hbm4b:s24+s7], $0x80, $0x38;
	[tilespmem:$0xB580] =	vst v63  }
0x22: {  	s26 =	simm.s32 $0x4180  }
0x23: {  	[tilespmem:s26], [sflag:$0x1] =	stream.linear.gather [hbm4b:s15+s7], $0x80, $0x38;
	[tilespmem:$0xB580] =	vst v63  }
0x24: {  	s28 =	simm.s32 $0x4200  }
0x25: {  	[tilespmem:s28], [sflag:$0x1] =	stream.linear.gather [hbm4b:s16+s7], $0x80, $0x38;
	[tilespmem:$0xB580] =	vst v63  }
0x26: {  	s29 =	simm.s32 $0x4280  }
0x27: {  	[tilespmem:s29], [sflag:$0x1] =	stream.linear.gather [hbm4b:s17+s7], $0x80, $0x38;
	[tilespmem:$0xB580] =	vst v63  }
0x28: {  	s30 =	simm.s32 $0x4300  }
0x29: {  	[tilespmem:s30], [sflag:$0x1] =	stream.linear.gather [hbm4b:s18+s7], $0x80, $0x38;
	[tilespmem:$0xB580] =	vst v63  }
0x2a: {  	s31 =	simm.s32 $0x4380  }
0x2b: {  	[tilespmem:s31], [sflag:$0x1] =	stream.linear.gather [hbm4b:s19+s7], $0x80, $0x38;
	[tilespmem:$0xB580] =	vst v63  }
0x2c: {  	_ =	swait.ge [sflag:s5], $0x180  }
0x2d: {  	[sflag:s5] =	ssyncset.done $0x0  }
0x2e: {  	[sflag:s5] =	ssyncadd.s32 $0xFFFFFE80  }
0x2f: {  	_ =	swait.ge [sflag:s5], $0x2000  }
0x30: {  	[sflag:s5] =	ssyncset.done $0x0  }
0x31: {  	[sflag:s5] =	ssyncadd.s32 $0xFFFFE000  }
0x32: {  	_ =	swait.ge [sflag:s5], $0x2000  }
0x33: {  	[sflag:s5] =	ssyncset.done $0x0  }
0x34: {  	[sflag:s5] =	ssyncadd.s32 $0xFFFFE000  }
0x35: {  	_ =	swait.ge [sflag:s5], $0x80  }
0x36: {  	[sflag:s5] =	ssyncset.done $0x0  }
0x37: {  	[sflag:s5] =	ssyncadd.s32 $0xFFFFFF80  }
0x38: {  	_ =	swait.ge [sflag:s5], $0x80  }
0x39: {  	[sflag:s5] =	ssyncset.done $0x0  }
0x3a: {  	[sflag:s5] =	ssyncadd.s32 $0xFFFFFF80  }
0x3b: {  	_ =	swait.ge [sflag:s5], $0x80  }
0x3c: {  	[sflag:s5] =	ssyncset.done $0x0  }
0x3d: {  	[sflag:s5] =	ssyncadd.s32 $0xFFFFFF80  }
0x3e: {  	_ =	swait.ge [sflag:s5], $0x80  }
0x3f: {  	[sflag:s5] =	ssyncset.done $0x0  }
0x40: {  	[sflag:s5] =	ssyncadd.s32 $0xFFFFFF80  }
0x41: {  	_ =	swait.ge [sflag:s5], $0x80  }
0x42: {  	[sflag:s5] =	ssyncset.done $0x0  }
0x43: {  	[sflag:s5] =	ssyncadd.s32 $0xFFFFFF80  }
0x44: {  	_ =	swait.ge [sflag:s5], $0x80  }
0x45: {  	[sflag:s5] =	ssyncset.done $0x0  }
0x46: {  	[sflag:s5] =	ssyncadd.s32 $0xFFFFFF80  }
0x47: {  	_ =	swait.ge [sflag:s5], $0x80  }
0x48: {  	[sflag:s5] =	ssyncset.done $0x0  }
0x49: {  	[sflag:s5] =	ssyncadd.s32 $0xFFFFFF80  }
0x4a: {  	_ =	swait.ge [sflag:s5], $0x80  }
0x4b: {  	[sflag:s5] =	ssyncset.done $0x0  }
0x4c: {  	[sflag:s5] =	ssyncadd.s32 $0xFFFFFF80  }
0x4d: {  	v0 =	vld [tilespmem:$0x4450]  }
0x4e: {  	v26 =	vld [tilespmem:$0x4400];
	_ =	sdelay $0x3  }
0x4f: {  	v1 =	vbroadcast v0, $0x0  }
0x50: {  	v2 =	vbroadcast v0, $0x1;
	[tilespmem:$0x1FFF0] =	vst v26  }
0x51: {  	v39 =	vbroadcast v0, $0x2;
	[tilespmem:$0x4580] =	vst v1  }
0x52: {  	v40 =	vbroadcast v0, $0x3;
	[tilespmem:$0x4590] =	vst v2  }
0x53: {  	v41 =	vbroadcast v0, $0x4;
	[tilespmem:$0x45A0] =	vst v39  }
0x54: {  	v42 =	vbroadcast v0, $0x5;
	[tilespmem:$0x45B0] =	vst v40  }
0x55: {  	v43 =	vbroadcast v0, $0x6;
	[tilespmem:$0x45C0] =	vst v41  }
0x56: {  	v44 =	vbroadcast v0, $0x7;
	[tilespmem:$0x45D0] =	vst v42  }
0x57: {  	v45 =	vbroadcast v0, $0x8;
	[tilespmem:$0x45E0] =	vst v43  }
0x58: {  	v46 =	vbroadcast v0, $0x9;
	[tilespmem:$0x45F0] =	vst v44  }
0x59: {  	v47 =	vbroadcast v0, $0xA;
	[tilespmem:$0x4600] =	vst v45  }
0x5a: {  	v3 =	vld [tilespmem:$0x4460];
	v48 =	vbroadcast v0, $0xB;
	[tilespmem:$0x4610] =	vst v46  }
0x5b: {  	v49 =	vbroadcast v0, $0xC;
	[tilespmem:$0x4620] =	vst v47  }
0x5c: {  	v50 =	vbroadcast v0, $0xD;
	[tilespmem:$0x4630] =	vst v48  }
0x5d: {  	v51 =	vbroadcast v0, $0xE;
	[tilespmem:$0x4640] =	vst v49  }
0x5e: {  	v0 =	vbroadcast v0, $0xF;
	[tilespmem:$0x4650] =	vst v50  }
0x5f: {  	v52 =	vbroadcast v3, $0x0;
	[tilespmem:$0x4660] =	vst v51  }
0x60: {  	v53 =	vbroadcast v3, $0x1;
	[tilespmem:$0x4670] =	vst v0  }
0x61: {  	v54 =	vbroadcast v3, $0x2;
	[tilespmem:$0x4680] =	vst v52  }
0x62: {  	v55 =	vbroadcast v3, $0x3;
	[tilespmem:$0x4690] =	vst v53  }
0x63: {  	v56 =	vbroadcast v3, $0x4;
	[tilespmem:$0x46A0] =	vst v54  }
0x64: {  	v57 =	vbroadcast v3, $0x5;
	[tilespmem:$0x46B0] =	vst v55  }
0x65: {  	v58 =	vbroadcast v3, $0x6;
	[tilespmem:$0x46C0] =	vst v56  }
0x66: {  	v59 =	vbroadcast v3, $0x7;
	[tilespmem:$0x46D0] =	vst v57  }
0x67: {  	v60 =	vbroadcast v3, $0x8;
	[tilespmem:$0x46E0] =	vst v58  }
0x68: {  	v61 =	vbroadcast v3, $0x9;
	[tilespmem:$0x46F0] =	vst v59  }
0x69: {  	v62 =	vbroadcast v3, $0xA;
	[tilespmem:$0x4700] =	vst v60  }
0x6a: {  	v63 =	vld [tilespmem:$0x4470];
	v6 =	vbroadcast v3, $0xB;
	[tilespmem:$0x4710] =	vst v61  }
0x6b: {  	v7 =	vbroadcast v3, $0xC;
	[tilespmem:$0x4720] =	vst v62  }
0x6c: {  	v8 =	vbroadcast v3, $0xD;
	[tilespmem:$0x4730] =	vst v6  }
0x6d: {  	v9 =	vbroadcast v3, $0xE;
	[tilespmem:$0x4740] =	vst v7  }
0x6e: {  	v10 =	vbroadcast v3, $0xF;
	[tilespmem:$0x4750] =	vst v8  }
0x6f: {  	v11 =	vbroadcast v63, $0x0;
	[tilespmem:$0x4760] =	vst v9  }
0x70: {  	v12 =	vbroadcast v63, $0x1;
	[tilespmem:$0x4770] =	vst v10  }
0x71: {  	v13 =	vbroadcast v63, $0x2;
	[tilespmem:$0x4780] =	vst v11  }
0x72: {  	v14 =	vbroadcast v63, $0x3;
	[tilespmem:$0x4790] =	vst v12  }
0x73: {  	v15 =	vbroadcast v63, $0x4;
	[tilespmem:$0x47A0] =	vst v13  }
0x74: {  	v16 =	vbroadcast v63, $0x5;
	[tilespmem:$0x47B0] =	vst v14  }
0x75: {  	v17 =	vbroadcast v63, $0x6;
	[tilespmem:$0x47C0] =	vst v15  }
0x76: {  	v18 =	vbroadcast v63, $0x7;
	[tilespmem:$0x47D0] =	vst v16  }
0x77: {  	v19 =	vbroadcast v63, $0x8;
	[tilespmem:$0x47E0] =	vst v17  }
0x78: {  	v20 =	vbroadcast v63, $0x9;
	[tilespmem:$0x47F0] =	vst v18  }
0x79: {  	v21 =	vbroadcast v63, $0xA;
	[tilespmem:$0x4800] =	vst v19  }
0x7a: {  	v22 =	vld [tilespmem:$0x4480];
	v23 =	vbroadcast v63, $0xB;
	[tilespmem:$0x4810] =	vst v20  }
0x7b: {  	v28 =	vbroadcast v63, $0xC;
	[tilespmem:$0x4820] =	vst v21  }
0x7c: {  	v29 =	vbroadcast v63, $0xD;
	[tilespmem:$0x4830] =	vst v23  }
0x7d: {  	v30 =	vbroadcast v63, $0xE;
	[tilespmem:$0x4840] =	vst v28  }
0x7e: {  	v31 =	vbroadcast v63, $0xF;
	[tilespmem:$0x4850] =	vst v29  }
0x7f: {  	v32 =	vbroadcast v22, $0x0;
	[tilespmem:$0x4860] =	vst v30  }
0x80: {  	v33 =	vbroadcast v22, $0x1;
	[tilespmem:$0x4870] =	vst v31  }
0x81: {  	v34 =	vbroadcast v22, $0x2;
	[tilespmem:$0x4880] =	vst v32  }
0x82: {  	v35 =	vbroadcast v22, $0x3;
	[tilespmem:$0x4890] =	vst v33  }
0x83: {  	v36 =	vbroadcast v22, $0x4;
	[tilespmem:$0x48A0] =	vst v34  }
0x84: {  	v37 =	vbroadcast v22, $0x5;
	[tilespmem:$0x48B0] =	vst v35  }
0x85: {  	v38 =	vbroadcast v22, $0x6;
	[tilespmem:$0x48C0] =	vst v36  }
0x86: {  	[tilespmem:$0x48D0] =	vst v37;
	v39 =	vbroadcast v22, $0x7  }
0x87: {  	[tilespmem:$0x48E0] =	vst v38;
	v40 =	vbroadcast v22, $0x8  }
0x88: {  	v41 =	vbroadcast v22, $0x9;
	[tilespmem:$0x48F0] =	vst v39  }
0x89: {  	v42 =	vbroadcast v22, $0xA;
	[tilespmem:$0x4900] =	vst v40  }
0x8a: {  	v43 =	vld [tilespmem:$0x4490];
	v44 =	vbroadcast v22, $0xB;
	[tilespmem:$0x4910] =	vst v41  }
0x8b: {  	v45 =	vbroadcast v22, $0xC;
	[tilespmem:$0x4920] =	vst v42  }
0x8c: {  	v46 =	vbroadcast v22, $0xD;
	[tilespmem:$0x4930] =	vst v44  }
0x8d: {  	v47 =	vbroadcast v22, $0xE;
	[tilespmem:$0x4940] =	vst v45  }
0x8e: {  	v48 =	vbroadcast v22, $0xF;
	[tilespmem:$0x4950] =	vst v46  }
0x8f: {  	[tilespmem:$0x4960] =	vst v47;
	v49 =	vbroadcast v43, $0x0  }
0x90: {  	[tilespmem:$0x4970] =	vst v48;
	v50 =	vbroadcast v43, $0x1  }
0x91: {  	v51 =	vbroadcast v43, $0x2;
	[tilespmem:$0x4980] =	vst v49  }
0x92: {  	v52 =	vbroadcast v43, $0x3;
	[tilespmem:$0x4990] =	vst v50  }
0x93: {  	v53 =	vbroadcast v43, $0x4;
	[tilespmem:$0x49A0] =	vst v51  }
0x94: {  	v54 =	vbroadcast v43, $0x5;
	[tilespmem:$0x49B0] =	vst v52  }
0x95: {  	v55 =	vbroadcast v43, $0x6;
	[tilespmem:$0x49C0] =	vst v53  }
0x96: {  	v56 =	vbroadcast v43, $0x7;
	[tilespmem:$0x49D0] =	vst v54  }
0x97: {  	v57 =	vbroadcast v43, $0x8;
	[tilespmem:$0x49E0] =	vst v55  }
0x98: {  	v58 =	vbroadcast v43, $0x9;
	[tilespmem:$0x49F0] =	vst v56  }
0x99: {  	v59 =	vbroadcast v43, $0xA;
	[tilespmem:$0x4A00] =	vst v57  }
0x9a: {  	v60 =	vld [tilespmem:$0x44A0];
	v61 =	vbroadcast v43, $0xB;
	[tilespmem:$0x4A10] =	vst v58  }
0x9b: {  	v62 =	vbroadcast v43, $0xC;
	[tilespmem:$0x4A20] =	vst v59  }
0x9c: {  	v63 =	vbroadcast v43, $0xD;
	[tilespmem:$0x4A30] =	vst v61  }
0x9d: {  	v4 =	vbroadcast v43, $0xE;
	[tilespmem:$0x4A40] =	vst v62  }
0x9e: {  	v5 =	vbroadcast v43, $0xF;
	[tilespmem:$0x4A50] =	vst v63  }
0x9f: {  	v6 =	vbroadcast v60, $0x0;
	[tilespmem:$0x4A60] =	vst v4  }
0xa0: {  	v7 =	vbroadcast v60, $0x1;
	[tilespmem:$0x4A70] =	vst v5  }
0xa1: {  	v8 =	vbroadcast v60, $0x2;
	[tilespmem:$0x4A80] =	vst v6  }
0xa2: {  	v9 =	vbroadcast v60, $0x3;
	[tilespmem:$0x4A90] =	vst v7  }
0xa3: {  	v10 =	vbroadcast v60, $0x4;
	[tilespmem:$0x4AA0] =	vst v8  }
0xa4: {  	v11 =	vbroadcast v60, $0x5;
	[tilespmem:$0x4AB0] =	vst v9  }
0xa5: {  	v12 =	vbroadcast v60, $0x6;
	[tilespmem:$0x4AC0] =	vst v10  }
0xa6: {  	v13 =	vbroadcast v60, $0x7;
	[tilespmem:$0x4AD0] =	vst v11  }
0xa7: {  	v14 =	vbroadcast v60, $0x8;
	[tilespmem:$0x4AE0] =	vst v12  }
0xa8: {  	v15 =	vbroadcast v60, $0x9;
	[tilespmem:$0x4AF0] =	vst v13  }
0xa9: {  	v16 =	vbroadcast v60, $0xA;
	[tilespmem:$0x4B00] =	vst v14  }
0xaa: {  	v17 =	vld [tilespmem:$0x44B0];
	v18 =	vbroadcast v60, $0xB;
	[tilespmem:$0x4B10] =	vst v15  }
0xab: {  	v19 =	vbroadcast v60, $0xC;
	[tilespmem:$0x4B20] =	vst v16  }
0xac: {  	v20 =	vbroadcast v60, $0xD;
	[tilespmem:$0x4B30] =	vst v18  }
0xad: {  	v21 =	vbroadcast v60, $0xE;
	[tilespmem:$0x4B40] =	vst v19  }
0xae: {  	v22 =	vbroadcast v60, $0xF;
	[tilespmem:$0x4B50] =	vst v20  }
0xaf: {  	v23 =	vbroadcast v17, $0x0;
	[tilespmem:$0x4B60] =	vst v21  }
0xb0: {  	v29 =	vbroadcast v17, $0x1;
	[tilespmem:$0x4B70] =	vst v22  }
0xb1: {  	v30 =	vbroadcast v17, $0x2;
	[tilespmem:$0x4B80] =	vst v23  }
0xb2: {  	v31 =	vbroadcast v17, $0x3;
	[tilespmem:$0x4B90] =	vst v29  }
0xb3: {  	v32 =	vbroadcast v17, $0x4;
	[tilespmem:$0x4BA0] =	vst v30  }
0xb4: {  	v33 =	vbroadcast v17, $0x6;
	[tilespmem:$0x4BB0] =	vst v31  }
0xb5: {  	v34 =	vbroadcast v17, $0x7;
	[tilespmem:$0x4BC0] =	vst v32  }
0xb6: {  	v35 =	vbroadcast v17, $0x8;
	[tilespmem:$0x4BE0] =	vst v33  }
0xb7: {  	v37 =	vbroadcast v17, $0x9;
	[tilespmem:$0x4BF0] =	vst v34  }
0xb8: {  	v40 =	vbroadcast v17, $0xA;
	[tilespmem:$0x4C00] =	vst v35  }
0xb9: {  	v42 =	vbroadcast v17, $0xB;
	[tilespmem:$0x4C10] =	vst v37  }
0xba: {  	v45 =	vbroadcast v17, $0xC;
	v11 =	vld [tilespmem:$0x44C0];
	[tilespmem:$0x4C20] =	vst v40  }
0xbb: {  	v47 =	vbroadcast v17, $0xD;
	[tilespmem:$0x4C30] =	vst v42  }
0xbc: {  	v28 =	vld [tilespmem:$0x44D0];
	v7 =	vbroadcast v17, $0x5;
	[tilespmem:$0x4C40] =	vst v45  }
0xbd: {  	v4 =	vld [tilespmem:$0x4430];
	v50 =	vbroadcast v17, $0xE;
	[tilespmem:$0x4C50] =	vst v47  }
0xbe: {  	v5 =	vld [tilespmem:$0x4440];
	v52 =	vbroadcast v17, $0xF;
	[tilespmem:$0x4BD0] =	vst v7  }
0xbf: {  	v6 =	vld [tilespmem:$0x44E0];
	[tilespmem:$0x4C60] =	vst v50;
	v55 =	vbroadcast v11, $0x0  }
0xc0: {  	[tilespmem:$0x4C70] =	vst v52;
	v57 =	vbroadcast v11, $0x1  }
0xc1: {  	v8 =	vld [tilespmem:$0x44F0];
	v59 =	vbroadcast v11, $0x2;
	[tilespmem:$0x4C80] =	vst v55  }
0xc2: {  	v9 =	vmul.f32 v28, v4;
	v62 =	vbroadcast v11, $0x3;
	[tilespmem:$0x4C90] =	vst v57  }
0xc3: {  	v10 =	vld [tilespmem:$0x4500];
	v3 =	vmul.f32 v28, v5;
	v21 =	vbroadcast v11, $0x4;
	[tilespmem:$0x4CA0] =	vst v59  }
0xc4: {  	v36 =	vmul.f32 v6, v4;
	v23 =	vbroadcast v11, $0x5;
	(xrf2) =	vadd.scan.msk.f32 $0xffff, v9;
	[tilespmem:$0x4CB0] =	vst v62  }
0xc5: {  	v49 =	vld [tilespmem:$0x4530];
	v38 =	vmul.f32 v6, v5;
	v30 =	vbroadcast v11, $0x6;
	[tilespmem:$0x4CC0] =	vst v21;
	(xrf2) =	vadd.scan.msk.f32 $0xffff, v3  }
0xc6: {  	v41 =	vmul.f32 v8, v4;
	v31 =	vbroadcast v11, $0x7;
	[tilespmem:$0x4CD0] =	vst v23;
	(xrf2) =	vadd.scan.msk.f32 $0xffff, v36  }
0xc7: {  	v39 =	vld [tilespmem:$0x4510];
	v43 =	vmul.f32 v8, v5;
	v33 =	vbroadcast v11, $0x8;
	[tilespmem:$0x4CE0] =	vst v30  }
0xc8: {  	v46 =	vmul.f32 v10, v4;
	v34 =	vbroadcast v11, $0x9;
	[tilespmem:$0x4CF0] =	vst v31;
	(xrf2) =	vadd.scan.msk.f32 $0xffff, v38  }
0xc9: {  	v44 =	vld [tilespmem:$0x4520];
	v48 =	vmul.f32 v10, v5;
	v13 =	vbroadcast v11, $0xB;
	[tilespmem:$0x4D00] =	vst v33  }
0xca: {  	v61 =	vmul.f32 v49, v4;
	v15 =	vbroadcast v11, $0xD;
	[tilespmem:$0x4D10] =	vst v34;
	(xrf2) =	vadd.scan.msk.f32 $0xffff, v41  }
0xcb: {  	v20 =	vmul.f32 v49, v5;
	v49 =	vbroadcast v11, $0xE;
	[tilespmem:$0x4D30] =	vst v13;
	(xrf2) =	vadd.scan.msk.f32 $0xffff, v43  }
0xcc: {  	v51 =	vmul.f32 v39, v4;
	[tilespmem:$0x4D50] =	vst v15;
	v38 =	vbroadcast v11, $0xA;
	(xrf2) =	vadd.scan.msk.f32 $0xffff, v46  }
0xcd: {  	v54 =	vld [tilespmem:$0x4540];
	v53 =	vmul.f32 v39, v5;
	[tilespmem:$0x4D60] =	vst v49;
	(xrf2) =	vadd.scan.msk.f32 $0xffff, v48;
	v48 =	vbroadcast v11, $0xC  }
0xce: {  	v56 =	vmul.f32 v44, v4;
	[tilespmem:$0x4D20] =	vst v38;
	v11 =	vbroadcast v11, $0xF;
	(xrf2) =	vadd.scan.msk.f32 $0xffff, v51;
	v60, _, _ =	vpop (xrf2)  }
0xcf: {  	v58 =	vmul.f32 v44, v5;
	(xrf2) =	vadd.scan.msk.f32 $0xffff, v53;
	[tilespmem:$0x4D40] =	vst v48;
	v63, _, _ =	vpop (xrf2);
	v50 =	vbroadcast v60, $0xF;
	v60 =	vld [tilespmem:$0x4410]  }
0xd0: {  	[tilespmem:$0x4D70] =	vst v11;
	(xrf2) =	vadd.scan.msk.f32 $0xffff, v56;
	v22, _, _ =	vpop (xrf2);
	v40 =	vbroadcast v63, $0xF  }
0xd1: {  	(xrf2) =	vadd.scan.msk.f32 $0xffff, v58;
	v63 =	vld [tilespmem:$0x4420];
	[tilespmem:$0x1FED0] =	vst v50;
	v43 =	vbroadcast v22, $0xF  }
0xd2: {  	v4 =	vmul.f32 v54, v4;
	(xrf2) =	vadd.scan.msk.f32 $0xffff, v61;
	v28, _, _ =	vpop (xrf2);
	[tilespmem:$0x1FF70] =	vst v40  }
0xd3: {  	v29 =	vmul.f32 v54, v5;
	(xrf2) =	vadd.scan.msk.f32 $0xffff, v20;
	v44 =	vbroadcast v28, $0xF;
	[tilespmem:$0x1FF80] =	vst v43  }
0xd4: {  	v32, _, _ =	vpop (xrf2);
	(xrf2) =	vadd.scan.msk.f32 $0xffff, v4;
	[tilespmem:$0x1FF30] =	vst v60  }
0xd5: {  	v12, _, _ =	vpop (xrf2);
	(xrf2) =	vadd.scan.msk.f32 $0xffff, v29;
	v45 =	vbroadcast v32, $0xF;
	[tilespmem:$0x1FF90] =	vst v44  }
0xd6: {  	v35, _, _ =	vpop (xrf2);
	v39 =	vbroadcast v12, $0xF;
	[tilespmem:$0x1FF60] =	vst v63  }
0xd7: {  	v14, _, _ =	vpop (xrf2);
	v28 =	vbroadcast v35, $0xF;
	[tilespmem:$0x1FFA0] =	vst v45  }
0xd8: {  	v16, _, _ =	vpop (xrf2);
	v54 =	vbroadcast v14, $0xF;
	[tilespmem:$0x1FFB0] =	vst v39  }
0xd9: {  	v17, _, _ =	vpop (xrf2);
	v56 =	vbroadcast v16, $0xF;
	[tilespmem:$0x1FFC0] =	vst v28  }
0xda: {  	v51, _, _ =	vpop (xrf2);
	[tilespmem:$0x1FEE0] =	vst v54;
	v57 =	vbroadcast v17, $0xF  }
0xdb: {  	v52, _, _ =	vpop (xrf2);
	[tilespmem:$0x1FEF0] =	vst v56;
	v4 =	vbroadcast v51, $0xF  }
0xdc: {  	v53, _, _ =	vpop (xrf2);
	[tilespmem:$0x1FF00] =	vst v57;
	v59 =	vbroadcast v52, $0xF  }
0xdd: {  	v55, _, _ =	vpop (xrf2);
	[tilespmem:$0x1FF10] =	vst v4;
	v0 =	vbroadcast v53, $0xF  }
0xde: {  	v58, _, _ =	vpop (xrf2);
	[tilespmem:$0x1FF20] =	vst v59;
	v61 =	vbroadcast v55, $0xF  }
0xdf: {  	[tilespmem:$0x1FF40] =	vst v0;
	v62, _, _ =	vpop (xrf2);
	v21 =	vbroadcast v58, $0xF  }
0xe0: {  	[tilespmem:$0x1FF50] =	vst v61;
	v22 =	vbroadcast v62, $0xF  }
0xe1: {  	[tilespmem:$0x1FFD0] =	vst v21  }
0xe2: {  	s24 =	simm.s32 $0x0;
	[tilespmem:$0x1FFE0] =	vst v22  }
.LBB2_2:
0xe3: {  	s26 =	sshll.u32 s24, $0xA  }
0xe4: {  	s25 =	sshll.u32 s24, $0x7;
	s0 =	simm.s32 $0x0;
	p0 =	por $0x1, $0x1  }
.LBB2_3:
0xe5: {  	s29 =	sor.u32 s26, s0  }
0xe6: {  	v1 =	vld [tilespmem:s29+$0x0]  }
0xe7: {  	v13 =	vld [tilespmem:s29+$0x2000]  }
0xe8: {  	v29 =	vld [tilespmem:s29+$0x2080]  }
0xe9: {  	v32 =	vld [tilespmem:s29+$0x2100]  }
0xea: {  	v35 =	vld [tilespmem:s29+$0x2180]  }
0xeb: {  	s8 =	sor.u32 $0x80, s29;
	v38 =	vld [tilespmem:s29+$0x2200]  }
0xec: {  	s13 =	sor.u32 $0x100, s29;
	v2 =	vld [tilespmem:s8+$0x0]  }
0xed: {  	s14 =	sor.u32 $0x180, s29;
	v3 =	vld [tilespmem:s13+$0x0]  }
0xee: {  	s30 =	sor.u32 $0x200, s29;
	v4 =	vld [tilespmem:s14+$0x0]  }
0xef: {  	s31 =	sor.u32 $0x280, s29;
	v5 =	vld [tilespmem:s30+$0x0];
	v47 =	vmov v40;
	v6 =	vmul.f32 $6.553700000e+04, v1;
	v40 =	vmul.f32 $6.553700000e+04, v13  }
0xf0: {  	s12 =	sor.u32 $0x300, s29;
	v7 =	vld [tilespmem:s31+$0x0];
	v45 =	vmul.f32 $6.553700000e+04, v29;
	v50 =	vmul.f32 $6.553700000e+04, v32  }
0xf1: {  	v9 =	vld [tilespmem:s12+$0x0];
	s13 =	sor.u32 $0x380, s29;
	v57 =	vmul.f32 $6.553700000e+04, v35;
	v60 =	vmul.f32 $6.553700000e+04, v38  }
0xf2: {  	v11 =	vld [tilespmem:s13+$0x0];
	v8 =	vmul.f32 $6.553700000e+04, v2;
	v10 =	vmul.f32 $6.553700000e+04, v3  }
0xf3: {  	v54 =	vld [tilespmem:s29+$0x2380];
	v12 =	vmul.f32 $6.553700000e+04, v4;
	v1 =	vsub.f32 v6, v1;
	v49 =	vsub.f32 v40, v13  }
0xf4: {  	v28 =	vmul.f32 $6.553700000e+04, v5;
	v56 =	vsub.f32 v45, v29;
	v59 =	vsub.f32 v50, v32  }
0xf5: {  	v31 =	vmul.f32 $6.553700000e+04, v7;
	v18 =	vsub.f32 v57, v35;
	v21 =	vsub.f32 v60, v38  }
0xf6: {  	v41 =	vld [tilespmem:s29+$0x2280];
	s8 =	sor.u32 $0x10, s0;
	v34 =	vmul.f32 $6.553700000e+04, v9;
	v2 =	vsub.f32 v8, v2;
	v23 =	vsub.f32 v10, v3  }
0xf7: {  	v46 =	vld [tilespmem:s29+$0x2300];
	s30 =	sor.u32 s26, s8;
	v37 =	vmul.f32 $6.553700000e+04, v11;
	v30 =	vsub.f32 v12, v4;
	v33 =	vsub.f32 v28, v5  }
0xf8: {  	v58 =	vld [tilespmem:s30+$0x0];
	s12 =	sor.u32 $0x80, s30;
	v29 =	vmul.f32 $6.553700000e+04, v54;
	v36 =	vsub.f32 v31, v7;
	v39 =	vsub.f32 v34, v9  }
0xf9: {  	v61 =	vld [tilespmem:s12+$0x0];
	v48 =	vsub.f32 v6, v1;
	v44 =	vsub.f32 v37, v11  }
0xfa: {  	v1 =	vsub.f32 v40, v49;
	v62 =	vsub.f32 v29, v54  }
0xfb: {  	s14 =	sor.u32 $0x100, s30;
	v19 =	vmul.f32 $6.553700000e+04, v41;
	v42 =	vsub.f32 v8, v2;
	v43 =	vsub.f32 v10, v23  }
0xfc: {  	s31 =	sor.u32 $0x180, s30;
	v20 =	vld [tilespmem:s14+$0x0];
	v22 =	vmul.f32 $6.553700000e+04, v46;
	v51 =	vsub.f32 v12, v30;
	v55 =	vsub.f32 v28, v33  }
0xfd: {  	s13 =	sor.u32 $0x200, s30;
	v32 =	vmul.f32 $6.553700000e+04, v58;
	v52 =	vsub.f32 v31, v36;
	v53 =	vsub.f32 v34, v39;
	v23 =	vld [tilespmem:s31+$0x0]  }
0xfe: {  	s14 =	sor.u32 $0x280, s30;
	v63 =	vmul.f32 $6.553700000e+04, v61;
	v28 =	vsub.f32 v19, v41;
	v30 =	vld [tilespmem:s13+$0x0];
	v31 =	vsub.f32 v22, v46  }
0xff: {  	v33 =	vld [tilespmem:s14+$0x0];
	v17 =	vsub.f32 v32, v58;
	v2 =	vsub.f32 v37, v44  }
0x100: {  	[tilespmem:$0x1FDC0] =	vst v1;
	v1 =	vsub.f32 v50, v59;
	v34 =	vsub.f32 v63, v61;
	v50 =	vld [tilespmem:s30+$0x2100]  }
0x101: {  	v61 =	vld [tilespmem:s30+$0x2180];
	v39 =	vsub.f32 v32, v17;
	[tilespmem:$0x1FD90] =	vst v2;
	v2 =	vsub.f32 v45, v56  }
0x102: {  	s31 =	sor.u32 $0x300, s30;
	[tilespmem:$0x1FE00] =	vst v1;
	v1 =	vsub.f32 v60, v21;
	v56 =	vsub.f32 v63, v34  }
0x103: {  	v16 =	vld [tilespmem:s31+$0x0];
	[tilespmem:$0x1FAC0] =	vst v2;
	v2 =	vsub.f32 v57, v18;
	v18 =	vmul.f32 $6.553700000e+04, v20;
	v35 =	vmul.f32 $6.553700000e+04, v23  }
0x104: {  	v8 =	vld [tilespmem:s30+$0x2000];
	[tilespmem:$0x1FE50] =	vst v1;
	v1 =	vsub.f32 v22, v31;
	v44 =	vmul.f32 $6.553700000e+04, v30;
	v49 =	vmul.f32 $6.553700000e+04, v33  }
0x105: {  	v37 =	vld [tilespmem:s30+$0x2380];
	v36 =	vmul.f32 $6.553700000e+04, v50;
	[tilespmem:$0x1FE40] =	vst v2;
	v2 =	vsub.f32 v19, v28;
	v41 =	vsub.f32 v18, v20  }
0x106: {  	s13 =	sor.u32 $0x380, s30;
	v45 =	vld [tilespmem:s30+$0x2080];
	v40 =	vmul.f32 $6.553700000e+04, v61;
	v46 =	vsub.f32 v35, v23;
	v59 =	vsub.f32 v44, v30  }
0x107: {  	s12 =	sor.u32 $0x20, s0;
	v19 =	vld [tilespmem:s13+$0x0];
	v20 =	vsub.f32 v49, v33;
	v57 =	vsub.f32 v36, v50  }
0x108: {  	s31 =	sor.u32 s26, s12;
	v60 =	vmul.f32 $6.553700000e+04, v16;
	v23 =	vld [tilespmem:s30+$0x2200];
	v61 =	vsub.f32 v40, v61;
	[tilespmem:$0x1FE70] =	vst v2;
	v2 =	vsub.f32 v29, v62  }
0x109: {  	v54 =	vld [tilespmem:s31+$0x0];
	v63 =	vmul.f32 $6.553700000e+04, v8;
	v58 =	vsub.f32 v18, v41;
	v22 =	vsub.f32 v35, v46  }
0x10a: {  	s28 =	sor.u32 s25, s0;
	v29 =	vsub.f32 v44, v59;
	v62 =	vsub.f32 v60, v16;
	v16 =	vld [tilespmem:s30+$0x2280]  }
0x10b: {  	v0 =	vld [tilespmem:s28+$0x4000];
	s13 =	sor.u32 $0x80, s31;
	v32 =	vsub.f32 v49, v20;
	v18 =	vmul.f32 $6.553700000e+04, v45;
	v35 =	vsub.f32 v63, v8  }
0x10c: {  	s14 =	sor.u32 $0x100, s31;
	v49 =	vsub.f32 v36, v57;
	v34 =	vsub.f32 v60, v62;
	v60 =	vld [tilespmem:s13+$0x0];
	v21 =	vmul.f32 $6.553700000e+04, v19  }
0x10d: {  	v50 =	vsub.f32 v40, v61;
	v44 =	vsub.f32 v63, v35;
	v63 =	vld [tilespmem:s14+$0x0];
	v59 =	vmul.f32 $6.553700000e+04, v23  }
0x10e: {  	v30 =	vmul.f32 $6.553700000e+04, v37;
	v38 =	vsub.f32 v18, v45;
	s14 =	sor.u32 $0x180, s31;
	v17 =	vsub.f32 v21, v19;
	v19 =	vld [tilespmem:s30+$0x2300]  }
0x10f: {  	v35 =	vmul.f32 $6.553700000e+04, v54;
	v62 =	vmul.f32 $6.553700000e+04, v16;
	v20 =	vsub.f32 v59, v23;
	v23 =	vld [tilespmem:s14+$0x0];
	s14 =	sor.u32 $0x200, s31  }
0x110: {  	v36 =	vsub.f32 v30, v37;
	v46 =	vsub.f32 v18, v38;
	v31 =	vld [tilespmem:s14+$0x0]  }
0x111: {  	s8 =	sor.u32 s25, s8;
	v9 =	vld [tilespmem:s31+$0x2080];
	v38 =	vsub.f32 v35, v54;
	v28 =	vsub.f32 v62, v16  }
0x112: {  	v14 =	vld [tilespmem:s8+$0x4000];
	[tilespmem:$0x1FE80] =	vst v1;
	s14 =	sor.u32 $0x280, s31;
	v41 =	vsub.f32 v21, v17;
	v37 =	vmul.f32 $6.553700000e+04, v60;
	v40 =	vmul.f32 $6.553700000e+04, v63  }
0x113: {  	[tilespmem:$0x1FE90] =	vst v2;
	v1 =	vsub.f32 v59, v20;
	v7 =	vld [tilespmem:s14+$0x0];
	s14 =	sor.u32 $0x300, s31;
	v2 =	vsub.f32 v62, v28  }
0x114: {  	v8 =	vld [tilespmem:s14+$0x0];
	s14 =	sor.u32 $0x380, s31;
	v54 =	vsub.f32 v37, v60;
	v17 =	vsub.f32 v40, v63;
	v21 =	vmul.f32 $6.553700000e+04, v19  }
0x115: {  	v45 =	vld [tilespmem:s14+$0x0];
	v57 =	vmul.f32 $6.553700000e+04, v23;
	[tilespmem:$0x1FB20] =	vst v2;
	v2 =	vsub.f32 v30, v36;
	v18 =	vmul.f32 $6.553700000e+04, v31  }
0x116: {  	v59 =	vld [tilespmem:s31+$0x2000];
	v60 =	vsub.f32 v37, v54;
	v54 =	vmul.f32 $6.553700000e+04, v9;
	v33 =	vsub.f32 v21, v19  }
0x117: {  	v0 =	vcvt.s32.f32 v0;
	v13 =	vld [tilespmem:s31+$0x2180];
	v19 =	vsub.f32 v35, v38;
	v23 =	vsub.f32 v57, v23  }
0x118: {  	v11 =	vld [tilespmem:s31+$0x2100];
	s13 =	sor.u32 $0x30, s0;
	v28 =	vmul.f32 $6.553700000e+04, v7;
	v30 =	vsub.f32 v18, v31;
	v62 =	vsub.f32 v54, v9  }
0x119: {  	s0 =	sor.u32 s26, s13;
	[tilespmem:$0x1FE60] =	vst v1;
	v37 =	vld [tilespmem:s31+$0x2200];
	v31 =	vmul.f32 $6.553700000e+04, v8;
	v1 =	vsub.f32 v21, v33;
	v33 =	vsub.f32 v40, v17  }
0x11a: {  	[tilespmem:$0x1FC40] =	vst v48;
	v3 =	vld [tilespmem:s0+$0x2180];
	v23 =	vsub.f32 v57, v23;
	v35 =	vsub.f32 v28, v7;
	v36 =	vmul.f32 $6.553700000e+04, v45  }
0x11b: {  	v10 =	vld [tilespmem:s31+$0x2300];
	[tilespmem:$0x1FC60] =	vst v42;
	v40 =	vmul.f32 $6.553700000e+04, v59;
	v21 =	vsub.f32 v18, v30;
	v38 =	vsub.f32 v31, v8  }
0x11c: {  	[tilespmem:$0x1FCC0] =	vst v51;
	v63 =	vmul.f32 $6.553700000e+04, v13;
	v8 =	vld [tilespmem:s31+$0x2280];
	v17 =	vsub.f32 v28, v35;
	v45 =	vsub.f32 v36, v45  }
0x11d: {  	[tilespmem:$0x1FD00] =	vst v55;
	v61 =	vld [tilespmem:s31+$0x2380];
	v57 =	vsub.f32 v40, v59;
	v59 =	vmul.f32 $6.553700000e+04, v11;
	v28 =	vsub.f32 v54, v62  }
0x11e: {  	[tilespmem:$0x1FD30] =	vst v52;
	s14 =	sor.u32 $0x80, s0;
	v9 =	vld [tilespmem:s0+$0x0];
	v20 =	vmul.f32 $6.553700000e+04, v37;
	v18 =	vsub.f32 v31, v38;
	v31 =	vsub.f32 v63, v13  }
0x11f: {  	[tilespmem:$0x1F970] =	vst v1;
	v1 =	vmul.f32 $6.553700000e+04, v3;
	v25 =	vsub.f32 v36, v45;
	v16 =	vsub.f32 v59, v11;
	v11 =	vld [tilespmem:s14+$0x0];
	s14 =	sor.u32 $0x100, s0  }
0x120: {  	[tilespmem:$0x1FD60] =	vst v53;
	v54 =	vmul.f32 $6.553700000e+04, v10;
	v27 =	vsub.f32 v40, v57;
	v40 =	vsub.f32 v20, v37;
	v13 =	vld [tilespmem:s14+$0x0];
	s14 =	sor.u32 $0x180, s0  }
0x121: {  	[tilespmem:$0x1FA00] =	vst v39;
	v3 =	vsub.f32 v1, v3;
	v37 =	vsub.f32 v63, v31;
	v35 =	vmul.f32 $6.553700000e+04, v8;
	v7 =	vld [tilespmem:s14+$0x0]  }
0x122: {  	[tilespmem:$0x1FC70] =	vst v56;
	v12 =	vld [tilespmem:s0+$0x2080];
	v63 =	vsub.f32 v54, v10;
	v45 =	vsub.f32 v59, v16;
	s14 =	sor.u32 $0x200, s0;
	v59 =	vmul.f32 $6.553700000e+04, v61  }
0x123: {  	vm0 =	vgt.f32 v26, v0;
	[tilespmem:$0x1FCD0] =	vst v22;
	v40 =	vsub.f32 v20, v40;
	v57 =	vsub.f32 v35, v8;
	v8 =	vld [tilespmem:s14+$0x0];
	s14 =	sor.u32 $0x280, s0  }
0x124: {  	[tilespmem:$0x1FD40] =	vst v32;
	v15 =	vmul.f32 $6.553700000e+04, v9;
	v16 =	vsub.f32 v59, v61;
	v61 =	vsub.f32 v54, v63;
	v10 =	vld [tilespmem:s14+$0x0];
	s14 =	sor.u32 $0x300, s0  }
0x125: {  	[tilespmem:$0x1FC90] =	vst v58;
	v20 =	vmul.f32 $6.553700000e+04, v11;
	v36 =	vsub.f32 v35, v57;
	v5 =	vld [tilespmem:s14+$0x0];
	s14 =	sor.u32 $0x380, s0;
	v54 =	vmul.f32 $6.553700000e+04, v13  }
0x126: {  	[tilespmem:$0x1FD70] =	vst v34;
	v35 =	vsub.f32 v15, v9;
	v57 =	vsub.f32 v59, v16;
	v9 =	vld [tilespmem:s14+$0x0];
	v59 =	vmul.f32 $6.553700000e+04, v7  }
0x127: {  	v4 =	vld [tilespmem:s0+$0x2000];
	v0 =	vmul.f32 $6.553700000e+04, v12;
	[tilespmem:$0x1FEA0] =	vst v2;
	v38 =	vsub.f32 v20, v11;
	v63 =	vsub.f32 v54, v13  }
0x128: {  	[tilespmem:$0x1FA30] =	vst v19;
	v30 =	vsub.f32 v15, v35;
	v62 =	vmul.f32 $6.553700000e+04, v8;
	v7 =	vsub.f32 v59, v7  }
0x129: {  	[tilespmem:$0x1FCA0] =	vst v33;
	v13 =	vld [tilespmem:s0+$0x2100];
	v16 =	vsub.f32 v20, v38;
	v35 =	vsub.f32 v54, v63;
	v2 =	vmul.f32 $6.553700000e+04, v10  }
0x12a: {  	[tilespmem:$0x1FCE0] =	vst v23;
	v8 =	vsub.f32 v62, v8;
	v20 =	vmul.f32 $6.553700000e+04, v5;
	v38 =	vsub.f32 v59, v7;
	v7 =	vld [tilespmem:s0+$0x2200]  }
0x12b: {  	s12 =	sor.u32 s25, s12;
	[tilespmem:$0x1FD20] =	vst v21;
	v59 =	vcvt.s32.f32 v14;
	v14 =	vld [tilespmem:s0+$0x2280];
	v31 =	vmul.f32 $6.553700000e+04, v9;
	v54 =	vsub.f32 v2, v10  }
0x12c: {  	[tilespmem:$0x1FD50] =	vst v17;
	v11 =	vld [tilespmem:s12+$0x4000];
	v10 =	vmul.f32 $6.553700000e+04, v4;
	v62 =	vsub.f32 v62, v8;
	v5 =	vsub.f32 v20, v5  }
0x12d: {  	[tilespmem:$0x1FA80] =	vst v18;
	vm1 =	vgt.f32 v26, v59;
	v8 =	vld [tilespmem:s0+$0x2380];
	v9 =	vsub.f32 v31, v9;
	v63 =	vsub.f32 v2, v54  }
0x12e: {  	[tilespmem:$0x1FA90] =	vst v25;
	v59 =	vmul.f32 $6.553700000e+04, v13;
	v2 =	vld [tilespmem:s0+$0x2300];
	v54 =	vsub.f32 v20, v5;
	v20 =	vsub.f32 v10, v4  }
0x12f: {  	[tilespmem:$0x1FAB0] =	vst v27;
	v15 =	vsub.f32 v31, v9;
	v31 =	vsub.f32 v0, v12;
	v9 =	vmul.f32 $6.553700000e+04, v7  }
0x130: {  	[tilespmem:$0x1FE20] =	vst v45;
	v12 =	vsub.f32 v59, v13;
	v5 =	vmul.f32 $6.553700000e+04, v14;
	v20 =	vsub.f32 v10, v20;
	v10 =	vld [tilespmem:$0x4580]  }
0x131: {  	[tilespmem:$0x1FB30] =	vst v36;
	v4 =	vcvt.s32.f32 v11;
	v11 =	vsub.f32 v1, v3;
	v13 =	vsub.f32 v9, v7  }
0x132: {  	[tilespmem:$0x1FC50] =	vst v30;
	v7 =	vld [tilespmem:$0x4590];
	v59 =	vsub.f32 v59, v12;
	v12 =	vsub.f32 v5, v14;
	v1 =	vmul.f32 $6.553700000e+04, v8  }
0x133: {  	[tilespmem:$0x1FC80] =	vst v16;
	v6 =	vmul.f32 $6.553700000e+04, v2;
	v24 =	vsub.f32 v9, v13  }
0x134: {  	[tilespmem:$0x1FCB0] =	vst v35;
	v3 =	vld [tilespmem:$0x45A0];
	vm4 =	vgt.f32 v26, v4;
	v14 =	vsub.f32 v5, v12;
	v4 =	vsub.f32 v1, v8  }
0x135: {  	[tilespmem:$0x1FCF0] =	vst v38;
	v13 =	vsub.f32 v6, v2;
	v2 =	vmul.f32 v10, v48;
	v5 =	vmul.f32 v10, v39  }
0x136: {  	[tilespmem:$0x1FA60] =	vst v62;
	v31 =	vsub.f32 v0, v31;
	v9 =	vld [tilespmem:$0x45B0];
	v8 =	vmul.f32 v10, v19;
	v0 =	vmul.f32 v10, v30  }
0x137: {  	v12 =	vmovc v42;
	v39 =	vsub.f32 v1, v4;
	v42 =	vmul.f32 v7, v42;
	v1 =	vmul.f32 v7, v56  }
0x138: {  	[tilespmem:$0x1FA70] =	vst v63;
	v13 =	vsub.f32 v6, v13;
	v10 =	vmul.f32 v7, v60;
	v19 =	vmul.f32 v7, v16  }
0x139: {  	[tilespmem:$0x1FB00] =	vst v11;
	v6 =	vld [tilespmem:$0x45E0];
	v2 =	vadd.f32 v42, v2;
	v42 =	vmul.f32 v3, v43;
	v1 =	vadd.f32 v1, v5  }
0x13a: {  	v30 =	vmovc v43;
	v7 =	vld [tilespmem:$0x45D0];
	v4 =	vadd.f32 v10, v8;
	v43 =	vmul.f32 v3, v58;
	v10 =	vmul.f32 v3, v33  }
0x13b: {  	[tilespmem:$0x1FDB0] =	vst v15;
	v8 =	vld [tilespmem:$0x45C0];
	v0 =	vadd.f32 v19, v0;
	v3 =	vmul.f32 v3, v35;
	v16 =	vmul.f32 v9, v51  }
0x13c: {  	[tilespmem:$0x1FE30] =	vst v59;
	v33 =	vmul.f32 v9, v22;
	v38 =	vmul.f32 v9, v38;
	v2 =	vadd.f32 v42, v2  }
0x13d: {  	v1 =	vadd.f32 v43, v1;
	v19 =	vmovc v35;
	v4 =	vadd.f32 v10, v4;
	v35 =	vmul.f32 v9, v23  }
0x13e: {  	[tilespmem:$0x1F9B0] =	vst v24;
	v0 =	vadd.f32 v3, v0;
	v23 =	vmul.f32 v6, v34;
	v2 =	vadd.f32 v16, v2  }
0x13f: {  	v22 =	vmovc v52;
	v4 =	vadd.f32 v35, v4;
	v35 =	vmul.f32 v7, v52;
	v52 =	vmul.f32 v7, v17  }
0x140: {  	v43 =	vmovc v51;
	v1 =	vadd.f32 v33, v1;
	v42 =	vmul.f32 v8, v55;
	v51 =	vmul.f32 v8, v29  }
0x141: {  	v9 =	vld [tilespmem:$0x45F0];
	v0 =	vadd.f32 v38, v0;
	v33 =	vmovc v29;
	v16 =	vmul.f32 v8, v21;
	v29 =	vmul.f32 v8, v62  }
0x142: {  	[tilespmem:$0x1FB60] =	vst v14;
	v62 =	vmul.f32 v7, v63;
	v21 =	vld [tilespmem:$0x4600];
	v1 =	vadd.f32 v51, v1;
	v51 =	vmul.f32 v7, v32  }
0x143: {  	[tilespmem:$0x1F980] =	vst v13;
	v63 =	vmul.f32 v6, v53;
	v2 =	vadd.f32 v42, v2;
	v38 =	vadd.f32 v16, v4  }
0x144: {  	v0 =	vadd.f32 v29, v0;
	v29 =	vmul.f32 v6, v18;
	v1 =	vadd.f32 v51, v1;
	v42 =	vmovc v53;
	v53 =	vld [tilespmem:$0x1FD90]  }
0x145: {  	v32 =	vmul.f32 v6, v54;
	v2 =	vadd.f32 v35, v2;
	v3 =	vadd.f32 v52, v38;
	v6 =	vld [tilespmem:$0x4610]  }
0x146: {  	v18 =	vmovc v41;
	v35 =	vmul.f32 v9, v41;
	v38 =	vmul.f32 v9, v25;
	v51 =	vld [tilespmem:$0x1FDC0];
	v1 =	vadd.f32 v23, v1  }
0x147: {  	v0 =	vadd.f32 v62, v0;
	[tilespmem:$0x1FDA0] =	vst v41;
	v41 =	vmul.f32 v9, v15;
	v7 =	vld [tilespmem:$0x4620];
	v52 =	vmul.f32 v21, v44  }
0x148: {  	v62 =	vmul.f32 v21, v27;
	v3 =	vadd.f32 v29, v3;
	v23 =	vld [tilespmem:$0x4630];
	v1 =	vadd.f32 v35, v1  }
0x149: {  	v2 =	vadd.f32 v63, v2;
	v0 =	vadd.f32 v32, v0;
	v63 =	vmul.f32 v21, v20  }
0x14a: {  	v16 =	vmovc v34;
	v3 =	vadd.f32 v38, v3;
	v34 =	vmul.f32 v9, v53;
	v1 =	vadd.f32 v52, v1;
	v52 =	vld [tilespmem:$0x1FAC0]  }
0x14b: {  	[tilespmem:$0x1FAA0] =	vst v44;
	v10 =	vld [tilespmem:$0x4650];
	v0 =	vadd.f32 v41, v0;
	v9 =	vmul.f32 v21, v51;
	v29 =	vmul.f32 v6, v46  }
0x14c: {  	[tilespmem:$0x1FAF0] =	vst v37;
	v41 =	vld [tilespmem:$0x1FE00];
	v32 =	vmul.f32 v6, v28;
	v51 =	vmul.f32 v7, v45;
	v3 =	vadd.f32 v62, v3  }
0x14d: {  	v45 =	vmovc v37;
	v0 =	vadd.f32 v63, v0;
	v2 =	vadd.f32 v34, v2;
	v17 =	vmul.f32 v23, v37;
	v37 =	vld [tilespmem:$0x1FE60]  }
0x14e: {  	[tilespmem:$0x1FDE0] =	vst v46;
	v35 =	vmul.f32 v6, v31;
	v1 =	vadd.f32 v29, v1;
	v3 =	vadd.f32 v32, v3;
	v29 =	vld [tilespmem:$0x1FE40]  }
0x14f: {  	[tilespmem:$0x1FE10] =	vst v49;
	v59 =	vmul.f32 v7, v59;
	v2 =	vadd.f32 v9, v2;
	v21 =	vmul.f32 v6, v52;
	v6 =	vld [tilespmem:$0x4640]  }
0x150: {  	[tilespmem:$0x1FAE0] =	vst v50;
	v63 =	vmul.f32 v23, v50;
	v0 =	vadd.f32 v35, v0;
	v3 =	vadd.f32 v51, v3;
	v51 =	vld [tilespmem:$0x1FE50]  }
0x151: {  	v27 =	vmovc v50;
	v50 =	vld [tilespmem:$0x1FE70];
	v34 =	vmovc v44;
	v44 =	vmov v46;
	v38 =	vmul.f32 v7, v41;
	v2 =	vadd.f32 v21, v2  }
0x152: {  	v35 =	vld [tilespmem:$0x1FE80];
	v46 =	vmovc v49;
	v49 =	vmul.f32 v7, v49;
	v0 =	vadd.f32 v59, v0;
	v21 =	vmul.f32 v23, v11  }
0x153: {  	v7 =	vld [tilespmem:$0x4660];
	v62 =	vmul.f32 v23, v29;
	v2 =	vadd.f32 v38, v2  }
0x154: {  	v1 =	vadd.f32 v49, v1;
	v11 =	vld [tilespmem:$0x4670];
	v0 =	vadd.f32 v21, v0;
	v49 =	vmul.f32 v6, v24  }
0x155: {  	v15 =	vmov v28;
	v21 =	vld [tilespmem:$0x1FB20];
	v23 =	vmul.f32 v6, v51;
	v2 =	vadd.f32 v62, v2  }
0x156: {  	[tilespmem:$0x1FB10] =	vst v40;
	v1 =	vadd.f32 v63, v1;
	v28 =	vmul.f32 v6, v37;
	v0 =	vadd.f32 v49, v0;
	v49 =	vld [tilespmem:$0x1FE90]  }
0x157: {  	v32 =	vmovc v40;
	v38 =	vmul.f32 v6, v40;
	v40 =	vmul.f32 v10, v50;
	v2 =	vadd.f32 v23, v2  }
0x158: {  	v3 =	vadd.f32 v17, v3;
	v17 =	vmul.f32 v10, v14  }
0x159: {  	v62 =	vmul.f32 v7, v35;
	v1 =	vadd.f32 v28, v1;
	v28 =	vld [tilespmem:$0x1F970];
	v2 =	vadd.f32 v40, v2  }
0x15a: {  	v63 =	vmul.f32 v10, v36;
	v59 =	vmul.f32 v10, v21;
	v10 =	vld [tilespmem:$0x1FED0]  }
0x15b: {  	v0 =	vadd.f32 v17, v0;
	v17 =	vld [tilespmem:$0x1FF60];
	v2 =	vadd.f32 v62, v2;
	v23 =	vmul.f32 v11, v49  }
0x15c: {  	v62 =	vld [tilespmem:$0x1FEA0]  }
0x15d: {  	v2 =	vadd.f32 v23, v2;
	v23 =	vld [tilespmem:$0x1FF30];
	_ =	sdelay $0x1  }
0x15e: {  	v3 =	vadd.f32 v38, v3  }
0x15f: {  	vm2 =	vmneg vm0;
	v1 =	vadd.f32 v59, v1;
	v5 =	vmul.f32 v7, v28  }
0x160: {  	s13 =	sor.u32 s25, s13;
	v3 =	vadd.f32 v63, v3;
	v40 =	vsel vm2, v47, v10;
	v63 =	vmul.f32 v2, v17  }
0x161: {  	v1 =	vadd.f32 v5, v1;
	v5 =	vld [tilespmem:s13+$0x4000];
	v38 =	vmul.f32 v11, v62;
	v59 =	vmul.f32 v40, v23  }
0x162: {  	vm3 =	vmneg vm1;
	v36 =	vmul.f32 v7, v61  }
0x163: {  	v13 =	vmul.f32 v7, v13;
	[tilespmem:s29+$0x4D80] =	vst v40;
	v1 =	vadd.f32 v38, v1;
	v9 =	vadd.f32 v63, v59  }
0x164: {  	v14 =	vmul.f32 v11, v57;
	v3 =	vadd.f32 v36, v3;
	v28 =	vsel vm3, v47, v10;
	[tilespmem:s29+$0x6D80] =	vst v2  }
0x165: {  	vm1 =	vmneg vm4;
	v36 =	vmul.f32 v28, v23;
	v38 =	vmul.f32 v1, v17;
	[tilespmem:$0x1F9C0] =	vst v9  }
0x166: {  	v0 =	vadd.f32 v13, v0;
	v3 =	vadd.f32 v14, v3;
	v40 =	vcvt.s32.f32 v5;
	[tilespmem:s29+$0x8D80] =	vst v9  }
0x167: {  	v59 =	vmul.f32 v11, v39;
	v63 =	vsel vm1, v47, v10;
	v6 =	vadd.f32 v38, v36;
	[tilespmem:s30+$0x4D80] =	vst v28  }
0x168: {  	vm15 =	vgt.f32 v26, v40;
	v8 =	vmul.f32 v63, v23;
	v9 =	vmul.f32 v3, v17;
	[tilespmem:s30+$0x6D80] =	vst v1  }
0x169: {  	vm12 =	vmneg vm15;
	v0 =	vadd.f32 v59, v0;
	[tilespmem:s30+$0x8D80] =	vst v6  }
0x16a: {  	v10 =	vsel vm12, v47, v10;
	v4 =	vadd.f32 v9, v8;
	[tilespmem:s31+$0x4D80] =	vst v63  }
0x16b: {  	v11 =	vmul.f32 v10, v23;
	v13 =	vmul.f32 v0, v17;
	[tilespmem:s31+$0x6D80] =	vst v3  }
0x16c: {  	[tilespmem:s31+$0x8D80] =	vst v4  }
0x16d: {  	v2 =	vadd.f32 v13, v11;
	[tilespmem:s0+$0x4D80] =	vst v10  }
0x16e: {  	[tilespmem:s0+$0x6D80] =	vst v0  }
0x16f: {  	[tilespmem:s0+$0x8D80] =	vst v2  }
0x170: {  	v1 =	vld [tilespmem:$0x4690]  }
0x171: {  	v36 =	vld [tilespmem:$0x1FA00]  }
0x172: {  	v0 =	vld [tilespmem:$0x4680]  }
0x173: {  	[tilespmem:$0x1FB40] =	vst v2;
	v2 =	vld [tilespmem:$0x46A0]  }
0x174: {  	v8 =	vld [tilespmem:$0x46B0]  }
0x175: {  	v40 =	vld [tilespmem:$0x1FA30];
	v63 =	vmul.f32 v1, v56  }
0x176: {  	v24 =	vld [tilespmem:$0x1FC80]  }
0x177: {  	[tilespmem:$0x1FA50] =	vst v30;
	v14 =	vmul.f32 v0, v48;
	v28 =	vmul.f32 v0, v36;
	v48 =	vld [tilespmem:$0x1FC50]  }
0x178: {  	[tilespmem:$0x1FA10] =	vst v4;
	v59 =	vmul.f32 v1, v12  }
0x179: {  	v13 =	vmul.f32 v2, v30;
	v4 =	vadd.f32 v63, v28;
	v63 =	vmovc v30;
	v30 =	vmul.f32 v8, v43;
	v43 =	vld [tilespmem:$0x1FCD0]  }
0x17a: {  	v47 =	vmul.f32 v0, v40;
	v12 =	vmul.f32 v1, v60  }
0x17b: {  	v7 =	vld [tilespmem:$0x46C0];
	v1 =	vmul.f32 v1, v24;
	v3 =	vadd.f32 v59, v14  }
0x17c: {  	v5 =	vadd.f32 v12, v47;
	v14 =	vmul.f32 v2, v58;
	v47 =	vld [tilespmem:$0x1FCA0];
	v0 =	vmul.f32 v0, v48  }
0x17d: {  	v10 =	vld [tilespmem:$0x46D0]  }
0x17e: {  	v38 =	vmovc v39;
	v58 =	vld [tilespmem:$0x1FCE0];
	v0 =	vadd.f32 v1, v0;
	v1 =	vadd.f32 v14, v4;
	v39 =	vmul.f32 v8, v43  }
0x17f: {  	v3 =	vadd.f32 v13, v3;
	v13 =	vld [tilespmem:$0x1FCF0]  }
0x180: {  	v1 =	vadd.f32 v39, v1;
	v39 =	vld [tilespmem:$0x1FD20]  }
0x181: {  	v28 =	vmul.f32 v2, v47  }
0x182: {  	v3 =	vadd.f32 v30, v3;
	v2 =	vmul.f32 v2, v19;
	v14 =	vmul.f32 v7, v55  }
0x183: {  	v26 =	vld [tilespmem:$0x1FA60];
	v11 =	vmul.f32 v8, v58;
	v5 =	vadd.f32 v28, v5  }
0x184: {  	v56 =	vld [tilespmem:$0x1FD40];
	v30 =	vmul.f32 v10, v22;
	v0 =	vadd.f32 v2, v0;
	v3 =	vadd.f32 v14, v3  }
0x185: {  	v12 =	vmul.f32 v8, v13;
	v8 =	vld [tilespmem:$0x46E0];
	v2 =	vadd.f32 v11, v5;
	v28 =	vmul.f32 v7, v39  }
0x186: {  	v3 =	vadd.f32 v30, v3;
	v30 =	vld [tilespmem:$0x1FA70]  }
0x187: {  	v19 =	vmul.f32 v7, v33;
	v2 =	vadd.f32 v28, v2;
	v28 =	vld [tilespmem:$0x1FD50];
	_ =	sdelay $0x1  }
0x188: {  	[tilespmem:$0x1F9E0] =	vst v6;
	v6 =	vld [tilespmem:$0x46F0];
	v55 =	vmul.f32 v10, v56;
	v1 =	vadd.f32 v19, v1  }
0x189: {  	v0 =	vadd.f32 v12, v0;
	v7 =	vmul.f32 v7, v26  }
0x18a: {  	v19 =	vmul.f32 v8, v16;
	v1 =	vadd.f32 v55, v1  }
0x18b: {  	v25 =	vld [tilespmem:$0x1FA80];
	v12 =	vmul.f32 v10, v30;
	v0 =	vadd.f32 v7, v0;
	v59 =	vmul.f32 v10, v28  }
0x18c: {  	v1 =	vadd.f32 v19, v1;
	v19 =	vld [tilespmem:$0x1FDB0]  }
0x18d: {  	v0 =	vadd.f32 v12, v0;
	v12 =	vmul.f32 v6, v18;
	v18 =	vld [tilespmem:$0x1FA90]  }
0x18e: {  	v10 =	vld [tilespmem:$0x4700]  }
0x18f: {  	v55 =	vmul.f32 v6, v53;
	v2 =	vadd.f32 v59, v2;
	v59 =	vmov v53;
	v53 =	vld [tilespmem:$0x1FDC0]  }
0x190: {  	v14 =	vmul.f32 v8, v42  }
0x191: {  	v42 =	vmul.f32 v8, v54  }
0x192: {  	v3 =	vadd.f32 v14, v3  }
0x193: {  	v0 =	vadd.f32 v42, v0;
	v14 =	vmul.f32 v6, v18;
	v6 =	vmul.f32 v6, v19  }
0x194: {  	v22 =	vmul.f32 v8, v25;
	v8 =	vld [tilespmem:$0x4710];
	v3 =	vadd.f32 v55, v3;
	v16 =	vmul.f32 v10, v53  }
0x195: {  	v0 =	vadd.f32 v6, v0;
	v6 =	vld [tilespmem:$0x4720]  }
0x196: {  	v3 =	vadd.f32 v16, v3;
	v16 =	vld [tilespmem:$0x1FAB0]  }
0x197: {  	v2 =	vadd.f32 v22, v2  }
0x198: {  	v1 =	vadd.f32 v12, v1;
	v22 =	vmul.f32 v10, v34  }
0x199: {  	v55 =	vmul.f32 v8, v52;
	v42 =	vmul.f32 v10, v20;
	v2 =	vadd.f32 v14, v2  }
0x19a: {  	[tilespmem:$0x1FAD0] =	vst v15;
	v14 =	vmovc v20;
	v20 =	vmov v15;
	v1 =	vadd.f32 v22, v1;
	v22 =	vmul.f32 v8, v15;
	v15 =	vld [tilespmem:$0x1FE20]  }
0x19b: {  	v3 =	vadd.f32 v55, v3;
	v55 =	vmul.f32 v6, v46;
	v46 =	vld [tilespmem:$0x1FE30];
	v34 =	vmul.f32 v10, v16  }
0x19c: {  	v10 =	vld [tilespmem:$0x4730]  }
0x19d: {  	v12 =	vmul.f32 v8, v44;
	v2 =	vadd.f32 v34, v2  }
0x19e: {  	v7 =	vld [tilespmem:$0x4740];
	v0 =	vadd.f32 v42, v0;
	v34 =	vmul.f32 v8, v31  }
0x19f: {  	v1 =	vadd.f32 v12, v1;
	v42 =	vmul.f32 v6, v41;
	v2 =	vadd.f32 v22, v2  }
0x1a0: {  	v9 =	vld [tilespmem:$0x4750];
	v0 =	vadd.f32 v34, v0;
	v22 =	vmul.f32 v6, v15;
	v6 =	vmul.f32 v6, v46  }
0x1a1: {  	[tilespmem:$0x1FDF0] =	vst v31;
	v3 =	vadd.f32 v42, v3;
	v42 =	vld [tilespmem:$0x1FB00];
	v29 =	vmul.f32 v10, v29  }
0x1a2: {  	v12 =	vmovc v31;
	v1 =	vadd.f32 v55, v1;
	v31 =	vmul.f32 v10, v27;
	v0 =	vadd.f32 v6, v0;
	v6 =	vld [tilespmem:$0x4760]  }
0x1a3: {  	v44 =	vld [tilespmem:$0x1FB30];
	v34 =	vmul.f32 v10, v45;
	v45 =	vmul.f32 v7, v51;
	v3 =	vadd.f32 v29, v3  }
0x1a4: {  	v11 =	vld [tilespmem:$0x4770];
	v2 =	vadd.f32 v22, v2  }
0x1a5: {  	v27 =	vld [tilespmem:$0x1F9B0];
	v1 =	vadd.f32 v31, v1;
	v31 =	vmul.f32 v9, v50;
	v3 =	vadd.f32 v45, v3  }
0x1a6: {  	v32 =	vmul.f32 v7, v32;
	v2 =	vadd.f32 v34, v2  }
0x1a7: {  	v22 =	vmul.f32 v10, v42;
	v45 =	vmovc v50;
	v3 =	vadd.f32 v31, v3;
	v50 =	vmul.f32 v6, v35  }
0x1a8: {  	v55 =	vmovc v51;
	v51 =	vmul.f32 v9, v21;
	v21 =	vmul.f32 v9, v44;
	v2 =	vadd.f32 v32, v2  }
0x1a9: {  	v0 =	vadd.f32 v22, v0;
	v22 =	vmul.f32 v11, v49;
	v31 =	vld [tilespmem:$0x1F970];
	v3 =	vadd.f32 v50, v3  }
0x1aa: {  	v34 =	vmul.f32 v7, v27;
	v2 =	vadd.f32 v21, v2;
	v21 =	vld [tilespmem:$0x1FF90]  }
0x1ab: {  	v29 =	vmul.f32 v7, v37;
	v3 =	vadd.f32 v22, v3;
	v22 =	vld [tilespmem:$0x1FF80];
	_ =	sdelay $0x1  }
0x1ac: {  	v1 =	vadd.f32 v29, v1  }
0x1ad: {  	v0 =	vadd.f32 v34, v0;
	v34 =	vmov v49;
	v49 =	vld [tilespmem:$0x1FB60]  }
0x1ae: {  	[tilespmem:$0x1F990] =	vst v61;
	v32 =	vld [tilespmem:$0x1F980];
	v1 =	vadd.f32 v51, v1;
	v5 =	vmul.f32 v6, v31  }
0x1af: {  	v37 =	vmovc v35;
	v29 =	vmul.f32 v6, v61;
	v50 =	vmul.f32 v11, v62;
	v51 =	vsel vm2, v21, v22  }
0x1b0: {  	v35 =	vmovc v62;
	v62 =	vmul.f32 v3, v17;
	v1 =	vadd.f32 v5, v1;
	v61 =	vmul.f32 v51, v23  }
0x1b1: {  	[tilespmem:$0x1F9A0] =	vst v57;
	v2 =	vadd.f32 v29, v2  }
0x1b2: {  	[tilespmem:s29+$0x6E00] =	vst v3;
	v4 =	vmul.f32 v9, v49;
	v1 =	vadd.f32 v50, v1;
	v29 =	vadd.f32 v62, v61  }
0x1b3: {  	v50 =	vmul.f32 v6, v32;
	[tilespmem:s29+$0x4E00] =	vst v51;
	v51 =	vmul.f32 v11, v57;
	v57 =	vsel vm3, v21, v22  }
0x1b4: {  	v0 =	vadd.f32 v4, v0;
	v61 =	vmul.f32 v57, v23;
	v62 =	vmul.f32 v1, v17;
	[tilespmem:$0x1F9D0] =	vst v29  }
0x1b5: {  	v9 =	vmul.f32 v11, v38;
	v2 =	vadd.f32 v51, v2;
	[tilespmem:s29+$0x8E00] =	vst v29  }
0x1b6: {  	v10 =	vsel vm1, v21, v22;
	v0 =	vadd.f32 v50, v0;
	v7 =	vadd.f32 v62, v61;
	[tilespmem:s30+$0x4E00] =	vst v57  }
0x1b7: {  	v11 =	vmul.f32 v10, v23;
	v5 =	vmul.f32 v2, v17;
	[tilespmem:s30+$0x6E00] =	vst v1  }
0x1b8: {  	v0 =	vadd.f32 v9, v0;
	[tilespmem:s30+$0x8E00] =	vst v7  }
0x1b9: {  	v22 =	vsel vm12, v21, v22;
	v5 =	vadd.f32 v5, v11;
	[tilespmem:s31+$0x4E00] =	vst v10  }
0x1ba: {  	v29 =	vmul.f32 v22, v23;
	v3 =	vmul.f32 v0, v17;
	[tilespmem:s31+$0x6E00] =	vst v2  }
0x1bb: {  	[tilespmem:s31+$0x8E00] =	vst v5  }
0x1bc: {  	v2 =	vadd.f32 v3, v29;
	[tilespmem:s0+$0x4E00] =	vst v22  }
0x1bd: {  	[tilespmem:s0+$0x6E00] =	vst v0  }
0x1be: {  	v29 =	vld [tilespmem:$0x1FC40];
	[tilespmem:s0+$0x8E00] =	vst v2  }
0x1bf: {  	v0 =	vld [tilespmem:$0x4780]  }
0x1c0: {  	v62 =	vld [tilespmem:$0x1FC60]  }
0x1c1: {  	v1 =	vld [tilespmem:$0x4790]  }
0x1c2: {  	[tilespmem:$0x1FB50] =	vst v2;
	v2 =	vld [tilespmem:$0x47A0]  }
0x1c3: {  	v22 =	vld [tilespmem:$0x1FC70]  }
0x1c4: {  	v11 =	vld [tilespmem:$0x1FC90];
	v3 =	vmul.f32 v0, v29  }
0x1c5: {  	v57 =	vmov v40;
	v8 =	vld [tilespmem:$0x47B0];
	v4 =	vmul.f32 v0, v36;
	v40 =	vmul.f32 v0, v40  }
0x1c6: {  	[tilespmem:$0x1F9F0] =	vst v7;
	v7 =	vld [tilespmem:$0x47C0];
	v0 =	vmul.f32 v0, v48;
	v51 =	vmul.f32 v1, v60  }
0x1c7: {  	v61 =	vmov v48;
	v48 =	vmul.f32 v1, v62;
	v10 =	vmul.f32 v2, v63;
	v63 =	vld [tilespmem:$0x1FCB0]  }
0x1c8: {  	[tilespmem:$0x1FA20] =	vst v5;
	v50 =	vmul.f32 v1, v22;
	v1 =	vmul.f32 v1, v24;
	v5 =	vadd.f32 v51, v40;
	v40 =	vld [tilespmem:$0x1FCC0]  }
0x1c9: {  	v21 =	vmul.f32 v2, v47  }
0x1ca: {  	v3 =	vadd.f32 v48, v3;
	v0 =	vadd.f32 v1, v0;
	v1 =	vmul.f32 v2, v11;
	v11 =	vld [tilespmem:$0x1FD00]  }
0x1cb: {  	v4 =	vadd.f32 v50, v4;
	v50 =	vmul.f32 v8, v58;
	v51 =	vmul.f32 v8, v13  }
0x1cc: {  	v48 =	vld [tilespmem:$0x47D0];
	v13 =	vmul.f32 v7, v33;
	v3 =	vadd.f32 v10, v3;
	v2 =	vmul.f32 v2, v63  }
0x1cd: {  	[tilespmem:$0x1FD10] =	vst v33;
	v33 =	vld [tilespmem:$0x1FD30];
	v1 =	vadd.f32 v1, v4;
	v5 =	vadd.f32 v21, v5;
	v4 =	vmul.f32 v8, v40  }
0x1ce: {  	v47 =	vmul.f32 v8, v43;
	v21 =	vmul.f32 v7, v39;
	v0 =	vadd.f32 v2, v0  }
0x1cf: {  	v2 =	vadd.f32 v50, v5;
	v5 =	vmul.f32 v7, v11;
	v8 =	vld [tilespmem:$0x47E0];
	v3 =	vadd.f32 v4, v3  }
0x1d0: {  	v6 =	vld [tilespmem:$0x47F0];
	v1 =	vadd.f32 v47, v1;
	v7 =	vmul.f32 v7, v26;
	v0 =	vadd.f32 v51, v0  }
0x1d1: {  	v40 =	vmul.f32 v48, v56;
	v47 =	vmul.f32 v48, v28;
	v50 =	vld [tilespmem:$0x1FD60];
	v3 =	vadd.f32 v5, v3  }
0x1d2: {  	v51 =	vld [tilespmem:$0x1FD70];
	v5 =	vmul.f32 v48, v33;
	v0 =	vadd.f32 v7, v0;
	v48 =	vmul.f32 v48, v30  }
0x1d3: {  	v1 =	vadd.f32 v13, v1;
	v2 =	vadd.f32 v21, v2;
	v33 =	vld [tilespmem:$0x1FDA0]  }
0x1d4: {  	v28 =	vmul.f32 v8, v54;
	v0 =	vadd.f32 v48, v0  }
0x1d5: {  	v10 =	vld [tilespmem:$0x4800];
	v1 =	vadd.f32 v40, v1;
	v2 =	vadd.f32 v47, v2  }
0x1d6: {  	v21 =	vmovc v30;
	v30 =	vmul.f32 v6, v59;
	v47 =	vmul.f32 v6, v18;
	v0 =	vadd.f32 v28, v0;
	v28 =	vld [tilespmem:$0x1FAA0]  }
0x1d7: {  	v4 =	vmul.f32 v8, v50;
	v3 =	vadd.f32 v5, v3;
	v9 =	vmul.f32 v8, v51  }
0x1d8: {  	v40 =	vld [tilespmem:$0x4810];
	v7 =	vmul.f32 v6, v33;
	v6 =	vmul.f32 v6, v19  }
0x1d9: {  	v48 =	vld [tilespmem:$0x1FDE0];
	v3 =	vadd.f32 v4, v3;
	v1 =	vadd.f32 v9, v1  }
0x1da: {  	v13 =	vmul.f32 v8, v25;
	v50 =	vmul.f32 v10, v53;
	v0 =	vadd.f32 v6, v0;
	v6 =	vld [tilespmem:$0x4820]  }
0x1db: {  	[tilespmem:$0x1FD80] =	vst v54;
	v3 =	vadd.f32 v30, v3;
	v1 =	vadd.f32 v7, v1;
	v54 =	vmul.f32 v10, v28  }
0x1dc: {  	v59 =	vmul.f32 v10, v16;
	v2 =	vadd.f32 v13, v2;
	v13 =	vmul.f32 v10, v14  }
0x1dd: {  	v16 =	vmul.f32 v40, v52;
	v3 =	vadd.f32 v50, v3;
	v1 =	vadd.f32 v54, v1;
	v54 =	vld [tilespmem:$0x1FE10]  }
0x1de: {  	v11 =	vld [tilespmem:$0x1FE40];
	v20 =	vmul.f32 v40, v20;
	v30 =	vmul.f32 v40, v12  }
0x1df: {  	v52 =	vld [tilespmem:$0x4850];
	v18 =	vmul.f32 v40, v48;
	v3 =	vadd.f32 v16, v3;
	v40 =	vmul.f32 v6, v41  }
0x1e0: {  	v51 =	vmov v19;
	v19 =	vld [tilespmem:$0x4830]  }
0x1e1: {  	v2 =	vadd.f32 v47, v2;
	v47 =	vmul.f32 v6, v15;
	v3 =	vadd.f32 v40, v3;
	v40 =	vld [tilespmem:$0x1FAF0]  }
0x1e2: {  	v0 =	vadd.f32 v13, v0;
	v13 =	vmovc v46;
	v41 =	vmul.f32 v6, v54;
	v6 =	vmul.f32 v6, v46;
	v46 =	vld [tilespmem:$0x1FAE0]  }
0x1e3: {  	v33 =	vld [tilespmem:$0x4840]  }
0x1e4: {  	v39 =	vmov v26;
	v26 =	vld [tilespmem:$0x1FE60];
	v0 =	vadd.f32 v30, v0  }
0x1e5: {  	[tilespmem:$0x1FDD0] =	vst v14;
	v2 =	vadd.f32 v59, v2;
	v5 =	vmul.f32 v19, v11;
	v11 =	vld [tilespmem:$0x4870]  }
0x1e6: {  	v50 =	vmovc v14;
	v16 =	vmul.f32 v19, v42;
	v0 =	vadd.f32 v6, v0;
	v6 =	vld [tilespmem:$0x4860];
	v14 =	vmul.f32 v19, v40  }
0x1e7: {  	v12 =	vmul.f32 v19, v46;
	v19 =	vmul.f32 v52, v45;
	v45 =	vld [tilespmem:$0x1FB10]  }
0x1e8: {  	v2 =	vadd.f32 v20, v2;
	v15 =	vmul.f32 v33, v55;
	v3 =	vadd.f32 v5, v3  }
0x1e9: {  	v30 =	vmul.f32 v33, v27;
	v1 =	vadd.f32 v18, v1  }
0x1ea: {  	v18 =	vmul.f32 v33, v26;
	v2 =	vadd.f32 v47, v2;
	v3 =	vadd.f32 v15, v3  }
0x1eb: {  	v25 =	vld [tilespmem:$0x1FB20];
	v47 =	vmul.f32 v11, v34;
	v1 =	vadd.f32 v41, v1;
	v0 =	vadd.f32 v16, v0  }
0x1ec: {  	v15 =	vld [tilespmem:$0x1FFA0];
	v3 =	vadd.f32 v19, v3;
	v20 =	vmul.f32 v33, v45;
	v33 =	vmul.f32 v6, v37  }
0x1ed: {  	v2 =	vadd.f32 v14, v2;
	v14 =	vld [tilespmem:$0x1FFB0];
	v1 =	vadd.f32 v12, v1  }
0x1ee: {  	v41 =	vmov v42;
	v42 =	vmul.f32 v52, v44;
	v3 =	vadd.f32 v33, v3  }
0x1ef: {  	v0 =	vadd.f32 v30, v0;
	v55 =	vmul.f32 v6, v31;
	v1 =	vadd.f32 v18, v1  }
0x1f0: {  	v37 =	vmul.f32 v52, v25;
	v52 =	vmul.f32 v52, v49;
	v3 =	vadd.f32 v47, v3;
	v47 =	vmovc v31;
	v31 =	vld [tilespmem:$0x1F990]  }
0x1f1: {  	v34 =	vmul.f32 v11, v35;
	v2 =	vadd.f32 v20, v2  }
0x1f2: {  	v18 =	vmovc v35;
	v35 =	vsel vm2, v14, v15;
	v1 =	vadd.f32 v37, v1;
	v0 =	vadd.f32 v52, v0;
	v52 =	vld [tilespmem:$0x1F9A0]  }
0x1f3: {  	v37 =	vmul.f32 v35, v23  }
0x1f4: {  	v2 =	vadd.f32 v42, v2;
	v1 =	vadd.f32 v55, v1;
	v42 =	vmul.f32 v3, v17  }
0x1f5: {  	v59 =	vmov v49;
	v33 =	vmul.f32 v6, v31  }
0x1f6: {  	v16 =	vmul.f32 v6, v32;
	[tilespmem:s29+$0x4E80] =	vst v35;
	v1 =	vadd.f32 v34, v1;
	v49 =	vadd.f32 v42, v37  }
0x1f7: {  	v20 =	vsel vm3, v14, v15;
	[tilespmem:s29+$0x6E80] =	vst v3;
	v19 =	vmul.f32 v11, v52;
	v2 =	vadd.f32 v33, v2  }
0x1f8: {  	v35 =	vmov v32;
	v30 =	vmul.f32 v20, v23;
	v32 =	vmul.f32 v1, v17;
	[tilespmem:$0x1FB70] =	vst v49  }
0x1f9: {  	v0 =	vadd.f32 v16, v0;
	[tilespmem:s29+$0x8E80] =	vst v49;
	v2 =	vadd.f32 v19, v2  }
0x1fa: {  	v34 =	vsel vm1, v14, v15;
	v7 =	vadd.f32 v32, v30;
	[tilespmem:s30+$0x4E80] =	vst v20;
	v33 =	vmul.f32 v11, v38  }
0x1fb: {  	v37 =	vmul.f32 v34, v23;
	[tilespmem:s30+$0x6E80] =	vst v1;
	v5 =	vmul.f32 v2, v17  }
0x1fc: {  	[tilespmem:s30+$0x8E80] =	vst v7;
	v0 =	vadd.f32 v33, v0  }
0x1fd: {  	v42 =	vsel vm12, v14, v15;
	[tilespmem:s31+$0x4E80] =	vst v34;
	v5 =	vadd.f32 v5, v37  }
0x1fe: {  	v49 =	vmul.f32 v42, v23;
	[tilespmem:s31+$0x6E80] =	vst v2;
	v3 =	vmul.f32 v0, v17  }
0x1ff: {  	[tilespmem:s31+$0x8E80] =	vst v5  }
0x200: {  	v2 =	vadd.f32 v3, v49;
	[tilespmem:s0+$0x4E80] =	vst v42  }
0x201: {  	[tilespmem:s0+$0x6E80] =	vst v0  }
0x202: {  	[tilespmem:s0+$0x8E80] =	vst v2  }
0x203: {  	v0 =	vld [tilespmem:$0x4880]  }
0x204: {  	v1 =	vld [tilespmem:$0x4890];
	_ =	sdelay $0x4  }
0x205: {  	v12 =	vmov v27;
	v27 =	vld [tilespmem:$0x1FC90];
	v55 =	vmul.f32 v0, v29;
	v30 =	vmul.f32 v1, v62  }
0x206: {  	[tilespmem:$0x1FBB0] =	vst v2;
	v2 =	vld [tilespmem:$0x48A0]  }
0x207: {  	v14 =	vmul.f32 v0, v36;
	v32 =	vmul.f32 v1, v22;
	v3 =	vadd.f32 v30, v55;
	v30 =	vld [tilespmem:$0x1FA50]  }
0x208: {  	v8 =	vld [tilespmem:$0x48B0]  }
0x209: {  	v34 =	vmovc v36;
	v20 =	vmul.f32 v0, v57;
	v36 =	vmul.f32 v1, v60;
	v4 =	vadd.f32 v32, v14;
	v14 =	vld [tilespmem:$0x1FCC0]  }
0x20a: {  	v19 =	vld [tilespmem:$0x1FD00]  }
0x20b: {  	[tilespmem:$0x1FB90] =	vst v5;
	v5 =	vadd.f32 v36, v20;
	v36 =	vld [tilespmem:$0x1FCA0]  }
0x20c: {  	v55 =	vld [tilespmem:$0x48C0];
	v42 =	vmul.f32 v2, v30;
	_ =	sdelay $0x1  }
0x20d: {  	v37 =	vmovc v57;
	v0 =	vmul.f32 v0, v61;
	v57 =	vld [tilespmem:$0x1FD10];
	v62 =	vmul.f32 v8, v14;
	v3 =	vadd.f32 v42, v3  }
0x20e: {  	v1 =	vmul.f32 v1, v24;
	v49 =	vmul.f32 v2, v27;
	v32 =	vld [tilespmem:$0x1FD20]  }
0x20f: {  	v16 =	vmovc v61;
	v11 =	vmul.f32 v8, v58;
	v61 =	vmul.f32 v2, v36;
	v3 =	vadd.f32 v62, v3;
	v62 =	vld [tilespmem:$0x1FCF0]  }
0x210: {  	v33 =	vmovc v22;
	v10 =	vld [tilespmem:$0x48D0];
	v0 =	vadd.f32 v1, v0;
	v2 =	vmul.f32 v2, v63;
	v22 =	vmul.f32 v55, v19  }
0x211: {  	v6 =	vld [tilespmem:$0x48F0];
	v1 =	vadd.f32 v49, v4;
	v63 =	vmul.f32 v8, v43;
	v5 =	vadd.f32 v61, v5  }
0x212: {  	v29 =	vmul.f32 v55, v57;
	v0 =	vadd.f32 v2, v0;
	v3 =	vadd.f32 v22, v3;
	v22 =	vld [tilespmem:$0x1FD30]  }
0x213: {  	v20 =	vld [tilespmem:$0x1FD60];
	v1 =	vadd.f32 v63, v1;
	v42 =	vmul.f32 v55, v32;
	v2 =	vadd.f32 v11, v5  }
0x214: {  	[tilespmem:$0x1FB80] =	vst v7;
	v7 =	vmul.f32 v55, v39;
	v15 =	vmul.f32 v8, v62;
	v8 =	vld [tilespmem:$0x48E0]  }
0x215: {  	v55 =	vmul.f32 v10, v56;
	v1 =	vadd.f32 v29, v1;
	v2 =	vadd.f32 v42, v2;
	v42 =	vld [tilespmem:$0x1FA80]  }
0x216: {  	v61 =	vld [tilespmem:$0x1FD50]  }
0x217: {  	v1 =	vadd.f32 v55, v1;
	v55 =	vld [tilespmem:$0x1FD70];
	v49 =	vmul.f32 v10, v22  }
0x218: {  	v0 =	vadd.f32 v15, v0;
	v15 =	vmul.f32 v10, v21;
	v21 =	vld [tilespmem:$0x1FD90]  }
0x219: {  	v3 =	vadd.f32 v49, v3;
	v49 =	vld [tilespmem:$0x1FD80];
	v29 =	vmul.f32 v8, v20  }
0x21a: {  	v5 =	vmul.f32 v8, v42;
	v42 =	vld [tilespmem:$0x1FDA0]  }
0x21b: {  	v3 =	vadd.f32 v29, v3;
	v29 =	vld [tilespmem:$0x1FA90]  }
0x21c: {  	v63 =	vmul.f32 v10, v61;
	v10 =	vld [tilespmem:$0x4900];
	v0 =	vadd.f32 v7, v0  }
0x21d: {  	v39 =	vmul.f32 v8, v55  }
0x21e: {  	v2 =	vadd.f32 v63, v2;
	v0 =	vadd.f32 v15, v0;
	v4 =	vmul.f32 v8, v49;
	v8 =	vld [tilespmem:$0x4910]  }
0x21f: {  	v1 =	vadd.f32 v39, v1;
	v63 =	vmul.f32 v6, v21;
	v15 =	vmul.f32 v6, v42  }
0x220: {  	v0 =	vadd.f32 v4, v0;
	v4 =	vmul.f32 v6, v29;
	v6 =	vmul.f32 v6, v51  }
0x221: {  	v49 =	vmul.f32 v10, v28;
	v1 =	vadd.f32 v15, v1;
	v51 =	vld [tilespmem:$0x1FAB0]  }
0x222: {  	v39 =	vmul.f32 v10, v53;
	v3 =	vadd.f32 v63, v3;
	v0 =	vadd.f32 v6, v0;
	v6 =	vld [tilespmem:$0x4920]  }
0x223: {  	v29 =	vld [tilespmem:$0x1FAD0];
	v1 =	vadd.f32 v49, v1;
	v28 =	vmul.f32 v8, v48  }
0x224: {  	v2 =	vadd.f32 v5, v2;
	v3 =	vadd.f32 v39, v3;
	v39 =	vld [tilespmem:$0x1FAC0]  }
0x225: {  	v1 =	vadd.f32 v28, v1;
	v28 =	vld [tilespmem:$0x1FE00]  }
0x226: {  	v63 =	vmul.f32 v10, v50;
	v2 =	vadd.f32 v4, v2;
	v5 =	vmul.f32 v10, v51;
	v10 =	vld [tilespmem:$0x4930]  }
0x227: {  	v51 =	vmul.f32 v6, v54;
	v54 =	vld [tilespmem:$0x1FE20]  }
0x228: {  	v2 =	vadd.f32 v5, v2;
	v5 =	vmul.f32 v8, v29;
	v29 =	vld [tilespmem:$0x1FE40]  }
0x229: {  	v7 =	vld [tilespmem:$0x4940];
	v15 =	vmul.f32 v8, v39  }
0x22a: {  	v1 =	vadd.f32 v51, v1;
	v51 =	vld [tilespmem:$0x1FE50]  }
0x22b: {  	v3 =	vadd.f32 v15, v3;
	v50 =	vmul.f32 v6, v28  }
0x22c: {  	v0 =	vadd.f32 v63, v0;
	v63 =	vmul.f32 v6, v54  }
0x22d: {  	v49 =	vld [tilespmem:$0x1FDF0];
	v3 =	vadd.f32 v50, v3;
	v6 =	vmul.f32 v6, v13;
	v13 =	vmul.f32 v10, v29;
	_ =	sdelay $0x1  }
0x22e: {  	v3 =	vadd.f32 v13, v3;
	v50 =	vmul.f32 v7, v51  }
0x22f: {  	v9 =	vld [tilespmem:$0x4950]  }
0x230: {  	v3 =	vadd.f32 v50, v3;
	v50 =	vld [tilespmem:$0x1FE70]  }
0x231: {  	v4 =	vmul.f32 v8, v49  }
0x232: {  	v15 =	vmul.f32 v10, v46  }
0x233: {  	v0 =	vadd.f32 v4, v0  }
0x234: {  	v2 =	vadd.f32 v5, v2;
	v1 =	vadd.f32 v15, v1  }
0x235: {  	v11 =	vld [tilespmem:$0x4970];
	v0 =	vadd.f32 v6, v0;
	v13 =	vmovc v41;
	v41 =	vmul.f32 v10, v41;
	v15 =	vmul.f32 v9, v50  }
0x236: {  	v49 =	vmul.f32 v7, v12;
	v5 =	vmul.f32 v10, v40;
	v2 =	vadd.f32 v63, v2;
	v6 =	vld [tilespmem:$0x4960]  }
0x237: {  	v63 =	vmul.f32 v7, v26;
	v0 =	vadd.f32 v41, v0;
	v3 =	vadd.f32 v15, v3;
	v15 =	vld [tilespmem:$0x1FE80]  }
0x238: {  	v2 =	vadd.f32 v5, v2;
	v41 =	vmul.f32 v7, v45  }
0x239: {  	v1 =	vadd.f32 v63, v1;
	v45 =	vmovc v12;
	v12 =	vmul.f32 v9, v25;
	v0 =	vadd.f32 v49, v0;
	v49 =	vld [tilespmem:$0x1FE90]  }
0x23a: {  	v2 =	vadd.f32 v41, v2;
	v41 =	vmul.f32 v9, v44  }
0x23b: {  	v1 =	vadd.f32 v12, v1;
	v12 =	vmul.f32 v11, v18;
	v18 =	vld [tilespmem:$0x1FEE0]  }
0x23c: {  	v2 =	vadd.f32 v41, v2;
	v41 =	vld [tilespmem:$0x1FFC0];
	v63 =	vmul.f32 v6, v15;
	_ =	sdelay $0x1  }
0x23d: {  	v44 =	vmul.f32 v11, v49;
	v3 =	vadd.f32 v63, v3  }
0x23e: {  	v63 =	vmul.f32 v6, v47  }
0x23f: {  	v4 =	vmul.f32 v9, v59;
	v3 =	vadd.f32 v44, v3  }
0x240: {  	v7 =	vmul.f32 v6, v31;
	v31 =	vsel vm2, v18, v41;
	v1 =	vadd.f32 v63, v1  }
0x241: {  	v44 =	vmul.f32 v31, v23;
	v63 =	vmul.f32 v3, v17  }
0x242: {  	[tilespmem:$0x1FBA0] =	vst v38;
	v2 =	vadd.f32 v7, v2;
	v1 =	vadd.f32 v12, v1;
	v12 =	vmul.f32 v6, v35  }
0x243: {  	[tilespmem:s29+$0x4F00] =	vst v31;
	v8 =	vadd.f32 v63, v44;
	v44 =	vmul.f32 v11, v52;
	v52 =	vsel vm3, v18, v41  }
0x244: {  	v0 =	vadd.f32 v4, v0;
	[tilespmem:s29+$0x6F00] =	vst v3;
	v9 =	vmul.f32 v1, v17;
	v63 =	vmul.f32 v52, v23  }
0x245: {  	v10 =	vmul.f32 v11, v38;
	v2 =	vadd.f32 v44, v2;
	[tilespmem:s29+$0x8F00] =	vst v8  }
0x246: {  	v0 =	vadd.f32 v12, v0;
	v11 =	vsel vm1, v18, v41;
	v7 =	vadd.f32 v9, v63;
	[tilespmem:s30+$0x4F00] =	vst v52  }
0x247: {  	v12 =	vmul.f32 v11, v23;
	[tilespmem:s30+$0x6F00] =	vst v1;
	v5 =	vmul.f32 v2, v17  }
0x248: {  	v0 =	vadd.f32 v10, v0;
	[tilespmem:s30+$0x8F00] =	vst v7  }
0x249: {  	v31 =	vmov v35;
	v35 =	vsel vm12, v18, v41;
	v5 =	vadd.f32 v5, v12;
	[tilespmem:s31+$0x4F00] =	vst v11  }
0x24a: {  	v38 =	vmul.f32 v35, v23;
	v3 =	vmul.f32 v0, v17;
	[tilespmem:s31+$0x6F00] =	vst v2  }
0x24b: {  	[tilespmem:s31+$0x8F00] =	vst v5  }
0x24c: {  	v2 =	vadd.f32 v3, v38;
	[tilespmem:s0+$0x4F00] =	vst v35  }
0x24d: {  	[tilespmem:s0+$0x6F00] =	vst v0  }
0x24e: {  	v12 =	vld [tilespmem:$0x1FC40];
	[tilespmem:s0+$0x8F00] =	vst v2  }
0x24f: {  	v0 =	vld [tilespmem:$0x4980]  }
0x250: {  	v63 =	vld [tilespmem:$0x1FC60]  }
0x251: {  	v1 =	vld [tilespmem:$0x4990];
	_ =	sdelay $0x1  }
0x252: {  	[tilespmem:$0x1FBF0] =	vst v2;
	v2 =	vld [tilespmem:$0x49A0]  }
0x253: {  	v41 =	vmul.f32 v0, v12;
	v52 =	vmul.f32 v0, v34  }
0x254: {  	v18 =	vmul.f32 v0, v37;
	v0 =	vmul.f32 v0, v16  }
0x255: {  	[tilespmem:$0x1FBC0] =	vst v8;
	v44 =	vmov v34;
	v8 =	vld [tilespmem:$0x49B0];
	v34 =	vmul.f32 v1, v63;
	v35 =	vmul.f32 v1, v33  }
0x256: {  	v9 =	vmov v37;
	v37 =	vmul.f32 v1, v60;
	v1 =	vmul.f32 v1, v24  }
0x257: {  	v3 =	vadd.f32 v34, v41;
	v4 =	vadd.f32 v35, v52;
	v41 =	vmul.f32 v2, v27  }
0x258: {  	v52 =	vld [tilespmem:$0x49C0]  }
0x259: {  	v38 =	vmul.f32 v2, v30;
	v0 =	vadd.f32 v1, v0;
	v1 =	vadd.f32 v41, v4;
	v41 =	vld [tilespmem:$0x49D0]  }
0x25a: {  	[tilespmem:$0x1FBE0] =	vst v5;
	v5 =	vadd.f32 v37, v18;
	v34 =	vmul.f32 v8, v62;
	v18 =	vmov v62;
	v62 =	vld [tilespmem:$0x1FA60]  }
0x25b: {  	v36 =	vmul.f32 v2, v36;
	v37 =	vmul.f32 v8, v14;
	v3 =	vadd.f32 v38, v3  }
0x25c: {  	v35 =	vld [tilespmem:$0x1FCB0];
	v38 =	vmul.f32 v8, v43  }
0x25d: {  	v5 =	vadd.f32 v36, v5;
	v3 =	vadd.f32 v37, v3;
	v36 =	vmul.f32 v52, v19  }
0x25e: {  	v1 =	vadd.f32 v38, v1;
	v38 =	vld [tilespmem:$0x49E0];
	v37 =	vmul.f32 v52, v57;
	v43 =	vmul.f32 v52, v32  }
0x25f: {  	[tilespmem:$0x1FBD0] =	vst v7;
	v32 =	vld [tilespmem:$0x1FA70];
	v7 =	vmul.f32 v52, v62;
	v3 =	vadd.f32 v36, v3;
	v52 =	vmul.f32 v41, v22  }
0x260: {  	v57 =	vmul.f32 v41, v56;
	v56 =	vld [tilespmem:$0x1FD80]  }
0x261: {  	v2 =	vmul.f32 v2, v35;
	v3 =	vadd.f32 v52, v3;
	v52 =	vld [tilespmem:$0x1FA80]  }
0x262: {  	v33 =	vmul.f32 v8, v58  }
0x263: {  	v6 =	vld [tilespmem:$0x49F0];
	v0 =	vadd.f32 v2, v0  }
0x264: {  	v11 =	vmovc v58;
	v2 =	vadd.f32 v33, v5;
	v58 =	vmul.f32 v41, v61;
	v22 =	vmul.f32 v38, v20  }
0x265: {  	v0 =	vadd.f32 v34, v0;
	v33 =	vmul.f32 v38, v55;
	v20 =	vld [tilespmem:$0x1FA90];
	v19 =	vmul.f32 v41, v32  }
0x266: {  	v2 =	vadd.f32 v43, v2;
	v43 =	vmul.f32 v38, v56;
	v41 =	vmul.f32 v38, v52;
	v38 =	vld [tilespmem:$0x1FDB0]  }
0x267: {  	v8 =	vld [tilespmem:$0x4A10];
	v1 =	vadd.f32 v37, v1;
	v0 =	vadd.f32 v7, v0  }
0x268: {  	v61 =	vmov v55;
	v34 =	vld [tilespmem:$0x4A00];
	v55 =	vmul.f32 v6, v21;
	v3 =	vadd.f32 v22, v3  }
0x269: {  	v1 =	vadd.f32 v57, v1;
	v22 =	vld [tilespmem:$0x1FAA0];
	v0 =	vadd.f32 v19, v0  }
0x26a: {  	v57 =	vmul.f32 v6, v42;
	v2 =	vadd.f32 v58, v2;
	v3 =	vadd.f32 v55, v3;
	v19 =	vmovc v42;
	v42 =	vld [tilespmem:$0x1FAB0]  }
0x26b: {  	v55 =	vld [tilespmem:$0x1FDD0];
	v58 =	vmul.f32 v6, v20;
	v0 =	vadd.f32 v43, v0;
	v6 =	vmul.f32 v6, v38  }
0x26c: {  	v1 =	vadd.f32 v33, v1;
	v2 =	vadd.f32 v41, v2;
	v41 =	vld [tilespmem:$0x1FAD0]  }
0x26d: {  	v0 =	vadd.f32 v6, v0;
	v6 =	vld [tilespmem:$0x4A20]  }
0x26e: {  	v37 =	vmul.f32 v8, v48;
	v1 =	vadd.f32 v57, v1;
	v57 =	vld [tilespmem:$0x1FDF0];
	v21 =	vmul.f32 v34, v22  }
0x26f: {  	v14 =	vld [tilespmem:$0x4A30];
	v10 =	vmul.f32 v34, v53;
	v2 =	vadd.f32 v58, v2;
	v33 =	vmul.f32 v34, v42  }
0x270: {  	v36 =	vmul.f32 v8, v39;
	v7 =	vld [tilespmem:$0x4A40];
	v1 =	vadd.f32 v21, v1  }
0x271: {  	v3 =	vadd.f32 v10, v3;
	v34 =	vmul.f32 v34, v55;
	v2 =	vadd.f32 v33, v2;
	v33 =	vld [tilespmem:$0x1FE10]  }
0x272: {  	v1 =	vadd.f32 v37, v1;
	v37 =	vmovc v54;
	v53 =	vmul.f32 v8, v41;
	v58 =	vmul.f32 v6, v54;
	v54 =	vld [tilespmem:$0x1FE30]  }
0x273: {  	v21 =	vmul.f32 v8, v57;
	v0 =	vadd.f32 v34, v0  }
0x274: {  	v3 =	vadd.f32 v36, v3  }
0x275: {  	v10 =	vld [tilespmem:$0x4A50];
	v36 =	vmul.f32 v7, v51;
	v0 =	vadd.f32 v21, v0;
	v21 =	vmul.f32 v14, v29  }
0x276: {  	v2 =	vadd.f32 v53, v2;
	v53 =	vmovc v28;
	v28 =	vmul.f32 v6, v28;
	v43 =	vmul.f32 v6, v33  }
0x277: {  	v51 =	vmul.f32 v14, v13;
	v6 =	vmul.f32 v6, v54  }
0x278: {  	v29 =	vmul.f32 v14, v40;
	v3 =	vadd.f32 v28, v3;
	v1 =	vadd.f32 v43, v1  }
0x279: {  	v2 =	vadd.f32 v58, v2;
	v28 =	vmul.f32 v14, v46;
	v0 =	vadd.f32 v6, v0;
	v6 =	vld [tilespmem:$0x4A60]  }
0x27a: {  	v58 =	vmul.f32 v7, v26;
	v3 =	vadd.f32 v21, v3;
	v21 =	vmovc v13;
	v13 =	vmul.f32 v10, v50;
	v50 =	vld [tilespmem:$0x1FB10]  }
0x27b: {  	v34 =	vmovc v40;
	v40 =	vld [tilespmem:$0x4A70];
	v1 =	vadd.f32 v28, v1;
	v28 =	vmul.f32 v7, v45;
	v0 =	vadd.f32 v51, v0  }
0x27c: {  	v2 =	vadd.f32 v29, v2;
	v3 =	vadd.f32 v36, v3;
	v36 =	vld [tilespmem:$0x1FB30]  }
0x27d: {  	v1 =	vadd.f32 v58, v1;
	v0 =	vadd.f32 v28, v0;
	v28 =	vld [tilespmem:$0x1F990]  }
0x27e: {  	v24 =	vmovc v47;
	v3 =	vadd.f32 v13, v3;
	v29 =	vmul.f32 v6, v15;
	v58 =	vmul.f32 v6, v47;
	v47 =	vld [tilespmem:$0x1FEA0]  }
0x27f: {  	v14 =	vmul.f32 v7, v50;
	v15 =	vld [tilespmem:$0x1FF00]  }
0x280: {  	v3 =	vadd.f32 v29, v3;
	v29 =	vld [tilespmem:$0x1FEF0]  }
0x281: {  	v43 =	vmul.f32 v10, v25;
	v2 =	vadd.f32 v14, v2;
	v45 =	vmul.f32 v10, v36  }
0x282: {  	v4 =	vmul.f32 v10, v59;
	v51 =	vmul.f32 v40, v49  }
0x283: {  	v1 =	vadd.f32 v43, v1;
	v2 =	vadd.f32 v45, v2  }
0x284: {  	v27 =	vld [tilespmem:$0x1F9A0];
	v13 =	vmovc v31;
	v31 =	vmul.f32 v6, v31;
	v0 =	vadd.f32 v4, v0;
	v3 =	vadd.f32 v51, v3  }
0x285: {  	v49 =	vmovc v59;
	v59 =	vmul.f32 v6, v28;
	v43 =	vmul.f32 v40, v47;
	v45 =	vsel vm2, v15, v29  }
0x286: {  	v1 =	vadd.f32 v58, v1;
	v58 =	vmul.f32 v3, v17;
	v51 =	vmul.f32 v45, v23  }
0x287: {  	v0 =	vadd.f32 v31, v0;
	v31 =	vld [tilespmem:$0x1FBA0];
	v2 =	vadd.f32 v59, v2  }
0x288: {  	[tilespmem:s29+$0x6F80] =	vst v3;
	v1 =	vadd.f32 v43, v1;
	v59 =	vadd.f32 v58, v51  }
0x289: {  	v43 =	vmul.f32 v40, v27;
	[tilespmem:s29+$0x4F80] =	vst v45;
	v45 =	vsel vm3, v15, v29  }
0x28a: {  	v51 =	vmul.f32 v45, v23;
	v58 =	vmul.f32 v1, v17;
	[tilespmem:$0x1FC00] =	vst v59  }
0x28b: {  	v2 =	vadd.f32 v43, v2;
	[tilespmem:s29+$0x8F80] =	vst v59  }
0x28c: {  	v8 =	vsel vm1, v15, v29;
	v7 =	vadd.f32 v58, v51;
	v59 =	vmul.f32 v40, v31;
	[tilespmem:s30+$0x4F80] =	vst v45  }
0x28d: {  	v10 =	vmul.f32 v8, v23;
	v5 =	vmul.f32 v2, v17;
	[tilespmem:s30+$0x6F80] =	vst v1  }
0x28e: {  	v0 =	vadd.f32 v59, v0;
	[tilespmem:s30+$0x8F80] =	vst v7  }
0x28f: {  	v14 =	vsel vm12, v15, v29;
	v5 =	vadd.f32 v5, v10;
	[tilespmem:s31+$0x4F80] =	vst v8  }
0x290: {  	v15 =	vmul.f32 v14, v23;
	[tilespmem:s31+$0x6F80] =	vst v2;
	v3 =	vmul.f32 v0, v17  }
0x291: {  	[tilespmem:s31+$0x8F80] =	vst v5  }
0x292: {  	[tilespmem:s0+$0x4F80] =	vst v14;
	v2 =	vadd.f32 v3, v15  }
0x293: {  	[tilespmem:s0+$0x6F80] =	vst v0  }
0x294: {  	[tilespmem:s0+$0x8F80] =	vst v2  }
0x295: {  	v0 =	vld [tilespmem:$0x4A80]  }
0x296: {  	v1 =	vld [tilespmem:$0x4A90]  }
0x297: {  	v15 =	vld [tilespmem:$0x1FC70];
	_ =	sdelay $0x2  }
0x298: {  	v3 =	vmul.f32 v0, v12  }
0x299: {  	v4 =	vmul.f32 v0, v44;
	v8 =	vmul.f32 v1, v63  }
0x29a: {  	[tilespmem:$0x1FC30] =	vst v2;
	v2 =	vld [tilespmem:$0x4AA0];
	v29 =	vmul.f32 v0, v9;
	v9 =	vmul.f32 v1, v15  }
0x29b: {  	v3 =	vadd.f32 v8, v3;
	v8 =	vld [tilespmem:$0x1FC90]  }
0x29c: {  	v4 =	vadd.f32 v9, v4;
	v9 =	vld [tilespmem:$0x1FCA0];
	_ =	sdelay $0x1  }
0x29d: {  	v51 =	vld [tilespmem:$0x1FC80];
	v10 =	vmul.f32 v1, v60  }
0x29e: {  	[tilespmem:$0x1FA40] =	vst v60;
	v58 =	vmov v16;
	v43 =	vld [tilespmem:$0x4AB0];
	v0 =	vmul.f32 v0, v16  }
0x29f: {  	[tilespmem:$0x1FC20] =	vst v5;
	v16 =	vmul.f32 v2, v30;
	v60 =	vld [tilespmem:$0x1FCD0];
	v5 =	vadd.f32 v10, v29;
	v29 =	vmul.f32 v2, v8  }
0x2a0: {  	v63 =	vmov v35;
	v30 =	vmul.f32 v2, v9;
	v2 =	vmul.f32 v2, v35;
	v35 =	vld [tilespmem:$0x1FCC0];
	_ =	sdelay $0x1  }
0x2a1: {  	v1 =	vmul.f32 v1, v51  }
0x2a2: {  	[tilespmem:$0x1FC10] =	vst v7;
	v7 =	vld [tilespmem:$0x1FD40]  }
0x2a3: {  	v40 =	vld [tilespmem:$0x4AC0];
	v0 =	vadd.f32 v1, v0;
	v10 =	vmul.f32 v43, v60;
	v1 =	vadd.f32 v29, v4  }
0x2a4: {  	v3 =	vadd.f32 v16, v3;
	v5 =	vadd.f32 v30, v5;
	v30 =	vld [tilespmem:$0x1FD10];
	v59 =	vmul.f32 v43, v35  }
0x2a5: {  	v1 =	vadd.f32 v10, v1;
	v10 =	vld [tilespmem:$0x1FD00]  }
0x2a6: {  	v16 =	vmul.f32 v43, v18;
	v0 =	vadd.f32 v2, v0;
	v3 =	vadd.f32 v59, v3;
	v59 =	vld [tilespmem:$0x1FD20]  }
0x2a7: {  	v45 =	vld [tilespmem:$0x4AD0]  }
0x2a8: {  	v0 =	vadd.f32 v16, v0;
	v16 =	vld [tilespmem:$0x1FD30]  }
0x2a9: {  	v14 =	vmul.f32 v43, v11  }
0x2aa: {  	v43 =	vld [tilespmem:$0x4AE0];
	v29 =	vmul.f32 v40, v30  }
0x2ab: {  	v2 =	vadd.f32 v14, v5;
	v18 =	vmul.f32 v40, v10;
	v11 =	vmul.f32 v40, v59  }
0x2ac: {  	v44 =	vmul.f32 v45, v7;
	v1 =	vadd.f32 v29, v1  }
0x2ad: {  	v29 =	vmul.f32 v45, v16;
	v3 =	vadd.f32 v18, v3;
	v2 =	vadd.f32 v11, v2;
	v11 =	vld [tilespmem:$0x1FD50]  }
0x2ae: {  	v40 =	vmul.f32 v40, v62;
	v62 =	vmul.f32 v45, v32;
	v32 =	vld [tilespmem:$0x1FD60]  }
0x2af: {  	v1 =	vadd.f32 v44, v1;
	v3 =	vadd.f32 v29, v3;
	v29 =	vmul.f32 v43, v61  }
0x2b0: {  	v14 =	vld [tilespmem:$0x4AF0];
	v0 =	vadd.f32 v40, v0  }
0x2b1: {  	v1 =	vadd.f32 v29, v1;
	v29 =	vld [tilespmem:$0x1FD90]  }
0x2b2: {  	v0 =	vadd.f32 v62, v0;
	v62 =	vmul.f32 v43, v56;
	v5 =	vmul.f32 v45, v11  }
0x2b3: {  	v18 =	vmul.f32 v43, v32  }
0x2b4: {  	v52 =	vmul.f32 v43, v52;
	v0 =	vadd.f32 v62, v0;
	v45 =	vld [tilespmem:$0x4B00];
	v2 =	vadd.f32 v5, v2  }
0x2b5: {  	v56 =	vmovc v19;
	v43 =	vld [tilespmem:$0x4B10];
	v3 =	vadd.f32 v18, v3;
	v18 =	vmul.f32 v14, v19;
	v19 =	vmul.f32 v14, v20  }
0x2b6: {  	v62 =	vmovc v38;
	v2 =	vadd.f32 v52, v2;
	v52 =	vmul.f32 v14, v29;
	v14 =	vmul.f32 v14, v38;
	v38 =	vld [tilespmem:$0x1FDC0];
	_ =	sdelay $0x1  }
0x2b7: {  	v0 =	vadd.f32 v14, v0;
	v14 =	vld [tilespmem:$0x4B20]  }
0x2b8: {  	v1 =	vadd.f32 v18, v1;
	v22 =	vmul.f32 v45, v22  }
0x2b9: {  	v5 =	vmul.f32 v45, v42;
	v3 =	vadd.f32 v52, v3;
	v2 =	vadd.f32 v19, v2  }
0x2ba: {  	v18 =	vld [tilespmem:$0x1FE40];
	v52 =	vmul.f32 v43, v48;
	v1 =	vadd.f32 v22, v1;
	v20 =	vmul.f32 v45, v38  }
0x2bb: {  	v40 =	vmul.f32 v45, v55;
	v22 =	vmul.f32 v43, v41;
	v2 =	vadd.f32 v5, v2;
	v45 =	vld [tilespmem:$0x4B30]  }
0x2bc: {  	v6 =	vld [tilespmem:$0x1FF10];
	v1 =	vadd.f32 v52, v1;
	v52 =	vmul.f32 v14, v53;
	v53 =	vmul.f32 v14, v33  }
0x2bd: {  	v39 =	vmul.f32 v43, v39;
	v0 =	vadd.f32 v40, v0;
	v40 =	vld [tilespmem:$0x4B40];
	v3 =	vadd.f32 v20, v3  }
0x2be: {  	v2 =	vadd.f32 v22, v2;
	v20 =	vmovc v48;
	v48 =	vmul.f32 v43, v57;
	v1 =	vadd.f32 v53, v1;
	v53 =	vld [tilespmem:$0x1FE50]  }
0x2bf: {  	v44 =	vld [tilespmem:$0x4B50];
	v3 =	vadd.f32 v39, v3;
	v57 =	vmul.f32 v14, v37;
	v14 =	vmul.f32 v14, v54  }
0x2c0: {  	v22 =	vmul.f32 v45, v18;
	v41 =	vmul.f32 v45, v21;
	v21 =	vld [tilespmem:$0x1FE70];
	v0 =	vadd.f32 v48, v0  }
0x2c1: {  	v42 =	vmovc v33;
	v19 =	vld [tilespmem:$0x1FE80];
	v33 =	vmul.f32 v45, v46;
	v34 =	vmul.f32 v45, v34;
	v3 =	vadd.f32 v52, v3  }
0x2c2: {  	v2 =	vadd.f32 v57, v2;
	v48 =	vmul.f32 v40, v26;
	v0 =	vadd.f32 v14, v0;
	v14 =	vld [tilespmem:$0x4B60]  }
0x2c3: {  	v46 =	vld [tilespmem:$0x4B70];
	v1 =	vadd.f32 v33, v1;
	v3 =	vadd.f32 v22, v3;
	v39 =	vmul.f32 v40, v53  }
0x2c4: {  	v57 =	vmul.f32 v40, v50;
	v2 =	vadd.f32 v34, v2;
	v0 =	vadd.f32 v41, v0;
	v41 =	vld [tilespmem:$0x1FE90]  }
0x2c5: {  	v34 =	vmul.f32 v44, v25;
	v25 =	vld [tilespmem:$0x1FF20];
	v52 =	vmul.f32 v44, v21;
	v3 =	vadd.f32 v39, v3  }
0x2c6: {  	v45 =	vmul.f32 v44, v36;
	v1 =	vadd.f32 v48, v1  }
0x2c7: {  	v2 =	vadd.f32 v57, v2;
	v39 =	vld [tilespmem:$0x1F9B0];
	v3 =	vadd.f32 v52, v3;
	v33 =	vmul.f32 v14, v19  }
0x2c8: {  	v49 =	vmul.f32 v44, v49;
	v57 =	vmul.f32 v46, v47;
	v1 =	vadd.f32 v34, v1  }
0x2c9: {  	v2 =	vadd.f32 v45, v2;
	v3 =	vadd.f32 v33, v3;
	v48 =	vmul.f32 v46, v41  }
0x2ca: {  	v50 =	vmul.f32 v14, v24;
	v52 =	vmul.f32 v14, v28;
	v34 =	vsel vm2, v25, v6  }
0x2cb: {  	v44 =	vsel vm1, v25, v6;
	v36 =	vmul.f32 v34, v23;
	v3 =	vadd.f32 v48, v3  }
0x2cc: {  	v1 =	vadd.f32 v50, v1;
	v2 =	vadd.f32 v52, v2;
	v22 =	vmul.f32 v40, v39  }
0x2cd: {  	v52 =	vsel vm3, v25, v6;
	v33 =	vmovc v24;
	v24 =	vimm.s32 $0x0;
	v48 =	vmul.f32 v3, v17  }
0x2ce: {  	[tilespmem:s29+$0x5000] =	vst v34;
	v1 =	vadd.f32 v57, v1;
	v0 =	vadd.f32 v22, v0;
	v24 =	vsel vm2, $0xFFFFFFFF, v24  }
0x2cf: {  	v50 =	vmul.f32 v46, v27;
	v57 =	vmul.f32 v52, v23;
	[tilespmem:$0x1FEB0] =	vst v24;
	v24 =	vadd.f32 v48, v36  }
0x2d0: {  	[tilespmem:s29+$0x7000] =	vst v3;
	v43 =	vmul.f32 v1, v17;
	v0 =	vadd.f32 v49, v0;
	v49 =	vmul.f32 v14, v13  }
0x2d1: {  	v2 =	vadd.f32 v50, v2;
	v50 =	vld [tilespmem:$0x1F9C0];
	v22 =	vmov v47;
	v47 =	vsel vm12, v25, v6;
	[tilespmem:s29+$0x9000] =	vst v24  }
0x2d2: {  	v6 =	vld [tilespmem:$0x1F9F0];
	v5 =	vadd.f32 v43, v57;
	v36 =	vmul.f32 v46, v31;
	v0 =	vadd.f32 v49, v0;
	[tilespmem:s30+$0x5000] =	vst v52  }
0x2d3: {  	v45 =	vmul.f32 v44, v23;
	v46 =	vmul.f32 v2, v17;
	v57 =	vld [tilespmem:$0x1F9E0];
	[tilespmem:s30+$0x7000] =	vst v1  }
0x2d4: {  	v0 =	vadd.f32 v36, v0;
	[tilespmem:s30+$0x9000] =	vst v5;
	v52 =	vld [tilespmem:$0x1F9D0]  }
0x2d5: {  	v4 =	vadd.f32 v46, v45;
	[tilespmem:s31+$0x5000] =	vst v44  }
0x2d6: {  	v48 =	vmul.f32 v47, v23;
	[tilespmem:s31+$0x7000] =	vst v2;
	v49 =	vmul.f32 v0, v17  }
0x2d7: {  	[tilespmem:s31+$0x9000] =	vst v4  }
0x2d8: {  	v36 =	vld [tilespmem:$0x1FA30];
	[tilespmem:s0+$0x5000] =	vst v47;
	vm5 =	vgt.f32 v6, v57;
	v3 =	vadd.f32 v49, v48  }
0x2d9: {  	[tilespmem:s0+$0x7000] =	vst v0;
	v1 =	vsel vm5, v6, v57;
	v57 =	vld [tilespmem:$0x1FA00];
	vm9 =	vgt.f32 v52, v50  }
0x2da: {  	[tilespmem:s0+$0x9000] =	vst v3;
	v14 =	vsel vm9, v52, v50;
	v50 =	vld [tilespmem:$0x1FC60]  }
0x2db: {  	v40 =	vld [tilespmem:$0x4B80]  }
0x2dc: {  	v43 =	vld [tilespmem:$0x4B90];
	_ =	sdelay $0x1  }
0x2dd: {  	v25 =	vld [tilespmem:$0x1FA40]  }
0x2de: {  	v0 =	vld [tilespmem:$0x1FA10]  }
0x2df: {  	v44 =	vld [tilespmem:$0x4BA0];
	v45 =	vmul.f32 v40, v12;
	v46 =	vmul.f32 v40, v57  }
0x2e0: {  	v12 =	vld [tilespmem:$0x1FA20];
	v31 =	vmul.f32 v40, v36;
	v52 =	vmul.f32 v43, v50  }
0x2e1: {  	v40 =	vmul.f32 v40, v58;
	v58 =	vmul.f32 v43, v15;
	v15 =	vld [tilespmem:$0x1FA50]  }
0x2e2: {  	v50 =	vld [tilespmem:$0x4BB0]  }
0x2e3: {  	v2 =	vmul.f32 v43, v25;
	v45 =	vadd.f32 v52, v45;
	v52 =	vld [tilespmem:$0x4BC0]  }
0x2e4: {  	v8 =	vmul.f32 v44, v8;
	v46 =	vadd.f32 v58, v46;
	v58 =	vld [tilespmem:$0x1FCE0]  }
0x2e5: {  	v43 =	vmul.f32 v43, v51;
	v9 =	vmul.f32 v44, v9;
	v47 =	vadd.f32 v2, v31  }
0x2e6: {  	v48 =	vld [tilespmem:$0x4BE0];
	v46 =	vadd.f32 v8, v46;
	vm4 =	vgt.f32 v12, v0;
	v6 =	vmul.f32 v44, v15  }
0x2e7: {  	v31 =	vmul.f32 v50, v60;
	v0 =	vsel vm4, v12, v0;
	v12 =	vmul.f32 v50, v35;
	v35 =	vld [tilespmem:$0x4BD0]  }
0x2e8: {  	v40 =	vadd.f32 v43, v40;
	v44 =	vmul.f32 v44, v63;
	v63 =	vld [tilespmem:$0x1FCF0];
	v45 =	vadd.f32 v6, v45  }
0x2e9: {  	v60 =	vmul.f32 v50, v58;
	v46 =	vadd.f32 v31, v46;
	v6 =	vmul.f32 v52, v30;
	v58 =	vld [tilespmem:$0x1FA60]  }
0x2ea: {  	v43 =	vadd.f32 v9, v47;
	v8 =	vmul.f32 v52, v59;
	v59 =	vld [tilespmem:$0x1FA70]  }
0x2eb: {  	v40 =	vadd.f32 v44, v40;
	v44 =	vadd.f32 v6, v46;
	v6 =	vld [tilespmem:$0x4C00]  }
0x2ec: {  	v2 =	vmul.f32 v52, v10;
	v43 =	vadd.f32 v60, v43;
	v10 =	vmul.f32 v35, v16;
	v16 =	vld [tilespmem:$0x4BF0]  }
0x2ed: {  	v45 =	vadd.f32 v12, v45;
	v60 =	vmul.f32 v48, v32;
	v32 =	vld [tilespmem:$0x1FA80]  }
0x2ee: {  	v50 =	vmul.f32 v50, v63;
	v43 =	vadd.f32 v8, v43;
	v8 =	vld [tilespmem:$0x1FD80]  }
0x2ef: {  	v63 =	vmul.f32 v48, v61;
	v61 =	vld [tilespmem:$0x1FAA0];
	v45 =	vadd.f32 v2, v45  }
0x2f0: {  	v31 =	vmul.f32 v35, v11;
	v11 =	vld [tilespmem:$0x4C10];
	v40 =	vadd.f32 v50, v40;
	v9 =	vmul.f32 v52, v58  }
0x2f1: {  	v12 =	vmul.f32 v35, v7;
	v45 =	vadd.f32 v10, v45;
	v10 =	vmul.f32 v16, v56;
	v56 =	vld [tilespmem:$0x1FA90]  }
0x2f2: {  	v35 =	vmul.f32 v35, v59;
	v50 =	vld [tilespmem:$0x4C30];
	v40 =	vadd.f32 v9, v40;
	v7 =	vmul.f32 v48, v32  }
0x2f3: {  	v52 =	vld [tilespmem:$0x4C70];
	v44 =	vadd.f32 v12, v44;
	v48 =	vmul.f32 v48, v8;
	v9 =	vmul.f32 v16, v29  }
0x2f4: {  	v40 =	vadd.f32 v35, v40;
	v29 =	vmul.f32 v6, v38;
	v38 =	vmul.f32 v6, v55;
	v55 =	vld [tilespmem:$0x1FAC0]  }
0x2f5: {  	v43 =	vadd.f32 v31, v43;
	v31 =	vld [tilespmem:$0x4C20];
	v45 =	vadd.f32 v60, v45  }
0x2f6: {  	v8 =	vld [tilespmem:$0x1FE00];
	v40 =	vadd.f32 v48, v40;
	v12 =	vmul.f32 v16, v56;
	v16 =	vmul.f32 v16, v62  }
0x2f7: {  	v44 =	vadd.f32 v63, v44;
	v45 =	vadd.f32 v9, v45;
	v62 =	vld [tilespmem:$0x1FAB0]  }
0x2f8: {  	v30 =	vmul.f32 v6, v61;
	v43 =	vadd.f32 v7, v43;
	v7 =	vld [tilespmem:$0x1FDF0];
	v40 =	vadd.f32 v16, v40  }
0x2f9: {  	v44 =	vadd.f32 v10, v44;
	v10 =	vld [tilespmem:$0x4C40];
	v45 =	vadd.f32 v29, v45;
	v60 =	vmul.f32 v11, v55  }
0x2fa: {  	v63 =	vmul.f32 v11, v20;
	v22 =	vmul.f32 v52, v22;
	v40 =	vadd.f32 v38, v40;
	v38 =	vld [tilespmem:$0x1FAD0]  }
0x2fb: {  	v34 =	vmovc v13;
	v20 =	vld [tilespmem:$0x4C50];
	v44 =	vadd.f32 v30, v44;
	v9 =	vmul.f32 v31, v8;
	v45 =	vadd.f32 v60, v45  }
0x2fc: {  	v13 =	vmovc v27;
	v27 =	vld [tilespmem:$0x1FB20];
	v29 =	vmul.f32 v50, v18;
	v43 =	vadd.f32 v12, v43;
	v35 =	vmul.f32 v6, v62  }
0x2fd: {  	v18 =	vmul.f32 v52, v41;
	v48 =	vmul.f32 v11, v7;
	v60 =	vld [tilespmem:$0x1FB00];
	v45 =	vadd.f32 v9, v45  }
0x2fe: {  	v12 =	vmul.f32 v31, v37;
	v37 =	vld [tilespmem:$0x1FAE0];
	v43 =	vadd.f32 v35, v43;
	v35 =	vmul.f32 v10, v53  }
0x2ff: {  	v45 =	vadd.f32 v29, v45;
	v6 =	vmul.f32 v11, v38;
	v11 =	vmul.f32 v31, v42;
	v42 =	vld [tilespmem:$0x1FAF0]  }
0x300: {  	v7 =	vmul.f32 v20, v21;
	v16 =	vmul.f32 v31, v54;
	v40 =	vadd.f32 v48, v40;
	v48 =	vld [tilespmem:$0x4C60]  }
0x301: {  	v44 =	vadd.f32 v63, v44;
	v2 =	vmul.f32 v10, v26;
	v45 =	vadd.f32 v35, v45;
	v35 =	vld [tilespmem:$0x1FB10]  }
0x302: {  	v26 =	vld [tilespmem:$0x1FB60];
	v63 =	vmul.f32 v50, v60;
	v40 =	vadd.f32 v16, v40;
	v43 =	vadd.f32 v6, v43  }
0x303: {  	v8 =	vmul.f32 v10, v39;
	v29 =	vld [tilespmem:$0x1FB30];
	v30 =	vmul.f32 v50, v37;
	v44 =	vadd.f32 v11, v44  }
0x304: {  	v53 =	vld [tilespmem:$0x1FBA0];
	v40 =	vadd.f32 v63, v40;
	v43 =	vadd.f32 v12, v43;
	v31 =	vmul.f32 v50, v42  }
0x305: {  	v16 =	vld [tilespmem:$0x1FB50];
	v45 =	vadd.f32 v7, v45;
	v9 =	vmul.f32 v48, v19;
	v44 =	vadd.f32 v30, v44  }
0x306: {  	v40 =	vadd.f32 v8, v40;
	v12 =	vld [tilespmem:$0x1FB40];
	v6 =	vmul.f32 v10, v35;
	v43 =	vadd.f32 v31, v43  }
0x307: {  	v19 =	vmul.f32 v20, v26;
	v45 =	vadd.f32 v9, v45;
	v44 =	vadd.f32 v2, v44;
	v2 =	vld [tilespmem:$0x1FF50]  }
0x308: {  	v11 =	vmul.f32 v20, v29;
	v10 =	vmul.f32 v20, v27;
	v43 =	vadd.f32 v6, v43;
	v6 =	vld [tilespmem:$0x1FF40]  }
0x309: {  	v7 =	vmul.f32 v48, v34;
	v40 =	vadd.f32 v19, v40;
	v19 =	vld [tilespmem:$0x1FB90];
	v45 =	vadd.f32 v18, v45  }
0x30a: {  	v21 =	vmul.f32 v48, v28;
	v20 =	vmul.f32 v48, v33;
	v44 =	vadd.f32 v10, v44  }
0x30b: {  	v41 =	vmovc v33;
	v40 =	vadd.f32 v7, v40;
	v33 =	vmul.f32 v45, v17;
	vm10 =	vgt.f32 v16, v12  }
0x30c: {  	v50 =	vsel vm10, v16, v12;
	v44 =	vadd.f32 v20, v44;
	v12 =	vmul.f32 v52, v13;
	v16 =	vld [tilespmem:$0x1FB80]  }
0x30d: {  	v20 =	vmul.f32 v52, v53;
	v43 =	vadd.f32 v11, v43;
	v30 =	vsel vm2, v2, v6  }
0x30e: {  	v54 =	vmovc v39;
	vm8 =	vgt.f32 v19, v0;
	v44 =	vadd.f32 v22, v44;
	v31 =	vmul.f32 v30, v23  }
0x30f: {  	v63 =	vld [tilespmem:$0x1FB70];
	[tilespmem:s29+$0x7080] =	vst v45;
	v45 =	vsel vm8, v19, v0;
	v40 =	vadd.f32 v20, v40;
	v43 =	vadd.f32 v21, v43  }
0x310: {  	v21 =	vld [tilespmem:$0x1FBB0];
	v51 =	vmul.f32 v44, v17;
	v39 =	vadd.f32 v33, v31;
	v33 =	vmovc v13;
	v13 =	vsel vm3, v2, v6  }
0x311: {  	v22 =	vsel vm1, v2, v6;
	[tilespmem:s29+$0x5080] =	vst v30;
	vm6 =	vgt.f32 v16, v1;
	v18 =	vmul.f32 v13, v23  }
0x312: {  	v43 =	vadd.f32 v12, v43;
	v1 =	vsel vm6, v16, v1;
	v16 =	vsel vm12, v2, v6;
	[tilespmem:s29+$0x9080] =	vst v39  }
0x313: {  	v46 =	vmul.f32 v40, v17;
	v30 =	vld [tilespmem:$0x1FBC0];
	v19 =	vmul.f32 v16, v23;
	v0 =	vadd.f32 v51, v18;
	[tilespmem:s30+$0x5080] =	vst v13  }
0x314: {  	v48 =	vld [tilespmem:$0x1FC10];
	v31 =	vmul.f32 v22, v23;
	v52 =	vmul.f32 v43, v17;
	[tilespmem:s30+$0x7080] =	vst v44  }
0x315: {  	vm7 =	vgt.f32 v63, v14;
	vm0 =	vgt.f32 v21, v50;
	v9 =	vadd.f32 v46, v19;
	v46 =	vld [tilespmem:$0x1FC00];
	[tilespmem:s30+$0x9080] =	vst v0  }
0x316: {  	v14 =	vsel vm7, v63, v14;
	v63 =	vsel vm0, v21, v50;
	v12 =	vadd.f32 v52, v31;
	v21 =	vld [tilespmem:$0x1FBF0];
	[tilespmem:s31+$0x5080] =	vst v22  }
0x317: {  	v52 =	vld [tilespmem:$0x1FC30];
	[tilespmem:s31+$0x7080] =	vst v43  }
0x318: {  	v47 =	vimm.s32 $0x0;
	vm11 =	vgt.f32 v30, v14;
	v13 =	vld [tilespmem:$0x1FBD0];
	[tilespmem:s31+$0x9080] =	vst v12  }
0x319: {  	vm2 =	vmmov vm1;
	vm1 =	vmmov vm12;
	v18 =	vld [tilespmem:$0x1FBE0];
	v14 =	vsel vm11, v30, v14;
	[tilespmem:s0+$0x5080] =	vst v16  }
0x31a: {  	v2 =	vsel vm4, $0x1, v47;
	v50 =	vsel vm5, $0x1, v47;
	v51 =	vld [tilespmem:$0x1FC20];
	[tilespmem:s0+$0x7080] =	vst v40;
	vm14 =	vgt.f32 v46, v14  }
0x31b: {  	v8 =	vsel vm6, $0x2, v50;
	v50 =	vld [tilespmem:$0x1FC70];
	vm12 =	vgt.f32 v21, v63;
	[tilespmem:s0+$0x9080] =	vst v9;
	v49 =	vsel vm14, v46, v14  }
0x31c: {  	v6 =	vsel vm8, $0x2, v2;
	v22 =	vsel vm12, v21, v63;
	v63 =	vld [tilespmem:$0x4C80];
	vm8 =	vgt.f32 v24, v49  }
0x31d: {  	vm15 =	vgt.f32 v13, v1;
	vm5 =	vgt.f32 v52, v22;
	v10 =	vsel vm8, v24, v49;
	v24 =	vld [tilespmem:$0x1FC40]  }
0x31e: {  	vm13 =	vgt.f32 v18, v45;
	v1 =	vsel vm15, v13, v1;
	v13 =	vsel vm5, v52, v22;
	v52 =	vld [tilespmem:$0x1FC50]  }
0x31f: {  	v30 =	vsel vm9, $0x1, v47;
	v43 =	vld [tilespmem:$0x4C90];
	v20 =	vsel vm13, v18, v45  }
0x320: {  	v31 =	vsel vm7, $0x2, v30;
	v44 =	vld [tilespmem:$0x4CA0];
	vm9 =	vgt.f32 v48, v1;
	vm6 =	vgt.f32 v51, v20  }
0x321: {  	v16 =	vsel vm10, $0x1, v47;
	v46 =	vld [tilespmem:$0x4CB0];
	v1 =	vsel vm9, v48, v1;
	v11 =	vsel vm6, v51, v20  }
0x322: {  	v48 =	vsel vm0, $0x2, v16;
	v16 =	vld [tilespmem:$0x1FC90];
	v20 =	vmul.f32 v63, v57;
	v21 =	vmul.f32 v63, v36  }
0x323: {  	vm4 =	vgt.f32 v3, v13;
	v19 =	vmul.f32 v63, v24;
	v14 =	vmul.f32 v63, v52;
	v63 =	vld [tilespmem:$0x1FC60]  }
0x324: {  	v40 =	vld [tilespmem:$0x4CC0];
	v2 =	vsel vm4, v3, v13;
	v3 =	vsel vm11, $0x3, v31;
	v31 =	vmul.f32 v43, v25  }
0x325: {  	v49 =	vmov v36;
	v36 =	vld [tilespmem:$0x1FC80]  }
0x326: {  	v18 =	vimm.s32 $0x0;
	vm7 =	vgt.f32 v5, v1;
	v13 =	vadd.f32 v31, v21;
	v21 =	vld [tilespmem:$0x1FCB0]  }
0x327: {  	vm10 =	vgt.f32 v4, v11;
	v7 =	vsel vm7, v5, v1;
	v30 =	vmul.f32 v43, v50;
	v31 =	vld [tilespmem:$0x1FD00]  }
0x328: {  	v1 =	vsel vm4, $0xFFFFFFFF, v18;
	v18 =	vmul.f32 v44, v16;
	v16 =	vld [tilespmem:$0x1FCD0];
	v22 =	vmul.f32 v43, v63  }
0x329: {  	v45 =	vld [tilespmem:$0x1FCC0];
	vm11 =	vgt.f32 v39, v10;
	v5 =	vsel vm10, v4, v11  }
0x32a: {  	[tilespmem:$0x1FEC0] =	vst v1;
	v1 =	vsel vm11, v39, v10;
	v10 =	vadd.f32 v30, v20;
	v11 =	vadd.f32 v22, v19;
	v19 =	vld [tilespmem:$0x1FCA0]  }
0x32b: {  	v43 =	vmul.f32 v43, v36;
	v22 =	vmul.f32 v44, v21;
	v21 =	vld [tilespmem:$0x1FCF0]  }
0x32c: {  	v51 =	vmul.f32 v44, v15;
	v30 =	vld [tilespmem:$0x4CE0];
	v10 =	vadd.f32 v18, v10  }
0x32d: {  	v39 =	vmul.f32 v40, v31;
	v31 =	vld [tilespmem:$0x4CF0];
	v18 =	vmul.f32 v46, v16;
	v14 =	vadd.f32 v43, v14  }
0x32e: {  	v43 =	vld [tilespmem:$0x4CD0];
	v11 =	vadd.f32 v51, v11;
	v51 =	vmul.f32 v46, v45  }
0x32f: {  	v10 =	vadd.f32 v18, v10;
	v18 =	vld [tilespmem:$0x4D10];
	v14 =	vadd.f32 v22, v14  }
0x330: {  	v11 =	vadd.f32 v51, v11;
	v20 =	vmul.f32 v44, v19;
	v19 =	vld [tilespmem:$0x1FCE0];
	v22 =	vmul.f32 v46, v21  }
0x331: {  	v44 =	vld [tilespmem:$0x1FD10]  }
0x332: {  	v58 =	vmul.f32 v40, v58;
	v11 =	vadd.f32 v39, v11;
	v39 =	vld [tilespmem:$0x1FD40];
	v14 =	vadd.f32 v22, v14  }
0x333: {  	v21 =	vld [tilespmem:$0x1FD30]  }
0x334: {  	v14 =	vadd.f32 v58, v14;
	v58 =	vld [tilespmem:$0x1FD60]  }
0x335: {  	v13 =	vadd.f32 v20, v13;
	v20 =	vmul.f32 v46, v19;
	v46 =	vld [tilespmem:$0x1FD20]  }
0x336: {  	v45 =	vmul.f32 v40, v44;
	v19 =	vld [tilespmem:$0x4D00]  }
0x337: {  	v44 =	vmul.f32 v43, v39;
	v39 =	vld [tilespmem:$0x1FD90]  }
0x338: {  	v22 =	vmul.f32 v43, v21;
	v10 =	vadd.f32 v45, v10;
	v45 =	vld [tilespmem:$0x1FD50]  }
0x339: {  	v13 =	vadd.f32 v20, v13;
	v20 =	vld [tilespmem:$0x1FD70]  }
0x33a: {  	v8 =	vsel vm15, $0x3, v8;
	v11 =	vadd.f32 v22, v11;
	v22 =	vld [tilespmem:$0x1FD80]  }
0x33b: {  	v6 =	vsel vm13, $0x3, v6;
	v10 =	vadd.f32 v44, v10;
	v44 =	vld [tilespmem:$0x1FDA0];
	v51 =	vmul.f32 v40, v46  }
0x33c: {  	vm0 =	vmmov vm2;
	v8 =	vsel vm9, $0x4, v8;
	v4 =	vmul.f32 v19, v61;
	v61 =	vld [tilespmem:$0x1FE20]  }
0x33d: {  	v13 =	vadd.f32 v51, v13;
	v51 =	vmul.f32 v43, v59;
	v59 =	vmul.f32 v30, v58;
	v58 =	vld [tilespmem:$0x1FDC0]  }
0x33e: {  	v3 =	vsel vm14, $0x4, v3;
	vm4 =	vmmov vm1;
	v21 =	vmul.f32 v30, v20;
	v20 =	vld [tilespmem:$0x4D20]  }
0x33f: {  	vm15 =	vgt.f32 v0, v7;
	v46 =	vmul.f32 v43, v45;
	v14 =	vadd.f32 v51, v14;
	v51 =	vld [tilespmem:$0x1FDB0]  }
0x340: {  	v43 =	vmul.f32 v31, v39;
	v39 =	vmul.f32 v18, v55;
	v55 =	vld [tilespmem:$0x1FE00];
	v11 =	vadd.f32 v59, v11  }
0x341: {  	v32 =	vmul.f32 v30, v32;
	v13 =	vadd.f32 v46, v13;
	v10 =	vadd.f32 v21, v10;
	v21 =	vld [tilespmem:$0x4D30]  }
0x342: {  	vm13 =	vgt.f32 v12, v5;
	v30 =	vmul.f32 v30, v22;
	v11 =	vadd.f32 v43, v11;
	v43 =	vld [tilespmem:$0x1FDE0]  }
0x343: {  	v46 =	vmul.f32 v31, v56;
	v13 =	vadd.f32 v32, v13;
	v59 =	vmul.f32 v19, v58;
	v58 =	vld [tilespmem:$0x1FE10]  }
0x344: {  	v3 =	vsel vm8, $0x5, v3;
	v45 =	vmul.f32 v31, v44;
	v56 =	vmul.f32 v31, v51;
	v31 =	vld [tilespmem:$0x1FDD0]  }
0x345: {  	v14 =	vadd.f32 v30, v14;
	v30 =	vmul.f32 v19, v62;
	v13 =	vadd.f32 v46, v13;
	v46 =	vld [tilespmem:$0x1FDF0]  }
0x346: {  	v0 =	vsel vm15, v0, v7;
	v5 =	vsel vm13, v12, v5;
	v62 =	vmul.f32 v20, v61;
	v61 =	vld [tilespmem:$0x1FE70]  }
0x347: {  	v3 =	vsel vm11, $0x6, v3;
	v10 =	vadd.f32 v45, v10;
	v13 =	vadd.f32 v30, v13;
	v30 =	vld [tilespmem:$0x1FE30]  }
0x348: {  	v45 =	vmul.f32 v18, v38;
	v11 =	vadd.f32 v59, v11;
	v44 =	vmul.f32 v18, v43;
	v43 =	vld [tilespmem:$0x4D50]  }
0x349: {  	v14 =	vadd.f32 v56, v14;
	v56 =	vmul.f32 v20, v55;
	v55 =	vld [tilespmem:$0x1FE60];
	v32 =	vmul.f32 v19, v31  }
0x34a: {  	v10 =	vadd.f32 v4, v10;
	v13 =	vadd.f32 v45, v13;
	v51 =	vmul.f32 v18, v46;
	v18 =	vld [tilespmem:$0x4D40]  }
0x34b: {  	v11 =	vadd.f32 v39, v11;
	v59 =	vmul.f32 v20, v58;
	v14 =	vadd.f32 v32, v14;
	v32 =	vld [tilespmem:$0x1FE40]  }
0x34c: {  	v10 =	vadd.f32 v44, v10;
	v44 =	vmul.f32 v21, v42;
	v13 =	vadd.f32 v62, v13  }
0x34d: {  	v39 =	vmul.f32 v21, v37;
	v45 =	vmul.f32 v21, v60;
	v60 =	vld [tilespmem:$0x4D60];
	v11 =	vadd.f32 v56, v11  }
0x34e: {  	v46 =	vld [tilespmem:$0x1FE50];
	v31 =	vmul.f32 v20, v30;
	v10 =	vadd.f32 v59, v10;
	v13 =	vadd.f32 v44, v13  }
0x34f: {  	v62 =	vmul.f32 v43, v61;
	v4 =	vmul.f32 v43, v27;
	v14 =	vadd.f32 v51, v14  }
0x350: {  	v10 =	vadd.f32 v39, v10;
	v56 =	vmul.f32 v18, v55;
	v38 =	vmul.f32 v21, v32  }
0x351: {  	v30 =	vmul.f32 v43, v29;
	v58 =	vmul.f32 v18, v35;
	v55 =	vld [tilespmem:$0x1FEB0];
	v14 =	vadd.f32 v31, v14  }
0x352: {  	v37 =	vmul.f32 v43, v26;
	v10 =	vadd.f32 v56, v10;
	v11 =	vadd.f32 v38, v11;
	v38 =	vld [tilespmem:$0x1FE80]  }
0x353: {  	v42 =	vmul.f32 v60, v41;
	v51 =	vmul.f32 v18, v46;
	v13 =	vadd.f32 v58, v13;
	v31 =	vld [tilespmem:$0x4D70]  }
0x354: {  	v43 =	vmul.f32 v60, v28;
	v14 =	vadd.f32 v45, v14;
	v32 =	vadd.f32 v4, v10;
	v45 =	vld [tilespmem:$0x1FE90]  }
0x355: {  	v22 =	vld [tilespmem:$0x1FFE0];
	v59 =	vmul.f32 v18, v54;
	v35 =	vadd.f32 v30, v13;
	v11 =	vadd.f32 v51, v11  }
0x356: {  	v21 =	vld [tilespmem:$0x1FFD0];
	v4 =	vsel vm12, $0x3, v48;
	vm12 =	vgt.f32 v9, v2;
	v48 =	vmul.f32 v60, v34  }
0x357: {  	vm14 =	vnez.u8 v55;
	v51 =	vld [tilespmem:$0x1FEA0];
	v11 =	vadd.f32 v62, v11;
	v39 =	vmul.f32 v60, v38  }
0x358: {  	v2 =	vsel vm12, v9, v2;
	v4 =	vsel vm5, $0x4, v4;
	v14 =	vadd.f32 v59, v14  }
0x359: {  	v7 =	vadd.f32 v42, v32;
	v46 =	vmul.f32 v31, v45;
	v11 =	vadd.f32 v39, v11  }
0x35a: {  	v10 =	vadd.f32 v43, v35;
	v42 =	vsel vm3, $0x4, v47;
	v54 =	vmul.f32 v31, v33  }
0x35b: {  	v16 =	vmul.f32 v31, v53;
	v53 =	vsel vm0, $0x4, v47;
	v11 =	vadd.f32 v46, v11  }
0x35c: {  	v44 =	vadd.f32 v37, v14;
	v18 =	vsel vm14, v22, v21;
	v13 =	vmul.f32 v31, v51  }
0x35d: {  	v30 =	vsel vm2, v22, v21;
	v56 =	vmul.f32 v18, v23;
	v58 =	vmul.f32 v11, v17  }
0x35e: {  	v33 =	vsel vm1, v22, v21;
	v59 =	vadd.f32 v54, v10;
	v7 =	vadd.f32 v13, v7  }
0x35f: {  	v62 =	vsel vm3, v22, v21;
	[tilespmem:s29+$0x5100] =	vst v18;
	v34 =	vmul.f32 v33, v23;
	v61 =	vadd.f32 v58, v56  }
0x360: {  	vm3 =	vgt.f32 v63, $0.0e+00;
	v28 =	vmul.f32 v62, v23;
	v29 =	vmul.f32 v7, v17;
	[tilespmem:s29+$0x7100] =	vst v11  }
0x361: {  	v12 =	vadd.f32 v48, v44;
	v38 =	vsel vm14, $0x4, v47;
	vm14 =	vgt.f32 v24, $0.0e+00;
	[tilespmem:s29+$0x9100] =	vst v61  }
0x362: {  	v44 =	vsel vm3, $0x1, v47;
	v32 =	vmul.f32 v59, v17;
	v37 =	vadd.f32 v29, v28;
	[tilespmem:s30+$0x5100] =	vst v62  }
0x363: {  	v41 =	vsel vm14, $0x2, v47;
	vm14 =	vgt.f32 v57, $0.0e+00;
	v31 =	vmul.f32 v30, v23;
	[tilespmem:s30+$0x7100] =	vst v7  }
0x364: {  	v60 =	vadd.f32 v16, v12;
	v43 =	vsel vm14, $0x2, v47;
	vm14 =	vgt.f32 v50, $0.0e+00;
	[tilespmem:s30+$0x9100] =	vst v37  }
0x365: {  	v48 =	vsel vm6, $0x4, v6;
	v45 =	vsel vm14, $0x1, v47;
	v39 =	vadd.f32 v32, v31;
	[tilespmem:s31+$0x5100] =	vst v30  }
0x366: {  	vm14 =	vgt.f32 v49, $0.0e+00;
	v49 =	vsel vm7, $0x5, v8;
	v35 =	vmul.f32 v60, v17;
	[tilespmem:s31+$0x7100] =	vst v59  }
0x367: {  	v50 =	vsel vm10, $0x5, v48;
	vm10 =	vgt.f32 v25, $0.0e+00;
	v51 =	vsel vm15, $0x6, v49;
	[tilespmem:s31+$0x9100] =	vst v39  }
0x368: {  	v54 =	vsel vm14, $0x2, v47;
	v58 =	vld [tilespmem:$0x1FEC0];
	vm1 =	vgt.f32 v61, v1;
	v1 =	vadd.f32 v35, v34;
	[tilespmem:s0+$0x5100] =	vst v33  }
0x369: {  	vm14 =	vgt.f32 v52, $0.0e+00;
	vm15 =	vgt.f32 v36, $0.0e+00;
	v11 =	vor.u32 v38, v41;
	[tilespmem:s0+$0x7100] =	vst v60  }
0x36a: {  	vm9 =	vgt.f32 v39, v5;
	v46 =	vor.u32 v44, v11;
	v3 =	vsel vm1, $0x7, v3;
	[tilespmem:s0+$0x9100] =	vst v1  }
0x36b: {  	v56 =	vsel vm10, $0x1, v47;
	vm2 =	vgt.f32 v37, v0;
	v0 =	vor.u32 v42, v43;
	[tilespmem:s28+$0xAD80] =	vst v3  }
0x36c: {  	v0 =	vor.u32 v45, v0;
	v55 =	vsel vm2, $0x7, v51;
	vm3 =	vgt.f32 v1, v2;
	[tilespmem:s28+$0xB180] =	vst v46  }
0x36d: {  	p1 =	por p0, p0;
	vm11 =	vnez.u8 v58;
	v1 =	vsel vm13, $0x6, v50;
	v3 =	vor.u32 v53, v54;
	[tilespmem:s8+$0xAD80] =	vst v55  }
.Ltmp0:
0x36e: {  	v1 =	vsel vm9, $0x7, v1;
	v57 =	vor.u32 v56, v3;
	v3 =	vsel vm11, $0x5, v4;
	[tilespmem:s8+$0xB180] =	vst v0;
	(pc) =	sbr.rel @p1 .LBB2_3-.Ltmp0, $4  }
0x36f: {  	v61 =	vsel vm14, $0x2, v47;
	v60 =	vsel vm4, $0x4, v47;
	v59 =	vsel vm12, $0x6, v3;
	[tilespmem:s12+$0xAD80] =	vst v1  }
0x370: {  	v62 =	vsel vm15, $0x1, v47;
	[tilespmem:s12+$0xB180] =	vst v57;
	v1 =	vor.u32 v60, v61;
	v0 =	vsel vm3, $0x7, v59  }
0x371: {  	v40 =	vld [tilespmem:$0x1FF70];
	v63 =	vor.u32 v62, v1;
	[tilespmem:s13+$0xAD80] =	vst v0  }
0x372: {  	p0 =	por $0x0, $0x0;
	v26 =	vld [tilespmem:$0x1FFF0];
	s0 =	simm.s32 $0x40;
	[tilespmem:s13+$0xB180] =	vst v63  }
0x373: {  	s0 =	sadd.s32 s20, s25  }
0x374: {  	s12 =	sadd.s32 $0x4D80, s26;
	s14 =	sadd.s32 $0x6D80, s26;
	s8 =	sadd.s32 s3, s0  }
0x375: {  	[hbm4b:s8+s7] =	stream.linear.scatter [tilespmem:s12], [sflag:$0x2], $0x400, $0x38;
	[tilespmem:$0xB580] =	vst v63  }
0x376: {  	s28 =	sshll.u32 s24, $0x6;
	s24 =	sadd.s32 $0x1, s24;
	s13 =	sadd.s32 s4, s0  }
0x377: {  	[hbm4b:s13+s7] =	stream.linear.scatter [tilespmem:s14], [sflag:$0x2], $0x400, $0x38;
	[tilespmem:$0xB580] =	vst v63  }
0x378: {  	s26 =	sadd.s32 $0x8D80, s26;
	s0 =	sadd.s32 s6, s0;
	p0 =	sne.s32 s24, $0x8  }
0x379: {  	[hbm4b:s0+s7] =	stream.linear.scatter [tilespmem:s26], [sflag:$0x2], $0x400, $0x38;
	[tilespmem:$0xB580] =	vst v63  }
.Ltmp1:
0x37a: {  	s0 =	sadd.s32 s9, s28;
	(pc) =	sbr.rel @p0 .LBB2_2-.Ltmp1, $4  }
0x37b: {  	s30 =	sadd.s32 $0xAD80, s25;
	s29 =	sadd.s32 s1, s0  }
0x37c: {  	[hbm4b:s29+s7] =	stream.linear.scatter [tilespmem:s30], [sflag:$0x2], $0x80, $0x38;
	[tilespmem:$0xB580] =	vst v63  }
0x37d: {  	s31 =	sadd.s32 $0xB180, s25;
	s0 =	sadd.s32 s2, s0  }
0x37e: {  	[hbm4b:s0+s7] =	stream.linear.scatter [tilespmem:s31], [sflag:$0x2], $0x80, $0x38;
	[tilespmem:$0xB580] =	vst v63  }
0x37f: {  	_ =	swait.ge [sflag:s22], $0x400  }
0x380: {  	[sflag:s22] =	ssyncset.done $0x0  }
0x381: {  	[sflag:s22] =	ssyncadd.s32 $0xFFFFFC00  }
0x382: {  	_ =	swait.ge [sflag:s22], $0x400  }
0x383: {  	[sflag:s22] =	ssyncset.done $0x0  }
0x384: {  	[sflag:s22] =	ssyncadd.s32 $0xFFFFFC00  }
0x385: {  	_ =	swait.ge [sflag:s22], $0x400  }
0x386: {  	[sflag:s22] =	ssyncset.done $0x0  }
0x387: {  	[sflag:s22] =	ssyncadd.s32 $0xFFFFFC00  }
0x388: {  	_ =	swait.ge [sflag:s22], $0x80  }
0x389: {  	[sflag:s22] =	ssyncset.done $0x0  }
0x38a: {  	[sflag:s22] =	ssyncadd.s32 $0xFFFFFF80  }
0x38b: {  	_ =	swait.ge [sflag:s22], $0x80  }
0x38c: {  	[sflag:s22] =	ssyncset.done $0x0  }
0x38d: {  	[sflag:s22] =	ssyncadd.s32 $0xFFFFFF80  }
0x38e: {  	_ =	swait.ge [sflag:s22], $0x400  }
0x38f: {  	[sflag:s22] =	ssyncset.done $0x0  }
0x390: {  	[sflag:s22] =	ssyncadd.s32 $0xFFFFFC00  }
0x391: {  	_ =	swait.ge [sflag:s22], $0x400  }
0x392: {  	[sflag:s22] =	ssyncset.done $0x0  }
0x393: {  	[sflag:s22] =	ssyncadd.s32 $0xFFFFFC00  }
0x394: {  	_ =	swait.ge [sflag:s22], $0x400  }
0x395: {  	[sflag:s22] =	ssyncset.done $0x0  }
0x396: {  	[sflag:s22] =	ssyncadd.s32 $0xFFFFFC00  }
0x397: {  	_ =	swait.ge [sflag:s22], $0x80  }
0x398: {  	[sflag:s22] =	ssyncset.done $0x0  }
0x399: {  	[sflag:s22] =	ssyncadd.s32 $0xFFFFFF80  }
0x39a: {  	_ =	swait.ge [sflag:s22], $0x80  }
0x39b: {  	[sflag:s22] =	ssyncset.done $0x0  }
0x39c: {  	[sflag:s22] =	ssyncadd.s32 $0xFFFFFF80  }
0x39d: {  	_ =	swait.ge [sflag:s22], $0x400  }
0x39e: {  	[sflag:s22] =	ssyncset.done $0x0  }
0x39f: {  	[sflag:s22] =	ssyncadd.s32 $0xFFFFFC00  }
0x3a0: {  	_ =	swait.ge [sflag:s22], $0x400  }
0x3a1: {  	[sflag:s22] =	ssyncset.done $0x0  }
0x3a2: {  	[sflag:s22] =	ssyncadd.s32 $0xFFFFFC00  }
0x3a3: {  	_ =	swait.ge [sflag:s22], $0x400  }
0x3a4: {  	[sflag:s22] =	ssyncset.done $0x0  }
0x3a5: {  	[sflag:s22] =	ssyncadd.s32 $0xFFFFFC00  }
0x3a6: {  	_ =	swait.ge [sflag:s22], $0x80  }
0x3a7: {  	[sflag:s22] =	ssyncset.done $0x0  }
0x3a8: {  	[sflag:s22] =	ssyncadd.s32 $0xFFFFFF80  }
0x3a9: {  	_ =	swait.ge [sflag:s22], $0x80  }
0x3aa: {  	[sflag:s22] =	ssyncset.done $0x0  }
0x3ab: {  	[sflag:s22] =	ssyncadd.s32 $0xFFFFFF80  }
0x3ac: {  	_ =	swait.ge [sflag:s22], $0x400  }
0x3ad: {  	[sflag:s22] =	ssyncset.done $0x0  }
0x3ae: {  	[sflag:s22] =	ssyncadd.s32 $0xFFFFFC00  }
0x3af: {  	_ =	swait.ge [sflag:s22], $0x400  }
0x3b0: {  	[sflag:s22] =	ssyncset.done $0x0  }
0x3b1: {  	[sflag:s22] =	ssyncadd.s32 $0xFFFFFC00  }
0x3b2: {  	_ =	swait.ge [sflag:s22], $0x400  }
0x3b3: {  	[sflag:s22] =	ssyncset.done $0x0  }
0x3b4: {  	[sflag:s22] =	ssyncadd.s32 $0xFFFFFC00  }
0x3b5: {  	_ =	swait.ge [sflag:s22], $0x80  }
0x3b6: {  	[sflag:s22] =	ssyncset.done $0x0  }
0x3b7: {  	[sflag:s22] =	ssyncadd.s32 $0xFFFFFF80  }
0x3b8: {  	_ =	swait.ge [sflag:s22], $0x80  }
0x3b9: {  	[sflag:s22] =	ssyncset.done $0x0  }
0x3ba: {  	[sflag:s22] =	ssyncadd.s32 $0xFFFFFF80  }
0x3bb: {  	_ =	swait.ge [sflag:s22], $0x400  }
0x3bc: {  	[sflag:s22] =	ssyncset.done $0x0  }
0x3bd: {  	[sflag:s22] =	ssyncadd.s32 $0xFFFFFC00  }
0x3be: {  	_ =	swait.ge [sflag:s22], $0x400  }
0x3bf: {  	[sflag:s22] =	ssyncset.done $0x0  }
0x3c0: {  	[sflag:s22] =	ssyncadd.s32 $0xFFFFFC00  }
0x3c1: {  	_ =	swait.ge [sflag:s22], $0x400  }
0x3c2: {  	[sflag:s22] =	ssyncset.done $0x0  }
0x3c3: {  	[sflag:s22] =	ssyncadd.s32 $0xFFFFFC00  }
0x3c4: {  	_ =	swait.ge [sflag:s22], $0x80  }
0x3c5: {  	[sflag:s22] =	ssyncset.done $0x0  }
0x3c6: {  	[sflag:s22] =	ssyncadd.s32 $0xFFFFFF80  }
0x3c7: {  	_ =	swait.ge [sflag:s22], $0x80  }
0x3c8: {  	[sflag:s22] =	ssyncset.done $0x0  }
0x3c9: {  	[sflag:s22] =	ssyncadd.s32 $0xFFFFFF80  }
0x3ca: {  	_ =	swait.ge [sflag:s22], $0x400  }
0x3cb: {  	[sflag:s22] =	ssyncset.done $0x0  }
0x3cc: {  	[sflag:s22] =	ssyncadd.s32 $0xFFFFFC00  }
0x3cd: {  	_ =	swait.ge [sflag:s22], $0x400  }
0x3ce: {  	[sflag:s22] =	ssyncset.done $0x0  }
0x3cf: {  	[sflag:s22] =	ssyncadd.s32 $0xFFFFFC00  }
0x3d0: {  	_ =	swait.ge [sflag:s22], $0x400  }
0x3d1: {  	[sflag:s22] =	ssyncset.done $0x0  }
0x3d2: {  	[sflag:s22] =	ssyncadd.s32 $0xFFFFFC00  }
0x3d3: {  	_ =	swait.ge [sflag:s22], $0x80  }
0x3d4: {  	[sflag:s22] =	ssyncset.done $0x0  }
0x3d5: {  	[sflag:s22] =	ssyncadd.s32 $0xFFFFFF80  }
0x3d6: {  	_ =	swait.ge [sflag:s22], $0x80  }
0x3d7: {  	[sflag:s22] =	ssyncset.done $0x0  }
0x3d8: {  	[sflag:s22] =	ssyncadd.s32 $0xFFFFFF80  }
0x3d9: {  	_ =	swait.ge [sflag:s22], $0x400  }
0x3da: {  	[sflag:s22] =	ssyncset.done $0x0  }
0x3db: {  	[sflag:s22] =	ssyncadd.s32 $0xFFFFFC00  }
0x3dc: {  	_ =	swait.ge [sflag:s22], $0x400  }
0x3dd: {  	[sflag:s22] =	ssyncset.done $0x0  }
0x3de: {  	[sflag:s22] =	ssyncadd.s32 $0xFFFFFC00  }
0x3df: {  	_ =	swait.ge [sflag:s22], $0x400  }
0x3e0: {  	[sflag:s22] =	ssyncset.done $0x0  }
0x3e1: {  	[sflag:s22] =	ssyncadd.s32 $0xFFFFFC00  }
0x3e2: {  	_ =	swait.ge [sflag:s22], $0x80  }
0x3e3: {  	[sflag:s22] =	ssyncset.done $0x0  }
0x3e4: {  	[sflag:s22] =	ssyncadd.s32 $0xFFFFFF80  }
0x3e5: {  	_ =	swait.ge [sflag:s22], $0x80  }
0x3e6: {  	[sflag:s22] =	ssyncset.done $0x0  }
0x3e7: {  	[sflag:s22] =	ssyncadd.s32 $0xFFFFFF80  }
0x3e8: {  	_ =	swait.ge [sflag:s22], $0x400  }
0x3e9: {  	[sflag:s22] =	ssyncset.done $0x0  }
0x3ea: {  	[sflag:s22] =	ssyncadd.s32 $0xFFFFFC00  }
0x3eb: {  	_ =	swait.ge [sflag:s22], $0x400  }
0x3ec: {  	[sflag:s22] =	ssyncset.done $0x0  }
0x3ed: {  	[sflag:s22] =	ssyncadd.s32 $0xFFFFFC00  }
0x3ee: {  	_ =	swait.ge [sflag:s22], $0x400  }
0x3ef: {  	[sflag:s22] =	ssyncset.done $0x0  }
0x3f0: {  	s23 =	sadd.s32 $0x1, s23;
	[sflag:s22] =	ssyncadd.s32 $0xFFFFFC00  }
0x3f1: {  	p0 =	sne.s32 s23, s21;
	_ =	swait.ge [sflag:s22], $0x80  }
.Ltmp2:
0x3f2: {  	[sflag:s22] =	ssyncset.done $0x0;
	(pc) =	sbr.rel @p0 .LBB2_1-.Ltmp2, $4  }
0x3f3: {  	[sflag:s22] =	ssyncadd.s32 $0xFFFFFF80  }
0x3f4: {  	_ =	swait.ge [sflag:s22], $0x80  }
0x3f5: {  	[sflag:s22] =	ssyncset.done $0x0  }
0x3f6: {  	[sflag:s22] =	ssyncadd.s32 $0xFFFFFF80  }
0x3f7: {  	_ =	sfence.sel $0x180000  }
0x3f8: {  	[bflag:$0x0] =	sbarrier.arrive $0xFFFF  }
0x3f9: {  	_ =	strace $0x90000047  }
0x3fa: {  	s0 =	stileid.u32;
	[bflag:$0x2] =	sbarrier.arrive $0xFFFF  }
0x3fb: {  	p0 =	sne.s32 s0, $0x0;
	s0 =	rddreg [dreg:$0x8]  }
0x3fc: {  	s0 =	sadd.s32 @!p0 $0x100000, s0  }
0x3fd: {  	[sflag:s0] =	ssyncadd.tile.s32 @!p0 $0x1;
	_ =	shalt  }
.Lfunc_end2:
_tile_overlayer_lowered:
.L_overlay_start_2:
0x3fe: {  	(tag) =	ssettag $0x2  }
0x3ff: {  	s0 =	rddreg [dreg:$0x0];
	s2 =	stileid.u32  }
0x400: {  	s1 =	rddreg [dreg:$0x1];
	p0 =	sne.s32 s2, $0x0  }
0x401: {  	s3 =	rddreg [dreg:$0x2];
	[bflag:$0x3] =	sbarrier.arrive $0xFFFF;
	s2 =	simm.s32 @!p0 $0x1C03  }
0x402: {  	[timem:s3], [sflag:s2] =	dma.local @!p0 [hbm:s0], s1  }
0x403: {  	s0 =	simm.s32 @!p0 $0x3  }
0x404: {  	_ =	swait.ge @!p0 [sflag:s0], s1  }
0x405: {  	s1 =	ssub.s32 @!p0 $0x0, s1;
	[sflag:s0] =	ssyncset.done @!p0 $0x0  }
0x406: {  	[sflag:s0] =	ssyncadd.s32 @!p0 s1  }
0x407: {  	[bflag:$0x3] =	sbarrier.arrive $0xFFFF  }
0x408: {  	_ =	shalt  }

</sc_bundles>
